<compile_context>
chip_gen: v7x
topology: tpu7x:2x2x1
jax: 0.10.2.dev20260603
libtpu: 0.0.44.dev20260713+nightly
codegen_flags: <defaults>
</compile_context>

<pallas_src>
import jax
import jax.numpy as jnp
from jax import lax
from jax.experimental import pallas as pl
from jax.experimental.pallas import tpu as pltpu
from jax.experimental.pallas import tpu_sc as plsc

SEQ = 200
DIM = 64
NC = 2
NS = 16
NW = NC * NS
CHUNK = 80
NBUF = 4
NOBUF = 2
_PAD_BLK = 10000


def _pad_tc_body(w_ref, o_ref):
    o_ref[:, 0:DIM] = w_ref[...]


def _emb_body(idx_hbm, word_hbm, pos_hbm, out_hbm, idx_v, pos_v, *bufs):
    gbufs = bufs[0:NBUF]
    obufs = bufs[NBUF:NBUF + NOBUF]
    gsems = bufs[NBUF + NOBUF:2 * NBUF + NOBUF]
    wsems = bufs[2 * NBUF + NOBUF:2 * NBUF + 2 * NOBUF]

    w = idx_hbm.shape[0] // NW
    g_cnt = w // CHUNK
    outer = g_cnt // NBUF
    wid = lax.axis_index("s") * NC + lax.axis_index("c")
    base = wid * w

    pltpu.sync_copy(idx_hbm.at[pl.ds(base, w)], idx_v)
    pltpu.sync_copy(pos_hbm, pos_v)

    def issue_gather(g, b):
        pltpu.async_copy(
            word_hbm.at[idx_v.at[pl.ds(g * CHUNK, CHUNK)]], gbufs[b], gsems[b]
        )

    for b in range(NBUF):
        issue_gather(b, b)

    @pl.loop(0, outer)
    def outer_loop(gg):
        for b in range(NBUF):
            g = gg * NBUF + b
            ob = b % NOBUF
            pltpu.make_async_copy(
                word_hbm.at[idx_v.at[pl.ds(0, CHUNK)]], gbufs[b], gsems[b]
            ).wait()

            if b >= NOBUF:
                pltpu.make_async_copy(
                    obufs[ob], out_hbm.at[pl.ds(0, CHUNK)], wsems[ob]
                ).wait()
            else:
                @pl.when(gg > 0)
                def _():
                    pltpu.make_async_copy(
                        obufs[ob], out_hbm.at[pl.ds(0, CHUNK)],
                        wsems[ob]
                    ).wait()

            phase = lax.rem(g * CHUNK, SEQ)

            @pl.loop(0, CHUNK, unroll=8)
            def row_loop(r):
                p = phase + r
                p = jnp.where(p >= SEQ, p - SEQ, p) * DIM
                for c in range(DIM // 16):
                    sl = pl.ds(c * 16, 16)
                    obufs[ob][r, sl] = (
                        gbufs[b][r, sl] + pos_v[pl.ds(p + c * 16, 16)]
                    )

            pltpu.async_copy(
                obufs[ob],
                out_hbm.at[pl.ds(base + g * CHUNK, CHUNK)],
                wsems[ob]
            )

            @pl.when(gg + 1 < outer)
            def _():
                issue_gather(g + NBUF, b)

    for ob in range(NOBUF):
        pltpu.make_async_copy(
            obufs[ob], out_hbm.at[pl.ds(0, CHUNK)], wsems[ob]
        ).wait()


def kernel(inputs, word_table, pos_table):
    b, seq = inputs.shape
    total = b * seq
    vocab = word_table.shape[0]
    idx_flat = inputs.reshape(total).astype(jnp.int32)
    pos_flat = pos_table.reshape(SEQ * DIM)

    word_pad = pl.pallas_call(
        _pad_tc_body,
        out_shape=jax.ShapeDtypeStruct((vocab, 128), jnp.float32),
        grid=(vocab // _PAD_BLK,),
        in_specs=[pl.BlockSpec((_PAD_BLK, DIM), lambda i: (i, 0))],
        out_specs=pl.BlockSpec((_PAD_BLK, 128), lambda i: (i, 0)),
    )(word_table)

    mesh = plsc.VectorSubcoreMesh(core_axis_name="c", subcore_axis_name="s")
    call = pl.kernel(
        _emb_body,
        out_type=jax.ShapeDtypeStruct((total, DIM), jnp.float32),
        mesh=mesh,
        scratch_types=[
            pltpu.VMEM((total // NW,), jnp.int32),
            pltpu.VMEM((SEQ * DIM,), jnp.float32),
        ]
        + [pltpu.VMEM((CHUNK, 128), jnp.float32) for _ in range(NBUF)]
        + [pltpu.VMEM((CHUNK, DIM), jnp.float32) for _ in range(NOBUF)]
        + [pltpu.SemaphoreType.DMA for _ in range(NBUF + NOBUF)],
    )
    out = call(idx_flat, word_pad, pos_flat)
    return out.reshape(b, seq, DIM)

# --- scband reference (transcript-rebuilt; emitter-appended) ---
"""Pipeline reference for scband-position-embedding-fixed-weights-22883585753373 (READ-ONLY COPY).

The authoritative reference and input builder live on the scoring server;
editing this copy changes nothing except your own understanding.
"""

import jax, jax.numpy as jnp
import numpy as np

SEQUENCE_LENGTH = 200
VOCAB_SIZE = 100000
OUTPUT_DIM = 64
BATCH = 4096


def get_position_encoding(seq_len, d, n=10000):
    # Vectorized, numerically identical to the original python loop version.
    k = jnp.arange(seq_len, dtype=jnp.float64 if jax.config.jax_enable_x64 else jnp.float32)[:, None]
    i = jnp.arange(d // 2)[None, :]
    denominator = jnp.power(float(n), 2.0 * i / d)
    P = jnp.zeros((seq_len, d), dtype=jnp.float32)
    P = P.at[:, 0::2].set(jnp.sin(k / denominator).astype(jnp.float32))
    P = P.at[:, 1::2].set(jnp.cos(k / denominator).astype(jnp.float32))
    return P


def setup_inputs(seed: int = 0) -> dict:
    key = jax.random.key(seed)
    k1, = jax.random.split(key, 1)
    inputs = jax.random.randint(k1, (BATCH, SEQUENCE_LENGTH), 0, VOCAB_SIZE, dtype=jnp.int64 if jax.config.jax_enable_x64 else jnp.int32)
    word_table = get_position_encoding(VOCAB_SIZE, OUTPUT_DIM)
    pos_table = get_position_encoding(SEQUENCE_LENGTH, OUTPUT_DIM)
    return {"inputs": inputs, "word_table": word_table, "pos_table": pos_table}


def reference(inputs, word_table, pos_table):
    # position indices 0..L-1 over the last dim of inputs
    position_indices = jnp.arange(inputs.shape[-1])
    embedded_words = jnp.take(word_table, inputs, axis=0)          # [B, L, D] gather
    embedded_indices = jnp.take(pos_table, position_indices, axis=0)  # [L, D]
    return embedded_words + embedded_indices[None, :, :]

if __name__ == "__main__":
    import jax
    _d = setup_inputs()
    print(jax.jit(kernel)(*tuple(_d.values())))

</pallas_src>

<mosaic_0001>
#map = affine_map<(d0, d1) -> (0)>
#map1 = affine_map<(d0, d1) -> (0, 0)>
module attributes {stable_mosaic.version = 14 : i64} {
  func.func @_emb_body(%arg0: i32, %arg1: i32, %arg2: memref<819200xi32, #tpu.memory_space<hbm>>, %arg3: memref<100000x128xf32, #tpu.memory_space<hbm>>, %arg4: memref<12800xf32, #tpu.memory_space<hbm>>, %arg5: memref<819200x64xf32, #tpu.memory_space<hbm>>, %arg6: memref<25600xi32, #tpu.memory_space<vmem>>, %arg7: memref<12800xf32, #tpu.memory_space<vmem>>, %arg8: memref<80x128xf32, #tpu.memory_space<vmem>>, %arg9: memref<80x128xf32, #tpu.memory_space<vmem>>, %arg10: memref<80x128xf32, #tpu.memory_space<vmem>>, %arg11: memref<80x128xf32, #tpu.memory_space<vmem>>, %arg12: memref<80x64xf32, #tpu.memory_space<vmem>>, %arg13: memref<80x64xf32, #tpu.memory_space<vmem>>, %arg14: memref<!tpu.dma_semaphore, #tpu.memory_space<semaphore_mem>>, %arg15: memref<!tpu.dma_semaphore, #tpu.memory_space<semaphore_mem>>, %arg16: memref<!tpu.dma_semaphore, #tpu.memory_space<semaphore_mem>>, %arg17: memref<!tpu.dma_semaphore, #tpu.memory_space<semaphore_mem>>, %arg18: memref<!tpu.dma_semaphore, #tpu.memory_space<semaphore_mem>>, %arg19: memref<!tpu.dma_semaphore, #tpu.memory_space<semaphore_mem>>) attributes {dimension_semantics = [#tpu.dimension_semantics<core_parallel>, #tpu.dimension_semantics<subcore_parallel>], iteration_bounds = array<i64: 2, 16>, scalar_prefetch = 0 : i64, scratch_operands = 14 : i64, tpu.core_type = #tpu.core_type<sc_vector_subcore>, window_params = [{transform_indices = #map}, {transform_indices = #map1}, {transform_indices = #map}, {transform_indices = #map1}]} {
    %mul3A = arith.constant 2 : i32
    %mul3A_0 = arith.muli %arg1, %mul3A : i32
    %add3A = arith.addi %mul3A_0, %arg0 : i32
    %mul3A_1 = arith.constant 25600 : i32
    %mul3A_2 = arith.muli %add3A, %mul3A_1 : i32
    "tpu.region"() ({
      %run_scoped3A = tpu.sem_alloc : memref<!tpu.dma_semaphore, #tpu.memory_space<semaphore_mem>>
      %dma_start3A_37 = tpu.memref_slice %arg2[%mul3A_2] : memref<819200xi32, #tpu.memory_space<hbm>> -> memref<25600xi32, #tpu.memory_space<hbm>>
      %dma_start3A_38 = tpu.memref_slice %arg2[%mul3A_2] : memref<819200xi32, #tpu.memory_space<hbm>> -> memref<25600xi32, #tpu.memory_space<hbm>>
      tpu.enqueue_dma source(%dma_start3A_38 : memref<25600xi32, #tpu.memory_space<hbm>>) target(%arg6 : memref<25600xi32, #tpu.memory_space<vmem>>) target_semaphore(%run_scoped3A : memref<!tpu.dma_semaphore, #tpu.memory_space<semaphore_mem>>)
      %dma_wait3A_39 = tpu.memref_slice %arg2[%mul3A_2] : memref<819200xi32, #tpu.memory_space<hbm>> -> memref<25600xi32, #tpu.memory_space<hbm>>
      %dma_wait3A_40 = tpu.memref_slice %arg2[%mul3A_2] : memref<819200xi32, #tpu.memory_space<hbm>> -> memref<25600xi32, #tpu.memory_space<hbm>>
      tpu.wait_dma2 semaphore(%run_scoped3A : memref<!tpu.dma_semaphore, #tpu.memory_space<semaphore_mem>>) src(%dma_wait3A_40 : memref<25600xi32, #tpu.memory_space<hbm>>) dst(%arg6 : memref<25600xi32, #tpu.memory_space<vmem>>)
      tpu.yield
    }) : () -> ()
    "tpu.region"() ({
      %run_scoped3A = tpu.sem_alloc : memref<!tpu.dma_semaphore, #tpu.memory_space<semaphore_mem>>
      tpu.enqueue_dma source(%arg4 : memref<12800xf32, #tpu.memory_space<hbm>>) target(%arg7 : memref<12800xf32, #tpu.memory_space<vmem>>) target_semaphore(%run_scoped3A : memref<!tpu.dma_semaphore, #tpu.memory_space<semaphore_mem>>)
      tpu.wait_dma2 semaphore(%run_scoped3A : memref<!tpu.dma_semaphore, #tpu.memory_space<semaphore_mem>>) src(%arg4 : memref<12800xf32, #tpu.memory_space<hbm>>) dst(%arg7 : memref<12800xf32, #tpu.memory_space<vmem>>)
      tpu.yield
    }) : () -> ()
    %dma_start3A = arith.constant 0 : i32
    %dma_start3A_3 = tpu.memref_slice %arg6[%dma_start3A] : memref<25600xi32, #tpu.memory_space<vmem>> -> memref<80xi32, #tpu.memory_space<vmem>>
    %dma_start3A_4 = arith.constant 0 : i32
    %dma_start3A_5 = arith.constant 0 : i32
    %dma_start3A_6 = tpu.memref_slice %arg3[%dma_start3A_4, %dma_start3A_5] : memref<100000x128xf32, #tpu.memory_space<hbm>> -> memref<100000x128xf32, #tpu.memory_space<hbm>>
    tpu.enqueue_indirect_dma source(%dma_start3A_6 : memref<100000x128xf32, #tpu.memory_space<hbm>>) target(%arg8 : memref<80x128xf32, #tpu.memory_space<vmem>>) offsets(%dma_start3A_3 : memref<80xi32, #tpu.memory_space<vmem>>) semaphore(%arg14 : memref<!tpu.dma_semaphore, #tpu.memory_space<semaphore_mem>>)
    %dma_start3A_7 = arith.constant 80 : i32
    %dma_start3A_8 = tpu.memref_slice %arg6[%dma_start3A_7] : memref<25600xi32, #tpu.memory_space<vmem>> -> memref<80xi32, #tpu.memory_space<vmem>>
    %dma_start3A_9 = arith.constant 0 : i32
    %dma_start3A_10 = arith.constant 0 : i32
    %dma_start3A_11 = tpu.memref_slice %arg3[%dma_start3A_9, %dma_start3A_10] : memref<100000x128xf32, #tpu.memory_space<hbm>> -> memref<100000x128xf32, #tpu.memory_space<hbm>>
    tpu.enqueue_indirect_dma source(%dma_start3A_11 : memref<100000x128xf32, #tpu.memory_space<hbm>>) target(%arg9 : memref<80x128xf32, #tpu.memory_space<vmem>>) offsets(%dma_start3A_8 : memref<80xi32, #tpu.memory_space<vmem>>) semaphore(%arg15 : memref<!tpu.dma_semaphore, #tpu.memory_space<semaphore_mem>>)
    %dma_start3A_12 = arith.constant 160 : i32
    %dma_start3A_13 = tpu.memref_slice %arg6[%dma_start3A_12] : memref<25600xi32, #tpu.memory_space<vmem>> -> memref<80xi32, #tpu.memory_space<vmem>>
    %dma_start3A_14 = arith.constant 0 : i32
    %dma_start3A_15 = arith.constant 0 : i32
    %dma_start3A_16 = tpu.memref_slice %arg3[%dma_start3A_14, %dma_start3A_15] : memref<100000x128xf32, #tpu.memory_space<hbm>> -> memref<100000x128xf32, #tpu.memory_space<hbm>>
    tpu.enqueue_indirect_dma source(%dma_start3A_16 : memref<100000x128xf32, #tpu.memory_space<hbm>>) target(%arg10 : memref<80x128xf32, #tpu.memory_space<vmem>>) offsets(%dma_start3A_13 : memref<80xi32, #tpu.memory_space<vmem>>) semaphore(%arg16 : memref<!tpu.dma_semaphore, #tpu.memory_space<semaphore_mem>>)
    %dma_start3A_17 = arith.constant 240 : i32
    %dma_start3A_18 = tpu.memref_slice %arg6[%dma_start3A_17] : memref<25600xi32, #tpu.memory_space<vmem>> -> memref<80xi32, #tpu.memory_space<vmem>>
    %dma_start3A_19 = arith.constant 0 : i32
    %dma_start3A_20 = arith.constant 0 : i32
    %dma_start3A_21 = tpu.memref_slice %arg3[%dma_start3A_19, %dma_start3A_20] : memref<100000x128xf32, #tpu.memory_space<hbm>> -> memref<100000x128xf32, #tpu.memory_space<hbm>>
    tpu.enqueue_indirect_dma source(%dma_start3A_21 : memref<100000x128xf32, #tpu.memory_space<hbm>>) target(%arg11 : memref<80x128xf32, #tpu.memory_space<vmem>>) offsets(%dma_start3A_18 : memref<80xi32, #tpu.memory_space<vmem>>) semaphore(%arg17 : memref<!tpu.dma_semaphore, #tpu.memory_space<semaphore_mem>>)
    %scan3A = arith.constant 0 : i32
    %scan3A_22 = arith.constant 80 : i32
    %scan3A_23 = arith.addi %scan3A, %scan3A_22 : i32
    %scan3A_24 = arith.constant 1 : i32
    scf.for %scan3A_37 = %scan3A to %scan3A_23 step %scan3A_24  : i32 {
      %mul3A_38 = arith.constant 1 : i32
      %mul3A_39 = arith.muli %scan3A_37, %mul3A_38 : i32
      %add3A_40 = arith.constant 0 : i32
      %add3A_41 = arith.addi %add3A_40, %mul3A_39 : i32
      %mul3A_42 = arith.constant 4 : i32
      %mul3A_43 = arith.muli %add3A_41, %mul3A_42 : i32
      %add3A_44 = arith.constant 0 : i32
      %add3A_45 = arith.addi %mul3A_43, %add3A_44 : i32
      %dma_wait3A_46 = arith.constant 0 : i32
      %dma_wait3A_47 = tpu.memref_slice %arg6[%dma_wait3A_46] : memref<25600xi32, #tpu.memory_space<vmem>> -> memref<80xi32, #tpu.memory_space<vmem>>
      %dma_wait3A_48 = arith.constant 0 : i32
      %dma_wait3A_49 = arith.constant 0 : i32
      %dma_wait3A_50 = tpu.memref_slice %arg3[%dma_wait3A_48, %dma_wait3A_49] : memref<100000x128xf32, #tpu.memory_space<hbm>> -> memref<100000x128xf32, #tpu.memory_space<hbm>>
      tpu.wait_indirect_dma semaphore(%arg14 : memref<!tpu.dma_semaphore, #tpu.memory_space<semaphore_mem>>) src(%dma_wait3A_50 : memref<100000x128xf32, #tpu.memory_space<hbm>>) dst(%arg8 : memref<80x128xf32, #tpu.memory_space<vmem>>)
      %gt3A = arith.constant 0 : i32
      %gt3A_51 = arith.cmpi sgt, %add3A_41, %gt3A : i32
      %convert_element_type3A = arith.extui %gt3A_51 : i1 to i32
      %cond3A = arith.constant 0 : i32
      %cond3A_52 = arith.cmpi ne, %convert_element_type3A, %cond3A : i32
      scf.if %cond3A_52 {
        %dma_wait3A_187 = arith.constant 0 : i32
        %dma_wait3A_188 = arith.constant 0 : i32
        %dma_wait3A_189 = tpu.memref_slice %arg5[%dma_wait3A_187, %dma_wait3A_188] : memref<819200x64xf32, #tpu.memory_space<hbm>> -> memref<80x64xf32, #tpu.memory_space<hbm>>
        %dma_wait3A_190 = arith.constant 0 : i32
        %dma_wait3A_191 = arith.constant 0 : i32
        %dma_wait3A_192 = tpu.memref_slice %arg5[%dma_wait3A_190, %dma_wait3A_191] : memref<819200x64xf32, #tpu.memory_space<hbm>> -> memref<80x64xf32, #tpu.memory_space<hbm>>
        tpu.wait_dma2 semaphore(%arg18 : memref<!tpu.dma_semaphore, #tpu.memory_space<semaphore_mem>>) src(%arg12 : memref<80x64xf32, #tpu.memory_space<vmem>>) dst(%dma_wait3A_192 : memref<80x64xf32, #tpu.memory_space<hbm>>)
      } else {
      }
      %mul3A_53 = arith.constant 80 : i32
      %mul3A_54 = arith.muli %add3A_45, %mul3A_53 : i32
      %rem3A = arith.constant 200 : i32
      %rem3A_55 = arith.remsi %mul3A_54, %rem3A : i32
      %scan3A_56 = arith.constant 0 : i32
      %scan3A_57 = arith.constant 80 : i32
      %scan3A_58 = arith.addi %scan3A_56, %scan3A_57 : i32
      %scan3A_59 = arith.constant 8 : i32
      scf.for %scan3A_187 = %scan3A_56 to %scan3A_58 step %scan3A_59  : i32 {
        %mul3A_188 = arith.constant 1 : i32
        %mul3A_189 = arith.muli %scan3A_187, %mul3A_188 : i32
        %add3A_190 = arith.constant 0 : i32
        %add3A_191 = arith.addi %add3A_190, %mul3A_189 : i32
        %add3A_192 = arith.addi %rem3A_55, %add3A_191 : i32
        %ge3A = arith.constant 200 : i32
        %ge3A_193 = arith.cmpi sge, %add3A_192, %ge3A : i32
        %sub3A = arith.constant 200 : i32
        %sub3A_194 = arith.subi %add3A_192, %sub3A : i32
        %select_n3A = arith.select %ge3A_193, %sub3A_194, %add3A_192 : i32
        %mul3A_195 = arith.constant 64 : i32
        %mul3A_196 = arith.muli %select_n3A, %mul3A_195 : i32
        %get3A = arith.index_cast %add3A_191 : i32 to index
        %get3A_197 = arith.constant 0 : index
        %get3A_198 = tpu.vector_load %arg8[%get3A, %get3A_197] {strides = array<i32>} : memref<80x128xf32, #tpu.memory_space<vmem>>, vector<1x16xf32>,
        %get3A_199 = vector.shape_cast %get3A_198 : vector<1x16xf32> to vector<16xf32>
        %add3A_200 = arith.constant 0 : i32
        %add3A_201 = arith.addi %mul3A_196, %add3A_200 : i32
        %get3A_202 = arith.index_cast %add3A_201 : i32 to index
        %get3A_203 = tpu.vector_load %arg7[%get3A_202] {strides = array<i32>} : memref<12800xf32, #tpu.memory_space<vmem>>, vector<16xf32>,
        %get3A_204 = vector.shape_cast %get3A_203 : vector<16xf32> to vector<16xf32>
        %add3A_205 = arith.addf %get3A_199, %get3A_204 : vector<16xf32>
        %swap3A = arith.index_cast %add3A_191 : i32 to index
        %swap3A_206 = arith.constant 0 : index
        %swap3A_207 = tpu.vector_load %arg12[%swap3A, %swap3A_206] {strides = array<i32>} : memref<80x64xf32, #tpu.memory_space<vmem>>, vector<1x16xf32>,
        %swap3A_208 = vector.shape_cast %swap3A_207 : vector<1x16xf32> to vector<16xf32>
        %swap3A_209 = vector.shape_cast %add3A_205 : vector<16xf32> to vector<1x16xf32>
        tpu.vector_store %arg12[%swap3A, %swap3A_206], %swap3A_209 {strides = array<i32>} : memref<80x64xf32, #tpu.memory_space<vmem>>, vector<1x16xf32>,
        %get3A_210 = arith.index_cast %add3A_191 : i32 to index
        %get3A_211 = arith.constant 16 : index
        %get3A_212 = tpu.vector_load %arg8[%get3A_210, %get3A_211] {strides = array<i32>} : memref<80x128xf32, #tpu.memory_space<vmem>>, vector<1x16xf32>,
        %get3A_213 = vector.shape_cast %get3A_212 : vector<1x16xf32> to vector<16xf32>
        %add3A_214 = arith.constant 16 : i32
        %add3A_215 = arith.addi %mul3A_196, %add3A_214 : i32
        %get3A_216 = arith.index_cast %add3A_215 : i32 to index
        %get3A_217 = tpu.vector_load %arg7[%get3A_216] {strides = array<i32>} : memref<12800xf32, #tpu.memory_space<vmem>>, vector<16xf32>,
        %get3A_218 = vector.shape_cast %get3A_217 : vector<16xf32> to vector<16xf32>
        %add3A_219 = arith.addf %get3A_213, %get3A_218 : vector<16xf32>
        %swap3A_220 = arith.index_cast %add3A_191 : i32 to index
        %swap3A_221 = arith.constant 16 : index
        %swap3A_222 = tpu.vector_load %arg12[%swap3A_220, %swap3A_221] {strides = array<i32>} : memref<80x64xf32, #tpu.memory_space<vmem>>, vector<1x16xf32>,
        %swap3A_223 = vector.shape_cast %swap3A_222 : vector<1x16xf32> to vector<16xf32>
        %swap3A_224 = vector.shape_cast %add3A_219 : vector<16xf32> to vector<1x16xf32>
        tpu.vector_store %arg12[%swap3A_220, %swap3A_221], %swap3A_224 {strides = array<i32>} : memref<80x64xf32, #tpu.memory_space<vmem>>, vector<1x16xf32>,
        %get3A_225 = arith.index_cast %add3A_191 : i32 to index
        %get3A_226 = arith.constant 32 : index
        %get3A_227 = tpu.vector_load %arg8[%get3A_225, %get3A_226] {strides = array<i32>} : memref<80x128xf32, #tpu.memory_space<vmem>>, vector<1x16xf32>,
        %get3A_228 = vector.shape_cast %get3A_227 : vector<1x16xf32> to vector<16xf32>
        %add3A_229 = arith.constant 32 : i32
        %add3A_230 = arith.addi %mul3A_196, %add3A_229 : i32
        %get3A_231 = arith.index_cast %add3A_230 : i32 to index
        %get3A_232 = tpu.vector_load %arg7[%get3A_231] {strides = array<i32>} : memref<12800xf32, #tpu.memory_space<vmem>>, vector<16xf32>,
        %get3A_233 = vector.shape_cast %get3A_232 : vector<16xf32> to vector<16xf32>
        %add3A_234 = arith.addf %get3A_228, %get3A_233 : vector<16xf32>
        %swap3A_235 = arith.index_cast %add3A_191 : i32 to index
        %swap3A_236 = arith.constant 32 : index
        %swap3A_237 = tpu.vector_load %arg12[%swap3A_235, %swap3A_236] {strides = array<i32>} : memref<80x64xf32, #tpu.memory_space<vmem>>, vector<1x16xf32>,
        %swap3A_238 = vector.shape_cast %swap3A_237 : vector<1x16xf32> to vector<16xf32>
        %swap3A_239 = vector.shape_cast %add3A_234 : vector<16xf32> to vector<1x16xf32>
        tpu.vector_store %arg12[%swap3A_235, %swap3A_236], %swap3A_239 {strides = array<i32>} : memref<80x64xf32, #tpu.memory_space<vmem>>, vector<1x16xf32>,
        %get3A_240 = arith.index_cast %add3A_191 : i32 to index
        %get3A_241 = arith.constant 48 : index
        %get3A_242 = tpu.vector_load %arg8[%get3A_240, %get3A_241] {strides = array<i32>} : memref<80x128xf32, #tpu.memory_space<vmem>>, vector<1x16xf32>,
        %get3A_243 = vector.shape_cast %get3A_242 : vector<1x16xf32> to vector<16xf32>
        %add3A_244 = arith.constant 48 : i32
        %add3A_245 = arith.addi %mul3A_196, %add3A_244 : i32
        %get3A_246 = arith.index_cast %add3A_245 : i32 to index
        %get3A_247 = tpu.vector_load %arg7[%get3A_246] {strides = array<i32>} : memref<12800xf32, #tpu.memory_space<vmem>>, vector<16xf32>,
        %get3A_248 = vector.shape_cast %get3A_247 : vector<16xf32> to vector<16xf32>
        %add3A_249 = arith.addf %get3A_243, %get3A_248 : vector<16xf32>
        %swap3A_250 = arith.index_cast %add3A_191 : i32 to index
        %swap3A_251 = arith.constant 48 : index
        %swap3A_252 = tpu.vector_load %arg12[%swap3A_250, %swap3A_251] {strides = array<i32>} : memref<80x64xf32, #tpu.memory_space<vmem>>, vector<1x16xf32>,
        %swap3A_253 = vector.shape_cast %swap3A_252 : vector<1x16xf32> to vector<16xf32>
        %swap3A_254 = vector.shape_cast %add3A_249 : vector<16xf32> to vector<1x16xf32>
        tpu.vector_store %arg12[%swap3A_250, %swap3A_251], %swap3A_254 {strides = array<i32>} : memref<80x64xf32, #tpu.memory_space<vmem>>, vector<1x16xf32>,
        %scan3A_255 = arith.constant 1 : i32
        %scan3A_256 = arith.addi %scan3A_187, %scan3A_255 : i32
        %mul3A_257 = arith.constant 1 : i32
        %mul3A_258 = arith.muli %scan3A_256, %mul3A_257 : i32
        %add3A_259 = arith.constant 0 : i32
        %add3A_260 = arith.addi %add3A_259, %mul3A_258 : i32
        %add3A_261 = arith.addi %rem3A_55, %add3A_260 : i32
        %ge3A_262 = arith.constant 200 : i32
        %ge3A_263 = arith.cmpi sge, %add3A_261, %ge3A_262 : i32
        %sub3A_264 = arith.constant 200 : i32
        %sub3A_265 = arith.subi %add3A_261, %sub3A_264 : i32
        %select_n3A_266 = arith.select %ge3A_263, %sub3A_265, %add3A_261 : i32
        %mul3A_267 = arith.constant 64 : i32
        %mul3A_268 = arith.muli %select_n3A_266, %mul3A_267 : i32
        %get3A_269 = arith.index_cast %add3A_260 : i32 to index
        %get3A_270 = arith.constant 0 : index
        %get3A_271 = tpu.vector_load %arg8[%get3A_269, %get3A_270] {strides = array<i32>} : memref<80x128xf32, #tpu.memory_space<vmem>>, vector<1x16xf32>,
        %get3A_272 = vector.shape_cast %get3A_271 : vector<1x16xf32> to vector<16xf32>
        %add3A_273 = arith.constant 0 : i32
        %add3A_274 = arith.addi %mul3A_268, %add3A_273 : i32
        %get3A_275 = arith.index_cast %add3A_274 : i32 to index
        %get3A_276 = tpu.vector_load %arg7[%get3A_275] {strides = array<i32>} : memref<12800xf32, #tpu.memory_space<vmem>>, vector<16xf32>,
        %get3A_277 = vector.shape_cast %get3A_276 : vector<16xf32> to vector<16xf32>
        %add3A_278 = arith.addf %get3A_272, %get3A_277 : vector<16xf32>
        %swap3A_279 = arith.index_cast %add3A_260 : i32 to index
        %swap3A_280 = arith.constant 0 : index
        %swap3A_281 = tpu.vector_load %arg12[%swap3A_279, %swap3A_280] {strides = array<i32>} : memref<80x64xf32, #tpu.memory_space<vmem>>, vector<1x16xf32>,
        %swap3A_282 = vector.shape_cast %swap3A_281 : vector<1x16xf32> to vector<16xf32>
        %swap3A_283 = vector.shape_cast %add3A_278 : vector<16xf32> to vector<1x16xf32>
        tpu.vector_store %arg12[%swap3A_279, %swap3A_280], %swap3A_283 {strides = array<i32>} : memref<80x64xf32, #tpu.memory_space<vmem>>, vector<1x16xf32>,
        %get3A_284 = arith.index_cast %add3A_260 : i32 to index
        %get3A_285 = arith.constant 16 : index
        %get3A_286 = tpu.vector_load %arg8[%get3A_284, %get3A_285] {strides = array<i32>} : memref<80x128xf32, #tpu.memory_space<vmem>>, vector<1x16xf32>,
        %get3A_287 = vector.shape_cast %get3A_286 : vector<1x16xf32> to vector<16xf32>
        %add3A_288 = arith.constant 16 : i32
        %add3A_289 = arith.addi %mul3A_268, %add3A_288 : i32
        %get3A_290 = arith.index_cast %add3A_289 : i32 to index
        %get3A_291 = tpu.vector_load %arg7[%get3A_290] {strides = array<i32>} : memref<12800xf32, #tpu.memory_space<vmem>>, vector<16xf32>,
        %get3A_292 = vector.shape_cast %get3A_291 : vector<16xf32> to vector<16xf32>
        %add3A_293 = arith.addf %get3A_287, %get3A_292 : vector<16xf32>
        %swap3A_294 = arith.index_cast %add3A_260 : i32 to index
        %swap3A_295 = arith.constant 16 : index
        %swap3A_296 = tpu.vector_load %arg12[%swap3A_294, %swap3A_295] {strides = array<i32>} : memref<80x64xf32, #tpu.memory_space<vmem>>, vector<1x16xf32>,
        %swap3A_297 = vector.shape_cast %swap3A_296 : vector<1x16xf32> to vector<16xf32>
        %swap3A_298 = vector.shape_cast %add3A_293 : vector<16xf32> to vector<1x16xf32>
        tpu.vector_store %arg12[%swap3A_294, %swap3A_295], %swap3A_298 {strides = array<i32>} : memref<80x64xf32, #tpu.memory_space<vmem>>, vector<1x16xf32>,
        %get3A_299 = arith.index_cast %add3A_260 : i32 to index
        %get3A_300 = arith.constant 32 : index
        %get3A_301 = tpu.vector_load %arg8[%get3A_299, %get3A_300] {strides = array<i32>} : memref<80x128xf32, #tpu.memory_space<vmem>>, vector<1x16xf32>,
        %get3A_302 = vector.shape_cast %get3A_301 : vector<1x16xf32> to vector<16xf32>
        %add3A_303 = arith.constant 32 : i32
        %add3A_304 = arith.addi %mul3A_268, %add3A_303 : i32
        %get3A_305 = arith.index_cast %add3A_304 : i32 to index
        %get3A_306 = tpu.vector_load %arg7[%get3A_305] {strides = array<i32>} : memref<12800xf32, #tpu.memory_space<vmem>>, vector<16xf32>,
        %get3A_307 = vector.shape_cast %get3A_306 : vector<16xf32> to vector<16xf32>
        %add3A_308 = arith.addf %get3A_302, %get3A_307 : vector<16xf32>
        %swap3A_309 = arith.index_cast %add3A_260 : i32 to index
        %swap3A_310 = arith.constant 32 : index
        %swap3A_311 = tpu.vector_load %arg12[%swap3A_309, %swap3A_310] {strides = array<i32>} : memref<80x64xf32, #tpu.memory_space<vmem>>, vector<1x16xf32>,
        %swap3A_312 = vector.shape_cast %swap3A_311 : vector<1x16xf32> to vector<16xf32>
        %swap3A_313 = vector.shape_cast %add3A_308 : vector<16xf32> to vector<1x16xf32>
        tpu.vector_store %arg12[%swap3A_309, %swap3A_310], %swap3A_313 {strides = array<i32>} : memref<80x64xf32, #tpu.memory_space<vmem>>, vector<1x16xf32>,
        %get3A_314 = arith.index_cast %add3A_260 : i32 to index
        %get3A_315 = arith.constant 48 : index
        %get3A_316 = tpu.vector_load %arg8[%get3A_314, %get3A_315] {strides = array<i32>} : memref<80x128xf32, #tpu.memory_space<vmem>>, vector<1x16xf32>,
        %get3A_317 = vector.shape_cast %get3A_316 : vector<1x16xf32> to vector<16xf32>
        %add3A_318 = arith.constant 48 : i32
        %add3A_319 = arith.addi %mul3A_268, %add3A_318 : i32
        %get3A_320 = arith.index_cast %add3A_319 : i32 to index
        %get3A_321 = tpu.vector_load %arg7[%get3A_320] {strides = array<i32>} : memref<12800xf32, #tpu.memory_space<vmem>>, vector<16xf32>,
        %get3A_322 = vector.shape_cast %get3A_321 : vector<16xf32> to vector<16xf32>
        %add3A_323 = arith.addf %get3A_317, %get3A_322 : vector<16xf32>
        %swap3A_324 = arith.index_cast %add3A_260 : i32 to index
        %swap3A_325 = arith.constant 48 : index
        %swap3A_326 = tpu.vector_load %arg12[%swap3A_324, %swap3A_325] {strides = array<i32>} : memref<80x64xf32, #tpu.memory_space<vmem>>, vector<1x16xf32>,
        %swap3A_327 = vector.shape_cast %swap3A_326 : vector<1x16xf32> to vector<16xf32>
        %swap3A_328 = vector.shape_cast %add3A_323 : vector<16xf32> to vector<1x16xf32>
        tpu.vector_store %arg12[%swap3A_324, %swap3A_325], %swap3A_328 {strides = array<i32>} : memref<80x64xf32, #tpu.memory_space<vmem>>, vector<1x16xf32>,
        %scan3A_329 = arith.constant 2 : i32
        %scan3A_330 = arith.addi %scan3A_187, %scan3A_329 : i32
        %mul3A_331 = arith.constant 1 : i32
        %mul3A_332 = arith.muli %scan3A_330, %mul3A_331 : i32
        %add3A_333 = arith.constant 0 : i32
        %add3A_334 = arith.addi %add3A_333, %mul3A_332 : i32
        %add3A_335 = arith.addi %rem3A_55, %add3A_334 : i32
        %ge3A_336 = arith.constant 200 : i32
        %ge3A_337 = arith.cmpi sge, %add3A_335, %ge3A_336 : i32
        %sub3A_338 = arith.constant 200 : i32
        %sub3A_339 = arith.subi %add3A_335, %sub3A_338 : i32
        %select_n3A_340 = arith.select %ge3A_337, %sub3A_339, %add3A_335 : i32
        %mul3A_341 = arith.constant 64 : i32
        %mul3A_342 = arith.muli %select_n3A_340, %mul3A_341 : i32
        %get3A_343 = arith.index_cast %add3A_334 : i32 to index
        %get3A_344 = arith.constant 0 : index
        %get3A_345 = tpu.vector_load %arg8[%get3A_343, %get3A_344] {strides = array<i32>} : memref<80x128xf32, #tpu.memory_space<vmem>>, vector<1x16xf32>,
        %get3A_346 = vector.shape_cast %get3A_345 : vector<1x16xf32> to vector<16xf32>
        %add3A_347 = arith.constant 0 : i32
        %add3A_348 = arith.addi %mul3A_342, %add3A_347 : i32
        %get3A_349 = arith.index_cast %add3A_348 : i32 to index
        %get3A_350 = tpu.vector_load %arg7[%get3A_349] {strides = array<i32>} : memref<12800xf32, #tpu.memory_space<vmem>>, vector<16xf32>,
        %get3A_351 = vector.shape_cast %get3A_350 : vector<16xf32> to vector<16xf32>
        %add3A_352 = arith.addf %get3A_346, %get3A_351 : vector<16xf32>
        %swap3A_353 = arith.index_cast %add3A_334 : i32 to index
        %swap3A_354 = arith.constant 0 : index
        %swap3A_355 = tpu.vector_load %arg12[%swap3A_353, %swap3A_354] {strides = array<i32>} : memref<80x64xf32, #tpu.memory_space<vmem>>, vector<1x16xf32>,
        %swap3A_356 = vector.shape_cast %swap3A_355 : vector<1x16xf32> to vector<16xf32>
        %swap3A_357 = vector.shape_cast %add3A_352 : vector<16xf32> to vector<1x16xf32>
        tpu.vector_store %arg12[%swap3A_353, %swap3A_354], %swap3A_357 {strides = array<i32>} : memref<80x64xf32, #tpu.memory_space<vmem>>, vector<1x16xf32>,
        %get3A_358 = arith.index_cast %add3A_334 : i32 to index
        %get3A_359 = arith.constant 16 : index
        %get3A_360 = tpu.vector_load %arg8[%get3A_358, %get3A_359] {strides = array<i32>} : memref<80x128xf32, #tpu.memory_space<vmem>>, vector<1x16xf32>,
        %get3A_361 = vector.shape_cast %get3A_360 : vector<1x16xf32> to vector<16xf32>
        %add3A_362 = arith.constant 16 : i32
        %add3A_363 = arith.addi %mul3A_342, %add3A_362 : i32
        %get3A_364 = arith.index_cast %add3A_363 : i32 to index
        %get3A_365 = tpu.vector_load %arg7[%get3A_364] {strides = array<i32>} : memref<12800xf32, #tpu.memory_space<vmem>>, vector<16xf32>,
        %get3A_366 = vector.shape_cast %get3A_365 : vector<16xf32> to vector<16xf32>
        %add3A_367 = arith.addf %get3A_361, %get3A_366 : vector<16xf32>
        %swap3A_368 = arith.index_cast %add3A_334 : i32 to index
        %swap3A_369 = arith.constant 16 : index
        %swap3A_370 = tpu.vector_load %arg12[%swap3A_368, %swap3A_369] {strides = array<i32>} : memref<80x64xf32, #tpu.memory_space<vmem>>, vector<1x16xf32>,
        %swap3A_371 = vector.shape_cast %swap3A_370 : vector<1x16xf32> to vector<16xf32>
        %swap3A_372 = vector.shape_cast %add3A_367 : vector<16xf32> to vector<1x16xf32>
        tpu.vector_store %arg12[%swap3A_368, %swap3A_369], %swap3A_372 {strides = array<i32>} : memref<80x64xf32, #tpu.memory_space<vmem>>, vector<1x16xf32>,
        %get3A_373 = arith.index_cast %add3A_334 : i32 to index
        %get3A_374 = arith.constant 32 : index
        %get3A_375 = tpu.vector_load %arg8[%get3A_373, %get3A_374] {strides = array<i32>} : memref<80x128xf32, #tpu.memory_space<vmem>>, vector<1x16xf32>,
        %get3A_376 = vector.shape_cast %get3A_375 : vector<1x16xf32> to vector<16xf32>
        %add3A_377 = arith.constant 32 : i32
        %add3A_378 = arith.addi %mul3A_342, %add3A_377 : i32
        %get3A_379 = arith.index_cast %add3A_378 : i32 to index
        %get3A_380 = tpu.vector_load %arg7[%get3A_379] {strides = array<i32>} : memref<12800xf32, #tpu.memory_space<vmem>>, vector<16xf32>,
        %get3A_381 = vector.shape_cast %get3A_380 : vector<16xf32> to vector<16xf32>
        %add3A_382 = arith.addf %get3A_376, %get3A_381 : vector<16xf32>
        %swap3A_383 = arith.index_cast %add3A_334 : i32 to index
        %swap3A_384 = arith.constant 32 : index
        %swap3A_385 = tpu.vector_load %arg12[%swap3A_383, %swap3A_384] {strides = array<i32>} : memref<80x64xf32, #tpu.memory_space<vmem>>, vector<1x16xf32>,
        %swap3A_386 = vector.shape_cast %swap3A_385 : vector<1x16xf32> to vector<16xf32>
        %swap3A_387 = vector.shape_cast %add3A_382 : vector<16xf32> to vector<1x16xf32>
        tpu.vector_store %arg12[%swap3A_383, %swap3A_384], %swap3A_387 {strides = array<i32>} : memref<80x64xf32, #tpu.memory_space<vmem>>, vector<1x16xf32>,
        %get3A_388 = arith.index_cast %add3A_334 : i32 to index
        %get3A_389 = arith.constant 48 : index
        %get3A_390 = tpu.vector_load %arg8[%get3A_388, %get3A_389] {strides = array<i32>} : memref<80x128xf32, #tpu.memory_space<vmem>>, vector<1x16xf32>,
        %get3A_391 = vector.shape_cast %get3A_390 : vector<1x16xf32> to vector<16xf32>
        %add3A_392 = arith.constant 48 : i32
        %add3A_393 = arith.addi %mul3A_342, %add3A_392 : i32
        %get3A_394 = arith.index_cast %add3A_393 : i32 to index
        %get3A_395 = tpu.vector_load %arg7[%get3A_394] {strides = array<i32>} : memref<12800xf32, #tpu.memory_space<vmem>>, vector<16xf32>,
        %get3A_396 = vector.shape_cast %get3A_395 : vector<16xf32> to vector<16xf32>
        %add3A_397 = arith.addf %get3A_391, %get3A_396 : vector<16xf32>
        %swap3A_398 = arith.index_cast %add3A_334 : i32 to index
        %swap3A_399 = arith.constant 48 : index
        %swap3A_400 = tpu.vector_load %arg12[%swap3A_398, %swap3A_399] {strides = array<i32>} : memref<80x64xf32, #tpu.memory_space<vmem>>, vector<1x16xf32>,
        %swap3A_401 = vector.shape_cast %swap3A_400 : vector<1x16xf32> to vector<16xf32>
        %swap3A_402 = vector.shape_cast %add3A_397 : vector<16xf32> to vector<1x16xf32>
        tpu.vector_store %arg12[%swap3A_398, %swap3A_399], %swap3A_402 {strides = array<i32>} : memref<80x64xf32, #tpu.memory_space<vmem>>, vector<1x16xf32>,
        %scan3A_403 = arith.constant 3 : i32
        %scan3A_404 = arith.addi %scan3A_187, %scan3A_403 : i32
        %mul3A_405 = arith.constant 1 : i32
        %mul3A_406 = arith.muli %scan3A_404, %mul3A_405 : i32
        %add3A_407 = arith.constant 0 : i32
        %add3A_408 = arith.addi %add3A_407, %mul3A_406 : i32
        %add3A_409 = arith.addi %rem3A_55, %add3A_408 : i32
        %ge3A_410 = arith.constant 200 : i32
        %ge3A_411 = arith.cmpi sge, %add3A_409, %ge3A_410 : i32
        %sub3A_412 = arith.constant 200 : i32
        %sub3A_413 = arith.subi %add3A_409, %sub3A_412 : i32
        %select_n3A_414 = arith.select %ge3A_411, %sub3A_413, %add3A_409 : i32
        %mul3A_415 = arith.constant 64 : i32
        %mul3A_416 = arith.muli %select_n3A_414, %mul3A_415 : i32
        %get3A_417 = arith.index_cast %add3A_408 : i32 to index
        %get3A_418 = arith.constant 0 : index
        %get3A_419 = tpu.vector_load %arg8[%get3A_417, %get3A_418] {strides = array<i32>} : memref<80x128xf32, #tpu.memory_space<vmem>>, vector<1x16xf32>,
        %get3A_420 = vector.shape_cast %get3A_419 : vector<1x16xf32> to vector<16xf32>
        %add3A_421 = arith.constant 0 : i32
        %add3A_422 = arith.addi %mul3A_416, %add3A_421 : i32
        %get3A_423 = arith.index_cast %add3A_422 : i32 to index
        %get3A_424 = tpu.vector_load %arg7[%get3A_423] {strides = array<i32>} : memref<12800xf32, #tpu.memory_space<vmem>>, vector<16xf32>,
        %get3A_425 = vector.shape_cast %get3A_424 : vector<16xf32> to vector<16xf32>
        %add3A_426 = arith.addf %get3A_420, %get3A_425 : vector<16xf32>
        %swap3A_427 = arith.index_cast %add3A_408 : i32 to index
        %swap3A_428 = arith.constant 0 : index
        %swap3A_429 = tpu.vector_load %arg12[%swap3A_427, %swap3A_428] {strides = array<i32>} : memref<80x64xf32, #tpu.memory_space<vmem>>, vector<1x16xf32>,
        %swap3A_430 = vector.shape_cast %swap3A_429 : vector<1x16xf32> to vector<16xf32>
        %swap3A_431 = vector.shape_cast %add3A_426 : vector<16xf32> to vector<1x16xf32>
        tpu.vector_store %arg12[%swap3A_427, %swap3A_428], %swap3A_431 {strides = array<i32>} : memref<80x64xf32, #tpu.memory_space<vmem>>, vector<1x16xf32>,
        %get3A_432 = arith.index_cast %add3A_408 : i32 to index
        %get3A_433 = arith.constant 16 : index
        %get3A_434 = tpu.vector_load %arg8[%get3A_432, %get3A_433] {strides = array<i32>} : memref<80x128xf32, #tpu.memory_space<vmem>>, vector<1x16xf32>,
        %get3A_435 = vector.shape_cast %get3A_434 : vector<1x16xf32> to vector<16xf32>
        %add3A_436 = arith.constant 16 : i32
        %add3A_437 = arith.addi %mul3A_416, %add3A_436 : i32
        %get3A_438 = arith.index_cast %add3A_437 : i32 to index
        %get3A_439 = tpu.vector_load %arg7[%get3A_438] {strides = array<i32>} : memref<12800xf32, #tpu.memory_space<vmem>>, vector<16xf32>,
        %get3A_440 = vector.shape_cast %get3A_439 : vector<16xf32> to vector<16xf32>
        %add3A_441 = arith.addf %get3A_435, %get3A_440 : vector<16xf32>
        %swap3A_442 = arith.index_cast %add3A_408 : i32 to index
        %swap3A_443 = arith.constant 16 : index
        %swap3A_444 = tpu.vector_load %arg12[%swap3A_442, %swap3A_443] {strides = array<i32>} : memref<80x64xf32, #tpu.memory_space<vmem>>, vector<1x16xf32>,
        %swap3A_445 = vector.shape_cast %swap3A_444 : vector<1x16xf32> to vector<16xf32>
        %swap3A_446 = vector.shape_cast %add3A_441 : vector<16xf32> to vector<1x16xf32>
        tpu.vector_store %arg12[%swap3A_442, %swap3A_443], %swap3A_446 {strides = array<i32>} : memref<80x64xf32, #tpu.memory_space<vmem>>, vector<1x16xf32>,
        %get3A_447 = arith.index_cast %add3A_408 : i32 to index
        %get3A_448 = arith.constant 32 : index
        %get3A_449 = tpu.vector_load %arg8[%get3A_447, %get3A_448] {strides = array<i32>} : memref<80x128xf32, #tpu.memory_space<vmem>>, vector<1x16xf32>,
        %get3A_450 = vector.shape_cast %get3A_449 : vector<1x16xf32> to vector<16xf32>
        %add3A_451 = arith.constant 32 : i32
        %add3A_452 = arith.addi %mul3A_416, %add3A_451 : i32
        %get3A_453 = arith.index_cast %add3A_452 : i32 to index
        %get3A_454 = tpu.vector_load %arg7[%get3A_453] {strides = array<i32>} : memref<12800xf32, #tpu.memory_space<vmem>>, vector<16xf32>,
        %get3A_455 = vector.shape_cast %get3A_454 : vector<16xf32> to vector<16xf32>
        %add3A_456 = arith.addf %get3A_450, %get3A_455 : vector<16xf32>
        %swap3A_457 = arith.index_cast %add3A_408 : i32 to index
        %swap3A_458 = arith.constant 32 : index
        %swap3A_459 = tpu.vector_load %arg12[%swap3A_457, %swap3A_458] {strides = array<i32>} : memref<80x64xf32, #tpu.memory_space<vmem>>, vector<1x16xf32>,
        %swap3A_460 = vector.shape_cast %swap3A_459 : vector<1x16xf32> to vector<16xf32>
        %swap3A_461 = vector.shape_cast %add3A_456 : vector<16xf32> to vector<1x16xf32>
        tpu.vector_store %arg12[%swap3A_457, %swap3A_458], %swap3A_461 {strides = array<i32>} : memref<80x64xf32, #tpu.memory_space<vmem>>, vector<1x16xf32>,
        %get3A_462 = arith.index_cast %add3A_408 : i32 to index
        %get3A_463 = arith.constant 48 : index
        %get3A_464 = tpu.vector_load %arg8[%get3A_462, %get3A_463] {strides = array<i32>} : memref<80x128xf32, #tpu.memory_space<vmem>>, vector<1x16xf32>,
        %get3A_465 = vector.shape_cast %get3A_464 : vector<1x16xf32> to vector<16xf32>
        %add3A_466 = arith.constant 48 : i32
        %add3A_467 = arith.addi %mul3A_416, %add3A_466 : i32
        %get3A_468 = arith.index_cast %add3A_467 : i32 to index
        %get3A_469 = tpu.vector_load %arg7[%get3A_468] {strides = array<i32>} : memref<12800xf32, #tpu.memory_space<vmem>>, vector<16xf32>,
        %get3A_470 = vector.shape_cast %get3A_469 : vector<16xf32> to vector<16xf32>
        %add3A_471 = arith.addf %get3A_465, %get3A_470 : vector<16xf32>
        %swap3A_472 = arith.index_cast %add3A_408 : i32 to index
        %swap3A_473 = arith.constant 48 : index
        %swap3A_474 = tpu.vector_load %arg12[%swap3A_472, %swap3A_473] {strides = array<i32>} : memref<80x64xf32, #tpu.memory_space<vmem>>, vector<1x16xf32>,
        %swap3A_475 = vector.shape_cast %swap3A_474 : vector<1x16xf32> to vector<16xf32>
        %swap3A_476 = vector.shape_cast %add3A_471 : vector<16xf32> to vector<1x16xf32>
        tpu.vector_store %arg12[%swap3A_472, %swap3A_473], %swap3A_476 {strides = array<i32>} : memref<80x64xf32, #tpu.memory_space<vmem>>, vector<1x16xf32>,
        %scan3A_477 = arith.constant 4 : i32
        %scan3A_478 = arith.addi %scan3A_187, %scan3A_477 : i32
        %mul3A_479 = arith.constant 1 : i32
        %mul3A_480 = arith.muli %scan3A_478, %mul3A_479 : i32
        %add3A_481 = arith.constant 0 : i32
        %add3A_482 = arith.addi %add3A_481, %mul3A_480 : i32
        %add3A_483 = arith.addi %rem3A_55, %add3A_482 : i32
        %ge3A_484 = arith.constant 200 : i32
        %ge3A_485 = arith.cmpi sge, %add3A_483, %ge3A_484 : i32
        %sub3A_486 = arith.constant 200 : i32
        %sub3A_487 = arith.subi %add3A_483, %sub3A_486 : i32
        %select_n3A_488 = arith.select %ge3A_485, %sub3A_487, %add3A_483 : i32
        %mul3A_489 = arith.constant 64 : i32
        %mul3A_490 = arith.muli %select_n3A_488, %mul3A_489 : i32
        %get3A_491 = arith.index_cast %add3A_482 : i32 to index
        %get3A_492 = arith.constant 0 : index
        %get3A_493 = tpu.vector_load %arg8[%get3A_491, %get3A_492] {strides = array<i32>} : memref<80x128xf32, #tpu.memory_space<vmem>>, vector<1x16xf32>,
        %get3A_494 = vector.shape_cast %get3A_493 : vector<1x16xf32> to vector<16xf32>
        %add3A_495 = arith.constant 0 : i32
        %add3A_496 = arith.addi %mul3A_490, %add3A_495 : i32
        %get3A_497 = arith.index_cast %add3A_496 : i32 to index
        %get3A_498 = tpu.vector_load %arg7[%get3A_497] {strides = array<i32>} : memref<12800xf32, #tpu.memory_space<vmem>>, vector<16xf32>,
        %get3A_499 = vector.shape_cast %get3A_498 : vector<16xf32> to vector<16xf32>
        %add3A_500 = arith.addf %get3A_494, %get3A_499 : vector<16xf32>
        %swap3A_501 = arith.index_cast %add3A_482 : i32 to index
        %swap3A_502 = arith.constant 0 : index
        %swap3A_503 = tpu.vector_load %arg12[%swap3A_501, %swap3A_502] {strides = array<i32>} : memref<80x64xf32, #tpu.memory_space<vmem>>, vector<1x16xf32>,
        %swap3A_504 = vector.shape_cast %swap3A_503 : vector<1x16xf32> to vector<16xf32>
        %swap3A_505 = vector.shape_cast %add3A_500 : vector<16xf32> to vector<1x16xf32>
        tpu.vector_store %arg12[%swap3A_501, %swap3A_502], %swap3A_505 {strides = array<i32>} : memref<80x64xf32, #tpu.memory_space<vmem>>, vector<1x16xf32>,
        %get3A_506 = arith.index_cast %add3A_482 : i32 to index
        %get3A_507 = arith.constant 16 : index
        %get3A_508 = tpu.vector_load %arg8[%get3A_506, %get3A_507] {strides = array<i32>} : memref<80x128xf32, #tpu.memory_space<vmem>>, vector<1x16xf32>,
        %get3A_509 = vector.shape_cast %get3A_508 : vector<1x16xf32> to vector<16xf32>
        %add3A_510 = arith.constant 16 : i32
        %add3A_511 = arith.addi %mul3A_490, %add3A_510 : i32
        %get3A_512 = arith.index_cast %add3A_511 : i32 to index
        %get3A_513 = tpu.vector_load %arg7[%get3A_512] {strides = array<i32>} : memref<12800xf32, #tpu.memory_space<vmem>>, vector<16xf32>,
        %get3A_514 = vector.shape_cast %get3A_513 : vector<16xf32> to vector<16xf32>
        %add3A_515 = arith.addf %get3A_509, %get3A_514 : vector<16xf32>
        %swap3A_516 = arith.index_cast %add3A_482 : i32 to index
        %swap3A_517 = arith.constant 16 : index
        %swap3A_518 = tpu.vector_load %arg12[%swap3A_516, %swap3A_517] {strides = array<i32>} : memref<80x64xf32, #tpu.memory_space<vmem>>, vector<1x16xf32>,
        %swap3A_519 = vector.shape_cast %swap3A_518 : vector<1x16xf32> to vector<16xf32>
        %swap3A_520 = vector.shape_cast %add3A_515 : vector<16xf32> to vector<1x16xf32>
        tpu.vector_store %arg12[%swap3A_516, %swap3A_517], %swap3A_520 {strides = array<i32>} : memref<80x64xf32, #tpu.memory_space<vmem>>, vector<1x16xf32>,
        %get3A_521 = arith.index_cast %add3A_482 : i32 to index
        %get3A_522 = arith.constant 32 : index
        %get3A_523 = tpu.vector_load %arg8[%get3A_521, %get3A_522] {strides = array<i32>} : memref<80x128xf32, #tpu.memory_space<vmem>>, vector<1x16xf32>,
        %get3A_524 = vector.shape_cast %get3A_523 : vector<1x16xf32> to vector<16xf32>
        %add3A_525 = arith.constant 32 : i32
        %add3A_526 = arith.addi %mul3A_490, %add3A_525 : i32
        %get3A_527 = arith.index_cast %add3A_526 : i32 to index
        %get3A_528 = tpu.vector_load %arg7[%get3A_527] {strides = array<i32>} : memref<12800xf32, #tpu.memory_space<vmem>>, vector<16xf32>,
        %get3A_529 = vector.shape_cast %get3A_528 : vector<16xf32> to vector<16xf32>
        %add3A_530 = arith.addf %get3A_524, %get3A_529 : vector<16xf32>
        %swap3A_531 = arith.index_cast %add3A_482 : i32 to index
        %swap3A_532 = arith.constant 32 : index
        %swap3A_533 = tpu.vector_load %arg12[%swap3A_531, %swap3A_532] {strides = array<i32>} : memref<80x64xf32, #tpu.memory_space<vmem>>, vector<1x16xf32>,
        %swap3A_534 = vector.shape_cast %swap3A_533 : vector<1x16xf32> to vector<16xf32>
        %swap3A_535 = vector.shape_cast %add3A_530 : vector<16xf32> to vector<1x16xf32>
        tpu.vector_store %arg12[%swap3A_531, %swap3A_532], %swap3A_535 {strides = array<i32>} : memref<80x64xf32, #tpu.memory_space<vmem>>, vector<1x16xf32>,
        %get3A_536 = arith.index_cast %add3A_482 : i32 to index
        %get3A_537 = arith.constant 48 : index
        %get3A_538 = tpu.vector_load %arg8[%get3A_536, %get3A_537] {strides = array<i32>} : memref<80x128xf32, #tpu.memory_space<vmem>>, vector<1x16xf32>,
        %get3A_539 = vector.shape_cast %get3A_538 : vector<1x16xf32> to vector<16xf32>
        %add3A_540 = arith.constant 48 : i32
        %add3A_541 = arith.addi %mul3A_490, %add3A_540 : i32
        %get3A_542 = arith.index_cast %add3A_541 : i32 to index
        %get3A_543 = tpu.vector_load %arg7[%get3A_542] {strides = array<i32>} : memref<12800xf32, #tpu.memory_space<vmem>>, vector<16xf32>,
        %get3A_544 = vector.shape_cast %get3A_543 : vector<16xf32> to vector<16xf32>
        %add3A_545 = arith.addf %get3A_539, %get3A_544 : vector<16xf32>
        %swap3A_546 = arith.index_cast %add3A_482 : i32 to index
        %swap3A_547 = arith.constant 48 : index
        %swap3A_548 = tpu.vector_load %arg12[%swap3A_546, %swap3A_547] {strides = array<i32>} : memref<80x64xf32, #tpu.memory_space<vmem>>, vector<1x16xf32>,
        %swap3A_549 = vector.shape_cast %swap3A_548 : vector<1x16xf32> to vector<16xf32>
        %swap3A_550 = vector.shape_cast %add3A_545 : vector<16xf32> to vector<1x16xf32>
        tpu.vector_store %arg12[%swap3A_546, %swap3A_547], %swap3A_550 {strides = array<i32>} : memref<80x64xf32, #tpu.memory_space<vmem>>, vector<1x16xf32>,
        %scan3A_551 = arith.constant 5 : i32
        %scan3A_552 = arith.addi %scan3A_187, %scan3A_551 : i32
        %mul3A_553 = arith.constant 1 : i32
        %mul3A_554 = arith.muli %scan3A_552, %mul3A_553 : i32
        %add3A_555 = arith.constant 0 : i32
        %add3A_556 = arith.addi %add3A_555, %mul3A_554 : i32
        %add3A_557 = arith.addi %rem3A_55, %add3A_556 : i32
        %ge3A_558 = arith.constant 200 : i32
        %ge3A_559 = arith.cmpi sge, %add3A_557, %ge3A_558 : i32
        %sub3A_560 = arith.constant 200 : i32
        %sub3A_561 = arith.subi %add3A_557, %sub3A_560 : i32
        %select_n3A_562 = arith.select %ge3A_559, %sub3A_561, %add3A_557 : i32
        %mul3A_563 = arith.constant 64 : i32
        %mul3A_564 = arith.muli %select_n3A_562, %mul3A_563 : i32
        %get3A_565 = arith.index_cast %add3A_556 : i32 to index
        %get3A_566 = arith.constant 0 : index
        %get3A_567 = tpu.vector_load %arg8[%get3A_565, %get3A_566] {strides = array<i32>} : memref<80x128xf32, #tpu.memory_space<vmem>>, vector<1x16xf32>,
        %get3A_568 = vector.shape_cast %get3A_567 : vector<1x16xf32> to vector<16xf32>
        %add3A_569 = arith.constant 0 : i32
        %add3A_570 = arith.addi %mul3A_564, %add3A_569 : i32
        %get3A_571 = arith.index_cast %add3A_570 : i32 to index
        %get3A_572 = tpu.vector_load %arg7[%get3A_571] {strides = array<i32>} : memref<12800xf32, #tpu.memory_space<vmem>>, vector<16xf32>,
        %get3A_573 = vector.shape_cast %get3A_572 : vector<16xf32> to vector<16xf32>
        %add3A_574 = arith.addf %get3A_568, %get3A_573 : vector<16xf32>
        %swap3A_575 = arith.index_cast %add3A_556 : i32 to index
        %swap3A_576 = arith.constant 0 : index
        %swap3A_577 = tpu.vector_load %arg12[%swap3A_575, %swap3A_576] {strides = array<i32>} : memref<80x64xf32, #tpu.memory_space<vmem>>, vector<1x16xf32>,
        %swap3A_578 = vector.shape_cast %swap3A_577 : vector<1x16xf32> to vector<16xf32>
        %swap3A_579 = vector.shape_cast %add3A_574 : vector<16xf32> to vector<1x16xf32>
        tpu.vector_store %arg12[%swap3A_575, %swap3A_576], %swap3A_579 {strides = array<i32>} : memref<80x64xf32, #tpu.memory_space<vmem>>, vector<1x16xf32>,
        %get3A_580 = arith.index_cast %add3A_556 : i32 to index
        %get3A_581 = arith.constant 16 : index
        %get3A_582 = tpu.vector_load %arg8[%get3A_580, %get3A_581] {strides = array<i32>} : memref<80x128xf32, #tpu.memory_space<vmem>>, vector<1x16xf32>,
        %get3A_583 = vector.shape_cast %get3A_582 : vector<1x16xf32> to vector<16xf32>
        %add3A_584 = arith.constant 16 : i32
        %add3A_585 = arith.addi %mul3A_564, %add3A_584 : i32
        %get3A_586 = arith.index_cast %add3A_585 : i32 to index
        %get3A_587 = tpu.vector_load %arg7[%get3A_586] {strides = array<i32>} : memref<12800xf32, #tpu.memory_space<vmem>>, vector<16xf32>,
        %get3A_588 = vector.shape_cast %get3A_587 : vector<16xf32> to vector<16xf32>
        %add3A_589 = arith.addf %get3A_583, %get3A_588 : vector<16xf32>
        %swap3A_590 = arith.index_cast %add3A_556 : i32 to index
        %swap3A_591 = arith.constant 16 : index
        %swap3A_592 = tpu.vector_load %arg12[%swap3A_590, %swap3A_591] {strides = array<i32>} : memref<80x64xf32, #tpu.memory_space<vmem>>, vector<1x16xf32>,
        %swap3A_593 = vector.shape_cast %swap3A_592 : vector<1x16xf32> to vector<16xf32>
        %swap3A_594 = vector.shape_cast %add3A_589 : vector<16xf32> to vector<1x16xf32>
        tpu.vector_store %arg12[%swap3A_590, %swap3A_591], %swap3A_594 {strides = array<i32>} : memref<80x64xf32, #tpu.memory_space<vmem>>, vector<1x16xf32>,
        %get3A_595 = arith.index_cast %add3A_556 : i32 to index
        %get3A_596 = arith.constant 32 : index
        %get3A_597 = tpu.vector_load %arg8[%get3A_595, %get3A_596] {strides = array<i32>} : memref<80x128xf32, #tpu.memory_space<vmem>>, vector<1x16xf32>,
        %get3A_598 = vector.shape_cast %get3A_597 : vector<1x16xf32> to vector<16xf32>
        %add3A_599 = arith.constant 32 : i32
        %add3A_600 = arith.addi %mul3A_564, %add3A_599 : i32
        %get3A_601 = arith.index_cast %add3A_600 : i32 to index
        %get3A_602 = tpu.vector_load %arg7[%get3A_601] {strides = array<i32>} : memref<12800xf32, #tpu.memory_space<vmem>>, vector<16xf32>,
        %get3A_603 = vector.shape_cast %get3A_602 : vector<16xf32> to vector<16xf32>
        %add3A_604 = arith.addf %get3A_598, %get3A_603 : vector<16xf32>
        %swap3A_605 = arith.index_cast %add3A_556 : i32 to index
        %swap3A_606 = arith.constant 32 : index
        %swap3A_607 = tpu.vector_load %arg12[%swap3A_605, %swap3A_606] {strides = array<i32>} : memref<80x64xf32, #tpu.memory_space<vmem>>, vector<1x16xf32>,
        %swap3A_608 = vector.shape_cast %swap3A_607 : vector<1x16xf32> to vector<16xf32>
        %swap3A_609 = vector.shape_cast %add3A_604 : vector<16xf32> to vector<1x16xf32>
        tpu.vector_store %arg12[%swap3A_605, %swap3A_606], %swap3A_609 {strides = array<i32>} : memref<80x64xf32, #tpu.memory_space<vmem>>, vector<1x16xf32>,
        %get3A_610 = arith.index_cast %add3A_556 : i32 to index
        %get3A_611 = arith.constant 48 : index
        %get3A_612 = tpu.vector_load %arg8[%get3A_610, %get3A_611] {strides = array<i32>} : memref<80x128xf32, #tpu.memory_space<vmem>>, vector<1x16xf32>,
        %get3A_613 = vector.shape_cast %get3A_612 : vector<1x16xf32> to vector<16xf32>
        %add3A_614 = arith.constant 48 : i32
        %add3A_615 = arith.addi %mul3A_564, %add3A_614 : i32
        %get3A_616 = arith.index_cast %add3A_615 : i32 to index
        %get3A_617 = tpu.vector_load %arg7[%get3A_616] {strides = array<i32>} : memref<12800xf32, #tpu.memory_space<vmem>>, vector<16xf32>,
        %get3A_618 = vector.shape_cast %get3A_617 : vector<16xf32> to vector<16xf32>
        %add3A_619 = arith.addf %get3A_613, %get3A_618 : vector<16xf32>
        %swap3A_620 = arith.index_cast %add3A_556 : i32 to index
        %swap3A_621 = arith.constant 48 : index
        %swap3A_622 = tpu.vector_load %arg12[%swap3A_620, %swap3A_621] {strides = array<i32>} : memref<80x64xf32, #tpu.memory_space<vmem>>, vector<1x16xf32>,
        %swap3A_623 = vector.shape_cast %swap3A_622 : vector<1x16xf32> to vector<16xf32>
        %swap3A_624 = vector.shape_cast %add3A_619 : vector<16xf32> to vector<1x16xf32>
        tpu.vector_store %arg12[%swap3A_620, %swap3A_621], %swap3A_624 {strides = array<i32>} : memref<80x64xf32, #tpu.memory_space<vmem>>, vector<1x16xf32>,
        %scan3A_625 = arith.constant 6 : i32
        %scan3A_626 = arith.addi %scan3A_187, %scan3A_625 : i32
        %mul3A_627 = arith.constant 1 : i32
        %mul3A_628 = arith.muli %scan3A_626, %mul3A_627 : i32
        %add3A_629 = arith.constant 0 : i32
        %add3A_630 = arith.addi %add3A_629, %mul3A_628 : i32
        %add3A_631 = arith.addi %rem3A_55, %add3A_630 : i32
        %ge3A_632 = arith.constant 200 : i32
        %ge3A_633 = arith.cmpi sge, %add3A_631, %ge3A_632 : i32
        %sub3A_634 = arith.constant 200 : i32
        %sub3A_635 = arith.subi %add3A_631, %sub3A_634 : i32
        %select_n3A_636 = arith.select %ge3A_633, %sub3A_635, %add3A_631 : i32
        %mul3A_637 = arith.constant 64 : i32
        %mul3A_638 = arith.muli %select_n3A_636, %mul3A_637 : i32
        %get3A_639 = arith.index_cast %add3A_630 : i32 to index
        %get3A_640 = arith.constant 0 : index
        %get3A_641 = tpu.vector_load %arg8[%get3A_639, %get3A_640] {strides = array<i32>} : memref<80x128xf32, #tpu.memory_space<vmem>>, vector<1x16xf32>,
        %get3A_642 = vector.shape_cast %get3A_641 : vector<1x16xf32> to vector<16xf32>
        %add3A_643 = arith.constant 0 : i32
        %add3A_644 = arith.addi %mul3A_638, %add3A_643 : i32
        %get3A_645 = arith.index_cast %add3A_644 : i32 to index
        %get3A_646 = tpu.vector_load %arg7[%get3A_645] {strides = array<i32>} : memref<12800xf32, #tpu.memory_space<vmem>>, vector<16xf32>,
        %get3A_647 = vector.shape_cast %get3A_646 : vector<16xf32> to vector<16xf32>
        %add3A_648 = arith.addf %get3A_642, %get3A_647 : vector<16xf32>
        %swap3A_649 = arith.index_cast %add3A_630 : i32 to index
        %swap3A_650 = arith.constant 0 : index
        %swap3A_651 = tpu.vector_load %arg12[%swap3A_649, %swap3A_650] {strides = array<i32>} : memref<80x64xf32, #tpu.memory_space<vmem>>, vector<1x16xf32>,
        %swap3A_652 = vector.shape_cast %swap3A_651 : vector<1x16xf32> to vector<16xf32>
        %swap3A_653 = vector.shape_cast %add3A_648 : vector<16xf32> to vector<1x16xf32>
        tpu.vector_store %arg12[%swap3A_649, %swap3A_650], %swap3A_653 {strides = array<i32>} : memref<80x64xf32, #tpu.memory_space<vmem>>, vector<1x16xf32>,
        %get3A_654 = arith.index_cast %add3A_630 : i32 to index
        %get3A_655 = arith.constant 16 : index
        %get3A_656 = tpu.vector_load %arg8[%get3A_654, %get3A_655] {strides = array<i32>} : memref<80x128xf32, #tpu.memory_space<vmem>>, vector<1x16xf32>,
        %get3A_657 = vector.shape_cast %get3A_656 : vector<1x16xf32> to vector<16xf32>
        %add3A_658 = arith.constant 16 : i32
        %add3A_659 = arith.addi %mul3A_638, %add3A_658 : i32
        %get3A_660 = arith.index_cast %add3A_659 : i32 to index
        %get3A_661 = tpu.vector_load %arg7[%get3A_660] {strides = array<i32>} : memref<12800xf32, #tpu.memory_space<vmem>>, vector<16xf32>,
        %get3A_662 = vector.shape_cast %get3A_661 : vector<16xf32> to vector<16xf32>
        %add3A_663 = arith.addf %get3A_657, %get3A_662 : vector<16xf32>
        %swap3A_664 = arith.index_cast %add3A_630 : i32 to index
        %swap3A_665 = arith.constant 16 : index
        %swap3A_666 = tpu.vector_load %arg12[%swap3A_664, %swap3A_665] {strides = array<i32>} : memref<80x64xf32, #tpu.memory_space<vmem>>, vector<1x16xf32>,
        %swap3A_667 = vector.shape_cast %swap3A_666 : vector<1x16xf32> to vector<16xf32>
        %swap3A_668 = vector.shape_cast %add3A_663 : vector<16xf32> to vector<1x16xf32>
        tpu.vector_store %arg12[%swap3A_664, %swap3A_665], %swap3A_668 {strides = array<i32>} : memref<80x64xf32, #tpu.memory_space<vmem>>, vector<1x16xf32>,
        %get3A_669 = arith.index_cast %add3A_630 : i32 to index
        %get3A_670 = arith.constant 32 : index
        %get3A_671 = tpu.vector_load %arg8[%get3A_669, %get3A_670] {strides = array<i32>} : memref<80x128xf32, #tpu.memory_space<vmem>>, vector<1x16xf32>,
        %get3A_672 = vector.shape_cast %get3A_671 : vector<1x16xf32> to vector<16xf32>
        %add3A_673 = arith.constant 32 : i32
        %add3A_674 = arith.addi %mul3A_638, %add3A_673 : i32
        %get3A_675 = arith.index_cast %add3A_674 : i32 to index
        %get3A_676 = tpu.vector_load %arg7[%get3A_675] {strides = array<i32>} : memref<12800xf32, #tpu.memory_space<vmem>>, vector<16xf32>,
        %get3A_677 = vector.shape_cast %get3A_676 : vector<16xf32> to vector<16xf32>
        %add3A_678 = arith.addf %get3A_672, %get3A_677 : vector<16xf32>
        %swap3A_679 = arith.index_cast %add3A_630 : i32 to index
        %swap3A_680 = arith.constant 32 : index
        %swap3A_681 = tpu.vector_load %arg12[%swap3A_679, %swap3A_680] {strides = array<i32>} : memref<80x64xf32, #tpu.memory_space<vmem>>, vector<1x16xf32>,
        %swap3A_682 = vector.shape_cast %swap3A_681 : vector<1x16xf32> to vector<16xf32>
        %swap3A_683 = vector.shape_cast %add3A_678 : vector<16xf32> to vector<1x16xf32>
        tpu.vector_store %arg12[%swap3A_679, %swap3A_680], %swap3A_683 {strides = array<i32>} : memref<80x64xf32, #tpu.memory_space<vmem>>, vector<1x16xf32>,
        %get3A_684 = arith.index_cast %add3A_630 : i32 to index
        %get3A_685 = arith.constant 48 : index
        %get3A_686 = tpu.vector_load %arg8[%get3A_684, %get3A_685] {strides = array<i32>} : memref<80x128xf32, #tpu.memory_space<vmem>>, vector<1x16xf32>,
        %get3A_687 = vector.shape_cast %get3A_686 : vector<1x16xf32> to vector<16xf32>
        %add3A_688 = arith.constant 48 : i32
        %add3A_689 = arith.addi %mul3A_638, %add3A_688 : i32
        %get3A_690 = arith.index_cast %add3A_689 : i32 to index
        %get3A_691 = tpu.vector_load %arg7[%get3A_690] {strides = array<i32>} : memref<12800xf32, #tpu.memory_space<vmem>>, vector<16xf32>,
        %get3A_692 = vector.shape_cast %get3A_691 : vector<16xf32> to vector<16xf32>
        %add3A_693 = arith.addf %get3A_687, %get3A_692 : vector<16xf32>
        %swap3A_694 = arith.index_cast %add3A_630 : i32 to index
        %swap3A_695 = arith.constant 48 : index
        %swap3A_696 = tpu.vector_load %arg12[%swap3A_694, %swap3A_695] {strides = array<i32>} : memref<80x64xf32, #tpu.memory_space<vmem>>, vector<1x16xf32>,
        %swap3A_697 = vector.shape_cast %swap3A_696 : vector<1x16xf32> to vector<16xf32>
        %swap3A_698 = vector.shape_cast %add3A_693 : vector<16xf32> to vector<1x16xf32>
        tpu.vector_store %arg12[%swap3A_694, %swap3A_695], %swap3A_698 {strides = array<i32>} : memref<80x64xf32, #tpu.memory_space<vmem>>, vector<1x16xf32>,
        %scan3A_699 = arith.constant 7 : i32
        %scan3A_700 = arith.addi %scan3A_187, %scan3A_699 : i32
        %mul3A_701 = arith.constant 1 : i32
        %mul3A_702 = arith.muli %scan3A_700, %mul3A_701 : i32
        %add3A_703 = arith.constant 0 : i32
        %add3A_704 = arith.addi %add3A_703, %mul3A_702 : i32
        %add3A_705 = arith.addi %rem3A_55, %add3A_704 : i32
        %ge3A_706 = arith.constant 200 : i32
        %ge3A_707 = arith.cmpi sge, %add3A_705, %ge3A_706 : i32
        %sub3A_708 = arith.constant 200 : i32
        %sub3A_709 = arith.subi %add3A_705, %sub3A_708 : i32
        %select_n3A_710 = arith.select %ge3A_707, %sub3A_709, %add3A_705 : i32
        %mul3A_711 = arith.constant 64 : i32
        %mul3A_712 = arith.muli %select_n3A_710, %mul3A_711 : i32
        %get3A_713 = arith.index_cast %add3A_704 : i32 to index
        %get3A_714 = arith.constant 0 : index
        %get3A_715 = tpu.vector_load %arg8[%get3A_713, %get3A_714] {strides = array<i32>} : memref<80x128xf32, #tpu.memory_space<vmem>>, vector<1x16xf32>,
        %get3A_716 = vector.shape_cast %get3A_715 : vector<1x16xf32> to vector<16xf32>
        %add3A_717 = arith.constant 0 : i32
        %add3A_718 = arith.addi %mul3A_712, %add3A_717 : i32
        %get3A_719 = arith.index_cast %add3A_718 : i32 to index
        %get3A_720 = tpu.vector_load %arg7[%get3A_719] {strides = array<i32>} : memref<12800xf32, #tpu.memory_space<vmem>>, vector<16xf32>,
        %get3A_721 = vector.shape_cast %get3A_720 : vector<16xf32> to vector<16xf32>
        %add3A_722 = arith.addf %get3A_716, %get3A_721 : vector<16xf32>
        %swap3A_723 = arith.index_cast %add3A_704 : i32 to index
        %swap3A_724 = arith.constant 0 : index
        %swap3A_725 = tpu.vector_load %arg12[%swap3A_723, %swap3A_724] {strides = array<i32>} : memref<80x64xf32, #tpu.memory_space<vmem>>, vector<1x16xf32>,
        %swap3A_726 = vector.shape_cast %swap3A_725 : vector<1x16xf32> to vector<16xf32>
        %swap3A_727 = vector.shape_cast %add3A_722 : vector<16xf32> to vector<1x16xf32>
        tpu.vector_store %arg12[%swap3A_723, %swap3A_724], %swap3A_727 {strides = array<i32>} : memref<80x64xf32, #tpu.memory_space<vmem>>, vector<1x16xf32>,
        %get3A_728 = arith.index_cast %add3A_704 : i32 to index
        %get3A_729 = arith.constant 16 : index
        %get3A_730 = tpu.vector_load %arg8[%get3A_728, %get3A_729] {strides = array<i32>} : memref<80x128xf32, #tpu.memory_space<vmem>>, vector<1x16xf32>,
        %get3A_731 = vector.shape_cast %get3A_730 : vector<1x16xf32> to vector<16xf32>
        %add3A_732 = arith.constant 16 : i32
        %add3A_733 = arith.addi %mul3A_712, %add3A_732 : i32
        %get3A_734 = arith.index_cast %add3A_733 : i32 to index
        %get3A_735 = tpu.vector_load %arg7[%get3A_734] {strides = array<i32>} : memref<12800xf32, #tpu.memory_space<vmem>>, vector<16xf32>,
        %get3A_736 = vector.shape_cast %get3A_735 : vector<16xf32> to vector<16xf32>
        %add3A_737 = arith.addf %get3A_731, %get3A_736 : vector<16xf32>
        %swap3A_738 = arith.index_cast %add3A_704 : i32 to index
        %swap3A_739 = arith.constant 16 : index
        %swap3A_740 = tpu.vector_load %arg12[%swap3A_738, %swap3A_739] {strides = array<i32>} : memref<80x64xf32, #tpu.memory_space<vmem>>, vector<1x16xf32>,
        %swap3A_741 = vector.shape_cast %swap3A_740 : vector<1x16xf32> to vector<16xf32>
        %swap3A_742 = vector.shape_cast %add3A_737 : vector<16xf32> to vector<1x16xf32>
        tpu.vector_store %arg12[%swap3A_738, %swap3A_739], %swap3A_742 {strides = array<i32>} : memref<80x64xf32, #tpu.memory_space<vmem>>, vector<1x16xf32>,
        %get3A_743 = arith.index_cast %add3A_704 : i32 to index
        %get3A_744 = arith.constant 32 : index
        %get3A_745 = tpu.vector_load %arg8[%get3A_743, %get3A_744] {strides = array<i32>} : memref<80x128xf32, #tpu.memory_space<vmem>>, vector<1x16xf32>,
        %get3A_746 = vector.shape_cast %get3A_745 : vector<1x16xf32> to vector<16xf32>
        %add3A_747 = arith.constant 32 : i32
        %add3A_748 = arith.addi %mul3A_712, %add3A_747 : i32
        %get3A_749 = arith.index_cast %add3A_748 : i32 to index
        %get3A_750 = tpu.vector_load %arg7[%get3A_749] {strides = array<i32>} : memref<12800xf32, #tpu.memory_space<vmem>>, vector<16xf32>,
        %get3A_751 = vector.shape_cast %get3A_750 : vector<16xf32> to vector<16xf32>
        %add3A_752 = arith.addf %get3A_746, %get3A_751 : vector<16xf32>
        %swap3A_753 = arith.index_cast %add3A_704 : i32 to index
        %swap3A_754 = arith.constant 32 : index
        %swap3A_755 = tpu.vector_load %arg12[%swap3A_753, %swap3A_754] {strides = array<i32>} : memref<80x64xf32, #tpu.memory_space<vmem>>, vector<1x16xf32>,
        %swap3A_756 = vector.shape_cast %swap3A_755 : vector<1x16xf32> to vector<16xf32>
        %swap3A_757 = vector.shape_cast %add3A_752 : vector<16xf32> to vector<1x16xf32>
        tpu.vector_store %arg12[%swap3A_753, %swap3A_754], %swap3A_757 {strides = array<i32>} : memref<80x64xf32, #tpu.memory_space<vmem>>, vector<1x16xf32>,
        %get3A_758 = arith.index_cast %add3A_704 : i32 to index
        %get3A_759 = arith.constant 48 : index
        %get3A_760 = tpu.vector_load %arg8[%get3A_758, %get3A_759] {strides = array<i32>} : memref<80x128xf32, #tpu.memory_space<vmem>>, vector<1x16xf32>,
        %get3A_761 = vector.shape_cast %get3A_760 : vector<1x16xf32> to vector<16xf32>
        %add3A_762 = arith.constant 48 : i32
        %add3A_763 = arith.addi %mul3A_712, %add3A_762 : i32
        %get3A_764 = arith.index_cast %add3A_763 : i32 to index
        %get3A_765 = tpu.vector_load %arg7[%get3A_764] {strides = array<i32>} : memref<12800xf32, #tpu.memory_space<vmem>>, vector<16xf32>,
        %get3A_766 = vector.shape_cast %get3A_765 : vector<16xf32> to vector<16xf32>
        %add3A_767 = arith.addf %get3A_761, %get3A_766 : vector<16xf32>
        %swap3A_768 = arith.index_cast %add3A_704 : i32 to index
        %swap3A_769 = arith.constant 48 : index
        %swap3A_770 = tpu.vector_load %arg12[%swap3A_768, %swap3A_769] {strides = array<i32>} : memref<80x64xf32, #tpu.memory_space<vmem>>, vector<1x16xf32>,
        %swap3A_771 = vector.shape_cast %swap3A_770 : vector<1x16xf32> to vector<16xf32>
        %swap3A_772 = vector.shape_cast %add3A_767 : vector<16xf32> to vector<1x16xf32>
        tpu.vector_store %arg12[%swap3A_768, %swap3A_769], %swap3A_772 {strides = array<i32>} : memref<80x64xf32, #tpu.memory_space<vmem>>, vector<1x16xf32>,
      }
      %scan3A_60 = arith.constant 80 : i32
      %mul3A_61 = arith.constant 80 : i32
      %mul3A_62 = arith.muli %add3A_45, %mul3A_61 : i32
      %add3A_63 = arith.addi %mul3A_2, %mul3A_62 : i32
      %dma_start3A_64 = arith.constant 0 : i32
      %dma_start3A_65 = tpu.memref_slice %arg5[%add3A_63, %dma_start3A_64] : memref<819200x64xf32, #tpu.memory_space<hbm>> -> memref<80x64xf32, #tpu.memory_space<hbm>>
      %dma_start3A_66 = arith.constant 0 : i32
      %dma_start3A_67 = tpu.memref_slice %arg5[%add3A_63, %dma_start3A_66] : memref<819200x64xf32, #tpu.memory_space<hbm>> -> memref<80x64xf32, #tpu.memory_space<hbm>>
      tpu.enqueue_dma source(%arg12 : memref<80x64xf32, #tpu.memory_space<vmem>>) target(%dma_start3A_67 : memref<80x64xf32, #tpu.memory_space<hbm>>) target_semaphore(%arg18 : memref<!tpu.dma_semaphore, #tpu.memory_space<semaphore_mem>>)
      %add3A_68 = arith.constant 1 : i32
      %add3A_69 = arith.addi %add3A_41, %add3A_68 : i32
      %lt3A = arith.constant 80 : i32
      %lt3A_70 = arith.cmpi slt, %add3A_69, %lt3A : i32
      %convert_element_type3A_71 = arith.extui %lt3A_70 : i1 to i32
      %cond3A_72 = arith.constant 0 : i32
      %cond3A_73 = arith.cmpi ne, %convert_element_type3A_71, %cond3A_72 : i32
      scf.if %cond3A_73 {
        %add3A_187 = arith.constant 4 : i32
        %add3A_188 = arith.addi %add3A_45, %add3A_187 : i32
        %mul3A_189 = arith.constant 80 : i32
        %mul3A_190 = arith.muli %add3A_188, %mul3A_189 : i32
        %dma_start3A_191 = tpu.memref_slice %arg6[%mul3A_190] : memref<25600xi32, #tpu.memory_space<vmem>> -> memref<80xi32, #tpu.memory_space<vmem>>
        %dma_start3A_192 = arith.constant 0 : i32
        %dma_start3A_193 = arith.constant 0 : i32
        %dma_start3A_194 = tpu.memref_slice %arg3[%dma_start3A_192, %dma_start3A_193] : memref<100000x128xf32, #tpu.memory_space<hbm>> -> memref<100000x128xf32, #tpu.memory_space<hbm>>
        tpu.enqueue_indirect_dma source(%dma_start3A_194 : memref<100000x128xf32, #tpu.memory_space<hbm>>) target(%arg8 : memref<80x128xf32, #tpu.memory_space<vmem>>) offsets(%dma_start3A_191 : memref<80xi32, #tpu.memory_space<vmem>>) semaphore(%arg14 : memref<!tpu.dma_semaphore, #tpu.memory_space<semaphore_mem>>)
      } else {
      }
      %mul3A_74 = arith.constant 4 : i32
      %mul3A_75 = arith.muli %add3A_41, %mul3A_74 : i32
      %add3A_76 = arith.constant 1 : i32
      %add3A_77 = arith.addi %mul3A_75, %add3A_76 : i32
      %dma_wait3A_78 = arith.constant 0 : i32
      %dma_wait3A_79 = tpu.memref_slice %arg6[%dma_wait3A_78] : memref<25600xi32, #tpu.memory_space<vmem>> -> memref<80xi32, #tpu.memory_space<vmem>>
      %dma_wait3A_80 = arith.constant 0 : i32
      %dma_wait3A_81 = arith.constant 0 : i32
      %dma_wait3A_82 = tpu.memref_slice %arg3[%dma_wait3A_80, %dma_wait3A_81] : memref<100000x128xf32, #tpu.memory_space<hbm>> -> memref<100000x128xf32, #tpu.memory_space<hbm>>
      tpu.wait_indirect_dma semaphore(%arg15 : memref<!tpu.dma_semaphore, #tpu.memory_space<semaphore_mem>>) src(%dma_wait3A_82 : memref<100000x128xf32, #tpu.memory_space<hbm>>) dst(%arg9 : memref<80x128xf32, #tpu.memory_space<vmem>>)
      %gt3A_83 = arith.constant 0 : i32
      %gt3A_84 = arith.cmpi sgt, %add3A_41, %gt3A_83 : i32
      %convert_element_type3A_85 = arith.extui %gt3A_84 : i1 to i32
      %cond3A_86 = arith.constant 0 : i32
      %cond3A_87 = arith.cmpi ne, %convert_element_type3A_85, %cond3A_86 : i32
      scf.if %cond3A_87 {
        %dma_wait3A_187 = arith.constant 0 : i32
        %dma_wait3A_188 = arith.constant 0 : i32
        %dma_wait3A_189 = tpu.memref_slice %arg5[%dma_wait3A_187, %dma_wait3A_188] : memref<819200x64xf32, #tpu.memory_space<hbm>> -> memref<80x64xf32, #tpu.memory_space<hbm>>
        %dma_wait3A_190 = arith.constant 0 : i32
        %dma_wait3A_191 = arith.constant 0 : i32
        %dma_wait3A_192 = tpu.memref_slice %arg5[%dma_wait3A_190, %dma_wait3A_191] : memref<819200x64xf32, #tpu.memory_space<hbm>> -> memref<80x64xf32, #tpu.memory_space<hbm>>
        tpu.wait_dma2 semaphore(%arg19 : memref<!tpu.dma_semaphore, #tpu.memory_space<semaphore_mem>>) src(%arg13 : memref<80x64xf32, #tpu.memory_space<vmem>>) dst(%dma_wait3A_192 : memref<80x64xf32, #tpu.memory_space<hbm>>)
      } else {
      }
      %mul3A_88 = arith.constant 80 : i32
      %mul3A_89 = arith.muli %add3A_77, %mul3A_88 : i32
      %rem3A_90 = arith.constant 200 : i32
      %rem3A_91 = arith.remsi %mul3A_89, %rem3A_90 : i32
      %scan3A_92 = arith.constant 0 : i32
      %scan3A_93 = arith.constant 80 : i32
      %scan3A_94 = arith.addi %scan3A_92, %scan3A_93 : i32
      %scan3A_95 = arith.constant 8 : i32
      scf.for %scan3A_187 = %scan3A_92 to %scan3A_94 step %scan3A_95  : i32 {
        %mul3A_188 = arith.constant 1 : i32
        %mul3A_189 = arith.muli %scan3A_187, %mul3A_188 : i32
        %add3A_190 = arith.constant 0 : i32
        %add3A_191 = arith.addi %add3A_190, %mul3A_189 : i32
        %add3A_192 = arith.addi %rem3A_91, %add3A_191 : i32
        %ge3A = arith.constant 200 : i32
        %ge3A_193 = arith.cmpi sge, %add3A_192, %ge3A : i32
        %sub3A = arith.constant 200 : i32
        %sub3A_194 = arith.subi %add3A_192, %sub3A : i32
        %select_n3A = arith.select %ge3A_193, %sub3A_194, %add3A_192 : i32
        %mul3A_195 = arith.constant 64 : i32
        %mul3A_196 = arith.muli %select_n3A, %mul3A_195 : i32
        %get3A = arith.index_cast %add3A_191 : i32 to index
        %get3A_197 = arith.constant 0 : index
        %get3A_198 = tpu.vector_load %arg9[%get3A, %get3A_197] {strides = array<i32>} : memref<80x128xf32, #tpu.memory_space<vmem>>, vector<1x16xf32>,
        %get3A_199 = vector.shape_cast %get3A_198 : vector<1x16xf32> to vector<16xf32>
        %add3A_200 = arith.constant 0 : i32
        %add3A_201 = arith.addi %mul3A_196, %add3A_200 : i32
        %get3A_202 = arith.index_cast %add3A_201 : i32 to index
        %get3A_203 = tpu.vector_load %arg7[%get3A_202] {strides = array<i32>} : memref<12800xf32, #tpu.memory_space<vmem>>, vector<16xf32>,
        %get3A_204 = vector.shape_cast %get3A_203 : vector<16xf32> to vector<16xf32>
        %add3A_205 = arith.addf %get3A_199, %get3A_204 : vector<16xf32>
        %swap3A = arith.index_cast %add3A_191 : i32 to index
        %swap3A_206 = arith.constant 0 : index
        %swap3A_207 = tpu.vector_load %arg13[%swap3A, %swap3A_206] {strides = array<i32>} : memref<80x64xf32, #tpu.memory_space<vmem>>, vector<1x16xf32>,
        %swap3A_208 = vector.shape_cast %swap3A_207 : vector<1x16xf32> to vector<16xf32>
        %swap3A_209 = vector.shape_cast %add3A_205 : vector<16xf32> to vector<1x16xf32>
        tpu.vector_store %arg13[%swap3A, %swap3A_206], %swap3A_209 {strides = array<i32>} : memref<80x64xf32, #tpu.memory_space<vmem>>, vector<1x16xf32>,
        %get3A_210 = arith.index_cast %add3A_191 : i32 to index
        %get3A_211 = arith.constant 16 : index
        %get3A_212 = tpu.vector_load %arg9[%get3A_210, %get3A_211] {strides = array<i32>} : memref<80x128xf32, #tpu.memory_space<vmem>>, vector<1x16xf32>,
        %get3A_213 = vector.shape_cast %get3A_212 : vector<1x16xf32> to vector<16xf32>
        %add3A_214 = arith.constant 16 : i32
        %add3A_215 = arith.addi %mul3A_196, %add3A_214 : i32
        %get3A_216 = arith.index_cast %add3A_215 : i32 to index
        %get3A_217 = tpu.vector_load %arg7[%get3A_216] {strides = array<i32>} : memref<12800xf32, #tpu.memory_space<vmem>>, vector<16xf32>,
        %get3A_218 = vector.shape_cast %get3A_217 : vector<16xf32> to vector<16xf32>
        %add3A_219 = arith.addf %get3A_213, %get3A_218 : vector<16xf32>
        %swap3A_220 = arith.index_cast %add3A_191 : i32 to index
        %swap3A_221 = arith.constant 16 : index
        %swap3A_222 = tpu.vector_load %arg13[%swap3A_220, %swap3A_221] {strides = array<i32>} : memref<80x64xf32, #tpu.memory_space<vmem>>, vector<1x16xf32>,
        %swap3A_223 = vector.shape_cast %swap3A_222 : vector<1x16xf32> to vector<16xf32>
        %swap3A_224 = vector.shape_cast %add3A_219 : vector<16xf32> to vector<1x16xf32>
        tpu.vector_store %arg13[%swap3A_220, %swap3A_221], %swap3A_224 {strides = array<i32>} : memref<80x64xf32, #tpu.memory_space<vmem>>, vector<1x16xf32>,
        %get3A_225 = arith.index_cast %add3A_191 : i32 to index
        %get3A_226 = arith.constant 32 : index
        %get3A_227 = tpu.vector_load %arg9[%get3A_225, %get3A_226] {strides = array<i32>} : memref<80x128xf32, #tpu.memory_space<vmem>>, vector<1x16xf32>,
        %get3A_228 = vector.shape_cast %get3A_227 : vector<1x16xf32> to vector<16xf32>
        %add3A_229 = arith.constant 32 : i32
        %add3A_230 = arith.addi %mul3A_196, %add3A_229 : i32
        %get3A_231 = arith.index_cast %add3A_230 : i32 to index
        %get3A_232 = tpu.vector_load %arg7[%get3A_231] {strides = array<i32>} : memref<12800xf32, #tpu.memory_space<vmem>>, vector<16xf32>,
        %get3A_233 = vector.shape_cast %get3A_232 : vector<16xf32> to vector<16xf32>
        %add3A_234 = arith.addf %get3A_228, %get3A_233 : vector<16xf32>
        %swap3A_235 = arith.index_cast %add3A_191 : i32 to index
        %swap3A_236 = arith.constant 32 : index
        %swap3A_237 = tpu.vector_load %arg13[%swap3A_235, %swap3A_236] {strides = array<i32>} : memref<80x64xf32, #tpu.memory_space<vmem>>, vector<1x16xf32>,
        %swap3A_238 = vector.shape_cast %swap3A_237 : vector<1x16xf32> to vector<16xf32>
        %swap3A_239 = vector.shape_cast %add3A_234 : vector<16xf32> to vector<1x16xf32>
        tpu.vector_store %arg13[%swap3A_235, %swap3A_236], %swap3A_239 {strides = array<i32>} : memref<80x64xf32, #tpu.memory_space<vmem>>, vector<1x16xf32>,
        %get3A_240 = arith.index_cast %add3A_191 : i32 to index
        %get3A_241 = arith.constant 48 : index
        %get3A_242 = tpu.vector_load %arg9[%get3A_240, %get3A_241] {strides = array<i32>} : memref<80x128xf32, #tpu.memory_space<vmem>>, vector<1x16xf32>,
        %get3A_243 = vector.shape_cast %get3A_242 : vector<1x16xf32> to vector<16xf32>
        %add3A_244 = arith.constant 48 : i32
        %add3A_245 = arith.addi %mul3A_196, %add3A_244 : i32
        %get3A_246 = arith.index_cast %add3A_245 : i32 to index
        %get3A_247 = tpu.vector_load %arg7[%get3A_246] {strides = array<i32>} : memref<12800xf32, #tpu.memory_space<vmem>>, vector<16xf32>,
        %get3A_248 = vector.shape_cast %get3A_247 : vector<16xf32> to vector<16xf32>
        %add3A_249 = arith.addf %get3A_243, %get3A_248 : vector<16xf32>
        %swap3A_250 = arith.index_cast %add3A_191 : i32 to index
        %swap3A_251 = arith.constant 48 : index
        %swap3A_252 = tpu.vector_load %arg13[%swap3A_250, %swap3A_251] {strides = array<i32>} : memref<80x64xf32, #tpu.memory_space<vmem>>, vector<1x16xf32>,
        %swap3A_253 = vector.shape_cast %swap3A_252 : vector<1x16xf32> to vector<16xf32>
        %swap3A_254 = vector.shape_cast %add3A_249 : vector<16xf32> to vector<1x16xf32>
        tpu.vector_store %arg13[%swap3A_250, %swap3A_251], %swap3A_254 {strides = array<i32>} : memref<80x64xf32, #tpu.memory_space<vmem>>, vector<1x16xf32>,
        %scan3A_255 = arith.constant 1 : i32
        %scan3A_256 = arith.addi %scan3A_187, %scan3A_255 : i32
        %mul3A_257 = arith.constant 1 : i32
        %mul3A_258 = arith.muli %scan3A_256, %mul3A_257 : i32
        %add3A_259 = arith.constant 0 : i32
        %add3A_260 = arith.addi %add3A_259, %mul3A_258 : i32
        %add3A_261 = arith.addi %rem3A_91, %add3A_260 : i32
        %ge3A_262 = arith.constant 200 : i32
        %ge3A_263 = arith.cmpi sge, %add3A_261, %ge3A_262 : i32
        %sub3A_264 = arith.constant 200 : i32
        %sub3A_265 = arith.subi %add3A_261, %sub3A_264 : i32
        %select_n3A_266 = arith.select %ge3A_263, %sub3A_265, %add3A_261 : i32
        %mul3A_267 = arith.constant 64 : i32
        %mul3A_268 = arith.muli %select_n3A_266, %mul3A_267 : i32
        %get3A_269 = arith.index_cast %add3A_260 : i32 to index
        %get3A_270 = arith.constant 0 : index
        %get3A_271 = tpu.vector_load %arg9[%get3A_269, %get3A_270] {strides = array<i32>} : memref<80x128xf32, #tpu.memory_space<vmem>>, vector<1x16xf32>,
        %get3A_272 = vector.shape_cast %get3A_271 : vector<1x16xf32> to vector<16xf32>
        %add3A_273 = arith.constant 0 : i32
        %add3A_274 = arith.addi %mul3A_268, %add3A_273 : i32
        %get3A_275 = arith.index_cast %add3A_274 : i32 to index
        %get3A_276 = tpu.vector_load %arg7[%get3A_275] {strides = array<i32>} : memref<12800xf32, #tpu.memory_space<vmem>>, vector<16xf32>,
        %get3A_277 = vector.shape_cast %get3A_276 : vector<16xf32> to vector<16xf32>
        %add3A_278 = arith.addf %get3A_272, %get3A_277 : vector<16xf32>
        %swap3A_279 = arith.index_cast %add3A_260 : i32 to index
        %swap3A_280 = arith.constant 0 : index
        %swap3A_281 = tpu.vector_load %arg13[%swap3A_279, %swap3A_280] {strides = array<i32>} : memref<80x64xf32, #tpu.memory_space<vmem>>, vector<1x16xf32>,
        %swap3A_282 = vector.shape_cast %swap3A_281 : vector<1x16xf32> to vector<16xf32>
        %swap3A_283 = vector.shape_cast %add3A_278 : vector<16xf32> to vector<1x16xf32>
        tpu.vector_store %arg13[%swap3A_279, %swap3A_280], %swap3A_283 {strides = array<i32>} : memref<80x64xf32, #tpu.memory_space<vmem>>, vector<1x16xf32>,
        %get3A_284 = arith.index_cast %add3A_260 : i32 to index
        %get3A_285 = arith.constant 16 : index
        %get3A_286 = tpu.vector_load %arg9[%get3A_284, %get3A_285] {strides = array<i32>} : memref<80x128xf32, #tpu.memory_space<vmem>>, vector<1x16xf32>,
        %get3A_287 = vector.shape_cast %get3A_286 : vector<1x16xf32> to vector<16xf32>
        %add3A_288 = arith.constant 16 : i32
        %add3A_289 = arith.addi %mul3A_268, %add3A_288 : i32
        %get3A_290 = arith.index_cast %add3A_289 : i32 to index
        %get3A_291 = tpu.vector_load %arg7[%get3A_290] {strides = array<i32>} : memref<12800xf32, #tpu.memory_space<vmem>>, vector<16xf32>,
        %get3A_292 = vector.shape_cast %get3A_291 : vector<16xf32> to vector<16xf32>
        %add3A_293 = arith.addf %get3A_287, %get3A_292 : vector<16xf32>
        %swap3A_294 = arith.index_cast %add3A_260 : i32 to index
        %swap3A_295 = arith.constant 16 : index
        %swap3A_296 = tpu.vector_load %arg13[%swap3A_294, %swap3A_295] {strides = array<i32>} : memref<80x64xf32, #tpu.memory_space<vmem>>, vector<1x16xf32>,
        %swap3A_297 = vector.shape_cast %swap3A_296 : vector<1x16xf32> to vector<16xf32>
        %swap3A_298 = vector.shape_cast %add3A_293 : vector<16xf32> to vector<1x16xf32>
        tpu.vector_store %arg13[%swap3A_294, %swap3A_295], %swap3A_298 {strides = array<i32>} : memref<80x64xf32, #tpu.memory_space<vmem>>, vector<1x16xf32>,
        %get3A_299 = arith.index_cast %add3A_260 : i32 to index
        %get3A_300 = arith.constant 32 : index
        %get3A_301 = tpu.vector_load %arg9[%get3A_299, %get3A_300] {strides = array<i32>} : memref<80x128xf32, #tpu.memory_space<vmem>>, vector<1x16xf32>,
        %get3A_302 = vector.shape_cast %get3A_301 : vector<1x16xf32> to vector<16xf32>
        %add3A_303 = arith.constant 32 : i32
        %add3A_304 = arith.addi %mul3A_268, %add3A_303 : i32
        %get3A_305 = arith.index_cast %add3A_304 : i32 to index
        %get3A_306 = tpu.vector_load %arg7[%get3A_305] {strides = array<i32>} : memref<12800xf32, #tpu.memory_space<vmem>>, vector<16xf32>,
        %get3A_307 = vector.shape_cast %get3A_306 : vector<16xf32> to vector<16xf32>
        %add3A_308 = arith.addf %get3A_302, %get3A_307 : vector<16xf32>
        %swap3A_309 = arith.index_cast %add3A_260 : i32 to index
        %swap3A_310 = arith.constant 32 : index
        %swap3A_311 = tpu.vector_load %arg13[%swap3A_309, %swap3A_310] {strides = array<i32>} : memref<80x64xf32, #tpu.memory_space<vmem>>, vector<1x16xf32>,
        %swap3A_312 = vector.shape_cast %swap3A_311 : vector<1x16xf32> to vector<16xf32>
        %swap3A_313 = vector.shape_cast %add3A_308 : vector<16xf32> to vector<1x16xf32>
        tpu.vector_store %arg13[%swap3A_309, %swap3A_310], %swap3A_313 {strides = array<i32>} : memref<80x64xf32, #tpu.memory_space<vmem>>, vector<1x16xf32>,
        %get3A_314 = arith.index_cast %add3A_260 : i32 to index
        %get3A_315 = arith.constant 48 : index
        %get3A_316 = tpu.vector_load %arg9[%get3A_314, %get3A_315] {strides = array<i32>} : memref<80x128xf32, #tpu.memory_space<vmem>>, vector<1x16xf32>,
        %get3A_317 = vector.shape_cast %get3A_316 : vector<1x16xf32> to vector<16xf32>
        %add3A_318 = arith.constant 48 : i32
        %add3A_319 = arith.addi %mul3A_268, %add3A_318 : i32
        %get3A_320 = arith.index_cast %add3A_319 : i32 to index
        %get3A_321 = tpu.vector_load %arg7[%get3A_320] {strides = array<i32>} : memref<12800xf32, #tpu.memory_space<vmem>>, vector<16xf32>,
        %get3A_322 = vector.shape_cast %get3A_321 : vector<16xf32> to vector<16xf32>
        %add3A_323 = arith.addf %get3A_317, %get3A_322 : vector<16xf32>
        %swap3A_324 = arith.index_cast %add3A_260 : i32 to index
        %swap3A_325 = arith.constant 48 : index
        %swap3A_326 = tpu.vector_load %arg13[%swap3A_324, %swap3A_325] {strides = array<i32>} : memref<80x64xf32, #tpu.memory_space<vmem>>, vector<1x16xf32>,
        %swap3A_327 = vector.shape_cast %swap3A_326 : vector<1x16xf32> to vector<16xf32>
        %swap3A_328 = vector.shape_cast %add3A_323 : vector<16xf32> to vector<1x16xf32>
        tpu.vector_store %arg13[%swap3A_324, %swap3A_325], %swap3A_328 {strides = array<i32>} : memref<80x64xf32, #tpu.memory_space<vmem>>, vector<1x16xf32>,
        %scan3A_329 = arith.constant 2 : i32
        %scan3A_330 = arith.addi %scan3A_187, %scan3A_329 : i32
        %mul3A_331 = arith.constant 1 : i32
        %mul3A_332 = arith.muli %scan3A_330, %mul3A_331 : i32
        %add3A_333 = arith.constant 0 : i32
        %add3A_334 = arith.addi %add3A_333, %mul3A_332 : i32
        %add3A_335 = arith.addi %rem3A_91, %add3A_334 : i32
        %ge3A_336 = arith.constant 200 : i32
        %ge3A_337 = arith.cmpi sge, %add3A_335, %ge3A_336 : i32
        %sub3A_338 = arith.constant 200 : i32
        %sub3A_339 = arith.subi %add3A_335, %sub3A_338 : i32
        %select_n3A_340 = arith.select %ge3A_337, %sub3A_339, %add3A_335 : i32
        %mul3A_341 = arith.constant 64 : i32
        %mul3A_342 = arith.muli %select_n3A_340, %mul3A_341 : i32
        %get3A_343 = arith.index_cast %add3A_334 : i32 to index
        %get3A_344 = arith.constant 0 : index
        %get3A_345 = tpu.vector_load %arg9[%get3A_343, %get3A_344] {strides = array<i32>} : memref<80x128xf32, #tpu.memory_space<vmem>>, vector<1x16xf32>,
        %get3A_346 = vector.shape_cast %get3A_345 : vector<1x16xf32> to vector<16xf32>
        %add3A_347 = arith.constant 0 : i32
        %add3A_348 = arith.addi %mul3A_342, %add3A_347 : i32
        %get3A_349 = arith.index_cast %add3A_348 : i32 to index
        %get3A_350 = tpu.vector_load %arg7[%get3A_349] {strides = array<i32>} : memref<12800xf32, #tpu.memory_space<vmem>>, vector<16xf32>,
        %get3A_351 = vector.shape_cast %get3A_350 : vector<16xf32> to vector<16xf32>
        %add3A_352 = arith.addf %get3A_346, %get3A_351 : vector<16xf32>
        %swap3A_353 = arith.index_cast %add3A_334 : i32 to index
        %swap3A_354 = arith.constant 0 : index
        %swap3A_355 = tpu.vector_load %arg13[%swap3A_353, %swap3A_354] {strides = array<i32>} : memref<80x64xf32, #tpu.memory_space<vmem>>, vector<1x16xf32>,
        %swap3A_356 = vector.shape_cast %swap3A_355 : vector<1x16xf32> to vector<16xf32>
        %swap3A_357 = vector.shape_cast %add3A_352 : vector<16xf32> to vector<1x16xf32>
        tpu.vector_store %arg13[%swap3A_353, %swap3A_354], %swap3A_357 {strides = array<i32>} : memref<80x64xf32, #tpu.memory_space<vmem>>, vector<1x16xf32>,
        %get3A_358 = arith.index_cast %add3A_334 : i32 to index
        %get3A_359 = arith.constant 16 : index
        %get3A_360 = tpu.vector_load %arg9[%get3A_358, %get3A_359] {strides = array<i32>} : memref<80x128xf32, #tpu.memory_space<vmem>>, vector<1x16xf32>,
        %get3A_361 = vector.shape_cast %get3A_360 : vector<1x16xf32> to vector<16xf32>
        %add3A_362 = arith.constant 16 : i32
        %add3A_363 = arith.addi %mul3A_342, %add3A_362 : i32
        %get3A_364 = arith.index_cast %add3A_363 : i32 to index
        %get3A_365 = tpu.vector_load %arg7[%get3A_364] {strides = array<i32>} : memref<12800xf32, #tpu.memory_space<vmem>>, vector<16xf32>,
        %get3A_366 = vector.shape_cast %get3A_365 : vector<16xf32> to vector<16xf32>
        %add3A_367 = arith.addf %get3A_361, %get3A_366 : vector<16xf32>
        %swap3A_368 = arith.index_cast %add3A_334 : i32 to index
        %swap3A_369 = arith.constant 16 : index
        %swap3A_370 = tpu.vector_load %arg13[%swap3A_368, %swap3A_369] {strides = array<i32>} : memref<80x64xf32, #tpu.memory_space<vmem>>, vector<1x16xf32>,
        %swap3A_371 = vector.shape_cast %swap3A_370 : vector<1x16xf32> to vector<16xf32>
        %swap3A_372 = vector.shape_cast %add3A_367 : vector<16xf32> to vector<1x16xf32>
        tpu.vector_store %arg13[%swap3A_368, %swap3A_369], %swap3A_372 {strides = array<i32>} : memref<80x64xf32, #tpu.memory_space<vmem>>, vector<1x16xf32>,
        %get3A_373 = arith.index_cast %add3A_334 : i32 to index
        %get3A_374 = arith.constant 32 : index
        %get3A_375 = tpu.vector_load %arg9[%get3A_373, %get3A_374] {strides = array<i32>} : memref<80x128xf32, #tpu.memory_space<vmem>>, vector<1x16xf32>,
        %get3A_376 = vector.shape_cast %get3A_375 : vector<1x16xf32> to vector<16xf32>
        %add3A_377 = arith.constant 32 : i32
        %add3A_378 = arith.addi %mul3A_342, %add3A_377 : i32
        %get3A_379 = arith.index_cast %add3A_378 : i32 to index
        %get3A_380 = tpu.vector_load %arg7[%get3A_379] {strides = array<i32>} : memref<12800xf32, #tpu.memory_space<vmem>>, vector<16xf32>,
        %get3A_381 = vector.shape_cast %get3A_380 : vector<16xf32> to vector<16xf32>
        %add3A_382 = arith.addf %get3A_376, %get3A_381 : vector<16xf32>
        %swap3A_383 = arith.index_cast %add3A_334 : i32 to index
        %swap3A_384 = arith.constant 32 : index
        %swap3A_385 = tpu.vector_load %arg13[%swap3A_383, %swap3A_384] {strides = array<i32>} : memref<80x64xf32, #tpu.memory_space<vmem>>, vector<1x16xf32>,
        %swap3A_386 = vector.shape_cast %swap3A_385 : vector<1x16xf32> to vector<16xf32>
        %swap3A_387 = vector.shape_cast %add3A_382 : vector<16xf32> to vector<1x16xf32>
        tpu.vector_store %arg13[%swap3A_383, %swap3A_384], %swap3A_387 {strides = array<i32>} : memref<80x64xf32, #tpu.memory_space<vmem>>, vector<1x16xf32>,
        %get3A_388 = arith.index_cast %add3A_334 : i32 to index
        %get3A_389 = arith.constant 48 : index
        %get3A_390 = tpu.vector_load %arg9[%get3A_388, %get3A_389] {strides = array<i32>} : memref<80x128xf32, #tpu.memory_space<vmem>>, vector<1x16xf32>,
        %get3A_391 = vector.shape_cast %get3A_390 : vector<1x16xf32> to vector<16xf32>
        %add3A_392 = arith.constant 48 : i32
        %add3A_393 = arith.addi %mul3A_342, %add3A_392 : i32
        %get3A_394 = arith.index_cast %add3A_393 : i32 to index
        %get3A_395 = tpu.vector_load %arg7[%get3A_394] {strides = array<i32>} : memref<12800xf32, #tpu.memory_space<vmem>>, vector<16xf32>,
        %get3A_396 = vector.shape_cast %get3A_395 : vector<16xf32> to vector<16xf32>
        %add3A_397 = arith.addf %get3A_391, %get3A_396 : vector<16xf32>
        %swap3A_398 = arith.index_cast %add3A_334 : i32 to index
        %swap3A_399 = arith.constant 48 : index
        %swap3A_400 = tpu.vector_load %arg13[%swap3A_398, %swap3A_399] {strides = array<i32>} : memref<80x64xf32, #tpu.memory_space<vmem>>, vector<1x16xf32>,
        %swap3A_401 = vector.shape_cast %swap3A_400 : vector<1x16xf32> to vector<16xf32>
        %swap3A_402 = vector.shape_cast %add3A_397 : vector<16xf32> to vector<1x16xf32>
        tpu.vector_store %arg13[%swap3A_398, %swap3A_399], %swap3A_402 {strides = array<i32>} : memref<80x64xf32, #tpu.memory_space<vmem>>, vector<1x16xf32>,
        %scan3A_403 = arith.constant 3 : i32
        %scan3A_404 = arith.addi %scan3A_187, %scan3A_403 : i32
        %mul3A_405 = arith.constant 1 : i32
        %mul3A_406 = arith.muli %scan3A_404, %mul3A_405 : i32
        %add3A_407 = arith.constant 0 : i32
        %add3A_408 = arith.addi %add3A_407, %mul3A_406 : i32
        %add3A_409 = arith.addi %rem3A_91, %add3A_408 : i32
        %ge3A_410 = arith.constant 200 : i32
        %ge3A_411 = arith.cmpi sge, %add3A_409, %ge3A_410 : i32
        %sub3A_412 = arith.constant 200 : i32
        %sub3A_413 = arith.subi %add3A_409, %sub3A_412 : i32
        %select_n3A_414 = arith.select %ge3A_411, %sub3A_413, %add3A_409 : i32
        %mul3A_415 = arith.constant 64 : i32
        %mul3A_416 = arith.muli %select_n3A_414, %mul3A_415 : i32
        %get3A_417 = arith.index_cast %add3A_408 : i32 to index
        %get3A_418 = arith.constant 0 : index
        %get3A_419 = tpu.vector_load %arg9[%get3A_417, %get3A_418] {strides = array<i32>} : memref<80x128xf32, #tpu.memory_space<vmem>>, vector<1x16xf32>,
        %get3A_420 = vector.shape_cast %get3A_419 : vector<1x16xf32> to vector<16xf32>
        %add3A_421 = arith.constant 0 : i32
        %add3A_422 = arith.addi %mul3A_416, %add3A_421 : i32
        %get3A_423 = arith.index_cast %add3A_422 : i32 to index
        %get3A_424 = tpu.vector_load %arg7[%get3A_423] {strides = array<i32>} : memref<12800xf32, #tpu.memory_space<vmem>>, vector<16xf32>,
        %get3A_425 = vector.shape_cast %get3A_424 : vector<16xf32> to vector<16xf32>
        %add3A_426 = arith.addf %get3A_420, %get3A_425 : vector<16xf32>
        %swap3A_427 = arith.index_cast %add3A_408 : i32 to index
        %swap3A_428 = arith.constant 0 : index
        %swap3A_429 = tpu.vector_load %arg13[%swap3A_427, %swap3A_428] {strides = array<i32>} : memref<80x64xf32, #tpu.memory_space<vmem>>, vector<1x16xf32>,
        %swap3A_430 = vector.shape_cast %swap3A_429 : vector<1x16xf32> to vector<16xf32>
        %swap3A_431 = vector.shape_cast %add3A_426 : vector<16xf32> to vector<1x16xf32>
        tpu.vector_store %arg13[%swap3A_427, %swap3A_428], %swap3A_431 {strides = array<i32>} : memref<80x64xf32, #tpu.memory_space<vmem>>, vector<1x16xf32>,
        %get3A_432 = arith.index_cast %add3A_408 : i32 to index
        %get3A_433 = arith.constant 16 : index
        %get3A_434 = tpu.vector_load %arg9[%get3A_432, %get3A_433] {strides = array<i32>} : memref<80x128xf32, #tpu.memory_space<vmem>>, vector<1x16xf32>,
        %get3A_435 = vector.shape_cast %get3A_434 : vector<1x16xf32> to vector<16xf32>
        %add3A_436 = arith.constant 16 : i32
        %add3A_437 = arith.addi %mul3A_416, %add3A_436 : i32
        %get3A_438 = arith.index_cast %add3A_437 : i32 to index
        %get3A_439 = tpu.vector_load %arg7[%get3A_438] {strides = array<i32>} : memref<12800xf32, #tpu.memory_space<vmem>>, vector<16xf32>,
        %get3A_440 = vector.shape_cast %get3A_439 : vector<16xf32> to vector<16xf32>
        %add3A_441 = arith.addf %get3A_435, %get3A_440 : vector<16xf32>
        %swap3A_442 = arith.index_cast %add3A_408 : i32 to index
        %swap3A_443 = arith.constant 16 : index
        %swap3A_444 = tpu.vector_load %arg13[%swap3A_442, %swap3A_443] {strides = array<i32>} : memref<80x64xf32, #tpu.memory_space<vmem>>, vector<1x16xf32>,
        %swap3A_445 = vector.shape_cast %swap3A_444 : vector<1x16xf32> to vector<16xf32>
        %swap3A_446 = vector.shape_cast %add3A_441 : vector<16xf32> to vector<1x16xf32>
        tpu.vector_store %arg13[%swap3A_442, %swap3A_443], %swap3A_446 {strides = array<i32>} : memref<80x64xf32, #tpu.memory_space<vmem>>, vector<1x16xf32>,
        %get3A_447 = arith.index_cast %add3A_408 : i32 to index
        %get3A_448 = arith.constant 32 : index
        %get3A_449 = tpu.vector_load %arg9[%get3A_447, %get3A_448] {strides = array<i32>} : memref<80x128xf32, #tpu.memory_space<vmem>>, vector<1x16xf32>,
        %get3A_450 = vector.shape_cast %get3A_449 : vector<1x16xf32> to vector<16xf32>
        %add3A_451 = arith.constant 32 : i32
        %add3A_452 = arith.addi %mul3A_416, %add3A_451 : i32
        %get3A_453 = arith.index_cast %add3A_452 : i32 to index
        %get3A_454 = tpu.vector_load %arg7[%get3A_453] {strides = array<i32>} : memref<12800xf32, #tpu.memory_space<vmem>>, vector<16xf32>,
        %get3A_455 = vector.shape_cast %get3A_454 : vector<16xf32> to vector<16xf32>
        %add3A_456 = arith.addf %get3A_450, %get3A_455 : vector<16xf32>
        %swap3A_457 = arith.index_cast %add3A_408 : i32 to index
        %swap3A_458 = arith.constant 32 : index
        %swap3A_459 = tpu.vector_load %arg13[%swap3A_457, %swap3A_458] {strides = array<i32>} : memref<80x64xf32, #tpu.memory_space<vmem>>, vector<1x16xf32>,
        %swap3A_460 = vector.shape_cast %swap3A_459 : vector<1x16xf32> to vector<16xf32>
        %swap3A_461 = vector.shape_cast %add3A_456 : vector<16xf32> to vector<1x16xf32>
        tpu.vector_store %arg13[%swap3A_457, %swap3A_458], %swap3A_461 {strides = array<i32>} : memref<80x64xf32, #tpu.memory_space<vmem>>, vector<1x16xf32>,
        %get3A_462 = arith.index_cast %add3A_408 : i32 to index
        %get3A_463 = arith.constant 48 : index
        %get3A_464 = tpu.vector_load %arg9[%get3A_462, %get3A_463] {strides = array<i32>} : memref<80x128xf32, #tpu.memory_space<vmem>>, vector<1x16xf32>,
        %get3A_465 = vector.shape_cast %get3A_464 : vector<1x16xf32> to vector<16xf32>
        %add3A_466 = arith.constant 48 : i32
        %add3A_467 = arith.addi %mul3A_416, %add3A_466 : i32
        %get3A_468 = arith.index_cast %add3A_467 : i32 to index
        %get3A_469 = tpu.vector_load %arg7[%get3A_468] {strides = array<i32>} : memref<12800xf32, #tpu.memory_space<vmem>>, vector<16xf32>,
        %get3A_470 = vector.shape_cast %get3A_469 : vector<16xf32> to vector<16xf32>
        %add3A_471 = arith.addf %get3A_465, %get3A_470 : vector<16xf32>
        %swap3A_472 = arith.index_cast %add3A_408 : i32 to index
        %swap3A_473 = arith.constant 48 : index
        %swap3A_474 = tpu.vector_load %arg13[%swap3A_472, %swap3A_473] {strides = array<i32>} : memref<80x64xf32, #tpu.memory_space<vmem>>, vector<1x16xf32>,
        %swap3A_475 = vector.shape_cast %swap3A_474 : vector<1x16xf32> to vector<16xf32>
        %swap3A_476 = vector.shape_cast %add3A_471 : vector<16xf32> to vector<1x16xf32>
        tpu.vector_store %arg13[%swap3A_472, %swap3A_473], %swap3A_476 {strides = array<i32>} : memref<80x64xf32, #tpu.memory_space<vmem>>, vector<1x16xf32>,
        %scan3A_477 = arith.constant 4 : i32
        %scan3A_478 = arith.addi %scan3A_187, %scan3A_477 : i32
        %mul3A_479 = arith.constant 1 : i32
        %mul3A_480 = arith.muli %scan3A_478, %mul3A_479 : i32
        %add3A_481 = arith.constant 0 : i32
        %add3A_482 = arith.addi %add3A_481, %mul3A_480 : i32
        %add3A_483 = arith.addi %rem3A_91, %add3A_482 : i32
        %ge3A_484 = arith.constant 200 : i32
        %ge3A_485 = arith.cmpi sge, %add3A_483, %ge3A_484 : i32
        %sub3A_486 = arith.constant 200 : i32
        %sub3A_487 = arith.subi %add3A_483, %sub3A_486 : i32
        %select_n3A_488 = arith.select %ge3A_485, %sub3A_487, %add3A_483 : i32
        %mul3A_489 = arith.constant 64 : i32
        %mul3A_490 = arith.muli %select_n3A_488, %mul3A_489 : i32
        %get3A_491 = arith.index_cast %add3A_482 : i32 to index
        %get3A_492 = arith.constant 0 : index
        %get3A_493 = tpu.vector_load %arg9[%get3A_491, %get3A_492] {strides = array<i32>} : memref<80x128xf32, #tpu.memory_space<vmem>>, vector<1x16xf32>,
        %get3A_494 = vector.shape_cast %get3A_493 : vector<1x16xf32> to vector<16xf32>
        %add3A_495 = arith.constant 0 : i32
        %add3A_496 = arith.addi %mul3A_490, %add3A_495 : i32
        %get3A_497 = arith.index_cast %add3A_496 : i32 to index
        %get3A_498 = tpu.vector_load %arg7[%get3A_497] {strides = array<i32>} : memref<12800xf32, #tpu.memory_space<vmem>>, vector<16xf32>,
        %get3A_499 = vector.shape_cast %get3A_498 : vector<16xf32> to vector<16xf32>
        %add3A_500 = arith.addf %get3A_494, %get3A_499 : vector<16xf32>
        %swap3A_501 = arith.index_cast %add3A_482 : i32 to index
        %swap3A_502 = arith.constant 0 : index
        %swap3A_503 = tpu.vector_load %arg13[%swap3A_501, %swap3A_502] {strides = array<i32>} : memref<80x64xf32, #tpu.memory_space<vmem>>, vector<1x16xf32>,
        %swap3A_504 = vector.shape_cast %swap3A_503 : vector<1x16xf32> to vector<16xf32>
        %swap3A_505 = vector.shape_cast %add3A_500 : vector<16xf32> to vector<1x16xf32>
        tpu.vector_store %arg13[%swap3A_501, %swap3A_502], %swap3A_505 {strides = array<i32>} : memref<80x64xf32, #tpu.memory_space<vmem>>, vector<1x16xf32>,
        %get3A_506 = arith.index_cast %add3A_482 : i32 to index
        %get3A_507 = arith.constant 16 : index
        %get3A_508 = tpu.vector_load %arg9[%get3A_506, %get3A_507] {strides = array<i32>} : memref<80x128xf32, #tpu.memory_space<vmem>>, vector<1x16xf32>,
        %get3A_509 = vector.shape_cast %get3A_508 : vector<1x16xf32> to vector<16xf32>
        %add3A_510 = arith.constant 16 : i32
        %add3A_511 = arith.addi %mul3A_490, %add3A_510 : i32
        %get3A_512 = arith.index_cast %add3A_511 : i32 to index
        %get3A_513 = tpu.vector_load %arg7[%get3A_512] {strides = array<i32>} : memref<12800xf32, #tpu.memory_space<vmem>>, vector<16xf32>,
        %get3A_514 = vector.shape_cast %get3A_513 : vector<16xf32> to vector<16xf32>
        %add3A_515 = arith.addf %get3A_509, %get3A_514 : vector<16xf32>
        %swap3A_516 = arith.index_cast %add3A_482 : i32 to index
        %swap3A_517 = arith.constant 16 : index
        %swap3A_518 = tpu.vector_load %arg13[%swap3A_516, %swap3A_517] {strides = array<i32>} : memref<80x64xf32, #tpu.memory_space<vmem>>, vector<1x16xf32>,
        %swap3A_519 = vector.shape_cast %swap3A_518 : vector<1x16xf32> to vector<16xf32>
        %swap3A_520 = vector.shape_cast %add3A_515 : vector<16xf32> to vector<1x16xf32>
        tpu.vector_store %arg13[%swap3A_516, %swap3A_517], %swap3A_520 {strides = array<i32>} : memref<80x64xf32, #tpu.memory_space<vmem>>, vector<1x16xf32>,
        %get3A_521 = arith.index_cast %add3A_482 : i32 to index
        %get3A_522 = arith.constant 32 : index
        %get3A_523 = tpu.vector_load %arg9[%get3A_521, %get3A_522] {strides = array<i32>} : memref<80x128xf32, #tpu.memory_space<vmem>>, vector<1x16xf32>,
        %get3A_524 = vector.shape_cast %get3A_523 : vector<1x16xf32> to vector<16xf32>
        %add3A_525 = arith.constant 32 : i32
        %add3A_526 = arith.addi %mul3A_490, %add3A_525 : i32
        %get3A_527 = arith.index_cast %add3A_526 : i32 to index
        %get3A_528 = tpu.vector_load %arg7[%get3A_527] {strides = array<i32>} : memref<12800xf32, #tpu.memory_space<vmem>>, vector<16xf32>,
        %get3A_529 = vector.shape_cast %get3A_528 : vector<16xf32> to vector<16xf32>
        %add3A_530 = arith.addf %get3A_524, %get3A_529 : vector<16xf32>
        %swap3A_531 = arith.index_cast %add3A_482 : i32 to index
        %swap3A_532 = arith.constant 32 : index
        %swap3A_533 = tpu.vector_load %arg13[%swap3A_531, %swap3A_532] {strides = array<i32>} : memref<80x64xf32, #tpu.memory_space<vmem>>, vector<1x16xf32>,
        %swap3A_534 = vector.shape_cast %swap3A_533 : vector<1x16xf32> to vector<16xf32>
        %swap3A_535 = vector.shape_cast %add3A_530 : vector<16xf32> to vector<1x16xf32>
        tpu.vector_store %arg13[%swap3A_531, %swap3A_532], %swap3A_535 {strides = array<i32>} : memref<80x64xf32, #tpu.memory_space<vmem>>, vector<1x16xf32>,
        %get3A_536 = arith.index_cast %add3A_482 : i32 to index
        %get3A_537 = arith.constant 48 : index
        %get3A_538 = tpu.vector_load %arg9[%get3A_536, %get3A_537] {strides = array<i32>} : memref<80x128xf32, #tpu.memory_space<vmem>>, vector<1x16xf32>,
        %get3A_539 = vector.shape_cast %get3A_538 : vector<1x16xf32> to vector<16xf32>
        %add3A_540 = arith.constant 48 : i32
        %add3A_541 = arith.addi %mul3A_490, %add3A_540 : i32
        %get3A_542 = arith.index_cast %add3A_541 : i32 to index
        %get3A_543 = tpu.vector_load %arg7[%get3A_542] {strides = array<i32>} : memref<12800xf32, #tpu.memory_space<vmem>>, vector<16xf32>,
        %get3A_544 = vector.shape_cast %get3A_543 : vector<16xf32> to vector<16xf32>
        %add3A_545 = arith.addf %get3A_539, %get3A_544 : vector<16xf32>
        %swap3A_546 = arith.index_cast %add3A_482 : i32 to index
        %swap3A_547 = arith.constant 48 : index
        %swap3A_548 = tpu.vector_load %arg13[%swap3A_546, %swap3A_547] {strides = array<i32>} : memref<80x64xf32, #tpu.memory_space<vmem>>, vector<1x16xf32>,
        %swap3A_549 = vector.shape_cast %swap3A_548 : vector<1x16xf32> to vector<16xf32>
        %swap3A_550 = vector.shape_cast %add3A_545 : vector<16xf32> to vector<1x16xf32>
        tpu.vector_store %arg13[%swap3A_546, %swap3A_547], %swap3A_550 {strides = array<i32>} : memref<80x64xf32, #tpu.memory_space<vmem>>, vector<1x16xf32>,
        %scan3A_551 = arith.constant 5 : i32
        %scan3A_552 = arith.addi %scan3A_187, %scan3A_551 : i32
        %mul3A_553 = arith.constant 1 : i32
        %mul3A_554 = arith.muli %scan3A_552, %mul3A_553 : i32
        %add3A_555 = arith.constant 0 : i32
        %add3A_556 = arith.addi %add3A_555, %mul3A_554 : i32
        %add3A_557 = arith.addi %rem3A_91, %add3A_556 : i32
        %ge3A_558 = arith.constant 200 : i32
        %ge3A_559 = arith.cmpi sge, %add3A_557, %ge3A_558 : i32
        %sub3A_560 = arith.constant 200 : i32
        %sub3A_561 = arith.subi %add3A_557, %sub3A_560 : i32
        %select_n3A_562 = arith.select %ge3A_559, %sub3A_561, %add3A_557 : i32
        %mul3A_563 = arith.constant 64 : i32
        %mul3A_564 = arith.muli %select_n3A_562, %mul3A_563 : i32
        %get3A_565 = arith.index_cast %add3A_556 : i32 to index
        %get3A_566 = arith.constant 0 : index
        %get3A_567 = tpu.vector_load %arg9[%get3A_565, %get3A_566] {strides = array<i32>} : memref<80x128xf32, #tpu.memory_space<vmem>>, vector<1x16xf32>,
        %get3A_568 = vector.shape_cast %get3A_567 : vector<1x16xf32> to vector<16xf32>
        %add3A_569 = arith.constant 0 : i32
        %add3A_570 = arith.addi %mul3A_564, %add3A_569 : i32
        %get3A_571 = arith.index_cast %add3A_570 : i32 to index
        %get3A_572 = tpu.vector_load %arg7[%get3A_571] {strides = array<i32>} : memref<12800xf32, #tpu.memory_space<vmem>>, vector<16xf32>,
        %get3A_573 = vector.shape_cast %get3A_572 : vector<16xf32> to vector<16xf32>
        %add3A_574 = arith.addf %get3A_568, %get3A_573 : vector<16xf32>
        %swap3A_575 = arith.index_cast %add3A_556 : i32 to index
        %swap3A_576 = arith.constant 0 : index
        %swap3A_577 = tpu.vector_load %arg13[%swap3A_575, %swap3A_576] {strides = array<i32>} : memref<80x64xf32, #tpu.memory_space<vmem>>, vector<1x16xf32>,
        %swap3A_578 = vector.shape_cast %swap3A_577 : vector<1x16xf32> to vector<16xf32>
        %swap3A_579 = vector.shape_cast %add3A_574 : vector<16xf32> to vector<1x16xf32>
        tpu.vector_store %arg13[%swap3A_575, %swap3A_576], %swap3A_579 {strides = array<i32>} : memref<80x64xf32, #tpu.memory_space<vmem>>, vector<1x16xf32>,
        %get3A_580 = arith.index_cast %add3A_556 : i32 to index
        %get3A_581 = arith.constant 16 : index
        %get3A_582 = tpu.vector_load %arg9[%get3A_580, %get3A_581] {strides = array<i32>} : memref<80x128xf32, #tpu.memory_space<vmem>>, vector<1x16xf32>,
        %get3A_583 = vector.shape_cast %get3A_582 : vector<1x16xf32> to vector<16xf32>
        %add3A_584 = arith.constant 16 : i32
        %add3A_585 = arith.addi %mul3A_564, %add3A_584 : i32
        %get3A_586 = arith.index_cast %add3A_585 : i32 to index
        %get3A_587 = tpu.vector_load %arg7[%get3A_586] {strides = array<i32>} : memref<12800xf32, #tpu.memory_space<vmem>>, vector<16xf32>,
        %get3A_588 = vector.shape_cast %get3A_587 : vector<16xf32> to vector<16xf32>
        %add3A_589 = arith.addf %get3A_583, %get3A_588 : vector<16xf32>
        %swap3A_590 = arith.index_cast %add3A_556 : i32 to index
        %swap3A_591 = arith.constant 16 : index
        %swap3A_592 = tpu.vector_load %arg13[%swap3A_590, %swap3A_591] {strides = array<i32>} : memref<80x64xf32, #tpu.memory_space<vmem>>, vector<1x16xf32>,
        %swap3A_593 = vector.shape_cast %swap3A_592 : vector<1x16xf32> to vector<16xf32>
        %swap3A_594 = vector.shape_cast %add3A_589 : vector<16xf32> to vector<1x16xf32>
        tpu.vector_store %arg13[%swap3A_590, %swap3A_591], %swap3A_594 {strides = array<i32>} : memref<80x64xf32, #tpu.memory_space<vmem>>, vector<1x16xf32>,
        %get3A_595 = arith.index_cast %add3A_556 : i32 to index
        %get3A_596 = arith.constant 32 : index
        %get3A_597 = tpu.vector_load %arg9[%get3A_595, %get3A_596] {strides = array<i32>} : memref<80x128xf32, #tpu.memory_space<vmem>>, vector<1x16xf32>,
        %get3A_598 = vector.shape_cast %get3A_597 : vector<1x16xf32> to vector<16xf32>
        %add3A_599 = arith.constant 32 : i32
        %add3A_600 = arith.addi %mul3A_564, %add3A_599 : i32
        %get3A_601 = arith.index_cast %add3A_600 : i32 to index
        %get3A_602 = tpu.vector_load %arg7[%get3A_601] {strides = array<i32>} : memref<12800xf32, #tpu.memory_space<vmem>>, vector<16xf32>,
        %get3A_603 = vector.shape_cast %get3A_602 : vector<16xf32> to vector<16xf32>
        %add3A_604 = arith.addf %get3A_598, %get3A_603 : vector<16xf32>
        %swap3A_605 = arith.index_cast %add3A_556 : i32 to index
        %swap3A_606 = arith.constant 32 : index
        %swap3A_607 = tpu.vector_load %arg13[%swap3A_605, %swap3A_606] {strides = array<i32>} : memref<80x64xf32, #tpu.memory_space<vmem>>, vector<1x16xf32>,
        %swap3A_608 = vector.shape_cast %swap3A_607 : vector<1x16xf32> to vector<16xf32>
        %swap3A_609 = vector.shape_cast %add3A_604 : vector<16xf32> to vector<1x16xf32>
        tpu.vector_store %arg13[%swap3A_605, %swap3A_606], %swap3A_609 {strides = array<i32>} : memref<80x64xf32, #tpu.memory_space<vmem>>, vector<1x16xf32>,
        %get3A_610 = arith.index_cast %add3A_556 : i32 to index
        %get3A_611 = arith.constant 48 : index
        %get3A_612 = tpu.vector_load %arg9[%get3A_610, %get3A_611] {strides = array<i32>} : memref<80x128xf32, #tpu.memory_space<vmem>>, vector<1x16xf32>,
        %get3A_613 = vector.shape_cast %get3A_612 : vector<1x16xf32> to vector<16xf32>
        %add3A_614 = arith.constant 48 : i32
        %add3A_615 = arith.addi %mul3A_564, %add3A_614 : i32
        %get3A_616 = arith.index_cast %add3A_615 : i32 to index
        %get3A_617 = tpu.vector_load %arg7[%get3A_616] {strides = array<i32>} : memref<12800xf32, #tpu.memory_space<vmem>>, vector<16xf32>,
        %get3A_618 = vector.shape_cast %get3A_617 : vector<16xf32> to vector<16xf32>
        %add3A_619 = arith.addf %get3A_613, %get3A_618 : vector<16xf32>
        %swap3A_620 = arith.index_cast %add3A_556 : i32 to index
        %swap3A_621 = arith.constant 48 : index
        %swap3A_622 = tpu.vector_load %arg13[%swap3A_620, %swap3A_621] {strides = array<i32>} : memref<80x64xf32, #tpu.memory_space<vmem>>, vector<1x16xf32>,
        %swap3A_623 = vector.shape_cast %swap3A_622 : vector<1x16xf32> to vector<16xf32>
        %swap3A_624 = vector.shape_cast %add3A_619 : vector<16xf32> to vector<1x16xf32>
        tpu.vector_store %arg13[%swap3A_620, %swap3A_621], %swap3A_624 {strides = array<i32>} : memref<80x64xf32, #tpu.memory_space<vmem>>, vector<1x16xf32>,
        %scan3A_625 = arith.constant 6 : i32
        %scan3A_626 = arith.addi %scan3A_187, %scan3A_625 : i32
        %mul3A_627 = arith.constant 1 : i32
        %mul3A_628 = arith.muli %scan3A_626, %mul3A_627 : i32
        %add3A_629 = arith.constant 0 : i32
        %add3A_630 = arith.addi %add3A_629, %mul3A_628 : i32
        %add3A_631 = arith.addi %rem3A_91, %add3A_630 : i32
        %ge3A_632 = arith.constant 200 : i32
        %ge3A_633 = arith.cmpi sge, %add3A_631, %ge3A_632 : i32
        %sub3A_634 = arith.constant 200 : i32
        %sub3A_635 = arith.subi %add3A_631, %sub3A_634 : i32
        %select_n3A_636 = arith.select %ge3A_633, %sub3A_635, %add3A_631 : i32
        %mul3A_637 = arith.constant 64 : i32
        %mul3A_638 = arith.muli %select_n3A_636, %mul3A_637 : i32
        %get3A_639 = arith.index_cast %add3A_630 : i32 to index
        %get3A_640 = arith.constant 0 : index
        %get3A_641 = tpu.vector_load %arg9[%get3A_639, %get3A_640] {strides = array<i32>} : memref<80x128xf32, #tpu.memory_space<vmem>>, vector<1x16xf32>,
        %get3A_642 = vector.shape_cast %get3A_641 : vector<1x16xf32> to vector<16xf32>
        %add3A_643 = arith.constant 0 : i32
        %add3A_644 = arith.addi %mul3A_638, %add3A_643 : i32
        %get3A_645 = arith.index_cast %add3A_644 : i32 to index
        %get3A_646 = tpu.vector_load %arg7[%get3A_645] {strides = array<i32>} : memref<12800xf32, #tpu.memory_space<vmem>>, vector<16xf32>,
        %get3A_647 = vector.shape_cast %get3A_646 : vector<16xf32> to vector<16xf32>
        %add3A_648 = arith.addf %get3A_642, %get3A_647 : vector<16xf32>
        %swap3A_649 = arith.index_cast %add3A_630 : i32 to index
        %swap3A_650 = arith.constant 0 : index
        %swap3A_651 = tpu.vector_load %arg13[%swap3A_649, %swap3A_650] {strides = array<i32>} : memref<80x64xf32, #tpu.memory_space<vmem>>, vector<1x16xf32>,
        %swap3A_652 = vector.shape_cast %swap3A_651 : vector<1x16xf32> to vector<16xf32>
        %swap3A_653 = vector.shape_cast %add3A_648 : vector<16xf32> to vector<1x16xf32>
        tpu.vector_store %arg13[%swap3A_649, %swap3A_650], %swap3A_653 {strides = array<i32>} : memref<80x64xf32, #tpu.memory_space<vmem>>, vector<1x16xf32>,
        %get3A_654 = arith.index_cast %add3A_630 : i32 to index
        %get3A_655 = arith.constant 16 : index
        %get3A_656 = tpu.vector_load %arg9[%get3A_654, %get3A_655] {strides = array<i32>} : memref<80x128xf32, #tpu.memory_space<vmem>>, vector<1x16xf32>,
        %get3A_657 = vector.shape_cast %get3A_656 : vector<1x16xf32> to vector<16xf32>
        %add3A_658 = arith.constant 16 : i32
        %add3A_659 = arith.addi %mul3A_638, %add3A_658 : i32
        %get3A_660 = arith.index_cast %add3A_659 : i32 to index
        %get3A_661 = tpu.vector_load %arg7[%get3A_660] {strides = array<i32>} : memref<12800xf32, #tpu.memory_space<vmem>>, vector<16xf32>,
        %get3A_662 = vector.shape_cast %get3A_661 : vector<16xf32> to vector<16xf32>
        %add3A_663 = arith.addf %get3A_657, %get3A_662 : vector<16xf32>
        %swap3A_664 = arith.index_cast %add3A_630 : i32 to index
        %swap3A_665 = arith.constant 16 : index
        %swap3A_666 = tpu.vector_load %arg13[%swap3A_664, %swap3A_665] {strides = array<i32>} : memref<80x64xf32, #tpu.memory_space<vmem>>, vector<1x16xf32>,
        %swap3A_667 = vector.shape_cast %swap3A_666 : vector<1x16xf32> to vector<16xf32>
        %swap3A_668 = vector.shape_cast %add3A_663 : vector<16xf32> to vector<1x16xf32>
        tpu.vector_store %arg13[%swap3A_664, %swap3A_665], %swap3A_668 {strides = array<i32>} : memref<80x64xf32, #tpu.memory_space<vmem>>, vector<1x16xf32>,
        %get3A_669 = arith.index_cast %add3A_630 : i32 to index
        %get3A_670 = arith.constant 32 : index
        %get3A_671 = tpu.vector_load %arg9[%get3A_669, %get3A_670] {strides = array<i32>} : memref<80x128xf32, #tpu.memory_space<vmem>>, vector<1x16xf32>,
        %get3A_672 = vector.shape_cast %get3A_671 : vector<1x16xf32> to vector<16xf32>
        %add3A_673 = arith.constant 32 : i32
        %add3A_674 = arith.addi %mul3A_638, %add3A_673 : i32
        %get3A_675 = arith.index_cast %add3A_674 : i32 to index
        %get3A_676 = tpu.vector_load %arg7[%get3A_675] {strides = array<i32>} : memref<12800xf32, #tpu.memory_space<vmem>>, vector<16xf32>,
        %get3A_677 = vector.shape_cast %get3A_676 : vector<16xf32> to vector<16xf32>
        %add3A_678 = arith.addf %get3A_672, %get3A_677 : vector<16xf32>
        %swap3A_679 = arith.index_cast %add3A_630 : i32 to index
        %swap3A_680 = arith.constant 32 : index
        %swap3A_681 = tpu.vector_load %arg13[%swap3A_679, %swap3A_680] {strides = array<i32>} : memref<80x64xf32, #tpu.memory_space<vmem>>, vector<1x16xf32>,
        %swap3A_682 = vector.shape_cast %swap3A_681 : vector<1x16xf32> to vector<16xf32>
        %swap3A_683 = vector.shape_cast %add3A_678 : vector<16xf32> to vector<1x16xf32>
        tpu.vector_store %arg13[%swap3A_679, %swap3A_680], %swap3A_683 {strides = array<i32>} : memref<80x64xf32, #tpu.memory_space<vmem>>, vector<1x16xf32>,
        %get3A_684 = arith.index_cast %add3A_630 : i32 to index
        %get3A_685 = arith.constant 48 : index
        %get3A_686 = tpu.vector_load %arg9[%get3A_684, %get3A_685] {strides = array<i32>} : memref<80x128xf32, #tpu.memory_space<vmem>>, vector<1x16xf32>,
        %get3A_687 = vector.shape_cast %get3A_686 : vector<1x16xf32> to vector<16xf32>
        %add3A_688 = arith.constant 48 : i32
        %add3A_689 = arith.addi %mul3A_638, %add3A_688 : i32
        %get3A_690 = arith.index_cast %add3A_689 : i32 to index
        %get3A_691 = tpu.vector_load %arg7[%get3A_690] {strides = array<i32>} : memref<12800xf32, #tpu.memory_space<vmem>>, vector<16xf32>,
        %get3A_692 = vector.shape_cast %get3A_691 : vector<16xf32> to vector<16xf32>
        %add3A_693 = arith.addf %get3A_687, %get3A_692 : vector<16xf32>
        %swap3A_694 = arith.index_cast %add3A_630 : i32 to index
        %swap3A_695 = arith.constant 48 : index
        %swap3A_696 = tpu.vector_load %arg13[%swap3A_694, %swap3A_695] {strides = array<i32>} : memref<80x64xf32, #tpu.memory_space<vmem>>, vector<1x16xf32>,
        %swap3A_697 = vector.shape_cast %swap3A_696 : vector<1x16xf32> to vector<16xf32>
        %swap3A_698 = vector.shape_cast %add3A_693 : vector<16xf32> to vector<1x16xf32>
        tpu.vector_store %arg13[%swap3A_694, %swap3A_695], %swap3A_698 {strides = array<i32>} : memref<80x64xf32, #tpu.memory_space<vmem>>, vector<1x16xf32>,
        %scan3A_699 = arith.constant 7 : i32
        %scan3A_700 = arith.addi %scan3A_187, %scan3A_699 : i32
        %mul3A_701 = arith.constant 1 : i32
        %mul3A_702 = arith.muli %scan3A_700, %mul3A_701 : i32
        %add3A_703 = arith.constant 0 : i32
        %add3A_704 = arith.addi %add3A_703, %mul3A_702 : i32
        %add3A_705 = arith.addi %rem3A_91, %add3A_704 : i32
        %ge3A_706 = arith.constant 200 : i32
        %ge3A_707 = arith.cmpi sge, %add3A_705, %ge3A_706 : i32
        %sub3A_708 = arith.constant 200 : i32
        %sub3A_709 = arith.subi %add3A_705, %sub3A_708 : i32
        %select_n3A_710 = arith.select %ge3A_707, %sub3A_709, %add3A_705 : i32
        %mul3A_711 = arith.constant 64 : i32
        %mul3A_712 = arith.muli %select_n3A_710, %mul3A_711 : i32
        %get3A_713 = arith.index_cast %add3A_704 : i32 to index
        %get3A_714 = arith.constant 0 : index
        %get3A_715 = tpu.vector_load %arg9[%get3A_713, %get3A_714] {strides = array<i32>} : memref<80x128xf32, #tpu.memory_space<vmem>>, vector<1x16xf32>,
        %get3A_716 = vector.shape_cast %get3A_715 : vector<1x16xf32> to vector<16xf32>
        %add3A_717 = arith.constant 0 : i32
        %add3A_718 = arith.addi %mul3A_712, %add3A_717 : i32
        %get3A_719 = arith.index_cast %add3A_718 : i32 to index
        %get3A_720 = tpu.vector_load %arg7[%get3A_719] {strides = array<i32>} : memref<12800xf32, #tpu.memory_space<vmem>>, vector<16xf32>,
        %get3A_721 = vector.shape_cast %get3A_720 : vector<16xf32> to vector<16xf32>
        %add3A_722 = arith.addf %get3A_716, %get3A_721 : vector<16xf32>
        %swap3A_723 = arith.index_cast %add3A_704 : i32 to index
        %swap3A_724 = arith.constant 0 : index
        %swap3A_725 = tpu.vector_load %arg13[%swap3A_723, %swap3A_724] {strides = array<i32>} : memref<80x64xf32, #tpu.memory_space<vmem>>, vector<1x16xf32>,
        %swap3A_726 = vector.shape_cast %swap3A_725 : vector<1x16xf32> to vector<16xf32>
        %swap3A_727 = vector.shape_cast %add3A_722 : vector<16xf32> to vector<1x16xf32>
        tpu.vector_store %arg13[%swap3A_723, %swap3A_724], %swap3A_727 {strides = array<i32>} : memref<80x64xf32, #tpu.memory_space<vmem>>, vector<1x16xf32>,
        %get3A_728 = arith.index_cast %add3A_704 : i32 to index
        %get3A_729 = arith.constant 16 : index
        %get3A_730 = tpu.vector_load %arg9[%get3A_728, %get3A_729] {strides = array<i32>} : memref<80x128xf32, #tpu.memory_space<vmem>>, vector<1x16xf32>,
        %get3A_731 = vector.shape_cast %get3A_730 : vector<1x16xf32> to vector<16xf32>
        %add3A_732 = arith.constant 16 : i32
        %add3A_733 = arith.addi %mul3A_712, %add3A_732 : i32
        %get3A_734 = arith.index_cast %add3A_733 : i32 to index
        %get3A_735 = tpu.vector_load %arg7[%get3A_734] {strides = array<i32>} : memref<12800xf32, #tpu.memory_space<vmem>>, vector<16xf32>,
        %get3A_736 = vector.shape_cast %get3A_735 : vector<16xf32> to vector<16xf32>
        %add3A_737 = arith.addf %get3A_731, %get3A_736 : vector<16xf32>
        %swap3A_738 = arith.index_cast %add3A_704 : i32 to index
        %swap3A_739 = arith.constant 16 : index
        %swap3A_740 = tpu.vector_load %arg13[%swap3A_738, %swap3A_739] {strides = array<i32>} : memref<80x64xf32, #tpu.memory_space<vmem>>, vector<1x16xf32>,
        %swap3A_741 = vector.shape_cast %swap3A_740 : vector<1x16xf32> to vector<16xf32>
        %swap3A_742 = vector.shape_cast %add3A_737 : vector<16xf32> to vector<1x16xf32>
        tpu.vector_store %arg13[%swap3A_738, %swap3A_739], %swap3A_742 {strides = array<i32>} : memref<80x64xf32, #tpu.memory_space<vmem>>, vector<1x16xf32>,
        %get3A_743 = arith.index_cast %add3A_704 : i32 to index
        %get3A_744 = arith.constant 32 : index
        %get3A_745 = tpu.vector_load %arg9[%get3A_743, %get3A_744] {strides = array<i32>} : memref<80x128xf32, #tpu.memory_space<vmem>>, vector<1x16xf32>,
        %get3A_746 = vector.shape_cast %get3A_745 : vector<1x16xf32> to vector<16xf32>
        %add3A_747 = arith.constant 32 : i32
        %add3A_748 = arith.addi %mul3A_712, %add3A_747 : i32
        %get3A_749 = arith.index_cast %add3A_748 : i32 to index
        %get3A_750 = tpu.vector_load %arg7[%get3A_749] {strides = array<i32>} : memref<12800xf32, #tpu.memory_space<vmem>>, vector<16xf32>,
        %get3A_751 = vector.shape_cast %get3A_750 : vector<16xf32> to vector<16xf32>
        %add3A_752 = arith.addf %get3A_746, %get3A_751 : vector<16xf32>
        %swap3A_753 = arith.index_cast %add3A_704 : i32 to index
        %swap3A_754 = arith.constant 32 : index
        %swap3A_755 = tpu.vector_load %arg13[%swap3A_753, %swap3A_754] {strides = array<i32>} : memref<80x64xf32, #tpu.memory_space<vmem>>, vector<1x16xf32>,
        %swap3A_756 = vector.shape_cast %swap3A_755 : vector<1x16xf32> to vector<16xf32>
        %swap3A_757 = vector.shape_cast %add3A_752 : vector<16xf32> to vector<1x16xf32>
        tpu.vector_store %arg13[%swap3A_753, %swap3A_754], %swap3A_757 {strides = array<i32>} : memref<80x64xf32, #tpu.memory_space<vmem>>, vector<1x16xf32>,
        %get3A_758 = arith.index_cast %add3A_704 : i32 to index
        %get3A_759 = arith.constant 48 : index
        %get3A_760 = tpu.vector_load %arg9[%get3A_758, %get3A_759] {strides = array<i32>} : memref<80x128xf32, #tpu.memory_space<vmem>>, vector<1x16xf32>,
        %get3A_761 = vector.shape_cast %get3A_760 : vector<1x16xf32> to vector<16xf32>
        %add3A_762 = arith.constant 48 : i32
        %add3A_763 = arith.addi %mul3A_712, %add3A_762 : i32
        %get3A_764 = arith.index_cast %add3A_763 : i32 to index
        %get3A_765 = tpu.vector_load %arg7[%get3A_764] {strides = array<i32>} : memref<12800xf32, #tpu.memory_space<vmem>>, vector<16xf32>,
        %get3A_766 = vector.shape_cast %get3A_765 : vector<16xf32> to vector<16xf32>
        %add3A_767 = arith.addf %get3A_761, %get3A_766 : vector<16xf32>
        %swap3A_768 = arith.index_cast %add3A_704 : i32 to index
        %swap3A_769 = arith.constant 48 : index
        %swap3A_770 = tpu.vector_load %arg13[%swap3A_768, %swap3A_769] {strides = array<i32>} : memref<80x64xf32, #tpu.memory_space<vmem>>, vector<1x16xf32>,
        %swap3A_771 = vector.shape_cast %swap3A_770 : vector<1x16xf32> to vector<16xf32>
        %swap3A_772 = vector.shape_cast %add3A_767 : vector<16xf32> to vector<1x16xf32>
        tpu.vector_store %arg13[%swap3A_768, %swap3A_769], %swap3A_772 {strides = array<i32>} : memref<80x64xf32, #tpu.memory_space<vmem>>, vector<1x16xf32>,
      }
      %scan3A_96 = arith.constant 80 : i32
      %mul3A_97 = arith.constant 80 : i32
      %mul3A_98 = arith.muli %add3A_77, %mul3A_97 : i32
      %add3A_99 = arith.addi %mul3A_2, %mul3A_98 : i32
      %dma_start3A_100 = arith.constant 0 : i32
      %dma_start3A_101 = tpu.memref_slice %arg5[%add3A_99, %dma_start3A_100] : memref<819200x64xf32, #tpu.memory_space<hbm>> -> memref<80x64xf32, #tpu.memory_space<hbm>>
      %dma_start3A_102 = arith.constant 0 : i32
      %dma_start3A_103 = tpu.memref_slice %arg5[%add3A_99, %dma_start3A_102] : memref<819200x64xf32, #tpu.memory_space<hbm>> -> memref<80x64xf32, #tpu.memory_space<hbm>>
      tpu.enqueue_dma source(%arg13 : memref<80x64xf32, #tpu.memory_space<vmem>>) target(%dma_start3A_103 : memref<80x64xf32, #tpu.memory_space<hbm>>) target_semaphore(%arg19 : memref<!tpu.dma_semaphore, #tpu.memory_space<semaphore_mem>>)
      %add3A_104 = arith.constant 1 : i32
      %add3A_105 = arith.addi %add3A_41, %add3A_104 : i32
      %lt3A_106 = arith.constant 80 : i32
      %lt3A_107 = arith.cmpi slt, %add3A_105, %lt3A_106 : i32
      %convert_element_type3A_108 = arith.extui %lt3A_107 : i1 to i32
      %cond3A_109 = arith.constant 0 : i32
      %cond3A_110 = arith.cmpi ne, %convert_element_type3A_108, %cond3A_109 : i32
      scf.if %cond3A_110 {
        %add3A_187 = arith.constant 4 : i32
        %add3A_188 = arith.addi %add3A_77, %add3A_187 : i32
        %mul3A_189 = arith.constant 80 : i32
        %mul3A_190 = arith.muli %add3A_188, %mul3A_189 : i32
        %dma_start3A_191 = tpu.memref_slice %arg6[%mul3A_190] : memref<25600xi32, #tpu.memory_space<vmem>> -> memref<80xi32, #tpu.memory_space<vmem>>
        %dma_start3A_192 = arith.constant 0 : i32
        %dma_start3A_193 = arith.constant 0 : i32
        %dma_start3A_194 = tpu.memref_slice %arg3[%dma_start3A_192, %dma_start3A_193] : memref<100000x128xf32, #tpu.memory_space<hbm>> -> memref<100000x128xf32, #tpu.memory_space<hbm>>
        tpu.enqueue_indirect_dma source(%dma_start3A_194 : memref<100000x128xf32, #tpu.memory_space<hbm>>) target(%arg9 : memref<80x128xf32, #tpu.memory_space<vmem>>) offsets(%dma_start3A_191 : memref<80xi32, #tpu.memory_space<vmem>>) semaphore(%arg15 : memref<!tpu.dma_semaphore, #tpu.memory_space<semaphore_mem>>)
      } else {
      }
      %mul3A_111 = arith.constant 4 : i32
      %mul3A_112 = arith.muli %add3A_41, %mul3A_111 : i32
      %add3A_113 = arith.constant 2 : i32
      %add3A_114 = arith.addi %mul3A_112, %add3A_113 : i32
      %dma_wait3A_115 = arith.constant 0 : i32
      %dma_wait3A_116 = tpu.memref_slice %arg6[%dma_wait3A_115] : memref<25600xi32, #tpu.memory_space<vmem>> -> memref<80xi32, #tpu.memory_space<vmem>>
      %dma_wait3A_117 = arith.constant 0 : i32
      %dma_wait3A_118 = arith.constant 0 : i32
      %dma_wait3A_119 = tpu.memref_slice %arg3[%dma_wait3A_117, %dma_wait3A_118] : memref<100000x128xf32, #tpu.memory_space<hbm>> -> memref<100000x128xf32, #tpu.memory_space<hbm>>
      tpu.wait_indirect_dma semaphore(%arg16 : memref<!tpu.dma_semaphore, #tpu.memory_space<semaphore_mem>>) src(%dma_wait3A_119 : memref<100000x128xf32, #tpu.memory_space<hbm>>) dst(%arg10 : memref<80x128xf32, #tpu.memory_space<vmem>>)
      %dma_wait3A_120 = arith.constant 0 : i32
      %dma_wait3A_121 = arith.constant 0 : i32
      %dma_wait3A_122 = tpu.memref_slice %arg5[%dma_wait3A_120, %dma_wait3A_121] : memref<819200x64xf32, #tpu.memory_space<hbm>> -> memref<80x64xf32, #tpu.memory_space<hbm>>
      %dma_wait3A_123 = arith.constant 0 : i32
      %dma_wait3A_124 = arith.constant 0 : i32
      %dma_wait3A_125 = tpu.memref_slice %arg5[%dma_wait3A_123, %dma_wait3A_124] : memref<819200x64xf32, #tpu.memory_space<hbm>> -> memref<80x64xf32, #tpu.memory_space<hbm>>
      tpu.wait_dma2 semaphore(%arg18 : memref<!tpu.dma_semaphore, #tpu.memory_space<semaphore_mem>>) src(%arg12 : memref<80x64xf32, #tpu.memory_space<vmem>>) dst(%dma_wait3A_125 : memref<80x64xf32, #tpu.memory_space<hbm>>)
      %mul3A_126 = arith.constant 80 : i32
      %mul3A_127 = arith.muli %add3A_114, %mul3A_126 : i32
      %rem3A_128 = arith.constant 200 : i32
      %rem3A_129 = arith.remsi %mul3A_127, %rem3A_128 : i32
      %scan3A_130 = arith.constant 0 : i32
      %scan3A_131 = arith.constant 80 : i32
      %scan3A_132 = arith.addi %scan3A_130, %scan3A_131 : i32
      %scan3A_133 = arith.constant 8 : i32
      scf.for %scan3A_187 = %scan3A_130 to %scan3A_132 step %scan3A_133  : i32 {
        %mul3A_188 = arith.constant 1 : i32
        %mul3A_189 = arith.muli %scan3A_187, %mul3A_188 : i32
        %add3A_190 = arith.constant 0 : i32
        %add3A_191 = arith.addi %add3A_190, %mul3A_189 : i32
        %add3A_192 = arith.addi %rem3A_129, %add3A_191 : i32
        %ge3A = arith.constant 200 : i32
        %ge3A_193 = arith.cmpi sge, %add3A_192, %ge3A : i32
        %sub3A = arith.constant 200 : i32
        %sub3A_194 = arith.subi %add3A_192, %sub3A : i32
        %select_n3A = arith.select %ge3A_193, %sub3A_194, %add3A_192 : i32
        %mul3A_195 = arith.constant 64 : i32
        %mul3A_196 = arith.muli %select_n3A, %mul3A_195 : i32
        %get3A = arith.index_cast %add3A_191 : i32 to index
        %get3A_197 = arith.constant 0 : index
        %get3A_198 = tpu.vector_load %arg10[%get3A, %get3A_197] {strides = array<i32>} : memref<80x128xf32, #tpu.memory_space<vmem>>, vector<1x16xf32>,
        %get3A_199 = vector.shape_cast %get3A_198 : vector<1x16xf32> to vector<16xf32>
        %add3A_200 = arith.constant 0 : i32
        %add3A_201 = arith.addi %mul3A_196, %add3A_200 : i32
        %get3A_202 = arith.index_cast %add3A_201 : i32 to index
        %get3A_203 = tpu.vector_load %arg7[%get3A_202] {strides = array<i32>} : memref<12800xf32, #tpu.memory_space<vmem>>, vector<16xf32>,
        %get3A_204 = vector.shape_cast %get3A_203 : vector<16xf32> to vector<16xf32>
        %add3A_205 = arith.addf %get3A_199, %get3A_204 : vector<16xf32>
        %swap3A = arith.index_cast %add3A_191 : i32 to index
        %swap3A_206 = arith.constant 0 : index
        %swap3A_207 = tpu.vector_load %arg12[%swap3A, %swap3A_206] {strides = array<i32>} : memref<80x64xf32, #tpu.memory_space<vmem>>, vector<1x16xf32>,
        %swap3A_208 = vector.shape_cast %swap3A_207 : vector<1x16xf32> to vector<16xf32>
        %swap3A_209 = vector.shape_cast %add3A_205 : vector<16xf32> to vector<1x16xf32>
        tpu.vector_store %arg12[%swap3A, %swap3A_206], %swap3A_209 {strides = array<i32>} : memref<80x64xf32, #tpu.memory_space<vmem>>, vector<1x16xf32>,
        %get3A_210 = arith.index_cast %add3A_191 : i32 to index
        %get3A_211 = arith.constant 16 : index
        %get3A_212 = tpu.vector_load %arg10[%get3A_210, %get3A_211] {strides = array<i32>} : memref<80x128xf32, #tpu.memory_space<vmem>>, vector<1x16xf32>,
        %get3A_213 = vector.shape_cast %get3A_212 : vector<1x16xf32> to vector<16xf32>
        %add3A_214 = arith.constant 16 : i32
        %add3A_215 = arith.addi %mul3A_196, %add3A_214 : i32
        %get3A_216 = arith.index_cast %add3A_215 : i32 to index
        %get3A_217 = tpu.vector_load %arg7[%get3A_216] {strides = array<i32>} : memref<12800xf32, #tpu.memory_space<vmem>>, vector<16xf32>,
        %get3A_218 = vector.shape_cast %get3A_217 : vector<16xf32> to vector<16xf32>
        %add3A_219 = arith.addf %get3A_213, %get3A_218 : vector<16xf32>
        %swap3A_220 = arith.index_cast %add3A_191 : i32 to index
        %swap3A_221 = arith.constant 16 : index
        %swap3A_222 = tpu.vector_load %arg12[%swap3A_220, %swap3A_221] {strides = array<i32>} : memref<80x64xf32, #tpu.memory_space<vmem>>, vector<1x16xf32>,
        %swap3A_223 = vector.shape_cast %swap3A_222 : vector<1x16xf32> to vector<16xf32>
        %swap3A_224 = vector.shape_cast %add3A_219 : vector<16xf32> to vector<1x16xf32>
        tpu.vector_store %arg12[%swap3A_220, %swap3A_221], %swap3A_224 {strides = array<i32>} : memref<80x64xf32, #tpu.memory_space<vmem>>, vector<1x16xf32>,
        %get3A_225 = arith.index_cast %add3A_191 : i32 to index
        %get3A_226 = arith.constant 32 : index
        %get3A_227 = tpu.vector_load %arg10[%get3A_225, %get3A_226] {strides = array<i32>} : memref<80x128xf32, #tpu.memory_space<vmem>>, vector<1x16xf32>,
        %get3A_228 = vector.shape_cast %get3A_227 : vector<1x16xf32> to vector<16xf32>
        %add3A_229 = arith.constant 32 : i32
        %add3A_230 = arith.addi %mul3A_196, %add3A_229 : i32
        %get3A_231 = arith.index_cast %add3A_230 : i32 to index
        %get3A_232 = tpu.vector_load %arg7[%get3A_231] {strides = array<i32>} : memref<12800xf32, #tpu.memory_space<vmem>>, vector<16xf32>,
        %get3A_233 = vector.shape_cast %get3A_232 : vector<16xf32> to vector<16xf32>
        %add3A_234 = arith.addf %get3A_228, %get3A_233 : vector<16xf32>
        %swap3A_235 = arith.index_cast %add3A_191 : i32 to index
        %swap3A_236 = arith.constant 32 : index
        %swap3A_237 = tpu.vector_load %arg12[%swap3A_235, %swap3A_236] {strides = array<i32>} : memref<80x64xf32, #tpu.memory_space<vmem>>, vector<1x16xf32>,
        %swap3A_238 = vector.shape_cast %swap3A_237 : vector<1x16xf32> to vector<16xf32>
        %swap3A_239 = vector.shape_cast %add3A_234 : vector<16xf32> to vector<1x16xf32>
        tpu.vector_store %arg12[%swap3A_235, %swap3A_236], %swap3A_239 {strides = array<i32>} : memref<80x64xf32, #tpu.memory_space<vmem>>, vector<1x16xf32>,
        %get3A_240 = arith.index_cast %add3A_191 : i32 to index
        %get3A_241 = arith.constant 48 : index
        %get3A_242 = tpu.vector_load %arg10[%get3A_240, %get3A_241] {strides = array<i32>} : memref<80x128xf32, #tpu.memory_space<vmem>>, vector<1x16xf32>,
        %get3A_243 = vector.shape_cast %get3A_242 : vector<1x16xf32> to vector<16xf32>
        %add3A_244 = arith.constant 48 : i32
        %add3A_245 = arith.addi %mul3A_196, %add3A_244 : i32
        %get3A_246 = arith.index_cast %add3A_245 : i32 to index
        %get3A_247 = tpu.vector_load %arg7[%get3A_246] {strides = array<i32>} : memref<12800xf32, #tpu.memory_space<vmem>>, vector<16xf32>,
        %get3A_248 = vector.shape_cast %get3A_247 : vector<16xf32> to vector<16xf32>
        %add3A_249 = arith.addf %get3A_243, %get3A_248 : vector<16xf32>
        %swap3A_250 = arith.index_cast %add3A_191 : i32 to index
        %swap3A_251 = arith.constant 48 : index
        %swap3A_252 = tpu.vector_load %arg12[%swap3A_250, %swap3A_251] {strides = array<i32>} : memref<80x64xf32, #tpu.memory_space<vmem>>, vector<1x16xf32>,
        %swap3A_253 = vector.shape_cast %swap3A_252 : vector<1x16xf32> to vector<16xf32>
        %swap3A_254 = vector.shape_cast %add3A_249 : vector<16xf32> to vector<1x16xf32>
        tpu.vector_store %arg12[%swap3A_250, %swap3A_251], %swap3A_254 {strides = array<i32>} : memref<80x64xf32, #tpu.memory_space<vmem>>, vector<1x16xf32>,
        %scan3A_255 = arith.constant 1 : i32
        %scan3A_256 = arith.addi %scan3A_187, %scan3A_255 : i32
        %mul3A_257 = arith.constant 1 : i32
        %mul3A_258 = arith.muli %scan3A_256, %mul3A_257 : i32
        %add3A_259 = arith.constant 0 : i32
        %add3A_260 = arith.addi %add3A_259, %mul3A_258 : i32
        %add3A_261 = arith.addi %rem3A_129, %add3A_260 : i32
        %ge3A_262 = arith.constant 200 : i32
        %ge3A_263 = arith.cmpi sge, %add3A_261, %ge3A_262 : i32
        %sub3A_264 = arith.constant 200 : i32
        %sub3A_265 = arith.subi %add3A_261, %sub3A_264 : i32
        %select_n3A_266 = arith.select %ge3A_263, %sub3A_265, %add3A_261 : i32
        %mul3A_267 = arith.constant 64 : i32
        %mul3A_268 = arith.muli %select_n3A_266, %mul3A_267 : i32
        %get3A_269 = arith.index_cast %add3A_260 : i32 to index
        %get3A_270 = arith.constant 0 : index
        %get3A_271 = tpu.vector_load %arg10[%get3A_269, %get3A_270] {strides = array<i32>} : memref<80x128xf32, #tpu.memory_space<vmem>>, vector<1x16xf32>,
        %get3A_272 = vector.shape_cast %get3A_271 : vector<1x16xf32> to vector<16xf32>
        %add3A_273 = arith.constant 0 : i32
        %add3A_274 = arith.addi %mul3A_268, %add3A_273 : i32
        %get3A_275 = arith.index_cast %add3A_274 : i32 to index
        %get3A_276 = tpu.vector_load %arg7[%get3A_275] {strides = array<i32>} : memref<12800xf32, #tpu.memory_space<vmem>>, vector<16xf32>,
        %get3A_277 = vector.shape_cast %get3A_276 : vector<16xf32> to vector<16xf32>
        %add3A_278 = arith.addf %get3A_272, %get3A_277 : vector<16xf32>
        %swap3A_279 = arith.index_cast %add3A_260 : i32 to index
        %swap3A_280 = arith.constant 0 : index
        %swap3A_281 = tpu.vector_load %arg12[%swap3A_279, %swap3A_280] {strides = array<i32>} : memref<80x64xf32, #tpu.memory_space<vmem>>, vector<1x16xf32>,
        %swap3A_282 = vector.shape_cast %swap3A_281 : vector<1x16xf32> to vector<16xf32>
        %swap3A_283 = vector.shape_cast %add3A_278 : vector<16xf32> to vector<1x16xf32>
        tpu.vector_store %arg12[%swap3A_279, %swap3A_280], %swap3A_283 {strides = array<i32>} : memref<80x64xf32, #tpu.memory_space<vmem>>, vector<1x16xf32>,
        %get3A_284 = arith.index_cast %add3A_260 : i32 to index
        %get3A_285 = arith.constant 16 : index
        %get3A_286 = tpu.vector_load %arg10[%get3A_284, %get3A_285] {strides = array<i32>} : memref<80x128xf32, #tpu.memory_space<vmem>>, vector<1x16xf32>,
        %get3A_287 = vector.shape_cast %get3A_286 : vector<1x16xf32> to vector<16xf32>
        %add3A_288 = arith.constant 16 : i32
        %add3A_289 = arith.addi %mul3A_268, %add3A_288 : i32
        %get3A_290 = arith.index_cast %add3A_289 : i32 to index
        %get3A_291 = tpu.vector_load %arg7[%get3A_290] {strides = array<i32>} : memref<12800xf32, #tpu.memory_space<vmem>>, vector<16xf32>,
        %get3A_292 = vector.shape_cast %get3A_291 : vector<16xf32> to vector<16xf32>
        %add3A_293 = arith.addf %get3A_287, %get3A_292 : vector<16xf32>
        %swap3A_294 = arith.index_cast %add3A_260 : i32 to index
        %swap3A_295 = arith.constant 16 : index
        %swap3A_296 = tpu.vector_load %arg12[%swap3A_294, %swap3A_295] {strides = array<i32>} : memref<80x64xf32, #tpu.memory_space<vmem>>, vector<1x16xf32>,
        %swap3A_297 = vector.shape_cast %swap3A_296 : vector<1x16xf32> to vector<16xf32>
        %swap3A_298 = vector.shape_cast %add3A_293 : vector<16xf32> to vector<1x16xf32>
        tpu.vector_store %arg12[%swap3A_294, %swap3A_295], %swap3A_298 {strides = array<i32>} : memref<80x64xf32, #tpu.memory_space<vmem>>, vector<1x16xf32>,
        %get3A_299 = arith.index_cast %add3A_260 : i32 to index
        %get3A_300 = arith.constant 32 : index
        %get3A_301 = tpu.vector_load %arg10[%get3A_299, %get3A_300] {strides = array<i32>} : memref<80x128xf32, #tpu.memory_space<vmem>>, vector<1x16xf32>,
        %get3A_302 = vector.shape_cast %get3A_301 : vector<1x16xf32> to vector<16xf32>
        %add3A_303 = arith.constant 32 : i32
        %add3A_304 = arith.addi %mul3A_268, %add3A_303 : i32
        %get3A_305 = arith.index_cast %add3A_304 : i32 to index
        %get3A_306 = tpu.vector_load %arg7[%get3A_305] {strides = array<i32>} : memref<12800xf32, #tpu.memory_space<vmem>>, vector<16xf32>,
        %get3A_307 = vector.shape_cast %get3A_306 : vector<16xf32> to vector<16xf32>
        %add3A_308 = arith.addf %get3A_302, %get3A_307 : vector<16xf32>
        %swap3A_309 = arith.index_cast %add3A_260 : i32 to index
        %swap3A_310 = arith.constant 32 : index
        %swap3A_311 = tpu.vector_load %arg12[%swap3A_309, %swap3A_310] {strides = array<i32>} : memref<80x64xf32, #tpu.memory_space<vmem>>, vector<1x16xf32>,
        %swap3A_312 = vector.shape_cast %swap3A_311 : vector<1x16xf32> to vector<16xf32>
        %swap3A_313 = vector.shape_cast %add3A_308 : vector<16xf32> to vector<1x16xf32>
        tpu.vector_store %arg12[%swap3A_309, %swap3A_310], %swap3A_313 {strides = array<i32>} : memref<80x64xf32, #tpu.memory_space<vmem>>, vector<1x16xf32>,
        %get3A_314 = arith.index_cast %add3A_260 : i32 to index
        %get3A_315 = arith.constant 48 : index
        %get3A_316 = tpu.vector_load %arg10[%get3A_314, %get3A_315] {strides = array<i32>} : memref<80x128xf32, #tpu.memory_space<vmem>>, vector<1x16xf32>,
        %get3A_317 = vector.shape_cast %get3A_316 : vector<1x16xf32> to vector<16xf32>
        %add3A_318 = arith.constant 48 : i32
        %add3A_319 = arith.addi %mul3A_268, %add3A_318 : i32
        %get3A_320 = arith.index_cast %add3A_319 : i32 to index
        %get3A_321 = tpu.vector_load %arg7[%get3A_320] {strides = array<i32>} : memref<12800xf32, #tpu.memory_space<vmem>>, vector<16xf32>,
        %get3A_322 = vector.shape_cast %get3A_321 : vector<16xf32> to vector<16xf32>
        %add3A_323 = arith.addf %get3A_317, %get3A_322 : vector<16xf32>
        %swap3A_324 = arith.index_cast %add3A_260 : i32 to index
        %swap3A_325 = arith.constant 48 : index
        %swap3A_326 = tpu.vector_load %arg12[%swap3A_324, %swap3A_325] {strides = array<i32>} : memref<80x64xf32, #tpu.memory_space<vmem>>, vector<1x16xf32>,
        %swap3A_327 = vector.shape_cast %swap3A_326 : vector<1x16xf32> to vector<16xf32>
        %swap3A_328 = vector.shape_cast %add3A_323 : vector<16xf32> to vector<1x16xf32>
        tpu.vector_store %arg12[%swap3A_324, %swap3A_325], %swap3A_328 {strides = array<i32>} : memref<80x64xf32, #tpu.memory_space<vmem>>, vector<1x16xf32>,
        %scan3A_329 = arith.constant 2 : i32
        %scan3A_330 = arith.addi %scan3A_187, %scan3A_329 : i32
        %mul3A_331 = arith.constant 1 : i32
        %mul3A_332 = arith.muli %scan3A_330, %mul3A_331 : i32
        %add3A_333 = arith.constant 0 : i32
        %add3A_334 = arith.addi %add3A_333, %mul3A_332 : i32
        %add3A_335 = arith.addi %rem3A_129, %add3A_334 : i32
        %ge3A_336 = arith.constant 200 : i32
        %ge3A_337 = arith.cmpi sge, %add3A_335, %ge3A_336 : i32
        %sub3A_338 = arith.constant 200 : i32
        %sub3A_339 = arith.subi %add3A_335, %sub3A_338 : i32
        %select_n3A_340 = arith.select %ge3A_337, %sub3A_339, %add3A_335 : i32
        %mul3A_341 = arith.constant 64 : i32
        %mul3A_342 = arith.muli %select_n3A_340, %mul3A_341 : i32
        %get3A_343 = arith.index_cast %add3A_334 : i32 to index
        %get3A_344 = arith.constant 0 : index
        %get3A_345 = tpu.vector_load %arg10[%get3A_343, %get3A_344] {strides = array<i32>} : memref<80x128xf32, #tpu.memory_space<vmem>>, vector<1x16xf32>,
        %get3A_346 = vector.shape_cast %get3A_345 : vector<1x16xf32> to vector<16xf32>
        %add3A_347 = arith.constant 0 : i32
        %add3A_348 = arith.addi %mul3A_342, %add3A_347 : i32
        %get3A_349 = arith.index_cast %add3A_348 : i32 to index
        %get3A_350 = tpu.vector_load %arg7[%get3A_349] {strides = array<i32>} : memref<12800xf32, #tpu.memory_space<vmem>>, vector<16xf32>,
        %get3A_351 = vector.shape_cast %get3A_350 : vector<16xf32> to vector<16xf32>
        %add3A_352 = arith.addf %get3A_346, %get3A_351 : vector<16xf32>
        %swap3A_353 = arith.index_cast %add3A_334 : i32 to index
        %swap3A_354 = arith.constant 0 : index
        %swap3A_355 = tpu.vector_load %arg12[%swap3A_353, %swap3A_354] {strides = array<i32>} : memref<80x64xf32, #tpu.memory_space<vmem>>, vector<1x16xf32>,
        %swap3A_356 = vector.shape_cast %swap3A_355 : vector<1x16xf32> to vector<16xf32>
        %swap3A_357 = vector.shape_cast %add3A_352 : vector<16xf32> to vector<1x16xf32>
        tpu.vector_store %arg12[%swap3A_353, %swap3A_354], %swap3A_357 {strides = array<i32>} : memref<80x64xf32, #tpu.memory_space<vmem>>, vector<1x16xf32>,
        %get3A_358 = arith.index_cast %add3A_334 : i32 to index
        %get3A_359 = arith.constant 16 : index
        %get3A_360 = tpu.vector_load %arg10[%get3A_358, %get3A_359] {strides = array<i32>} : memref<80x128xf32, #tpu.memory_space<vmem>>, vector<1x16xf32>,
        %get3A_361 = vector.shape_cast %get3A_360 : vector<1x16xf32> to vector<16xf32>
        %add3A_362 = arith.constant 16 : i32
        %add3A_363 = arith.addi %mul3A_342, %add3A_362 : i32
        %get3A_364 = arith.index_cast %add3A_363 : i32 to index
        %get3A_365 = tpu.vector_load %arg7[%get3A_364] {strides = array<i32>} : memref<12800xf32, #tpu.memory_space<vmem>>, vector<16xf32>,
        %get3A_366 = vector.shape_cast %get3A_365 : vector<16xf32> to vector<16xf32>
        %add3A_367 = arith.addf %get3A_361, %get3A_366 : vector<16xf32>
        %swap3A_368 = arith.index_cast %add3A_334 : i32 to index
        %swap3A_369 = arith.constant 16 : index
        %swap3A_370 = tpu.vector_load %arg12[%swap3A_368, %swap3A_369] {strides = array<i32>} : memref<80x64xf32, #tpu.memory_space<vmem>>, vector<1x16xf32>,
        %swap3A_371 = vector.shape_cast %swap3A_370 : vector<1x16xf32> to vector<16xf32>
        %swap3A_372 = vector.shape_cast %add3A_367 : vector<16xf32> to vector<1x16xf32>
        tpu.vector_store %arg12[%swap3A_368, %swap3A_369], %swap3A_372 {strides = array<i32>} : memref<80x64xf32, #tpu.memory_space<vmem>>, vector<1x16xf32>,
        %get3A_373 = arith.index_cast %add3A_334 : i32 to index
        %get3A_374 = arith.constant 32 : index
        %get3A_375 = tpu.vector_load %arg10[%get3A_373, %get3A_374] {strides = array<i32>} : memref<80x128xf32, #tpu.memory_space<vmem>>, vector<1x16xf32>,
        %get3A_376 = vector.shape_cast %get3A_375 : vector<1x16xf32> to vector<16xf32>
        %add3A_377 = arith.constant 32 : i32
        %add3A_378 = arith.addi %mul3A_342, %add3A_377 : i32
        %get3A_379 = arith.index_cast %add3A_378 : i32 to index
        %get3A_380 = tpu.vector_load %arg7[%get3A_379] {strides = array<i32>} : memref<12800xf32, #tpu.memory_space<vmem>>, vector<16xf32>,
        %get3A_381 = vector.shape_cast %get3A_380 : vector<16xf32> to vector<16xf32>
        %add3A_382 = arith.addf %get3A_376, %get3A_381 : vector<16xf32>
        %swap3A_383 = arith.index_cast %add3A_334 : i32 to index
        %swap3A_384 = arith.constant 32 : index
        %swap3A_385 = tpu.vector_load %arg12[%swap3A_383, %swap3A_384] {strides = array<i32>} : memref<80x64xf32, #tpu.memory_space<vmem>>, vector<1x16xf32>,
        %swap3A_386 = vector.shape_cast %swap3A_385 : vector<1x16xf32> to vector<16xf32>
        %swap3A_387 = vector.shape_cast %add3A_382 : vector<16xf32> to vector<1x16xf32>
        tpu.vector_store %arg12[%swap3A_383, %swap3A_384], %swap3A_387 {strides = array<i32>} : memref<80x64xf32, #tpu.memory_space<vmem>>, vector<1x16xf32>,
        %get3A_388 = arith.index_cast %add3A_334 : i32 to index
        %get3A_389 = arith.constant 48 : index
        %get3A_390 = tpu.vector_load %arg10[%get3A_388, %get3A_389] {strides = array<i32>} : memref<80x128xf32, #tpu.memory_space<vmem>>, vector<1x16xf32>,
        %get3A_391 = vector.shape_cast %get3A_390 : vector<1x16xf32> to vector<16xf32>
        %add3A_392 = arith.constant 48 : i32
        %add3A_393 = arith.addi %mul3A_342, %add3A_392 : i32
        %get3A_394 = arith.index_cast %add3A_393 : i32 to index
        %get3A_395 = tpu.vector_load %arg7[%get3A_394] {strides = array<i32>} : memref<12800xf32, #tpu.memory_space<vmem>>, vector<16xf32>,
        %get3A_396 = vector.shape_cast %get3A_395 : vector<16xf32> to vector<16xf32>
        %add3A_397 = arith.addf %get3A_391, %get3A_396 : vector<16xf32>
        %swap3A_398 = arith.index_cast %add3A_334 : i32 to index
        %swap3A_399 = arith.constant 48 : index
        %swap3A_400 = tpu.vector_load %arg12[%swap3A_398, %swap3A_399] {strides = array<i32>} : memref<80x64xf32, #tpu.memory_space<vmem>>, vector<1x16xf32>,
        %swap3A_401 = vector.shape_cast %swap3A_400 : vector<1x16xf32> to vector<16xf32>
        %swap3A_402 = vector.shape_cast %add3A_397 : vector<16xf32> to vector<1x16xf32>
        tpu.vector_store %arg12[%swap3A_398, %swap3A_399], %swap3A_402 {strides = array<i32>} : memref<80x64xf32, #tpu.memory_space<vmem>>, vector<1x16xf32>,
        %scan3A_403 = arith.constant 3 : i32
        %scan3A_404 = arith.addi %scan3A_187, %scan3A_403 : i32
        %mul3A_405 = arith.constant 1 : i32
        %mul3A_406 = arith.muli %scan3A_404, %mul3A_405 : i32
        %add3A_407 = arith.constant 0 : i32
        %add3A_408 = arith.addi %add3A_407, %mul3A_406 : i32
        %add3A_409 = arith.addi %rem3A_129, %add3A_408 : i32
        %ge3A_410 = arith.constant 200 : i32
        %ge3A_411 = arith.cmpi sge, %add3A_409, %ge3A_410 : i32
        %sub3A_412 = arith.constant 200 : i32
        %sub3A_413 = arith.subi %add3A_409, %sub3A_412 : i32
        %select_n3A_414 = arith.select %ge3A_411, %sub3A_413, %add3A_409 : i32
        %mul3A_415 = arith.constant 64 : i32
        %mul3A_416 = arith.muli %select_n3A_414, %mul3A_415 : i32
        %get3A_417 = arith.index_cast %add3A_408 : i32 to index
        %get3A_418 = arith.constant 0 : index
        %get3A_419 = tpu.vector_load %arg10[%get3A_417, %get3A_418] {strides = array<i32>} : memref<80x128xf32, #tpu.memory_space<vmem>>, vector<1x16xf32>,
        %get3A_420 = vector.shape_cast %get3A_419 : vector<1x16xf32> to vector<16xf32>
        %add3A_421 = arith.constant 0 : i32
        %add3A_422 = arith.addi %mul3A_416, %add3A_421 : i32
        %get3A_423 = arith.index_cast %add3A_422 : i32 to index
        %get3A_424 = tpu.vector_load %arg7[%get3A_423] {strides = array<i32>} : memref<12800xf32, #tpu.memory_space<vmem>>, vector<16xf32>,
        %get3A_425 = vector.shape_cast %get3A_424 : vector<16xf32> to vector<16xf32>
        %add3A_426 = arith.addf %get3A_420, %get3A_425 : vector<16xf32>
        %swap3A_427 = arith.index_cast %add3A_408 : i32 to index
        %swap3A_428 = arith.constant 0 : index
        %swap3A_429 = tpu.vector_load %arg12[%swap3A_427, %swap3A_428] {strides = array<i32>} : memref<80x64xf32, #tpu.memory_space<vmem>>, vector<1x16xf32>,
        %swap3A_430 = vector.shape_cast %swap3A_429 : vector<1x16xf32> to vector<16xf32>
        %swap3A_431 = vector.shape_cast %add3A_426 : vector<16xf32> to vector<1x16xf32>
        tpu.vector_store %arg12[%swap3A_427, %swap3A_428], %swap3A_431 {strides = array<i32>} : memref<80x64xf32, #tpu.memory_space<vmem>>, vector<1x16xf32>,
        %get3A_432 = arith.index_cast %add3A_408 : i32 to index
        %get3A_433 = arith.constant 16 : index
        %get3A_434 = tpu.vector_load %arg10[%get3A_432, %get3A_433] {strides = array<i32>} : memref<80x128xf32, #tpu.memory_space<vmem>>, vector<1x16xf32>,
        %get3A_435 = vector.shape_cast %get3A_434 : vector<1x16xf32> to vector<16xf32>
        %add3A_436 = arith.constant 16 : i32
        %add3A_437 = arith.addi %mul3A_416, %add3A_436 : i32
        %get3A_438 = arith.index_cast %add3A_437 : i32 to index
        %get3A_439 = tpu.vector_load %arg7[%get3A_438] {strides = array<i32>} : memref<12800xf32, #tpu.memory_space<vmem>>, vector<16xf32>,
        %get3A_440 = vector.shape_cast %get3A_439 : vector<16xf32> to vector<16xf32>
        %add3A_441 = arith.addf %get3A_435, %get3A_440 : vector<16xf32>
        %swap3A_442 = arith.index_cast %add3A_408 : i32 to index
        %swap3A_443 = arith.constant 16 : index
        %swap3A_444 = tpu.vector_load %arg12[%swap3A_442, %swap3A_443] {strides = array<i32>} : memref<80x64xf32, #tpu.memory_space<vmem>>, vector<1x16xf32>,
        %swap3A_445 = vector.shape_cast %swap3A_444 : vector<1x16xf32> to vector<16xf32>
        %swap3A_446 = vector.shape_cast %add3A_441 : vector<16xf32> to vector<1x16xf32>
        tpu.vector_store %arg12[%swap3A_442, %swap3A_443], %swap3A_446 {strides = array<i32>} : memref<80x64xf32, #tpu.memory_space<vmem>>, vector<1x16xf32>,
        %get3A_447 = arith.index_cast %add3A_408 : i32 to index
        %get3A_448 = arith.constant 32 : index
        %get3A_449 = tpu.vector_load %arg10[%get3A_447, %get3A_448] {strides = array<i32>} : memref<80x128xf32, #tpu.memory_space<vmem>>, vector<1x16xf32>,
        %get3A_450 = vector.shape_cast %get3A_449 : vector<1x16xf32> to vector<16xf32>
        %add3A_451 = arith.constant 32 : i32
        %add3A_452 = arith.addi %mul3A_416, %add3A_451 : i32
        %get3A_453 = arith.index_cast %add3A_452 : i32 to index
        %get3A_454 = tpu.vector_load %arg7[%get3A_453] {strides = array<i32>} : memref<12800xf32, #tpu.memory_space<vmem>>, vector<16xf32>,
        %get3A_455 = vector.shape_cast %get3A_454 : vector<16xf32> to vector<16xf32>
        %add3A_456 = arith.addf %get3A_450, %get3A_455 : vector<16xf32>
        %swap3A_457 = arith.index_cast %add3A_408 : i32 to index
        %swap3A_458 = arith.constant 32 : index
        %swap3A_459 = tpu.vector_load %arg12[%swap3A_457, %swap3A_458] {strides = array<i32>} : memref<80x64xf32, #tpu.memory_space<vmem>>, vector<1x16xf32>,
        %swap3A_460 = vector.shape_cast %swap3A_459 : vector<1x16xf32> to vector<16xf32>
        %swap3A_461 = vector.shape_cast %add3A_456 : vector<16xf32> to vector<1x16xf32>
        tpu.vector_store %arg12[%swap3A_457, %swap3A_458], %swap3A_461 {strides = array<i32>} : memref<80x64xf32, #tpu.memory_space<vmem>>, vector<1x16xf32>,
        %get3A_462 = arith.index_cast %add3A_408 : i32 to index
        %get3A_463 = arith.constant 48 : index
        %get3A_464 = tpu.vector_load %arg10[%get3A_462, %get3A_463] {strides = array<i32>} : memref<80x128xf32, #tpu.memory_space<vmem>>, vector<1x16xf32>,
        %get3A_465 = vector.shape_cast %get3A_464 : vector<1x16xf32> to vector<16xf32>
        %add3A_466 = arith.constant 48 : i32
        %add3A_467 = arith.addi %mul3A_416, %add3A_466 : i32
        %get3A_468 = arith.index_cast %add3A_467 : i32 to index
        %get3A_469 = tpu.vector_load %arg7[%get3A_468] {strides = array<i32>} : memref<12800xf32, #tpu.memory_space<vmem>>, vector<16xf32>,
        %get3A_470 = vector.shape_cast %get3A_469 : vector<16xf32> to vector<16xf32>
        %add3A_471 = arith.addf %get3A_465, %get3A_470 : vector<16xf32>
        %swap3A_472 = arith.index_cast %add3A_408 : i32 to index
        %swap3A_473 = arith.constant 48 : index
        %swap3A_474 = tpu.vector_load %arg12[%swap3A_472, %swap3A_473] {strides = array<i32>} : memref<80x64xf32, #tpu.memory_space<vmem>>, vector<1x16xf32>,
        %swap3A_475 = vector.shape_cast %swap3A_474 : vector<1x16xf32> to vector<16xf32>
        %swap3A_476 = vector.shape_cast %add3A_471 : vector<16xf32> to vector<1x16xf32>
        tpu.vector_store %arg12[%swap3A_472, %swap3A_473], %swap3A_476 {strides = array<i32>} : memref<80x64xf32, #tpu.memory_space<vmem>>, vector<1x16xf32>,
        %scan3A_477 = arith.constant 4 : i32
        %scan3A_478 = arith.addi %scan3A_187, %scan3A_477 : i32
        %mul3A_479 = arith.constant 1 : i32
        %mul3A_480 = arith.muli %scan3A_478, %mul3A_479 : i32
        %add3A_481 = arith.constant 0 : i32
        %add3A_482 = arith.addi %add3A_481, %mul3A_480 : i32
        %add3A_483 = arith.addi %rem3A_129, %add3A_482 : i32
        %ge3A_484 = arith.constant 200 : i32
        %ge3A_485 = arith.cmpi sge, %add3A_483, %ge3A_484 : i32
        %sub3A_486 = arith.constant 200 : i32
        %sub3A_487 = arith.subi %add3A_483, %sub3A_486 : i32
        %select_n3A_488 = arith.select %ge3A_485, %sub3A_487, %add3A_483 : i32
        %mul3A_489 = arith.constant 64 : i32
        %mul3A_490 = arith.muli %select_n3A_488, %mul3A_489 : i32
        %get3A_491 = arith.index_cast %add3A_482 : i32 to index
        %get3A_492 = arith.constant 0 : index
        %get3A_493 = tpu.vector_load %arg10[%get3A_491, %get3A_492] {strides = array<i32>} : memref<80x128xf32, #tpu.memory_space<vmem>>, vector<1x16xf32>,
        %get3A_494 = vector.shape_cast %get3A_493 : vector<1x16xf32> to vector<16xf32>
        %add3A_495 = arith.constant 0 : i32
        %add3A_496 = arith.addi %mul3A_490, %add3A_495 : i32
        %get3A_497 = arith.index_cast %add3A_496 : i32 to index
        %get3A_498 = tpu.vector_load %arg7[%get3A_497] {strides = array<i32>} : memref<12800xf32, #tpu.memory_space<vmem>>, vector<16xf32>,
        %get3A_499 = vector.shape_cast %get3A_498 : vector<16xf32> to vector<16xf32>
        %add3A_500 = arith.addf %get3A_494, %get3A_499 : vector<16xf32>
        %swap3A_501 = arith.index_cast %add3A_482 : i32 to index
        %swap3A_502 = arith.constant 0 : index
        %swap3A_503 = tpu.vector_load %arg12[%swap3A_501, %swap3A_502] {strides = array<i32>} : memref<80x64xf32, #tpu.memory_space<vmem>>, vector<1x16xf32>,
        %swap3A_504 = vector.shape_cast %swap3A_503 : vector<1x16xf32> to vector<16xf32>
        %swap3A_505 = vector.shape_cast %add3A_500 : vector<16xf32> to vector<1x16xf32>
        tpu.vector_store %arg12[%swap3A_501, %swap3A_502], %swap3A_505 {strides = array<i32>} : memref<80x64xf32, #tpu.memory_space<vmem>>, vector<1x16xf32>,
        %get3A_506 = arith.index_cast %add3A_482 : i32 to index
        %get3A_507 = arith.constant 16 : index
        %get3A_508 = tpu.vector_load %arg10[%get3A_506, %get3A_507] {strides = array<i32>} : memref<80x128xf32, #tpu.memory_space<vmem>>, vector<1x16xf32>,
        %get3A_509 = vector.shape_cast %get3A_508 : vector<1x16xf32> to vector<16xf32>
        %add3A_510 = arith.constant 16 : i32
        %add3A_511 = arith.addi %mul3A_490, %add3A_510 : i32
        %get3A_512 = arith.index_cast %add3A_511 : i32 to index
        %get3A_513 = tpu.vector_load %arg7[%get3A_512] {strides = array<i32>} : memref<12800xf32, #tpu.memory_space<vmem>>, vector<16xf32>,
        %get3A_514 = vector.shape_cast %get3A_513 : vector<16xf32> to vector<16xf32>
        %add3A_515 = arith.addf %get3A_509, %get3A_514 : vector<16xf32>
        %swap3A_516 = arith.index_cast %add3A_482 : i32 to index
        %swap3A_517 = arith.constant 16 : index
        %swap3A_518 = tpu.vector_load %arg12[%swap3A_516, %swap3A_517] {strides = array<i32>} : memref<80x64xf32, #tpu.memory_space<vmem>>, vector<1x16xf32>,
        %swap3A_519 = vector.shape_cast %swap3A_518 : vector<1x16xf32> to vector<16xf32>
        %swap3A_520 = vector.shape_cast %add3A_515 : vector<16xf32> to vector<1x16xf32>
        tpu.vector_store %arg12[%swap3A_516, %swap3A_517], %swap3A_520 {strides = array<i32>} : memref<80x64xf32, #tpu.memory_space<vmem>>, vector<1x16xf32>,
        %get3A_521 = arith.index_cast %add3A_482 : i32 to index
        %get3A_522 = arith.constant 32 : index
        %get3A_523 = tpu.vector_load %arg10[%get3A_521, %get3A_522] {strides = array<i32>} : memref<80x128xf32, #tpu.memory_space<vmem>>, vector<1x16xf32>,
        %get3A_524 = vector.shape_cast %get3A_523 : vector<1x16xf32> to vector<16xf32>
        %add3A_525 = arith.constant 32 : i32
        %add3A_526 = arith.addi %mul3A_490, %add3A_525 : i32
        %get3A_527 = arith.index_cast %add3A_526 : i32 to index
        %get3A_528 = tpu.vector_load %arg7[%get3A_527] {strides = array<i32>} : memref<12800xf32, #tpu.memory_space<vmem>>, vector<16xf32>,
        %get3A_529 = vector.shape_cast %get3A_528 : vector<16xf32> to vector<16xf32>
        %add3A_530 = arith.addf %get3A_524, %get3A_529 : vector<16xf32>
        %swap3A_531 = arith.index_cast %add3A_482 : i32 to index
        %swap3A_532 = arith.constant 32 : index
        %swap3A_533 = tpu.vector_load %arg12[%swap3A_531, %swap3A_532] {strides = array<i32>} : memref<80x64xf32, #tpu.memory_space<vmem>>, vector<1x16xf32>,
        %swap3A_534 = vector.shape_cast %swap3A_533 : vector<1x16xf32> to vector<16xf32>
        %swap3A_535 = vector.shape_cast %add3A_530 : vector<16xf32> to vector<1x16xf32>
        tpu.vector_store %arg12[%swap3A_531, %swap3A_532], %swap3A_535 {strides = array<i32>} : memref<80x64xf32, #tpu.memory_space<vmem>>, vector<1x16xf32>,
        %get3A_536 = arith.index_cast %add3A_482 : i32 to index
        %get3A_537 = arith.constant 48 : index
        %get3A_538 = tpu.vector_load %arg10[%get3A_536, %get3A_537] {strides = array<i32>} : memref<80x128xf32, #tpu.memory_space<vmem>>, vector<1x16xf32>,
        %get3A_539 = vector.shape_cast %get3A_538 : vector<1x16xf32> to vector<16xf32>
        %add3A_540 = arith.constant 48 : i32
        %add3A_541 = arith.addi %mul3A_490, %add3A_540 : i32
        %get3A_542 = arith.index_cast %add3A_541 : i32 to index
        %get3A_543 = tpu.vector_load %arg7[%get3A_542] {strides = array<i32>} : memref<12800xf32, #tpu.memory_space<vmem>>, vector<16xf32>,
        %get3A_544 = vector.shape_cast %get3A_543 : vector<16xf32> to vector<16xf32>
        %add3A_545 = arith.addf %get3A_539, %get3A_544 : vector<16xf32>
        %swap3A_546 = arith.index_cast %add3A_482 : i32 to index
        %swap3A_547 = arith.constant 48 : index
        %swap3A_548 = tpu.vector_load %arg12[%swap3A_546, %swap3A_547] {strides = array<i32>} : memref<80x64xf32, #tpu.memory_space<vmem>>, vector<1x16xf32>,
        %swap3A_549 = vector.shape_cast %swap3A_548 : vector<1x16xf32> to vector<16xf32>
        %swap3A_550 = vector.shape_cast %add3A_545 : vector<16xf32> to vector<1x16xf32>
        tpu.vector_store %arg12[%swap3A_546, %swap3A_547], %swap3A_550 {strides = array<i32>} : memref<80x64xf32, #tpu.memory_space<vmem>>, vector<1x16xf32>,
        %scan3A_551 = arith.constant 5 : i32
        %scan3A_552 = arith.addi %scan3A_187, %scan3A_551 : i32
        %mul3A_553 = arith.constant 1 : i32
        %mul3A_554 = arith.muli %scan3A_552, %mul3A_553 : i32
        %add3A_555 = arith.constant 0 : i32
        %add3A_556 = arith.addi %add3A_555, %mul3A_554 : i32
        %add3A_557 = arith.addi %rem3A_129, %add3A_556 : i32
        %ge3A_558 = arith.constant 200 : i32
        %ge3A_559 = arith.cmpi sge, %add3A_557, %ge3A_558 : i32
        %sub3A_560 = arith.constant 200 : i32
        %sub3A_561 = arith.subi %add3A_557, %sub3A_560 : i32
        %select_n3A_562 = arith.select %ge3A_559, %sub3A_561, %add3A_557 : i32
        %mul3A_563 = arith.constant 64 : i32
        %mul3A_564 = arith.muli %select_n3A_562, %mul3A_563 : i32
        %get3A_565 = arith.index_cast %add3A_556 : i32 to index
        %get3A_566 = arith.constant 0 : index
        %get3A_567 = tpu.vector_load %arg10[%get3A_565, %get3A_566] {strides = array<i32>} : memref<80x128xf32, #tpu.memory_space<vmem>>, vector<1x16xf32>,
        %get3A_568 = vector.shape_cast %get3A_567 : vector<1x16xf32> to vector<16xf32>
        %add3A_569 = arith.constant 0 : i32
        %add3A_570 = arith.addi %mul3A_564, %add3A_569 : i32
        %get3A_571 = arith.index_cast %add3A_570 : i32 to index
        %get3A_572 = tpu.vector_load %arg7[%get3A_571] {strides = array<i32>} : memref<12800xf32, #tpu.memory_space<vmem>>, vector<16xf32>,
        %get3A_573 = vector.shape_cast %get3A_572 : vector<16xf32> to vector<16xf32>
        %add3A_574 = arith.addf %get3A_568, %get3A_573 : vector<16xf32>
        %swap3A_575 = arith.index_cast %add3A_556 : i32 to index
        %swap3A_576 = arith.constant 0 : index
        %swap3A_577 = tpu.vector_load %arg12[%swap3A_575, %swap3A_576] {strides = array<i32>} : memref<80x64xf32, #tpu.memory_space<vmem>>, vector<1x16xf32>,
        %swap3A_578 = vector.shape_cast %swap3A_577 : vector<1x16xf32> to vector<16xf32>
        %swap3A_579 = vector.shape_cast %add3A_574 : vector<16xf32> to vector<1x16xf32>
        tpu.vector_store %arg12[%swap3A_575, %swap3A_576], %swap3A_579 {strides = array<i32>} : memref<80x64xf32, #tpu.memory_space<vmem>>, vector<1x16xf32>,
        %get3A_580 = arith.index_cast %add3A_556 : i32 to index
        %get3A_581 = arith.constant 16 : index
        %get3A_582 = tpu.vector_load %arg10[%get3A_580, %get3A_581] {strides = array<i32>} : memref<80x128xf32, #tpu.memory_space<vmem>>, vector<1x16xf32>,
        %get3A_583 = vector.shape_cast %get3A_582 : vector<1x16xf32> to vector<16xf32>
        %add3A_584 = arith.constant 16 : i32
        %add3A_585 = arith.addi %mul3A_564, %add3A_584 : i32
        %get3A_586 = arith.index_cast %add3A_585 : i32 to index
        %get3A_587 = tpu.vector_load %arg7[%get3A_586] {strides = array<i32>} : memref<12800xf32, #tpu.memory_space<vmem>>, vector<16xf32>,
        %get3A_588 = vector.shape_cast %get3A_587 : vector<16xf32> to vector<16xf32>
        %add3A_589 = arith.addf %get3A_583, %get3A_588 : vector<16xf32>
        %swap3A_590 = arith.index_cast %add3A_556 : i32 to index
        %swap3A_591 = arith.constant 16 : index
        %swap3A_592 = tpu.vector_load %arg12[%swap3A_590, %swap3A_591] {strides = array<i32>} : memref<80x64xf32, #tpu.memory_space<vmem>>, vector<1x16xf32>,
        %swap3A_593 = vector.shape_cast %swap3A_592 : vector<1x16xf32> to vector<16xf32>
        %swap3A_594 = vector.shape_cast %add3A_589 : vector<16xf32> to vector<1x16xf32>
        tpu.vector_store %arg12[%swap3A_590, %swap3A_591], %swap3A_594 {strides = array<i32>} : memref<80x64xf32, #tpu.memory_space<vmem>>, vector<1x16xf32>,
        %get3A_595 = arith.index_cast %add3A_556 : i32 to index
        %get3A_596 = arith.constant 32 : index
        %get3A_597 = tpu.vector_load %arg10[%get3A_595, %get3A_596] {strides = array<i32>} : memref<80x128xf32, #tpu.memory_space<vmem>>, vector<1x16xf32>,
        %get3A_598 = vector.shape_cast %get3A_597 : vector<1x16xf32> to vector<16xf32>
        %add3A_599 = arith.constant 32 : i32
        %add3A_600 = arith.addi %mul3A_564, %add3A_599 : i32
        %get3A_601 = arith.index_cast %add3A_600 : i32 to index
        %get3A_602 = tpu.vector_load %arg7[%get3A_601] {strides = array<i32>} : memref<12800xf32, #tpu.memory_space<vmem>>, vector<16xf32>,
        %get3A_603 = vector.shape_cast %get3A_602 : vector<16xf32> to vector<16xf32>
        %add3A_604 = arith.addf %get3A_598, %get3A_603 : vector<16xf32>
        %swap3A_605 = arith.index_cast %add3A_556 : i32 to index
        %swap3A_606 = arith.constant 32 : index
        %swap3A_607 = tpu.vector_load %arg12[%swap3A_605, %swap3A_606] {strides = array<i32>} : memref<80x64xf32, #tpu.memory_space<vmem>>, vector<1x16xf32>,
        %swap3A_608 = vector.shape_cast %swap3A_607 : vector<1x16xf32> to vector<16xf32>
        %swap3A_609 = vector.shape_cast %add3A_604 : vector<16xf32> to vector<1x16xf32>
        tpu.vector_store %arg12[%swap3A_605, %swap3A_606], %swap3A_609 {strides = array<i32>} : memref<80x64xf32, #tpu.memory_space<vmem>>, vector<1x16xf32>,
        %get3A_610 = arith.index_cast %add3A_556 : i32 to index
        %get3A_611 = arith.constant 48 : index
        %get3A_612 = tpu.vector_load %arg10[%get3A_610, %get3A_611] {strides = array<i32>} : memref<80x128xf32, #tpu.memory_space<vmem>>, vector<1x16xf32>,
        %get3A_613 = vector.shape_cast %get3A_612 : vector<1x16xf32> to vector<16xf32>
        %add3A_614 = arith.constant 48 : i32
        %add3A_615 = arith.addi %mul3A_564, %add3A_614 : i32
        %get3A_616 = arith.index_cast %add3A_615 : i32 to index
        %get3A_617 = tpu.vector_load %arg7[%get3A_616] {strides = array<i32>} : memref<12800xf32, #tpu.memory_space<vmem>>, vector<16xf32>,
        %get3A_618 = vector.shape_cast %get3A_617 : vector<16xf32> to vector<16xf32>
        %add3A_619 = arith.addf %get3A_613, %get3A_618 : vector<16xf32>
        %swap3A_620 = arith.index_cast %add3A_556 : i32 to index
        %swap3A_621 = arith.constant 48 : index
        %swap3A_622 = tpu.vector_load %arg12[%swap3A_620, %swap3A_621] {strides = array<i32>} : memref<80x64xf32, #tpu.memory_space<vmem>>, vector<1x16xf32>,
        %swap3A_623 = vector.shape_cast %swap3A_622 : vector<1x16xf32> to vector<16xf32>
        %swap3A_624 = vector.shape_cast %add3A_619 : vector<16xf32> to vector<1x16xf32>
        tpu.vector_store %arg12[%swap3A_620, %swap3A_621], %swap3A_624 {strides = array<i32>} : memref<80x64xf32, #tpu.memory_space<vmem>>, vector<1x16xf32>,
        %scan3A_625 = arith.constant 6 : i32
        %scan3A_626 = arith.addi %scan3A_187, %scan3A_625 : i32
        %mul3A_627 = arith.constant 1 : i32
        %mul3A_628 = arith.muli %scan3A_626, %mul3A_627 : i32
        %add3A_629 = arith.constant 0 : i32
        %add3A_630 = arith.addi %add3A_629, %mul3A_628 : i32
        %add3A_631 = arith.addi %rem3A_129, %add3A_630 : i32
        %ge3A_632 = arith.constant 200 : i32
        %ge3A_633 = arith.cmpi sge, %add3A_631, %ge3A_632 : i32
        %sub3A_634 = arith.constant 200 : i32
        %sub3A_635 = arith.subi %add3A_631, %sub3A_634 : i32
        %select_n3A_636 = arith.select %ge3A_633, %sub3A_635, %add3A_631 : i32
        %mul3A_637 = arith.constant 64 : i32
        %mul3A_638 = arith.muli %select_n3A_636, %mul3A_637 : i32
        %get3A_639 = arith.index_cast %add3A_630 : i32 to index
        %get3A_640 = arith.constant 0 : index
        %get3A_641 = tpu.vector_load %arg10[%get3A_639, %get3A_640] {strides = array<i32>} : memref<80x128xf32, #tpu.memory_space<vmem>>, vector<1x16xf32>,
        %get3A_642 = vector.shape_cast %get3A_641 : vector<1x16xf32> to vector<16xf32>
        %add3A_643 = arith.constant 0 : i32
        %add3A_644 = arith.addi %mul3A_638, %add3A_643 : i32
        %get3A_645 = arith.index_cast %add3A_644 : i32 to index
        %get3A_646 = tpu.vector_load %arg7[%get3A_645] {strides = array<i32>} : memref<12800xf32, #tpu.memory_space<vmem>>, vector<16xf32>,
        %get3A_647 = vector.shape_cast %get3A_646 : vector<16xf32> to vector<16xf32>
        %add3A_648 = arith.addf %get3A_642, %get3A_647 : vector<16xf32>
        %swap3A_649 = arith.index_cast %add3A_630 : i32 to index
        %swap3A_650 = arith.constant 0 : index
        %swap3A_651 = tpu.vector_load %arg12[%swap3A_649, %swap3A_650] {strides = array<i32>} : memref<80x64xf32, #tpu.memory_space<vmem>>, vector<1x16xf32>,
        %swap3A_652 = vector.shape_cast %swap3A_651 : vector<1x16xf32> to vector<16xf32>
        %swap3A_653 = vector.shape_cast %add3A_648 : vector<16xf32> to vector<1x16xf32>
        tpu.vector_store %arg12[%swap3A_649, %swap3A_650], %swap3A_653 {strides = array<i32>} : memref<80x64xf32, #tpu.memory_space<vmem>>, vector<1x16xf32>,
        %get3A_654 = arith.index_cast %add3A_630 : i32 to index
        %get3A_655 = arith.constant 16 : index
        %get3A_656 = tpu.vector_load %arg10[%get3A_654, %get3A_655] {strides = array<i32>} : memref<80x128xf32, #tpu.memory_space<vmem>>, vector<1x16xf32>,
        %get3A_657 = vector.shape_cast %get3A_656 : vector<1x16xf32> to vector<16xf32>
        %add3A_658 = arith.constant 16 : i32
        %add3A_659 = arith.addi %mul3A_638, %add3A_658 : i32
        %get3A_660 = arith.index_cast %add3A_659 : i32 to index
        %get3A_661 = tpu.vector_load %arg7[%get3A_660] {strides = array<i32>} : memref<12800xf32, #tpu.memory_space<vmem>>, vector<16xf32>,
        %get3A_662 = vector.shape_cast %get3A_661 : vector<16xf32> to vector<16xf32>
        %add3A_663 = arith.addf %get3A_657, %get3A_662 : vector<16xf32>
        %swap3A_664 = arith.index_cast %add3A_630 : i32 to index
        %swap3A_665 = arith.constant 16 : index
        %swap3A_666 = tpu.vector_load %arg12[%swap3A_664, %swap3A_665] {strides = array<i32>} : memref<80x64xf32, #tpu.memory_space<vmem>>, vector<1x16xf32>,
        %swap3A_667 = vector.shape_cast %swap3A_666 : vector<1x16xf32> to vector<16xf32>
        %swap3A_668 = vector.shape_cast %add3A_663 : vector<16xf32> to vector<1x16xf32>
        tpu.vector_store %arg12[%swap3A_664, %swap3A_665], %swap3A_668 {strides = array<i32>} : memref<80x64xf32, #tpu.memory_space<vmem>>, vector<1x16xf32>,
        %get3A_669 = arith.index_cast %add3A_630 : i32 to index
        %get3A_670 = arith.constant 32 : index
        %get3A_671 = tpu.vector_load %arg10[%get3A_669, %get3A_670] {strides = array<i32>} : memref<80x128xf32, #tpu.memory_space<vmem>>, vector<1x16xf32>,
        %get3A_672 = vector.shape_cast %get3A_671 : vector<1x16xf32> to vector<16xf32>
        %add3A_673 = arith.constant 32 : i32
        %add3A_674 = arith.addi %mul3A_638, %add3A_673 : i32
        %get3A_675 = arith.index_cast %add3A_674 : i32 to index
        %get3A_676 = tpu.vector_load %arg7[%get3A_675] {strides = array<i32>} : memref<12800xf32, #tpu.memory_space<vmem>>, vector<16xf32>,
        %get3A_677 = vector.shape_cast %get3A_676 : vector<16xf32> to vector<16xf32>
        %add3A_678 = arith.addf %get3A_672, %get3A_677 : vector<16xf32>
        %swap3A_679 = arith.index_cast %add3A_630 : i32 to index
        %swap3A_680 = arith.constant 32 : index
        %swap3A_681 = tpu.vector_load %arg12[%swap3A_679, %swap3A_680] {strides = array<i32>} : memref<80x64xf32, #tpu.memory_space<vmem>>, vector<1x16xf32>,
        %swap3A_682 = vector.shape_cast %swap3A_681 : vector<1x16xf32> to vector<16xf32>
        %swap3A_683 = vector.shape_cast %add3A_678 : vector<16xf32> to vector<1x16xf32>
        tpu.vector_store %arg12[%swap3A_679, %swap3A_680], %swap3A_683 {strides = array<i32>} : memref<80x64xf32, #tpu.memory_space<vmem>>, vector<1x16xf32>,
        %get3A_684 = arith.index_cast %add3A_630 : i32 to index
        %get3A_685 = arith.constant 48 : index
        %get3A_686 = tpu.vector_load %arg10[%get3A_684, %get3A_685] {strides = array<i32>} : memref<80x128xf32, #tpu.memory_space<vmem>>, vector<1x16xf32>,
        %get3A_687 = vector.shape_cast %get3A_686 : vector<1x16xf32> to vector<16xf32>
        %add3A_688 = arith.constant 48 : i32
        %add3A_689 = arith.addi %mul3A_638, %add3A_688 : i32
        %get3A_690 = arith.index_cast %add3A_689 : i32 to index
        %get3A_691 = tpu.vector_load %arg7[%get3A_690] {strides = array<i32>} : memref<12800xf32, #tpu.memory_space<vmem>>, vector<16xf32>,
        %get3A_692 = vector.shape_cast %get3A_691 : vector<16xf32> to vector<16xf32>
        %add3A_693 = arith.addf %get3A_687, %get3A_692 : vector<16xf32>
        %swap3A_694 = arith.index_cast %add3A_630 : i32 to index
        %swap3A_695 = arith.constant 48 : index
        %swap3A_696 = tpu.vector_load %arg12[%swap3A_694, %swap3A_695] {strides = array<i32>} : memref<80x64xf32, #tpu.memory_space<vmem>>, vector<1x16xf32>,
        %swap3A_697 = vector.shape_cast %swap3A_696 : vector<1x16xf32> to vector<16xf32>
        %swap3A_698 = vector.shape_cast %add3A_693 : vector<16xf32> to vector<1x16xf32>
        tpu.vector_store %arg12[%swap3A_694, %swap3A_695], %swap3A_698 {strides = array<i32>} : memref<80x64xf32, #tpu.memory_space<vmem>>, vector<1x16xf32>,
        %scan3A_699 = arith.constant 7 : i32
        %scan3A_700 = arith.addi %scan3A_187, %scan3A_699 : i32
        %mul3A_701 = arith.constant 1 : i32
        %mul3A_702 = arith.muli %scan3A_700, %mul3A_701 : i32
        %add3A_703 = arith.constant 0 : i32
        %add3A_704 = arith.addi %add3A_703, %mul3A_702 : i32
        %add3A_705 = arith.addi %rem3A_129, %add3A_704 : i32
        %ge3A_706 = arith.constant 200 : i32
        %ge3A_707 = arith.cmpi sge, %add3A_705, %ge3A_706 : i32
        %sub3A_708 = arith.constant 200 : i32
        %sub3A_709 = arith.subi %add3A_705, %sub3A_708 : i32
        %select_n3A_710 = arith.select %ge3A_707, %sub3A_709, %add3A_705 : i32
        %mul3A_711 = arith.constant 64 : i32
        %mul3A_712 = arith.muli %select_n3A_710, %mul3A_711 : i32
        %get3A_713 = arith.index_cast %add3A_704 : i32 to index
        %get3A_714 = arith.constant 0 : index
        %get3A_715 = tpu.vector_load %arg10[%get3A_713, %get3A_714] {strides = array<i32>} : memref<80x128xf32, #tpu.memory_space<vmem>>, vector<1x16xf32>,
        %get3A_716 = vector.shape_cast %get3A_715 : vector<1x16xf32> to vector<16xf32>
        %add3A_717 = arith.constant 0 : i32
        %add3A_718 = arith.addi %mul3A_712, %add3A_717 : i32
        %get3A_719 = arith.index_cast %add3A_718 : i32 to index
        %get3A_720 = tpu.vector_load %arg7[%get3A_719] {strides = array<i32>} : memref<12800xf32, #tpu.memory_space<vmem>>, vector<16xf32>,
        %get3A_721 = vector.shape_cast %get3A_720 : vector<16xf32> to vector<16xf32>
        %add3A_722 = arith.addf %get3A_716, %get3A_721 : vector<16xf32>
        %swap3A_723 = arith.index_cast %add3A_704 : i32 to index
        %swap3A_724 = arith.constant 0 : index
        %swap3A_725 = tpu.vector_load %arg12[%swap3A_723, %swap3A_724] {strides = array<i32>} : memref<80x64xf32, #tpu.memory_space<vmem>>, vector<1x16xf32>,
        %swap3A_726 = vector.shape_cast %swap3A_725 : vector<1x16xf32> to vector<16xf32>
        %swap3A_727 = vector.shape_cast %add3A_722 : vector<16xf32> to vector<1x16xf32>
        tpu.vector_store %arg12[%swap3A_723, %swap3A_724], %swap3A_727 {strides = array<i32>} : memref<80x64xf32, #tpu.memory_space<vmem>>, vector<1x16xf32>,
        %get3A_728 = arith.index_cast %add3A_704 : i32 to index
        %get3A_729 = arith.constant 16 : index
        %get3A_730 = tpu.vector_load %arg10[%get3A_728, %get3A_729] {strides = array<i32>} : memref<80x128xf32, #tpu.memory_space<vmem>>, vector<1x16xf32>,
        %get3A_731 = vector.shape_cast %get3A_730 : vector<1x16xf32> to vector<16xf32>
        %add3A_732 = arith.constant 16 : i32
        %add3A_733 = arith.addi %mul3A_712, %add3A_732 : i32
        %get3A_734 = arith.index_cast %add3A_733 : i32 to index
        %get3A_735 = tpu.vector_load %arg7[%get3A_734] {strides = array<i32>} : memref<12800xf32, #tpu.memory_space<vmem>>, vector<16xf32>,
        %get3A_736 = vector.shape_cast %get3A_735 : vector<16xf32> to vector<16xf32>
        %add3A_737 = arith.addf %get3A_731, %get3A_736 : vector<16xf32>
        %swap3A_738 = arith.index_cast %add3A_704 : i32 to index
        %swap3A_739 = arith.constant 16 : index
        %swap3A_740 = tpu.vector_load %arg12[%swap3A_738, %swap3A_739] {strides = array<i32>} : memref<80x64xf32, #tpu.memory_space<vmem>>, vector<1x16xf32>,
        %swap3A_741 = vector.shape_cast %swap3A_740 : vector<1x16xf32> to vector<16xf32>
        %swap3A_742 = vector.shape_cast %add3A_737 : vector<16xf32> to vector<1x16xf32>
        tpu.vector_store %arg12[%swap3A_738, %swap3A_739], %swap3A_742 {strides = array<i32>} : memref<80x64xf32, #tpu.memory_space<vmem>>, vector<1x16xf32>,
        %get3A_743 = arith.index_cast %add3A_704 : i32 to index
        %get3A_744 = arith.constant 32 : index
        %get3A_745 = tpu.vector_load %arg10[%get3A_743, %get3A_744] {strides = array<i32>} : memref<80x128xf32, #tpu.memory_space<vmem>>, vector<1x16xf32>,
        %get3A_746 = vector.shape_cast %get3A_745 : vector<1x16xf32> to vector<16xf32>
        %add3A_747 = arith.constant 32 : i32
        %add3A_748 = arith.addi %mul3A_712, %add3A_747 : i32
        %get3A_749 = arith.index_cast %add3A_748 : i32 to index
        %get3A_750 = tpu.vector_load %arg7[%get3A_749] {strides = array<i32>} : memref<12800xf32, #tpu.memory_space<vmem>>, vector<16xf32>,
        %get3A_751 = vector.shape_cast %get3A_750 : vector<16xf32> to vector<16xf32>
        %add3A_752 = arith.addf %get3A_746, %get3A_751 : vector<16xf32>
        %swap3A_753 = arith.index_cast %add3A_704 : i32 to index
        %swap3A_754 = arith.constant 32 : index
        %swap3A_755 = tpu.vector_load %arg12[%swap3A_753, %swap3A_754] {strides = array<i32>} : memref<80x64xf32, #tpu.memory_space<vmem>>, vector<1x16xf32>,
        %swap3A_756 = vector.shape_cast %swap3A_755 : vector<1x16xf32> to vector<16xf32>
        %swap3A_757 = vector.shape_cast %add3A_752 : vector<16xf32> to vector<1x16xf32>
        tpu.vector_store %arg12[%swap3A_753, %swap3A_754], %swap3A_757 {strides = array<i32>} : memref<80x64xf32, #tpu.memory_space<vmem>>, vector<1x16xf32>,
        %get3A_758 = arith.index_cast %add3A_704 : i32 to index
        %get3A_759 = arith.constant 48 : index
        %get3A_760 = tpu.vector_load %arg10[%get3A_758, %get3A_759] {strides = array<i32>} : memref<80x128xf32, #tpu.memory_space<vmem>>, vector<1x16xf32>,
        %get3A_761 = vector.shape_cast %get3A_760 : vector<1x16xf32> to vector<16xf32>
        %add3A_762 = arith.constant 48 : i32
        %add3A_763 = arith.addi %mul3A_712, %add3A_762 : i32
        %get3A_764 = arith.index_cast %add3A_763 : i32 to index
        %get3A_765 = tpu.vector_load %arg7[%get3A_764] {strides = array<i32>} : memref<12800xf32, #tpu.memory_space<vmem>>, vector<16xf32>,
        %get3A_766 = vector.shape_cast %get3A_765 : vector<16xf32> to vector<16xf32>
        %add3A_767 = arith.addf %get3A_761, %get3A_766 : vector<16xf32>
        %swap3A_768 = arith.index_cast %add3A_704 : i32 to index
        %swap3A_769 = arith.constant 48 : index
        %swap3A_770 = tpu.vector_load %arg12[%swap3A_768, %swap3A_769] {strides = array<i32>} : memref<80x64xf32, #tpu.memory_space<vmem>>, vector<1x16xf32>,
        %swap3A_771 = vector.shape_cast %swap3A_770 : vector<1x16xf32> to vector<16xf32>
        %swap3A_772 = vector.shape_cast %add3A_767 : vector<16xf32> to vector<1x16xf32>
        tpu.vector_store %arg12[%swap3A_768, %swap3A_769], %swap3A_772 {strides = array<i32>} : memref<80x64xf32, #tpu.memory_space<vmem>>, vector<1x16xf32>,
      }
      %scan3A_134 = arith.constant 80 : i32
      %mul3A_135 = arith.constant 80 : i32
      %mul3A_136 = arith.muli %add3A_114, %mul3A_135 : i32
      %add3A_137 = arith.addi %mul3A_2, %mul3A_136 : i32
      %dma_start3A_138 = arith.constant 0 : i32
      %dma_start3A_139 = tpu.memref_slice %arg5[%add3A_137, %dma_start3A_138] : memref<819200x64xf32, #tpu.memory_space<hbm>> -> memref<80x64xf32, #tpu.memory_space<hbm>>
      %dma_start3A_140 = arith.constant 0 : i32
      %dma_start3A_141 = tpu.memref_slice %arg5[%add3A_137, %dma_start3A_140] : memref<819200x64xf32, #tpu.memory_space<hbm>> -> memref<80x64xf32, #tpu.memory_space<hbm>>
      tpu.enqueue_dma source(%arg12 : memref<80x64xf32, #tpu.memory_space<vmem>>) target(%dma_start3A_141 : memref<80x64xf32, #tpu.memory_space<hbm>>) target_semaphore(%arg18 : memref<!tpu.dma_semaphore, #tpu.memory_space<semaphore_mem>>)
      %add3A_142 = arith.constant 1 : i32
      %add3A_143 = arith.addi %add3A_41, %add3A_142 : i32
      %lt3A_144 = arith.constant 80 : i32
      %lt3A_145 = arith.cmpi slt, %add3A_143, %lt3A_144 : i32
      %convert_element_type3A_146 = arith.extui %lt3A_145 : i1 to i32
      %cond3A_147 = arith.constant 0 : i32
      %cond3A_148 = arith.cmpi ne, %convert_element_type3A_146, %cond3A_147 : i32
      scf.if %cond3A_148 {
        %add3A_187 = arith.constant 4 : i32
        %add3A_188 = arith.addi %add3A_114, %add3A_187 : i32
        %mul3A_189 = arith.constant 80 : i32
        %mul3A_190 = arith.muli %add3A_188, %mul3A_189 : i32
        %dma_start3A_191 = tpu.memref_slice %arg6[%mul3A_190] : memref<25600xi32, #tpu.memory_space<vmem>> -> memref<80xi32, #tpu.memory_space<vmem>>
        %dma_start3A_192 = arith.constant 0 : i32
        %dma_start3A_193 = arith.constant 0 : i32
        %dma_start3A_194 = tpu.memref_slice %arg3[%dma_start3A_192, %dma_start3A_193] : memref<100000x128xf32, #tpu.memory_space<hbm>> -> memref<100000x128xf32, #tpu.memory_space<hbm>>
        tpu.enqueue_indirect_dma source(%dma_start3A_194 : memref<100000x128xf32, #tpu.memory_space<hbm>>) target(%arg10 : memref<80x128xf32, #tpu.memory_space<vmem>>) offsets(%dma_start3A_191 : memref<80xi32, #tpu.memory_space<vmem>>) semaphore(%arg16 : memref<!tpu.dma_semaphore, #tpu.memory_space<semaphore_mem>>)
      } else {
      }
      %mul3A_149 = arith.constant 4 : i32
      %mul3A_150 = arith.muli %add3A_41, %mul3A_149 : i32
      %add3A_151 = arith.constant 3 : i32
      %add3A_152 = arith.addi %mul3A_150, %add3A_151 : i32
      %dma_wait3A_153 = arith.constant 0 : i32
      %dma_wait3A_154 = tpu.memref_slice %arg6[%dma_wait3A_153] : memref<25600xi32, #tpu.memory_space<vmem>> -> memref<80xi32, #tpu.memory_space<vmem>>
      %dma_wait3A_155 = arith.constant 0 : i32
      %dma_wait3A_156 = arith.constant 0 : i32
      %dma_wait3A_157 = tpu.memref_slice %arg3[%dma_wait3A_155, %dma_wait3A_156] : memref<100000x128xf32, #tpu.memory_space<hbm>> -> memref<100000x128xf32, #tpu.memory_space<hbm>>
      tpu.wait_indirect_dma semaphore(%arg17 : memref<!tpu.dma_semaphore, #tpu.memory_space<semaphore_mem>>) src(%dma_wait3A_157 : memref<100000x128xf32, #tpu.memory_space<hbm>>) dst(%arg11 : memref<80x128xf32, #tpu.memory_space<vmem>>)
      %dma_wait3A_158 = arith.constant 0 : i32
      %dma_wait3A_159 = arith.constant 0 : i32
      %dma_wait3A_160 = tpu.memref_slice %arg5[%dma_wait3A_158, %dma_wait3A_159] : memref<819200x64xf32, #tpu.memory_space<hbm>> -> memref<80x64xf32, #tpu.memory_space<hbm>>
      %dma_wait3A_161 = arith.constant 0 : i32
      %dma_wait3A_162 = arith.constant 0 : i32
      %dma_wait3A_163 = tpu.memref_slice %arg5[%dma_wait3A_161, %dma_wait3A_162] : memref<819200x64xf32, #tpu.memory_space<hbm>> -> memref<80x64xf32, #tpu.memory_space<hbm>>
      tpu.wait_dma2 semaphore(%arg19 : memref<!tpu.dma_semaphore, #tpu.memory_space<semaphore_mem>>) src(%arg13 : memref<80x64xf32, #tpu.memory_space<vmem>>) dst(%dma_wait3A_163 : memref<80x64xf32, #tpu.memory_space<hbm>>)
      %mul3A_164 = arith.constant 80 : i32
      %mul3A_165 = arith.muli %add3A_152, %mul3A_164 : i32
      %rem3A_166 = arith.constant 200 : i32
      %rem3A_167 = arith.remsi %mul3A_165, %rem3A_166 : i32
      %scan3A_168 = arith.constant 0 : i32
      %scan3A_169 = arith.constant 80 : i32
      %scan3A_170 = arith.addi %scan3A_168, %scan3A_169 : i32
      %scan3A_171 = arith.constant 8 : i32
      scf.for %scan3A_187 = %scan3A_168 to %scan3A_170 step %scan3A_171  : i32 {
        %mul3A_188 = arith.constant 1 : i32
        %mul3A_189 = arith.muli %scan3A_187, %mul3A_188 : i32
        %add3A_190 = arith.constant 0 : i32
        %add3A_191 = arith.addi %add3A_190, %mul3A_189 : i32
        %add3A_192 = arith.addi %rem3A_167, %add3A_191 : i32
        %ge3A = arith.constant 200 : i32
        %ge3A_193 = arith.cmpi sge, %add3A_192, %ge3A : i32
        %sub3A = arith.constant 200 : i32
        %sub3A_194 = arith.subi %add3A_192, %sub3A : i32
        %select_n3A = arith.select %ge3A_193, %sub3A_194, %add3A_192 : i32
        %mul3A_195 = arith.constant 64 : i32
        %mul3A_196 = arith.muli %select_n3A, %mul3A_195 : i32
        %get3A = arith.index_cast %add3A_191 : i32 to index
        %get3A_197 = arith.constant 0 : index
        %get3A_198 = tpu.vector_load %arg11[%get3A, %get3A_197] {strides = array<i32>} : memref<80x128xf32, #tpu.memory_space<vmem>>, vector<1x16xf32>,
        %get3A_199 = vector.shape_cast %get3A_198 : vector<1x16xf32> to vector<16xf32>
        %add3A_200 = arith.constant 0 : i32
        %add3A_201 = arith.addi %mul3A_196, %add3A_200 : i32
        %get3A_202 = arith.index_cast %add3A_201 : i32 to index
        %get3A_203 = tpu.vector_load %arg7[%get3A_202] {strides = array<i32>} : memref<12800xf32, #tpu.memory_space<vmem>>, vector<16xf32>,
        %get3A_204 = vector.shape_cast %get3A_203 : vector<16xf32> to vector<16xf32>
        %add3A_205 = arith.addf %get3A_199, %get3A_204 : vector<16xf32>
        %swap3A = arith.index_cast %add3A_191 : i32 to index
        %swap3A_206 = arith.constant 0 : index
        %swap3A_207 = tpu.vector_load %arg13[%swap3A, %swap3A_206] {strides = array<i32>} : memref<80x64xf32, #tpu.memory_space<vmem>>, vector<1x16xf32>,
        %swap3A_208 = vector.shape_cast %swap3A_207 : vector<1x16xf32> to vector<16xf32>
        %swap3A_209 = vector.shape_cast %add3A_205 : vector<16xf32> to vector<1x16xf32>
        tpu.vector_store %arg13[%swap3A, %swap3A_206], %swap3A_209 {strides = array<i32>} : memref<80x64xf32, #tpu.memory_space<vmem>>, vector<1x16xf32>,
        %get3A_210 = arith.index_cast %add3A_191 : i32 to index
        %get3A_211 = arith.constant 16 : index
        %get3A_212 = tpu.vector_load %arg11[%get3A_210, %get3A_211] {strides = array<i32>} : memref<80x128xf32, #tpu.memory_space<vmem>>, vector<1x16xf32>,
        %get3A_213 = vector.shape_cast %get3A_212 : vector<1x16xf32> to vector<16xf32>
        %add3A_214 = arith.constant 16 : i32
        %add3A_215 = arith.addi %mul3A_196, %add3A_214 : i32
        %get3A_216 = arith.index_cast %add3A_215 : i32 to index
        %get3A_217 = tpu.vector_load %arg7[%get3A_216] {strides = array<i32>} : memref<12800xf32, #tpu.memory_space<vmem>>, vector<16xf32>,
        %get3A_218 = vector.shape_cast %get3A_217 : vector<16xf32> to vector<16xf32>
        %add3A_219 = arith.addf %get3A_213, %get3A_218 : vector<16xf32>
        %swap3A_220 = arith.index_cast %add3A_191 : i32 to index
        %swap3A_221 = arith.constant 16 : index
        %swap3A_222 = tpu.vector_load %arg13[%swap3A_220, %swap3A_221] {strides = array<i32>} : memref<80x64xf32, #tpu.memory_space<vmem>>, vector<1x16xf32>,
        %swap3A_223 = vector.shape_cast %swap3A_222 : vector<1x16xf32> to vector<16xf32>
        %swap3A_224 = vector.shape_cast %add3A_219 : vector<16xf32> to vector<1x16xf32>
        tpu.vector_store %arg13[%swap3A_220, %swap3A_221], %swap3A_224 {strides = array<i32>} : memref<80x64xf32, #tpu.memory_space<vmem>>, vector<1x16xf32>,
        %get3A_225 = arith.index_cast %add3A_191 : i32 to index
        %get3A_226 = arith.constant 32 : index
        %get3A_227 = tpu.vector_load %arg11[%get3A_225, %get3A_226] {strides = array<i32>} : memref<80x128xf32, #tpu.memory_space<vmem>>, vector<1x16xf32>,
        %get3A_228 = vector.shape_cast %get3A_227 : vector<1x16xf32> to vector<16xf32>
        %add3A_229 = arith.constant 32 : i32
        %add3A_230 = arith.addi %mul3A_196, %add3A_229 : i32
        %get3A_231 = arith.index_cast %add3A_230 : i32 to index
        %get3A_232 = tpu.vector_load %arg7[%get3A_231] {strides = array<i32>} : memref<12800xf32, #tpu.memory_space<vmem>>, vector<16xf32>,
        %get3A_233 = vector.shape_cast %get3A_232 : vector<16xf32> to vector<16xf32>
        %add3A_234 = arith.addf %get3A_228, %get3A_233 : vector<16xf32>
        %swap3A_235 = arith.index_cast %add3A_191 : i32 to index
        %swap3A_236 = arith.constant 32 : index
        %swap3A_237 = tpu.vector_load %arg13[%swap3A_235, %swap3A_236] {strides = array<i32>} : memref<80x64xf32, #tpu.memory_space<vmem>>, vector<1x16xf32>,
        %swap3A_238 = vector.shape_cast %swap3A_237 : vector<1x16xf32> to vector<16xf32>
        %swap3A_239 = vector.shape_cast %add3A_234 : vector<16xf32> to vector<1x16xf32>
        tpu.vector_store %arg13[%swap3A_235, %swap3A_236], %swap3A_239 {strides = array<i32>} : memref<80x64xf32, #tpu.memory_space<vmem>>, vector<1x16xf32>,
        %get3A_240 = arith.index_cast %add3A_191 : i32 to index
        %get3A_241 = arith.constant 48 : index
        %get3A_242 = tpu.vector_load %arg11[%get3A_240, %get3A_241] {strides = array<i32>} : memref<80x128xf32, #tpu.memory_space<vmem>>, vector<1x16xf32>,
        %get3A_243 = vector.shape_cast %get3A_242 : vector<1x16xf32> to vector<16xf32>
        %add3A_244 = arith.constant 48 : i32
        %add3A_245 = arith.addi %mul3A_196, %add3A_244 : i32
        %get3A_246 = arith.index_cast %add3A_245 : i32 to index
        %get3A_247 = tpu.vector_load %arg7[%get3A_246] {strides = array<i32>} : memref<12800xf32, #tpu.memory_space<vmem>>, vector<16xf32>,
        %get3A_248 = vector.shape_cast %get3A_247 : vector<16xf32> to vector<16xf32>
        %add3A_249 = arith.addf %get3A_243, %get3A_248 : vector<16xf32>
        %swap3A_250 = arith.index_cast %add3A_191 : i32 to index
        %swap3A_251 = arith.constant 48 : index
        %swap3A_252 = tpu.vector_load %arg13[%swap3A_250, %swap3A_251] {strides = array<i32>} : memref<80x64xf32, #tpu.memory_space<vmem>>, vector<1x16xf32>,
        %swap3A_253 = vector.shape_cast %swap3A_252 : vector<1x16xf32> to vector<16xf32>
        %swap3A_254 = vector.shape_cast %add3A_249 : vector<16xf32> to vector<1x16xf32>
        tpu.vector_store %arg13[%swap3A_250, %swap3A_251], %swap3A_254 {strides = array<i32>} : memref<80x64xf32, #tpu.memory_space<vmem>>, vector<1x16xf32>,
        %scan3A_255 = arith.constant 1 : i32
        %scan3A_256 = arith.addi %scan3A_187, %scan3A_255 : i32
        %mul3A_257 = arith.constant 1 : i32
        %mul3A_258 = arith.muli %scan3A_256, %mul3A_257 : i32
        %add3A_259 = arith.constant 0 : i32
        %add3A_260 = arith.addi %add3A_259, %mul3A_258 : i32
        %add3A_261 = arith.addi %rem3A_167, %add3A_260 : i32
        %ge3A_262 = arith.constant 200 : i32
        %ge3A_263 = arith.cmpi sge, %add3A_261, %ge3A_262 : i32
        %sub3A_264 = arith.constant 200 : i32
        %sub3A_265 = arith.subi %add3A_261, %sub3A_264 : i32
        %select_n3A_266 = arith.select %ge3A_263, %sub3A_265, %add3A_261 : i32
        %mul3A_267 = arith.constant 64 : i32
        %mul3A_268 = arith.muli %select_n3A_266, %mul3A_267 : i32
        %get3A_269 = arith.index_cast %add3A_260 : i32 to index
        %get3A_270 = arith.constant 0 : index
        %get3A_271 = tpu.vector_load %arg11[%get3A_269, %get3A_270] {strides = array<i32>} : memref<80x128xf32, #tpu.memory_space<vmem>>, vector<1x16xf32>,
        %get3A_272 = vector.shape_cast %get3A_271 : vector<1x16xf32> to vector<16xf32>
        %add3A_273 = arith.constant 0 : i32
        %add3A_274 = arith.addi %mul3A_268, %add3A_273 : i32
        %get3A_275 = arith.index_cast %add3A_274 : i32 to index
        %get3A_276 = tpu.vector_load %arg7[%get3A_275] {strides = array<i32>} : memref<12800xf32, #tpu.memory_space<vmem>>, vector<16xf32>,
        %get3A_277 = vector.shape_cast %get3A_276 : vector<16xf32> to vector<16xf32>
        %add3A_278 = arith.addf %get3A_272, %get3A_277 : vector<16xf32>
        %swap3A_279 = arith.index_cast %add3A_260 : i32 to index
        %swap3A_280 = arith.constant 0 : index
        %swap3A_281 = tpu.vector_load %arg13[%swap3A_279, %swap3A_280] {strides = array<i32>} : memref<80x64xf32, #tpu.memory_space<vmem>>, vector<1x16xf32>,
        %swap3A_282 = vector.shape_cast %swap3A_281 : vector<1x16xf32> to vector<16xf32>
        %swap3A_283 = vector.shape_cast %add3A_278 : vector<16xf32> to vector<1x16xf32>
        tpu.vector_store %arg13[%swap3A_279, %swap3A_280], %swap3A_283 {strides = array<i32>} : memref<80x64xf32, #tpu.memory_space<vmem>>, vector<1x16xf32>,
        %get3A_284 = arith.index_cast %add3A_260 : i32 to index
        %get3A_285 = arith.constant 16 : index
        %get3A_286 = tpu.vector_load %arg11[%get3A_284, %get3A_285] {strides = array<i32>} : memref<80x128xf32, #tpu.memory_space<vmem>>, vector<1x16xf32>,
        %get3A_287 = vector.shape_cast %get3A_286 : vector<1x16xf32> to vector<16xf32>
        %add3A_288 = arith.constant 16 : i32
        %add3A_289 = arith.addi %mul3A_268, %add3A_288 : i32
        %get3A_290 = arith.index_cast %add3A_289 : i32 to index
        %get3A_291 = tpu.vector_load %arg7[%get3A_290] {strides = array<i32>} : memref<12800xf32, #tpu.memory_space<vmem>>, vector<16xf32>,
        %get3A_292 = vector.shape_cast %get3A_291 : vector<16xf32> to vector<16xf32>
        %add3A_293 = arith.addf %get3A_287, %get3A_292 : vector<16xf32>
        %swap3A_294 = arith.index_cast %add3A_260 : i32 to index
        %swap3A_295 = arith.constant 16 : index
        %swap3A_296 = tpu.vector_load %arg13[%swap3A_294, %swap3A_295] {strides = array<i32>} : memref<80x64xf32, #tpu.memory_space<vmem>>, vector<1x16xf32>,
        %swap3A_297 = vector.shape_cast %swap3A_296 : vector<1x16xf32> to vector<16xf32>
        %swap3A_298 = vector.shape_cast %add3A_293 : vector<16xf32> to vector<1x16xf32>
        tpu.vector_store %arg13[%swap3A_294, %swap3A_295], %swap3A_298 {strides = array<i32>} : memref<80x64xf32, #tpu.memory_space<vmem>>, vector<1x16xf32>,
        %get3A_299 = arith.index_cast %add3A_260 : i32 to index
        %get3A_300 = arith.constant 32 : index
        %get3A_301 = tpu.vector_load %arg11[%get3A_299, %get3A_300] {strides = array<i32>} : memref<80x128xf32, #tpu.memory_space<vmem>>, vector<1x16xf32>,
        %get3A_302 = vector.shape_cast %get3A_301 : vector<1x16xf32> to vector<16xf32>
        %add3A_303 = arith.constant 32 : i32
        %add3A_304 = arith.addi %mul3A_268, %add3A_303 : i32
        %get3A_305 = arith.index_cast %add3A_304 : i32 to index
        %get3A_306 = tpu.vector_load %arg7[%get3A_305] {strides = array<i32>} : memref<12800xf32, #tpu.memory_space<vmem>>, vector<16xf32>,
        %get3A_307 = vector.shape_cast %get3A_306 : vector<16xf32> to vector<16xf32>
        %add3A_308 = arith.addf %get3A_302, %get3A_307 : vector<16xf32>
        %swap3A_309 = arith.index_cast %add3A_260 : i32 to index
        %swap3A_310 = arith.constant 32 : index
        %swap3A_311 = tpu.vector_load %arg13[%swap3A_309, %swap3A_310] {strides = array<i32>} : memref<80x64xf32, #tpu.memory_space<vmem>>, vector<1x16xf32>,
        %swap3A_312 = vector.shape_cast %swap3A_311 : vector<1x16xf32> to vector<16xf32>
        %swap3A_313 = vector.shape_cast %add3A_308 : vector<16xf32> to vector<1x16xf32>
        tpu.vector_store %arg13[%swap3A_309, %swap3A_310], %swap3A_313 {strides = array<i32>} : memref<80x64xf32, #tpu.memory_space<vmem>>, vector<1x16xf32>,
        %get3A_314 = arith.index_cast %add3A_260 : i32 to index
        %get3A_315 = arith.constant 48 : index
        %get3A_316 = tpu.vector_load %arg11[%get3A_314, %get3A_315] {strides = array<i32>} : memref<80x128xf32, #tpu.memory_space<vmem>>, vector<1x16xf32>,
        %get3A_317 = vector.shape_cast %get3A_316 : vector<1x16xf32> to vector<16xf32>
        %add3A_318 = arith.constant 48 : i32
        %add3A_319 = arith.addi %mul3A_268, %add3A_318 : i32
        %get3A_320 = arith.index_cast %add3A_319 : i32 to index
        %get3A_321 = tpu.vector_load %arg7[%get3A_320] {strides = array<i32>} : memref<12800xf32, #tpu.memory_space<vmem>>, vector<16xf32>,
        %get3A_322 = vector.shape_cast %get3A_321 : vector<16xf32> to vector<16xf32>
        %add3A_323 = arith.addf %get3A_317, %get3A_322 : vector<16xf32>
        %swap3A_324 = arith.index_cast %add3A_260 : i32 to index
        %swap3A_325 = arith.constant 48 : index
        %swap3A_326 = tpu.vector_load %arg13[%swap3A_324, %swap3A_325] {strides = array<i32>} : memref<80x64xf32, #tpu.memory_space<vmem>>, vector<1x16xf32>,
        %swap3A_327 = vector.shape_cast %swap3A_326 : vector<1x16xf32> to vector<16xf32>
        %swap3A_328 = vector.shape_cast %add3A_323 : vector<16xf32> to vector<1x16xf32>
        tpu.vector_store %arg13[%swap3A_324, %swap3A_325], %swap3A_328 {strides = array<i32>} : memref<80x64xf32, #tpu.memory_space<vmem>>, vector<1x16xf32>,
        %scan3A_329 = arith.constant 2 : i32
        %scan3A_330 = arith.addi %scan3A_187, %scan3A_329 : i32
        %mul3A_331 = arith.constant 1 : i32
        %mul3A_332 = arith.muli %scan3A_330, %mul3A_331 : i32
        %add3A_333 = arith.constant 0 : i32
        %add3A_334 = arith.addi %add3A_333, %mul3A_332 : i32
        %add3A_335 = arith.addi %rem3A_167, %add3A_334 : i32
        %ge3A_336 = arith.constant 200 : i32
        %ge3A_337 = arith.cmpi sge, %add3A_335, %ge3A_336 : i32
        %sub3A_338 = arith.constant 200 : i32
        %sub3A_339 = arith.subi %add3A_335, %sub3A_338 : i32
        %select_n3A_340 = arith.select %ge3A_337, %sub3A_339, %add3A_335 : i32
        %mul3A_341 = arith.constant 64 : i32
        %mul3A_342 = arith.muli %select_n3A_340, %mul3A_341 : i32
        %get3A_343 = arith.index_cast %add3A_334 : i32 to index
        %get3A_344 = arith.constant 0 : index
        %get3A_345 = tpu.vector_load %arg11[%get3A_343, %get3A_344] {strides = array<i32>} : memref<80x128xf32, #tpu.memory_space<vmem>>, vector<1x16xf32>,
        %get3A_346 = vector.shape_cast %get3A_345 : vector<1x16xf32> to vector<16xf32>
        %add3A_347 = arith.constant 0 : i32
        %add3A_348 = arith.addi %mul3A_342, %add3A_347 : i32
        %get3A_349 = arith.index_cast %add3A_348 : i32 to index
        %get3A_350 = tpu.vector_load %arg7[%get3A_349] {strides = array<i32>} : memref<12800xf32, #tpu.memory_space<vmem>>, vector<16xf32>,
        %get3A_351 = vector.shape_cast %get3A_350 : vector<16xf32> to vector<16xf32>
        %add3A_352 = arith.addf %get3A_346, %get3A_351 : vector<16xf32>
        %swap3A_353 = arith.index_cast %add3A_334 : i32 to index
        %swap3A_354 = arith.constant 0 : index
        %swap3A_355 = tpu.vector_load %arg13[%swap3A_353, %swap3A_354] {strides = array<i32>} : memref<80x64xf32, #tpu.memory_space<vmem>>, vector<1x16xf32>,
        %swap3A_356 = vector.shape_cast %swap3A_355 : vector<1x16xf32> to vector<16xf32>
        %swap3A_357 = vector.shape_cast %add3A_352 : vector<16xf32> to vector<1x16xf32>
        tpu.vector_store %arg13[%swap3A_353, %swap3A_354], %swap3A_357 {strides = array<i32>} : memref<80x64xf32, #tpu.memory_space<vmem>>, vector<1x16xf32>,
        %get3A_358 = arith.index_cast %add3A_334 : i32 to index
        %get3A_359 = arith.constant 16 : index
        %get3A_360 = tpu.vector_load %arg11[%get3A_358, %get3A_359] {strides = array<i32>} : memref<80x128xf32, #tpu.memory_space<vmem>>, vector<1x16xf32>,
        %get3A_361 = vector.shape_cast %get3A_360 : vector<1x16xf32> to vector<16xf32>
        %add3A_362 = arith.constant 16 : i32
        %add3A_363 = arith.addi %mul3A_342, %add3A_362 : i32
        %get3A_364 = arith.index_cast %add3A_363 : i32 to index
        %get3A_365 = tpu.vector_load %arg7[%get3A_364] {strides = array<i32>} : memref<12800xf32, #tpu.memory_space<vmem>>, vector<16xf32>,
        %get3A_366 = vector.shape_cast %get3A_365 : vector<16xf32> to vector<16xf32>
        %add3A_367 = arith.addf %get3A_361, %get3A_366 : vector<16xf32>
        %swap3A_368 = arith.index_cast %add3A_334 : i32 to index
        %swap3A_369 = arith.constant 16 : index
        %swap3A_370 = tpu.vector_load %arg13[%swap3A_368, %swap3A_369] {strides = array<i32>} : memref<80x64xf32, #tpu.memory_space<vmem>>, vector<1x16xf32>,
        %swap3A_371 = vector.shape_cast %swap3A_370 : vector<1x16xf32> to vector<16xf32>
        %swap3A_372 = vector.shape_cast %add3A_367 : vector<16xf32> to vector<1x16xf32>
        tpu.vector_store %arg13[%swap3A_368, %swap3A_369], %swap3A_372 {strides = array<i32>} : memref<80x64xf32, #tpu.memory_space<vmem>>, vector<1x16xf32>,
        %get3A_373 = arith.index_cast %add3A_334 : i32 to index
        %get3A_374 = arith.constant 32 : index
        %get3A_375 = tpu.vector_load %arg11[%get3A_373, %get3A_374] {strides = array<i32>} : memref<80x128xf32, #tpu.memory_space<vmem>>, vector<1x16xf32>,
        %get3A_376 = vector.shape_cast %get3A_375 : vector<1x16xf32> to vector<16xf32>
        %add3A_377 = arith.constant 32 : i32
        %add3A_378 = arith.addi %mul3A_342, %add3A_377 : i32
        %get3A_379 = arith.index_cast %add3A_378 : i32 to index
        %get3A_380 = tpu.vector_load %arg7[%get3A_379] {strides = array<i32>} : memref<12800xf32, #tpu.memory_space<vmem>>, vector<16xf32>,
        %get3A_381 = vector.shape_cast %get3A_380 : vector<16xf32> to vector<16xf32>
        %add3A_382 = arith.addf %get3A_376, %get3A_381 : vector<16xf32>
        %swap3A_383 = arith.index_cast %add3A_334 : i32 to index
        %swap3A_384 = arith.constant 32 : index
        %swap3A_385 = tpu.vector_load %arg13[%swap3A_383, %swap3A_384] {strides = array<i32>} : memref<80x64xf32, #tpu.memory_space<vmem>>, vector<1x16xf32>,
        %swap3A_386 = vector.shape_cast %swap3A_385 : vector<1x16xf32> to vector<16xf32>
        %swap3A_387 = vector.shape_cast %add3A_382 : vector<16xf32> to vector<1x16xf32>
        tpu.vector_store %arg13[%swap3A_383, %swap3A_384], %swap3A_387 {strides = array<i32>} : memref<80x64xf32, #tpu.memory_space<vmem>>, vector<1x16xf32>,
        %get3A_388 = arith.index_cast %add3A_334 : i32 to index
        %get3A_389 = arith.constant 48 : index
        %get3A_390 = tpu.vector_load %arg11[%get3A_388, %get3A_389] {strides = array<i32>} : memref<80x128xf32, #tpu.memory_space<vmem>>, vector<1x16xf32>,
        %get3A_391 = vector.shape_cast %get3A_390 : vector<1x16xf32> to vector<16xf32>
        %add3A_392 = arith.constant 48 : i32
        %add3A_393 = arith.addi %mul3A_342, %add3A_392 : i32
        %get3A_394 = arith.index_cast %add3A_393 : i32 to index
        %get3A_395 = tpu.vector_load %arg7[%get3A_394] {strides = array<i32>} : memref<12800xf32, #tpu.memory_space<vmem>>, vector<16xf32>,
        %get3A_396 = vector.shape_cast %get3A_395 : vector<16xf32> to vector<16xf32>
        %add3A_397 = arith.addf %get3A_391, %get3A_396 : vector<16xf32>
        %swap3A_398 = arith.index_cast %add3A_334 : i32 to index
        %swap3A_399 = arith.constant 48 : index
        %swap3A_400 = tpu.vector_load %arg13[%swap3A_398, %swap3A_399] {strides = array<i32>} : memref<80x64xf32, #tpu.memory_space<vmem>>, vector<1x16xf32>,
        %swap3A_401 = vector.shape_cast %swap3A_400 : vector<1x16xf32> to vector<16xf32>
        %swap3A_402 = vector.shape_cast %add3A_397 : vector<16xf32> to vector<1x16xf32>
        tpu.vector_store %arg13[%swap3A_398, %swap3A_399], %swap3A_402 {strides = array<i32>} : memref<80x64xf32, #tpu.memory_space<vmem>>, vector<1x16xf32>,
        %scan3A_403 = arith.constant 3 : i32
        %scan3A_404 = arith.addi %scan3A_187, %scan3A_403 : i32
        %mul3A_405 = arith.constant 1 : i32
        %mul3A_406 = arith.muli %scan3A_404, %mul3A_405 : i32
        %add3A_407 = arith.constant 0 : i32
        %add3A_408 = arith.addi %add3A_407, %mul3A_406 : i32
        %add3A_409 = arith.addi %rem3A_167, %add3A_408 : i32
        %ge3A_410 = arith.constant 200 : i32
        %ge3A_411 = arith.cmpi sge, %add3A_409, %ge3A_410 : i32
        %sub3A_412 = arith.constant 200 : i32
        %sub3A_413 = arith.subi %add3A_409, %sub3A_412 : i32
        %select_n3A_414 = arith.select %ge3A_411, %sub3A_413, %add3A_409 : i32
        %mul3A_415 = arith.constant 64 : i32
        %mul3A_416 = arith.muli %select_n3A_414, %mul3A_415 : i32
        %get3A_417 = arith.index_cast %add3A_408 : i32 to index
        %get3A_418 = arith.constant 0 : index
        %get3A_419 = tpu.vector_load %arg11[%get3A_417, %get3A_418] {strides = array<i32>} : memref<80x128xf32, #tpu.memory_space<vmem>>, vector<1x16xf32>,
        %get3A_420 = vector.shape_cast %get3A_419 : vector<1x16xf32> to vector<16xf32>
        %add3A_421 = arith.constant 0 : i32
        %add3A_422 = arith.addi %mul3A_416, %add3A_421 : i32
        %get3A_423 = arith.index_cast %add3A_422 : i32 to index
        %get3A_424 = tpu.vector_load %arg7[%get3A_423] {strides = array<i32>} : memref<12800xf32, #tpu.memory_space<vmem>>, vector<16xf32>,
        %get3A_425 = vector.shape_cast %get3A_424 : vector<16xf32> to vector<16xf32>
        %add3A_426 = arith.addf %get3A_420, %get3A_425 : vector<16xf32>
        %swap3A_427 = arith.index_cast %add3A_408 : i32 to index
        %swap3A_428 = arith.constant 0 : index
        %swap3A_429 = tpu.vector_load %arg13[%swap3A_427, %swap3A_428] {strides = array<i32>} : memref<80x64xf32, #tpu.memory_space<vmem>>, vector<1x16xf32>,
        %swap3A_430 = vector.shape_cast %swap3A_429 : vector<1x16xf32> to vector<16xf32>
        %swap3A_431 = vector.shape_cast %add3A_426 : vector<16xf32> to vector<1x16xf32>
        tpu.vector_store %arg13[%swap3A_427, %swap3A_428], %swap3A_431 {strides = array<i32>} : memref<80x64xf32, #tpu.memory_space<vmem>>, vector<1x16xf32>,
        %get3A_432 = arith.index_cast %add3A_408 : i32 to index
        %get3A_433 = arith.constant 16 : index
        %get3A_434 = tpu.vector_load %arg11[%get3A_432, %get3A_433] {strides = array<i32>} : memref<80x128xf32, #tpu.memory_space<vmem>>, vector<1x16xf32>,
        %get3A_435 = vector.shape_cast %get3A_434 : vector<1x16xf32> to vector<16xf32>
        %add3A_436 = arith.constant 16 : i32
        %add3A_437 = arith.addi %mul3A_416, %add3A_436 : i32
        %get3A_438 = arith.index_cast %add3A_437 : i32 to index
        %get3A_439 = tpu.vector_load %arg7[%get3A_438] {strides = array<i32>} : memref<12800xf32, #tpu.memory_space<vmem>>, vector<16xf32>,
        %get3A_440 = vector.shape_cast %get3A_439 : vector<16xf32> to vector<16xf32>
        %add3A_441 = arith.addf %get3A_435, %get3A_440 : vector<16xf32>
        %swap3A_442 = arith.index_cast %add3A_408 : i32 to index
        %swap3A_443 = arith.constant 16 : index
        %swap3A_444 = tpu.vector_load %arg13[%swap3A_442, %swap3A_443] {strides = array<i32>} : memref<80x64xf32, #tpu.memory_space<vmem>>, vector<1x16xf32>,
        %swap3A_445 = vector.shape_cast %swap3A_444 : vector<1x16xf32> to vector<16xf32>
        %swap3A_446 = vector.shape_cast %add3A_441 : vector<16xf32> to vector<1x16xf32>
        tpu.vector_store %arg13[%swap3A_442, %swap3A_443], %swap3A_446 {strides = array<i32>} : memref<80x64xf32, #tpu.memory_space<vmem>>, vector<1x16xf32>,
        %get3A_447 = arith.index_cast %add3A_408 : i32 to index
        %get3A_448 = arith.constant 32 : index
        %get3A_449 = tpu.vector_load %arg11[%get3A_447, %get3A_448] {strides = array<i32>} : memref<80x128xf32, #tpu.memory_space<vmem>>, vector<1x16xf32>,
        %get3A_450 = vector.shape_cast %get3A_449 : vector<1x16xf32> to vector<16xf32>
        %add3A_451 = arith.constant 32 : i32
        %add3A_452 = arith.addi %mul3A_416, %add3A_451 : i32
        %get3A_453 = arith.index_cast %add3A_452 : i32 to index
        %get3A_454 = tpu.vector_load %arg7[%get3A_453] {strides = array<i32>} : memref<12800xf32, #tpu.memory_space<vmem>>, vector<16xf32>,
        %get3A_455 = vector.shape_cast %get3A_454 : vector<16xf32> to vector<16xf32>
        %add3A_456 = arith.addf %get3A_450, %get3A_455 : vector<16xf32>
        %swap3A_457 = arith.index_cast %add3A_408 : i32 to index
        %swap3A_458 = arith.constant 32 : index
        %swap3A_459 = tpu.vector_load %arg13[%swap3A_457, %swap3A_458] {strides = array<i32>} : memref<80x64xf32, #tpu.memory_space<vmem>>, vector<1x16xf32>,
        %swap3A_460 = vector.shape_cast %swap3A_459 : vector<1x16xf32> to vector<16xf32>
        %swap3A_461 = vector.shape_cast %add3A_456 : vector<16xf32> to vector<1x16xf32>
        tpu.vector_store %arg13[%swap3A_457, %swap3A_458], %swap3A_461 {strides = array<i32>} : memref<80x64xf32, #tpu.memory_space<vmem>>, vector<1x16xf32>,
        %get3A_462 = arith.index_cast %add3A_408 : i32 to index
        %get3A_463 = arith.constant 48 : index
        %get3A_464 = tpu.vector_load %arg11[%get3A_462, %get3A_463] {strides = array<i32>} : memref<80x128xf32, #tpu.memory_space<vmem>>, vector<1x16xf32>,
        %get3A_465 = vector.shape_cast %get3A_464 : vector<1x16xf32> to vector<16xf32>
        %add3A_466 = arith.constant 48 : i32
        %add3A_467 = arith.addi %mul3A_416, %add3A_466 : i32
        %get3A_468 = arith.index_cast %add3A_467 : i32 to index
        %get3A_469 = tpu.vector_load %arg7[%get3A_468] {strides = array<i32>} : memref<12800xf32, #tpu.memory_space<vmem>>, vector<16xf32>,
        %get3A_470 = vector.shape_cast %get3A_469 : vector<16xf32> to vector<16xf32>
        %add3A_471 = arith.addf %get3A_465, %get3A_470 : vector<16xf32>
        %swap3A_472 = arith.index_cast %add3A_408 : i32 to index
        %swap3A_473 = arith.constant 48 : index
        %swap3A_474 = tpu.vector_load %arg13[%swap3A_472, %swap3A_473] {strides = array<i32>} : memref<80x64xf32, #tpu.memory_space<vmem>>, vector<1x16xf32>,
        %swap3A_475 = vector.shape_cast %swap3A_474 : vector<1x16xf32> to vector<16xf32>
        %swap3A_476 = vector.shape_cast %add3A_471 : vector<16xf32> to vector<1x16xf32>
        tpu.vector_store %arg13[%swap3A_472, %swap3A_473], %swap3A_476 {strides = array<i32>} : memref<80x64xf32, #tpu.memory_space<vmem>>, vector<1x16xf32>,
        %scan3A_477 = arith.constant 4 : i32
        %scan3A_478 = arith.addi %scan3A_187, %scan3A_477 : i32
        %mul3A_479 = arith.constant 1 : i32
        %mul3A_480 = arith.muli %scan3A_478, %mul3A_479 : i32
        %add3A_481 = arith.constant 0 : i32
        %add3A_482 = arith.addi %add3A_481, %mul3A_480 : i32
        %add3A_483 = arith.addi %rem3A_167, %add3A_482 : i32
        %ge3A_484 = arith.constant 200 : i32
        %ge3A_485 = arith.cmpi sge, %add3A_483, %ge3A_484 : i32
        %sub3A_486 = arith.constant 200 : i32
        %sub3A_487 = arith.subi %add3A_483, %sub3A_486 : i32
        %select_n3A_488 = arith.select %ge3A_485, %sub3A_487, %add3A_483 : i32
        %mul3A_489 = arith.constant 64 : i32
        %mul3A_490 = arith.muli %select_n3A_488, %mul3A_489 : i32
        %get3A_491 = arith.index_cast %add3A_482 : i32 to index
        %get3A_492 = arith.constant 0 : index
        %get3A_493 = tpu.vector_load %arg11[%get3A_491, %get3A_492] {strides = array<i32>} : memref<80x128xf32, #tpu.memory_space<vmem>>, vector<1x16xf32>,
        %get3A_494 = vector.shape_cast %get3A_493 : vector<1x16xf32> to vector<16xf32>
        %add3A_495 = arith.constant 0 : i32
        %add3A_496 = arith.addi %mul3A_490, %add3A_495 : i32
        %get3A_497 = arith.index_cast %add3A_496 : i32 to index
        %get3A_498 = tpu.vector_load %arg7[%get3A_497] {strides = array<i32>} : memref<12800xf32, #tpu.memory_space<vmem>>, vector<16xf32>,
        %get3A_499 = vector.shape_cast %get3A_498 : vector<16xf32> to vector<16xf32>
        %add3A_500 = arith.addf %get3A_494, %get3A_499 : vector<16xf32>
        %swap3A_501 = arith.index_cast %add3A_482 : i32 to index
        %swap3A_502 = arith.constant 0 : index
        %swap3A_503 = tpu.vector_load %arg13[%swap3A_501, %swap3A_502] {strides = array<i32>} : memref<80x64xf32, #tpu.memory_space<vmem>>, vector<1x16xf32>,
        %swap3A_504 = vector.shape_cast %swap3A_503 : vector<1x16xf32> to vector<16xf32>
        %swap3A_505 = vector.shape_cast %add3A_500 : vector<16xf32> to vector<1x16xf32>
        tpu.vector_store %arg13[%swap3A_501, %swap3A_502], %swap3A_505 {strides = array<i32>} : memref<80x64xf32, #tpu.memory_space<vmem>>, vector<1x16xf32>,
        %get3A_506 = arith.index_cast %add3A_482 : i32 to index
        %get3A_507 = arith.constant 16 : index
        %get3A_508 = tpu.vector_load %arg11[%get3A_506, %get3A_507] {strides = array<i32>} : memref<80x128xf32, #tpu.memory_space<vmem>>, vector<1x16xf32>,
        %get3A_509 = vector.shape_cast %get3A_508 : vector<1x16xf32> to vector<16xf32>
        %add3A_510 = arith.constant 16 : i32
        %add3A_511 = arith.addi %mul3A_490, %add3A_510 : i32
        %get3A_512 = arith.index_cast %add3A_511 : i32 to index
        %get3A_513 = tpu.vector_load %arg7[%get3A_512] {strides = array<i32>} : memref<12800xf32, #tpu.memory_space<vmem>>, vector<16xf32>,
        %get3A_514 = vector.shape_cast %get3A_513 : vector<16xf32> to vector<16xf32>
        %add3A_515 = arith.addf %get3A_509, %get3A_514 : vector<16xf32>
        %swap3A_516 = arith.index_cast %add3A_482 : i32 to index
        %swap3A_517 = arith.constant 16 : index
        %swap3A_518 = tpu.vector_load %arg13[%swap3A_516, %swap3A_517] {strides = array<i32>} : memref<80x64xf32, #tpu.memory_space<vmem>>, vector<1x16xf32>,
        %swap3A_519 = vector.shape_cast %swap3A_518 : vector<1x16xf32> to vector<16xf32>
        %swap3A_520 = vector.shape_cast %add3A_515 : vector<16xf32> to vector<1x16xf32>
        tpu.vector_store %arg13[%swap3A_516, %swap3A_517], %swap3A_520 {strides = array<i32>} : memref<80x64xf32, #tpu.memory_space<vmem>>, vector<1x16xf32>,
        %get3A_521 = arith.index_cast %add3A_482 : i32 to index
        %get3A_522 = arith.constant 32 : index
        %get3A_523 = tpu.vector_load %arg11[%get3A_521, %get3A_522] {strides = array<i32>} : memref<80x128xf32, #tpu.memory_space<vmem>>, vector<1x16xf32>,
        %get3A_524 = vector.shape_cast %get3A_523 : vector<1x16xf32> to vector<16xf32>
        %add3A_525 = arith.constant 32 : i32
        %add3A_526 = arith.addi %mul3A_490, %add3A_525 : i32
        %get3A_527 = arith.index_cast %add3A_526 : i32 to index
        %get3A_528 = tpu.vector_load %arg7[%get3A_527] {strides = array<i32>} : memref<12800xf32, #tpu.memory_space<vmem>>, vector<16xf32>,
        %get3A_529 = vector.shape_cast %get3A_528 : vector<16xf32> to vector<16xf32>
        %add3A_530 = arith.addf %get3A_524, %get3A_529 : vector<16xf32>
        %swap3A_531 = arith.index_cast %add3A_482 : i32 to index
        %swap3A_532 = arith.constant 32 : index
        %swap3A_533 = tpu.vector_load %arg13[%swap3A_531, %swap3A_532] {strides = array<i32>} : memref<80x64xf32, #tpu.memory_space<vmem>>, vector<1x16xf32>,
        %swap3A_534 = vector.shape_cast %swap3A_533 : vector<1x16xf32> to vector<16xf32>
        %swap3A_535 = vector.shape_cast %add3A_530 : vector<16xf32> to vector<1x16xf32>
        tpu.vector_store %arg13[%swap3A_531, %swap3A_532], %swap3A_535 {strides = array<i32>} : memref<80x64xf32, #tpu.memory_space<vmem>>, vector<1x16xf32>,
        %get3A_536 = arith.index_cast %add3A_482 : i32 to index
        %get3A_537 = arith.constant 48 : index
        %get3A_538 = tpu.vector_load %arg11[%get3A_536, %get3A_537] {strides = array<i32>} : memref<80x128xf32, #tpu.memory_space<vmem>>, vector<1x16xf32>,
        %get3A_539 = vector.shape_cast %get3A_538 : vector<1x16xf32> to vector<16xf32>
        %add3A_540 = arith.constant 48 : i32
        %add3A_541 = arith.addi %mul3A_490, %add3A_540 : i32
        %get3A_542 = arith.index_cast %add3A_541 : i32 to index
        %get3A_543 = tpu.vector_load %arg7[%get3A_542] {strides = array<i32>} : memref<12800xf32, #tpu.memory_space<vmem>>, vector<16xf32>,
        %get3A_544 = vector.shape_cast %get3A_543 : vector<16xf32> to vector<16xf32>
        %add3A_545 = arith.addf %get3A_539, %get3A_544 : vector<16xf32>
        %swap3A_546 = arith.index_cast %add3A_482 : i32 to index
        %swap3A_547 = arith.constant 48 : index
        %swap3A_548 = tpu.vector_load %arg13[%swap3A_546, %swap3A_547] {strides = array<i32>} : memref<80x64xf32, #tpu.memory_space<vmem>>, vector<1x16xf32>,
        %swap3A_549 = vector.shape_cast %swap3A_548 : vector<1x16xf32> to vector<16xf32>
        %swap3A_550 = vector.shape_cast %add3A_545 : vector<16xf32> to vector<1x16xf32>
        tpu.vector_store %arg13[%swap3A_546, %swap3A_547], %swap3A_550 {strides = array<i32>} : memref<80x64xf32, #tpu.memory_space<vmem>>, vector<1x16xf32>,
        %scan3A_551 = arith.constant 5 : i32
        %scan3A_552 = arith.addi %scan3A_187, %scan3A_551 : i32
        %mul3A_553 = arith.constant 1 : i32
        %mul3A_554 = arith.muli %scan3A_552, %mul3A_553 : i32
        %add3A_555 = arith.constant 0 : i32
        %add3A_556 = arith.addi %add3A_555, %mul3A_554 : i32
        %add3A_557 = arith.addi %rem3A_167, %add3A_556 : i32
        %ge3A_558 = arith.constant 200 : i32
        %ge3A_559 = arith.cmpi sge, %add3A_557, %ge3A_558 : i32
        %sub3A_560 = arith.constant 200 : i32
        %sub3A_561 = arith.subi %add3A_557, %sub3A_560 : i32
        %select_n3A_562 = arith.select %ge3A_559, %sub3A_561, %add3A_557 : i32
        %mul3A_563 = arith.constant 64 : i32
        %mul3A_564 = arith.muli %select_n3A_562, %mul3A_563 : i32
        %get3A_565 = arith.index_cast %add3A_556 : i32 to index
        %get3A_566 = arith.constant 0 : index
        %get3A_567 = tpu.vector_load %arg11[%get3A_565, %get3A_566] {strides = array<i32>} : memref<80x128xf32, #tpu.memory_space<vmem>>, vector<1x16xf32>,
        %get3A_568 = vector.shape_cast %get3A_567 : vector<1x16xf32> to vector<16xf32>
        %add3A_569 = arith.constant 0 : i32
        %add3A_570 = arith.addi %mul3A_564, %add3A_569 : i32
        %get3A_571 = arith.index_cast %add3A_570 : i32 to index
        %get3A_572 = tpu.vector_load %arg7[%get3A_571] {strides = array<i32>} : memref<12800xf32, #tpu.memory_space<vmem>>, vector<16xf32>,
        %get3A_573 = vector.shape_cast %get3A_572 : vector<16xf32> to vector<16xf32>
        %add3A_574 = arith.addf %get3A_568, %get3A_573 : vector<16xf32>
        %swap3A_575 = arith.index_cast %add3A_556 : i32 to index
        %swap3A_576 = arith.constant 0 : index
        %swap3A_577 = tpu.vector_load %arg13[%swap3A_575, %swap3A_576] {strides = array<i32>} : memref<80x64xf32, #tpu.memory_space<vmem>>, vector<1x16xf32>,
        %swap3A_578 = vector.shape_cast %swap3A_577 : vector<1x16xf32> to vector<16xf32>
        %swap3A_579 = vector.shape_cast %add3A_574 : vector<16xf32> to vector<1x16xf32>
        tpu.vector_store %arg13[%swap3A_575, %swap3A_576], %swap3A_579 {strides = array<i32>} : memref<80x64xf32, #tpu.memory_space<vmem>>, vector<1x16xf32>,
        %get3A_580 = arith.index_cast %add3A_556 : i32 to index
        %get3A_581 = arith.constant 16 : index
        %get3A_582 = tpu.vector_load %arg11[%get3A_580, %get3A_581] {strides = array<i32>} : memref<80x128xf32, #tpu.memory_space<vmem>>, vector<1x16xf32>,
        %get3A_583 = vector.shape_cast %get3A_582 : vector<1x16xf32> to vector<16xf32>
        %add3A_584 = arith.constant 16 : i32
        %add3A_585 = arith.addi %mul3A_564, %add3A_584 : i32
        %get3A_586 = arith.index_cast %add3A_585 : i32 to index
        %get3A_587 = tpu.vector_load %arg7[%get3A_586] {strides = array<i32>} : memref<12800xf32, #tpu.memory_space<vmem>>, vector<16xf32>,
        %get3A_588 = vector.shape_cast %get3A_587 : vector<16xf32> to vector<16xf32>
        %add3A_589 = arith.addf %get3A_583, %get3A_588 : vector<16xf32>
        %swap3A_590 = arith.index_cast %add3A_556 : i32 to index
        %swap3A_591 = arith.constant 16 : index
        %swap3A_592 = tpu.vector_load %arg13[%swap3A_590, %swap3A_591] {strides = array<i32>} : memref<80x64xf32, #tpu.memory_space<vmem>>, vector<1x16xf32>,
        %swap3A_593 = vector.shape_cast %swap3A_592 : vector<1x16xf32> to vector<16xf32>
        %swap3A_594 = vector.shape_cast %add3A_589 : vector<16xf32> to vector<1x16xf32>
        tpu.vector_store %arg13[%swap3A_590, %swap3A_591], %swap3A_594 {strides = array<i32>} : memref<80x64xf32, #tpu.memory_space<vmem>>, vector<1x16xf32>,
        %get3A_595 = arith.index_cast %add3A_556 : i32 to index
        %get3A_596 = arith.constant 32 : index
        %get3A_597 = tpu.vector_load %arg11[%get3A_595, %get3A_596] {strides = array<i32>} : memref<80x128xf32, #tpu.memory_space<vmem>>, vector<1x16xf32>,
        %get3A_598 = vector.shape_cast %get3A_597 : vector<1x16xf32> to vector<16xf32>
        %add3A_599 = arith.constant 32 : i32
        %add3A_600 = arith.addi %mul3A_564, %add3A_599 : i32
        %get3A_601 = arith.index_cast %add3A_600 : i32 to index
        %get3A_602 = tpu.vector_load %arg7[%get3A_601] {strides = array<i32>} : memref<12800xf32, #tpu.memory_space<vmem>>, vector<16xf32>,
        %get3A_603 = vector.shape_cast %get3A_602 : vector<16xf32> to vector<16xf32>
        %add3A_604 = arith.addf %get3A_598, %get3A_603 : vector<16xf32>
        %swap3A_605 = arith.index_cast %add3A_556 : i32 to index
        %swap3A_606 = arith.constant 32 : index
        %swap3A_607 = tpu.vector_load %arg13[%swap3A_605, %swap3A_606] {strides = array<i32>} : memref<80x64xf32, #tpu.memory_space<vmem>>, vector<1x16xf32>,
        %swap3A_608 = vector.shape_cast %swap3A_607 : vector<1x16xf32> to vector<16xf32>
        %swap3A_609 = vector.shape_cast %add3A_604 : vector<16xf32> to vector<1x16xf32>
        tpu.vector_store %arg13[%swap3A_605, %swap3A_606], %swap3A_609 {strides = array<i32>} : memref<80x64xf32, #tpu.memory_space<vmem>>, vector<1x16xf32>,
        %get3A_610 = arith.index_cast %add3A_556 : i32 to index
        %get3A_611 = arith.constant 48 : index
        %get3A_612 = tpu.vector_load %arg11[%get3A_610, %get3A_611] {strides = array<i32>} : memref<80x128xf32, #tpu.memory_space<vmem>>, vector<1x16xf32>,
        %get3A_613 = vector.shape_cast %get3A_612 : vector<1x16xf32> to vector<16xf32>
        %add3A_614 = arith.constant 48 : i32
        %add3A_615 = arith.addi %mul3A_564, %add3A_614 : i32
        %get3A_616 = arith.index_cast %add3A_615 : i32 to index
        %get3A_617 = tpu.vector_load %arg7[%get3A_616] {strides = array<i32>} : memref<12800xf32, #tpu.memory_space<vmem>>, vector<16xf32>,
        %get3A_618 = vector.shape_cast %get3A_617 : vector<16xf32> to vector<16xf32>
        %add3A_619 = arith.addf %get3A_613, %get3A_618 : vector<16xf32>
        %swap3A_620 = arith.index_cast %add3A_556 : i32 to index
        %swap3A_621 = arith.constant 48 : index
        %swap3A_622 = tpu.vector_load %arg13[%swap3A_620, %swap3A_621] {strides = array<i32>} : memref<80x64xf32, #tpu.memory_space<vmem>>, vector<1x16xf32>,
        %swap3A_623 = vector.shape_cast %swap3A_622 : vector<1x16xf32> to vector<16xf32>
        %swap3A_624 = vector.shape_cast %add3A_619 : vector<16xf32> to vector<1x16xf32>
        tpu.vector_store %arg13[%swap3A_620, %swap3A_621], %swap3A_624 {strides = array<i32>} : memref<80x64xf32, #tpu.memory_space<vmem>>, vector<1x16xf32>,
        %scan3A_625 = arith.constant 6 : i32
        %scan3A_626 = arith.addi %scan3A_187, %scan3A_625 : i32
        %mul3A_627 = arith.constant 1 : i32
        %mul3A_628 = arith.muli %scan3A_626, %mul3A_627 : i32
        %add3A_629 = arith.constant 0 : i32
        %add3A_630 = arith.addi %add3A_629, %mul3A_628 : i32
        %add3A_631 = arith.addi %rem3A_167, %add3A_630 : i32
        %ge3A_632 = arith.constant 200 : i32
        %ge3A_633 = arith.cmpi sge, %add3A_631, %ge3A_632 : i32
        %sub3A_634 = arith.constant 200 : i32
        %sub3A_635 = arith.subi %add3A_631, %sub3A_634 : i32
        %select_n3A_636 = arith.select %ge3A_633, %sub3A_635, %add3A_631 : i32
        %mul3A_637 = arith.constant 64 : i32
        %mul3A_638 = arith.muli %select_n3A_636, %mul3A_637 : i32
        %get3A_639 = arith.index_cast %add3A_630 : i32 to index
        %get3A_640 = arith.constant 0 : index
        %get3A_641 = tpu.vector_load %arg11[%get3A_639, %get3A_640] {strides = array<i32>} : memref<80x128xf32, #tpu.memory_space<vmem>>, vector<1x16xf32>,
        %get3A_642 = vector.shape_cast %get3A_641 : vector<1x16xf32> to vector<16xf32>
        %add3A_643 = arith.constant 0 : i32
        %add3A_644 = arith.addi %mul3A_638, %add3A_643 : i32
        %get3A_645 = arith.index_cast %add3A_644 : i32 to index
        %get3A_646 = tpu.vector_load %arg7[%get3A_645] {strides = array<i32>} : memref<12800xf32, #tpu.memory_space<vmem>>, vector<16xf32>,
        %get3A_647 = vector.shape_cast %get3A_646 : vector<16xf32> to vector<16xf32>
        %add3A_648 = arith.addf %get3A_642, %get3A_647 : vector<16xf32>
        %swap3A_649 = arith.index_cast %add3A_630 : i32 to index
        %swap3A_650 = arith.constant 0 : index
        %swap3A_651 = tpu.vector_load %arg13[%swap3A_649, %swap3A_650] {strides = array<i32>} : memref<80x64xf32, #tpu.memory_space<vmem>>, vector<1x16xf32>,
        %swap3A_652 = vector.shape_cast %swap3A_651 : vector<1x16xf32> to vector<16xf32>
        %swap3A_653 = vector.shape_cast %add3A_648 : vector<16xf32> to vector<1x16xf32>
        tpu.vector_store %arg13[%swap3A_649, %swap3A_650], %swap3A_653 {strides = array<i32>} : memref<80x64xf32, #tpu.memory_space<vmem>>, vector<1x16xf32>,
        %get3A_654 = arith.index_cast %add3A_630 : i32 to index
        %get3A_655 = arith.constant 16 : index
        %get3A_656 = tpu.vector_load %arg11[%get3A_654, %get3A_655] {strides = array<i32>} : memref<80x128xf32, #tpu.memory_space<vmem>>, vector<1x16xf32>,
        %get3A_657 = vector.shape_cast %get3A_656 : vector<1x16xf32> to vector<16xf32>
        %add3A_658 = arith.constant 16 : i32
        %add3A_659 = arith.addi %mul3A_638, %add3A_658 : i32
        %get3A_660 = arith.index_cast %add3A_659 : i32 to index
        %get3A_661 = tpu.vector_load %arg7[%get3A_660] {strides = array<i32>} : memref<12800xf32, #tpu.memory_space<vmem>>, vector<16xf32>,
        %get3A_662 = vector.shape_cast %get3A_661 : vector<16xf32> to vector<16xf32>
        %add3A_663 = arith.addf %get3A_657, %get3A_662 : vector<16xf32>
        %swap3A_664 = arith.index_cast %add3A_630 : i32 to index
        %swap3A_665 = arith.constant 16 : index
        %swap3A_666 = tpu.vector_load %arg13[%swap3A_664, %swap3A_665] {strides = array<i32>} : memref<80x64xf32, #tpu.memory_space<vmem>>, vector<1x16xf32>,
        %swap3A_667 = vector.shape_cast %swap3A_666 : vector<1x16xf32> to vector<16xf32>
        %swap3A_668 = vector.shape_cast %add3A_663 : vector<16xf32> to vector<1x16xf32>
        tpu.vector_store %arg13[%swap3A_664, %swap3A_665], %swap3A_668 {strides = array<i32>} : memref<80x64xf32, #tpu.memory_space<vmem>>, vector<1x16xf32>,
        %get3A_669 = arith.index_cast %add3A_630 : i32 to index
        %get3A_670 = arith.constant 32 : index
        %get3A_671 = tpu.vector_load %arg11[%get3A_669, %get3A_670] {strides = array<i32>} : memref<80x128xf32, #tpu.memory_space<vmem>>, vector<1x16xf32>,
        %get3A_672 = vector.shape_cast %get3A_671 : vector<1x16xf32> to vector<16xf32>
        %add3A_673 = arith.constant 32 : i32
        %add3A_674 = arith.addi %mul3A_638, %add3A_673 : i32
        %get3A_675 = arith.index_cast %add3A_674 : i32 to index
        %get3A_676 = tpu.vector_load %arg7[%get3A_675] {strides = array<i32>} : memref<12800xf32, #tpu.memory_space<vmem>>, vector<16xf32>,
        %get3A_677 = vector.shape_cast %get3A_676 : vector<16xf32> to vector<16xf32>
        %add3A_678 = arith.addf %get3A_672, %get3A_677 : vector<16xf32>
        %swap3A_679 = arith.index_cast %add3A_630 : i32 to index
        %swap3A_680 = arith.constant 32 : index
        %swap3A_681 = tpu.vector_load %arg13[%swap3A_679, %swap3A_680] {strides = array<i32>} : memref<80x64xf32, #tpu.memory_space<vmem>>, vector<1x16xf32>,
        %swap3A_682 = vector.shape_cast %swap3A_681 : vector<1x16xf32> to vector<16xf32>
        %swap3A_683 = vector.shape_cast %add3A_678 : vector<16xf32> to vector<1x16xf32>
        tpu.vector_store %arg13[%swap3A_679, %swap3A_680], %swap3A_683 {strides = array<i32>} : memref<80x64xf32, #tpu.memory_space<vmem>>, vector<1x16xf32>,
        %get3A_684 = arith.index_cast %add3A_630 : i32 to index
        %get3A_685 = arith.constant 48 : index
        %get3A_686 = tpu.vector_load %arg11[%get3A_684, %get3A_685] {strides = array<i32>} : memref<80x128xf32, #tpu.memory_space<vmem>>, vector<1x16xf32>,
        %get3A_687 = vector.shape_cast %get3A_686 : vector<1x16xf32> to vector<16xf32>
        %add3A_688 = arith.constant 48 : i32
        %add3A_689 = arith.addi %mul3A_638, %add3A_688 : i32
        %get3A_690 = arith.index_cast %add3A_689 : i32 to index
        %get3A_691 = tpu.vector_load %arg7[%get3A_690] {strides = array<i32>} : memref<12800xf32, #tpu.memory_space<vmem>>, vector<16xf32>,
        %get3A_692 = vector.shape_cast %get3A_691 : vector<16xf32> to vector<16xf32>
        %add3A_693 = arith.addf %get3A_687, %get3A_692 : vector<16xf32>
        %swap3A_694 = arith.index_cast %add3A_630 : i32 to index
        %swap3A_695 = arith.constant 48 : index
        %swap3A_696 = tpu.vector_load %arg13[%swap3A_694, %swap3A_695] {strides = array<i32>} : memref<80x64xf32, #tpu.memory_space<vmem>>, vector<1x16xf32>,
        %swap3A_697 = vector.shape_cast %swap3A_696 : vector<1x16xf32> to vector<16xf32>
        %swap3A_698 = vector.shape_cast %add3A_693 : vector<16xf32> to vector<1x16xf32>
        tpu.vector_store %arg13[%swap3A_694, %swap3A_695], %swap3A_698 {strides = array<i32>} : memref<80x64xf32, #tpu.memory_space<vmem>>, vector<1x16xf32>,
        %scan3A_699 = arith.constant 7 : i32
        %scan3A_700 = arith.addi %scan3A_187, %scan3A_699 : i32
        %mul3A_701 = arith.constant 1 : i32
        %mul3A_702 = arith.muli %scan3A_700, %mul3A_701 : i32
        %add3A_703 = arith.constant 0 : i32
        %add3A_704 = arith.addi %add3A_703, %mul3A_702 : i32
        %add3A_705 = arith.addi %rem3A_167, %add3A_704 : i32
        %ge3A_706 = arith.constant 200 : i32
        %ge3A_707 = arith.cmpi sge, %add3A_705, %ge3A_706 : i32
        %sub3A_708 = arith.constant 200 : i32
        %sub3A_709 = arith.subi %add3A_705, %sub3A_708 : i32
        %select_n3A_710 = arith.select %ge3A_707, %sub3A_709, %add3A_705 : i32
        %mul3A_711 = arith.constant 64 : i32
        %mul3A_712 = arith.muli %select_n3A_710, %mul3A_711 : i32
        %get3A_713 = arith.index_cast %add3A_704 : i32 to index
        %get3A_714 = arith.constant 0 : index
        %get3A_715 = tpu.vector_load %arg11[%get3A_713, %get3A_714] {strides = array<i32>} : memref<80x128xf32, #tpu.memory_space<vmem>>, vector<1x16xf32>,
        %get3A_716 = vector.shape_cast %get3A_715 : vector<1x16xf32> to vector<16xf32>
        %add3A_717 = arith.constant 0 : i32
        %add3A_718 = arith.addi %mul3A_712, %add3A_717 : i32
        %get3A_719 = arith.index_cast %add3A_718 : i32 to index
        %get3A_720 = tpu.vector_load %arg7[%get3A_719] {strides = array<i32>} : memref<12800xf32, #tpu.memory_space<vmem>>, vector<16xf32>,
        %get3A_721 = vector.shape_cast %get3A_720 : vector<16xf32> to vector<16xf32>
        %add3A_722 = arith.addf %get3A_716, %get3A_721 : vector<16xf32>
        %swap3A_723 = arith.index_cast %add3A_704 : i32 to index
        %swap3A_724 = arith.constant 0 : index
        %swap3A_725 = tpu.vector_load %arg13[%swap3A_723, %swap3A_724] {strides = array<i32>} : memref<80x64xf32, #tpu.memory_space<vmem>>, vector<1x16xf32>,
        %swap3A_726 = vector.shape_cast %swap3A_725 : vector<1x16xf32> to vector<16xf32>
        %swap3A_727 = vector.shape_cast %add3A_722 : vector<16xf32> to vector<1x16xf32>
        tpu.vector_store %arg13[%swap3A_723, %swap3A_724], %swap3A_727 {strides = array<i32>} : memref<80x64xf32, #tpu.memory_space<vmem>>, vector<1x16xf32>,
        %get3A_728 = arith.index_cast %add3A_704 : i32 to index
        %get3A_729 = arith.constant 16 : index
        %get3A_730 = tpu.vector_load %arg11[%get3A_728, %get3A_729] {strides = array<i32>} : memref<80x128xf32, #tpu.memory_space<vmem>>, vector<1x16xf32>,
        %get3A_731 = vector.shape_cast %get3A_730 : vector<1x16xf32> to vector<16xf32>
        %add3A_732 = arith.constant 16 : i32
        %add3A_733 = arith.addi %mul3A_712, %add3A_732 : i32
        %get3A_734 = arith.index_cast %add3A_733 : i32 to index
        %get3A_735 = tpu.vector_load %arg7[%get3A_734] {strides = array<i32>} : memref<12800xf32, #tpu.memory_space<vmem>>, vector<16xf32>,
        %get3A_736 = vector.shape_cast %get3A_735 : vector<16xf32> to vector<16xf32>
        %add3A_737 = arith.addf %get3A_731, %get3A_736 : vector<16xf32>
        %swap3A_738 = arith.index_cast %add3A_704 : i32 to index
        %swap3A_739 = arith.constant 16 : index
        %swap3A_740 = tpu.vector_load %arg13[%swap3A_738, %swap3A_739] {strides = array<i32>} : memref<80x64xf32, #tpu.memory_space<vmem>>, vector<1x16xf32>,
        %swap3A_741 = vector.shape_cast %swap3A_740 : vector<1x16xf32> to vector<16xf32>
        %swap3A_742 = vector.shape_cast %add3A_737 : vector<16xf32> to vector<1x16xf32>
        tpu.vector_store %arg13[%swap3A_738, %swap3A_739], %swap3A_742 {strides = array<i32>} : memref<80x64xf32, #tpu.memory_space<vmem>>, vector<1x16xf32>,
        %get3A_743 = arith.index_cast %add3A_704 : i32 to index
        %get3A_744 = arith.constant 32 : index
        %get3A_745 = tpu.vector_load %arg11[%get3A_743, %get3A_744] {strides = array<i32>} : memref<80x128xf32, #tpu.memory_space<vmem>>, vector<1x16xf32>,
        %get3A_746 = vector.shape_cast %get3A_745 : vector<1x16xf32> to vector<16xf32>
        %add3A_747 = arith.constant 32 : i32
        %add3A_748 = arith.addi %mul3A_712, %add3A_747 : i32
        %get3A_749 = arith.index_cast %add3A_748 : i32 to index
        %get3A_750 = tpu.vector_load %arg7[%get3A_749] {strides = array<i32>} : memref<12800xf32, #tpu.memory_space<vmem>>, vector<16xf32>,
        %get3A_751 = vector.shape_cast %get3A_750 : vector<16xf32> to vector<16xf32>
        %add3A_752 = arith.addf %get3A_746, %get3A_751 : vector<16xf32>
        %swap3A_753 = arith.index_cast %add3A_704 : i32 to index
        %swap3A_754 = arith.constant 32 : index
        %swap3A_755 = tpu.vector_load %arg13[%swap3A_753, %swap3A_754] {strides = array<i32>} : memref<80x64xf32, #tpu.memory_space<vmem>>, vector<1x16xf32>,
        %swap3A_756 = vector.shape_cast %swap3A_755 : vector<1x16xf32> to vector<16xf32>
        %swap3A_757 = vector.shape_cast %add3A_752 : vector<16xf32> to vector<1x16xf32>
        tpu.vector_store %arg13[%swap3A_753, %swap3A_754], %swap3A_757 {strides = array<i32>} : memref<80x64xf32, #tpu.memory_space<vmem>>, vector<1x16xf32>,
        %get3A_758 = arith.index_cast %add3A_704 : i32 to index
        %get3A_759 = arith.constant 48 : index
        %get3A_760 = tpu.vector_load %arg11[%get3A_758, %get3A_759] {strides = array<i32>} : memref<80x128xf32, #tpu.memory_space<vmem>>, vector<1x16xf32>,
        %get3A_761 = vector.shape_cast %get3A_760 : vector<1x16xf32> to vector<16xf32>
        %add3A_762 = arith.constant 48 : i32
        %add3A_763 = arith.addi %mul3A_712, %add3A_762 : i32
        %get3A_764 = arith.index_cast %add3A_763 : i32 to index
        %get3A_765 = tpu.vector_load %arg7[%get3A_764] {strides = array<i32>} : memref<12800xf32, #tpu.memory_space<vmem>>, vector<16xf32>,
        %get3A_766 = vector.shape_cast %get3A_765 : vector<16xf32> to vector<16xf32>
        %add3A_767 = arith.addf %get3A_761, %get3A_766 : vector<16xf32>
        %swap3A_768 = arith.index_cast %add3A_704 : i32 to index
        %swap3A_769 = arith.constant 48 : index
        %swap3A_770 = tpu.vector_load %arg13[%swap3A_768, %swap3A_769] {strides = array<i32>} : memref<80x64xf32, #tpu.memory_space<vmem>>, vector<1x16xf32>,
        %swap3A_771 = vector.shape_cast %swap3A_770 : vector<1x16xf32> to vector<16xf32>
        %swap3A_772 = vector.shape_cast %add3A_767 : vector<16xf32> to vector<1x16xf32>
        tpu.vector_store %arg13[%swap3A_768, %swap3A_769], %swap3A_772 {strides = array<i32>} : memref<80x64xf32, #tpu.memory_space<vmem>>, vector<1x16xf32>,
      }
      %scan3A_172 = arith.constant 80 : i32
      %mul3A_173 = arith.constant 80 : i32
      %mul3A_174 = arith.muli %add3A_152, %mul3A_173 : i32
      %add3A_175 = arith.addi %mul3A_2, %mul3A_174 : i32
      %dma_start3A_176 = arith.constant 0 : i32
      %dma_start3A_177 = tpu.memref_slice %arg5[%add3A_175, %dma_start3A_176] : memref<819200x64xf32, #tpu.memory_space<hbm>> -> memref<80x64xf32, #tpu.memory_space<hbm>>
      %dma_start3A_178 = arith.constant 0 : i32
      %dma_start3A_179 = tpu.memref_slice %arg5[%add3A_175, %dma_start3A_178] : memref<819200x64xf32, #tpu.memory_space<hbm>> -> memref<80x64xf32, #tpu.memory_space<hbm>>
      tpu.enqueue_dma source(%arg13 : memref<80x64xf32, #tpu.memory_space<vmem>>) target(%dma_start3A_179 : memref<80x64xf32, #tpu.memory_space<hbm>>) target_semaphore(%arg19 : memref<!tpu.dma_semaphore, #tpu.memory_space<semaphore_mem>>)
      %add3A_180 = arith.constant 1 : i32
      %add3A_181 = arith.addi %add3A_41, %add3A_180 : i32
      %lt3A_182 = arith.constant 80 : i32
      %lt3A_183 = arith.cmpi slt, %add3A_181, %lt3A_182 : i32
      %convert_element_type3A_184 = arith.extui %lt3A_183 : i1 to i32
      %cond3A_185 = arith.constant 0 : i32
      %cond3A_186 = arith.cmpi ne, %convert_element_type3A_184, %cond3A_185 : i32
      scf.if %cond3A_186 {
        %add3A_187 = arith.constant 4 : i32
        %add3A_188 = arith.addi %add3A_152, %add3A_187 : i32
        %mul3A_189 = arith.constant 80 : i32
        %mul3A_190 = arith.muli %add3A_188, %mul3A_189 : i32
        %dma_start3A_191 = tpu.memref_slice %arg6[%mul3A_190] : memref<25600xi32, #tpu.memory_space<vmem>> -> memref<80xi32, #tpu.memory_space<vmem>>
        %dma_start3A_192 = arith.constant 0 : i32
        %dma_start3A_193 = arith.constant 0 : i32
        %dma_start3A_194 = tpu.memref_slice %arg3[%dma_start3A_192, %dma_start3A_193] : memref<100000x128xf32, #tpu.memory_space<hbm>> -> memref<100000x128xf32, #tpu.memory_space<hbm>>
        tpu.enqueue_indirect_dma source(%dma_start3A_194 : memref<100000x128xf32, #tpu.memory_space<hbm>>) target(%arg11 : memref<80x128xf32, #tpu.memory_space<vmem>>) offsets(%dma_start3A_191 : memref<80xi32, #tpu.memory_space<vmem>>) semaphore(%arg17 : memref<!tpu.dma_semaphore, #tpu.memory_space<semaphore_mem>>)
      } else {
      }
    }
    %scan3A_25 = arith.constant 80 : i32
    %dma_wait3A = arith.constant 0 : i32
    %dma_wait3A_26 = arith.constant 0 : i32
    %dma_wait3A_27 = tpu.memref_slice %arg5[%dma_wait3A, %dma_wait3A_26] : memref<819200x64xf32, #tpu.memory_space<hbm>> -> memref<80x64xf32, #tpu.memory_space<hbm>>
    %dma_wait3A_28 = arith.constant 0 : i32
    %dma_wait3A_29 = arith.constant 0 : i32
    %dma_wait3A_30 = tpu.memref_slice %arg5[%dma_wait3A_28, %dma_wait3A_29] : memref<819200x64xf32, #tpu.memory_space<hbm>> -> memref<80x64xf32, #tpu.memory_space<hbm>>
    tpu.wait_dma2 semaphore(%arg18 : memref<!tpu.dma_semaphore, #tpu.memory_space<semaphore_mem>>) src(%arg12 : memref<80x64xf32, #tpu.memory_space<vmem>>) dst(%dma_wait3A_30 : memref<80x64xf32, #tpu.memory_space<hbm>>)
    %dma_wait3A_31 = arith.constant 0 : i32
    %dma_wait3A_32 = arith.constant 0 : i32
    %dma_wait3A_33 = tpu.memref_slice %arg5[%dma_wait3A_31, %dma_wait3A_32] : memref<819200x64xf32, #tpu.memory_space<hbm>> -> memref<80x64xf32, #tpu.memory_space<hbm>>
    %dma_wait3A_34 = arith.constant 0 : i32
    %dma_wait3A_35 = arith.constant 0 : i32
    %dma_wait3A_36 = tpu.memref_slice %arg5[%dma_wait3A_34, %dma_wait3A_35] : memref<819200x64xf32, #tpu.memory_space<hbm>> -> memref<80x64xf32, #tpu.memory_space<hbm>>
    tpu.wait_dma2 semaphore(%arg19 : memref<!tpu.dma_semaphore, #tpu.memory_space<semaphore_mem>>) src(%arg13 : memref<80x64xf32, #tpu.memory_space<vmem>>) dst(%dma_wait3A_36 : memref<80x64xf32, #tpu.memory_space<hbm>>)
    return
  }
}

module attributes {stable_mosaic.version = 14 : i64} {
  func.func @_pad_tc_body(%arg0: i32, %arg1: memref<10000x64xf32, #tpu.memory_space<vmem>>, %arg2: memref<10000x128xf32, #tpu.memory_space<vmem>>) attributes {dimension_semantics = [#tpu.dimension_semantics<arbitrary>], iteration_bounds = array<i64: 10>, scalar_prefetch = 0 : i64, scratch_operands = 0 : i64, tpu.core_type = #tpu.core_type<tc>, window_params = [{transform_indices = @transform_0, window_bounds = array<i64: 10000, 64>}, {transform_indices = @transform_1, window_bounds = array<i64: 10000, 128>}]} {
    %get3A = arith.constant 0 : index
    %get3A_0 = arith.constant 0 : index
    %get3A_1 = vector.load %arg1[%get3A, %get3A_0] : memref<10000x64xf32, #tpu.memory_space<vmem>>, vector<10000x64xf32>
    %swap3A = arith.constant 0 : index
    %swap3A_2 = arith.constant 0 : index
    %swap3A_3 = vector.load %arg2[%swap3A, %swap3A_2] : memref<10000x128xf32, #tpu.memory_space<vmem>>, vector<10000x64xf32>
    tpu.vector_store %arg2[%swap3A, %swap3A_2], %get3A_1 {strides = array<i32>} : memref<10000x128xf32, #tpu.memory_space<vmem>>, vector<10000x64xf32>,
    return
  }
  func.func @transform_0(%arg0: i32) -> (i32, i32) {
    %c0_i32 = arith.constant 0 : i32
    %c0_i32_0 = arith.constant 0 : i32
    return %arg0, %c0_i32 : i32, i32
  }
  func.func @transform_1(%arg0: i32) -> (i32, i32) {
    %c0_i32 = arith.constant 0 : i32
    %c0_i32_0 = arith.constant 0 : i32
    return %arg0, %c0_i32 : i32, i32
  }
}

</mosaic_0001>

<sc_bundles>
// kernel: kernel.4.cloned.1.call-start
scs
__scs_entry_jumppad:
0x0: {  	(pc) =	sbr.rel $0x88, $3  }
0x1: {  	(tag) =	ssettag $0x0;
	lr =	simm.s32 $0x1  }
0x2: {  	[smem:$0x3F9E] =	sst lr;
	_ =	strace $0xD0000000  }
0x3: {  	_ = 	snop  }
0x4: {  	_ = 	snop  }
0x5: {  	_ = 	snop  }
0x6: {  	_ = 	snop  }
0x7: {  	_ = 	snop  }
__scs_overlays_trampoline_lowered:
0x8: {  	[smem:$0x3FAD] =	sst s0  }
0x9: {  	[smem:$0x3FAE] =	sst s1  }
0xa: {  	[smem:$0x3FAF] =	sst s2  }
0xb: {  	[smem:$0x3FB0] =	sst s3  }
0xc: {  	[smem:$0x3FB1] =	sst s4  }
0xd: {  	[smem:$0x3FB2] =	sst s5  }
0xe: {  	[smem:$0x3FB3] =	sst s6  }
0xf: {  	[smem:$0x3FB4] =	sst s7  }
0x10: {  	[smem:$0x3FB5] =	sst s8  }
0x11: {  	[smem:$0x3FB6] =	sst s9;
	s0 =	simm.s32 @!p0 $0x0  }
0x12: {  	s1 =	sld [smem:$0x3F9C];
	s0 =	simm.s32 @p0 $0x1  }
0x13: {  	[smem:$0x3FB7] =	sst s0;
	s0 =	simm.s32 @!p1 $0x0  }
0x14: {  	s2 =	sld [smem:$0x3F9B];
	s0 =	simm.s32 @p1 $0x1  }
0x15: {  	[smem:$0x3FB8] =	sst s0;
	s0 =	simm.s32 @!p2 $0x0  }
0x16: {  	s3 =	sld [smem:$0x3FDB];
	s0 =	simm.s32 @p2 $0x1  }
0x17: {  	s4 =	simm.s32 $0x1BF5;
	[smem:$0x3FBA] =	sst s0  }
0x18: {  	s0 =	sld [smem:$0x3F9D];
	_ =	swait.ge [sflag:s4], $0x0  }
0x19: {  	s7 =	sld [smem:$0x3F9E]  }
0x1a: {  	s8 =	sadd.s32 $0xFFFFE003, lr  }
0x1b: {  	s9 =	sadd.s32 $0xFFFFFEF7, lr;
	s5 =	simm.s32 $0xFFFFFFFF;
	p2 =	slt.u32 s8, $0xFFFFF086  }
0x1c: {  	p1 =	slt.u32 s9, $0xF7A;
	s5 =	simm.s32 @!p2 $0x0  }
0x1d: {  	s5 =	simm.s32 @p1 $0x1;
	p0 =	seq.s32 s7, s2  }
0x1e: {  	s7 =	smul.u32 @!p0 $0xF7A, s2;
	p2 =	seq.s32 @!p0 s5, $0x0  }
0x1f: {  	s9 =	smul.u32 $0xF7A, s1;
	s8 =	simm.s32 @!p0 $0x1BF5;
	p2 =	por !p2, p0  }
0x20: {  	[sflag:s8] =	ssyncset.s32 @!p0 $0xFFFFF086;
	s6 =	sadd.s32 @!p0 s3, s7;
	s7 =	simm.s32 @!p0 $0x108  }
0x21: {  	s3 =	sadd.s32 s3, s9;
	s6 =	sadd.s32 @!p0 $0x88, s6;
	s7 =	simm.s32 @p2 $0x1082  }
0x22: {  	[simem:s7], [sflag:s8] =	dma.local @!p0 [hbm:s6], $0xF7A  }
0x23: {  	s9 =	sor.u32 $0xD0000000, s2;
	s6 =	simm.s32 $0x108;
	_ =	swait.ge @!p0 [sflag:s8], $0x0  }
0x24: {  	s3 =	sadd.s32 $0x88, s3;
	s6 =	simm.s32 @!p1 $0x1082;
	[sflag:s4] =	ssyncset.s32 $0xFFFFF086  }
0x25: {  	[simem:s6], [sflag:s4] =	dma.local [hbm:s3], $0xF7A  }
0x26: {  	[smem:$0x3F9E] =	sst s1;
	(tag) =	ssettag s2;
	_ =	strace s9  }
0x27: {  	s1 =	sld [smem:$0x3FAE]  }
0x28: {  	s2 =	sld [smem:$0x3FAF]  }
0x29: {  	s4 =	sld [smem:$0x3FB1]  }
0x2a: {  	p0 =	seq.s32 s5, $0x0;
	s5 =	sld [smem:$0x3FB2]  }
0x2b: {  	s6 =	sld [smem:$0x3FB3]  }
0x2c: {  	s7 =	sld [smem:$0x3FB4]  }
0x2d: {  	s3 =	simm.s32 $0x108;
	s8 =	sld [smem:$0x3FB5]  }
0x2e: {  	s3 =	simm.s32 @!p0 $0x1082;
	s9 =	sld [smem:$0x3FB6]  }
0x2f: {  	lr =	sadd.s32 s0, s3;
	s0 =	sld [smem:$0x3FAD]  }
0x30: {  	s3 =	sld [smem:$0x3FB0]  }
0x31: {  	[smem:$0x3FB9] =	sst s10  }
0x32: {  	s10 =	sld [smem:$0x3FB7];
	_ =	sdelay $0x3  }
0x33: {  	p0 =	seq.s32 s10, $0x1;
	s10 =	sld [smem:$0x3FB9];
	_ =	sdelay $0x3  }
0x34: {  	[smem:$0x3FB9] =	sst s10  }
0x35: {  	s10 =	sld [smem:$0x3FB8];
	_ =	sdelay $0x3  }
0x36: {  	p1 =	seq.s32 s10, $0x1;
	s10 =	sld [smem:$0x3FB9];
	_ =	sdelay $0x3  }
0x37: {  	[smem:$0x3FB9] =	sst s10  }
0x38: {  	s10 =	sld [smem:$0x3FBA]  }
0x39: {  	_ = 	snop;
	(pc) =	sbr.ind lr, $3  }
0x3a: {  	_ = 	snop  }
0x3b: {  	_ = 	snop  }
0x3c: {  	p2 =	seq.s32 s10, $0x1;
	s10 =	sld [smem:$0x3FB9]  }
0x3d: {  	_ =	shalt  }
0x3e: {  	_ =	shalt  }
0x3f: {  	_ =	shalt  }
0x40: {  	_ =	shalt  }
0x41: {  	_ =	shalt  }
0x42: {  	_ =	shalt  }
0x43: {  	_ =	shalt  }
0x44: {  	_ =	shalt  }
0x45: {  	_ =	shalt  }
0x46: {  	_ =	shalt  }
0x47: {  	_ =	shalt  }
0x48: {  	_ =	shalt  }
0x49: {  	_ =	shalt  }
0x4a: {  	_ =	shalt  }
0x4b: {  	_ =	shalt  }
0x4c: {  	_ =	shalt  }
0x4d: {  	_ =	shalt  }
0x4e: {  	_ =	shalt  }
0x4f: {  	_ =	shalt  }
0x50: {  	_ =	shalt  }
0x51: {  	_ =	shalt  }
0x52: {  	_ =	shalt  }
0x53: {  	_ =	shalt  }
0x54: {  	_ =	shalt  }
0x55: {  	_ =	shalt  }
0x56: {  	_ =	shalt  }
0x57: {  	_ =	shalt  }
0x58: {  	_ =	shalt  }
0x59: {  	_ =	shalt  }
0x5a: {  	_ =	shalt  }
0x5b: {  	_ =	shalt  }
0x5c: {  	_ =	shalt  }
0x5d: {  	_ =	shalt  }
0x5e: {  	_ =	shalt  }
0x5f: {  	_ =	shalt  }
0x60: {  	_ =	shalt  }
0x61: {  	_ =	shalt  }
0x62: {  	_ =	shalt  }
0x63: {  	_ =	shalt  }
0x64: {  	_ =	shalt  }
0x65: {  	_ =	shalt  }
0x66: {  	_ =	shalt  }
0x67: {  	_ =	shalt  }
0x68: {  	_ =	shalt  }
0x69: {  	_ =	shalt  }
0x6a: {  	_ =	shalt  }
0x6b: {  	_ =	shalt  }
0x6c: {  	_ =	shalt  }
0x6d: {  	_ =	shalt  }
0x6e: {  	_ =	shalt  }
0x6f: {  	_ =	shalt  }
0x70: {  	_ =	shalt  }
0x71: {  	_ =	shalt  }
0x72: {  	_ =	shalt  }
0x73: {  	_ =	shalt  }
0x74: {  	_ =	shalt  }
0x75: {  	_ =	shalt  }
0x76: {  	_ =	shalt  }
0x77: {  	_ =	shalt  }
0x78: {  	_ =	shalt  }
0x79: {  	_ =	shalt  }
0x7a: {  	_ =	shalt  }
0x7b: {  	_ =	shalt  }
0x7c: {  	_ =	shalt  }
0x7d: {  	_ =	shalt  }
0x7e: {  	_ =	shalt  }
0x7f: {  	_ =	shalt  }
0x80: {  	_ =	shalt  }
0x81: {  	_ =	shalt  }
0x82: {  	_ =	shalt  }
0x83: {  	_ =	shalt  }
0x84: {  	_ =	shalt  }
0x85: {  	_ =	shalt  }
0x86: {  	_ =	shalt  }
0x87: {  	_ =	shalt  }
.Lfunc_end0:
.L_simem_size_0:
called_computation.1_lowered:
.L_overlay_start_0:
0x88: {  	s2 =	sld [smem:$0x3FD9]  }
0x89: {  	s3 =	sld [smem:$0x3FFE];
	_ =	sdelay $0x1  }
0x8a: {  	s1 =	srdreg.scid  }
0x8b: {  	s0 =	sand.u32 $0x1, s1  }
0x8c: {  	s16 =	sshll.u32 s0, $0xA;
	s2 =	sadd.s32 s3, s2  }
0x8d: {  	s2 =	sadd.s32 s2, s16  }
0x8e: {  	[smem:$0x3FC5] =	sst s2  }
0x8f: {  	_ = 	snop  }
0x90: {  	(tm) =	ssettm $0x1  }
0x91: {  	s17 =	sld [smem:$0x3FFB];
	_ =	sdelay $0x3  }
0x92: {  	_ =	strace s17  }
0x93: {  	s2 =	sld [smem:$0x3FFC];
	_ =	sdelay $0x3  }
0x94: {  	_ =	strace s2  }
0x95: {  	s2 =	sld [smem:$0x3FFD];
	_ =	sdelay $0x3  }
0x96: {  	_ =	strace s2  }
0x97: {  	_ =	strace $0x8FFFFFFF  }
0x98: {  	s18 =	sld [smem:$0x3FDB];
	_ =	sdelay $0x1  }
0x99: {  	s19 =	simm.s32 $_scs_section_size  }
0x9a: {  	s4 =	simm.s32 $_size__tile_overlayer_lowered;
	s5 =	simm.s32 $_tile_overlayer_lowered  }
0x9b: {  	s22 =	simm.s32 $0x1BFF;
	s21 =	sshll.u32 s5, $0x1;
	s2 =	sadd.s32 s19, s18  }
0x9c: {  	s6 =	simm.s32 $0x0;
	s20 =	sshll.u32 s4, $0x1;
	s4 =	sadd.s32 s21, s2  }
0x9d: {  	[timem:s6], [sflag:s22] =	dma.local [hbm:s4], s20  }
0x9e: {  	_ =	swait.ge [sflag:s22], s20  }
0x9f: {  	s3 =	ssub.s32 $0x0, s20;
	[sflag:s22] =	ssyncset.done $0x0  }
0xa0: {  	[sflag:s22] =	ssyncadd.s32 s3;
	_ =	sdelay $0x1  }
0xa1: {  	s23 =	simm.s32 $0x1B8B  }
0xa2: {  	_ =	swait.ge [sflag:s23], $0x1  }
0xa3: {  	[sflag:s23] =	ssyncset.done $0x0  }
0xa4: {  	s25 =	simm.s32 $0x1B8E;
	s24 =	sld [smem:$0x3FFE];
	[sflag:s23] =	ssyncadd.s32 $0xFFFFFFFF  }
0xa5: {  	s26 =	simm.s32 $execute0_lowered;
	[smem:$0x3FD2] =	sst s25  }
0xa6: {  	s4 =	sshll.u32 s26, $0x1;
	_ =	strace $0x80000046;
	[dreg:$0x1] =	wrdreg $0xFFFFFFFF  }
0xa7: {  	s28 =	simm.s32 $_size_execute0_lowered;
	s2 =	sadd.s32 s2, s4;
	[dreg:$0x0] =	wrdreg $0x0  }
0xa8: {  	s4 =	sshll.u32 s28, $0x1;
	[dreg:$0x2] =	wrdreg s2  }
0xa9: {  	[dreg:$0x3] =	wrdreg s4  }
0xaa: {  	[dreg:$0x4] =	wrdreg $0xC0  }
0xab: {  	_ =	task [dreg:s6], $0x5FFFF  }
0xac: {  	[dreg:$0x1] =	wrdreg $0xFFFFFFFF  }
0xad: {  	[dreg:$0x0] =	wrdreg $0x60  }
0xae: {  	[dreg:$0x2] =	wrdreg s24  }
0xaf: {  	[dreg:$0x3] =	wrdreg $0x9  }
0xb0: {  	_ =	task.clear_ibuf [dreg:s6], $0x4FFFF;
	_ =	strace $0x90000046  }
0xb1: {  	s29 =	simm.s32 $0x9;
	_ =	strace $0x80000048  }
0xb2: {  	_ =	swait.ge [sflag:s29], $0x1  }
0xb3: {  	[sflag:s29] =	ssyncadd.s32 $0xFFFFFFFF  }
0xb4: {  	_ =	strace $0x90000048  }
0xb5: {  	_ =	sfence  }
0xb6: {  	s30 =	sld [smem:$0x0];
	_ =	sdelay $0x2  }
0xb7: {  	s31 =	sshll.u32 s1, $0xD;
	s1 =	sshrl.u32 s1, $0x2  }
0xb8: {  	s3 =	sand.u32 $0x4000, s31;
	s1 =	sadd.s32 s1, s30  }
0xb9: {  	s0 =	sor.u32 s3, s0;
	s1 =	sshll.u32 s1, $0x11  }
0xba: {  	s0 =	sor.u32 s1, s0  }
0xbb: {  	s0 =	sadd.s32 $0x8F2B, s0  }
0xbc: {  	[sflag:s0] =	ssyncadd.remote.s32 $0x1  }
0xbd: {  	_ =	sfence.sel $0xFFFF  }
0xbe: {  	[dreg:$0x0] =	wrdreg $0xFFFFFFFF;
	(pc) =	sbr.abs _section_cstart, $3  }
0xbf: {  	[dreg:$0x1] =	wrdreg $0xFFFFFFFF  }
0xc0: {  	_ =	task.clear_ibuf [dreg:s6], $0x2FFFF;
	_ =	strace $0x9FFFFFFF  }
0xc1: {  	(tm) =	ssettm $0x7FFFFFFF  }
tec
execute0_lowered:
.L_overlay_start_1:
0x0: {  	(tag) =	ssettag $0x1  }
0x1: {  	s0 =	srdreg.scid;
	s1 =	stileid.u32  }
0x2: {  	s3 =	rddreg [dreg:$0x0];
	s28 =	simm.s32 $0x0;
	s26 =	simm.s32 $0xFFFFCE40  }
0x3: {  	s29 =	simm.s32 $0xFFFFCE80;
	s30 =	simm.s32 $0xFFFFCEC0;
	s31 =	simm.s32 $0xFFFFCF00  }
0x4: {  	s0 =	sand.u32 $0x1, s0;
	[smem:$0x7FF] =	sst s28;
	s6 =	sadd.s32 $0x800, s3  }
0x5: {  	s1 =	sshll.u32 s1, $0x1;
	_ =	strace $0x80000047;
	[dreg:$0xd] =	wrdreg s6  }
0x6: {  	s1 =	sor.u32 s0, s1;
	s0 =	ssub.s32 $0x2, s0;
	[dreg:$0x3] =	wrdreg s26  }
0x7: {  	[dreg:$0x4] =	wrdreg s29;
	s2 =	smul.u32 $0x6400, s1;
	s5 =	sshrl.u32 s0, $0x1  }
0x8: {  	s4 =	sadd.s32 $0x1A000, s3;
	[dreg:$0x5] =	wrdreg s30;
	s0 =	ssub.s32 s0, s5  }
0x9: {  	[dreg:$0x6] =	wrdreg s31;
	s1 =	sshrl.u32 s2, $0x3;
	s0 =	smax.u32 s0, $0x1  }
0xa: {  	s1 =	sadd.s32 s1, s3;
	s3 =	sadd.s32 $0x1A0A00, s3;
	[dreg:$0x10] =	wrdreg s0  }
0xb: {  	[dreg:$0xe] =	wrdreg s3;
	s1 =	sadd.s32 $0x1000, s1  }
0xc: {  	s3 =	simm.s32 $0x0;
	[dreg:$0xf] =	wrdreg s1  }
.LBB2_1:
0xd: {  	[dreg:$0x11] =	wrdreg s3  }
0xe: {  	s0 =	rddreg [dreg:$0xf];
	s1 =	simm.s32 $0x7  }
0xf: {  	[tilespmem:s28], [sflag:$0x7] =	stream.linear.gather [hbm4b:s0+s28], $0x6400, $0x38;
	[tilespmem:$0x18600] =	vst v63  }
0x10: {  	_ =	swait.ge [sflag:s1], $0x6400  }
0x11: {  	[sflag:s1] =	ssyncset.done $0x0  }
0x12: {  	s19 =	simm.s32 $0x6400;
	s18 =	rddreg [dreg:$0xd];
	[sflag:s1] =	ssyncadd.s32 $0xFFFF9C00  }
0x13: {  	[tilespmem:s19], [sflag:$0x7] =	stream.linear.gather [hbm4b:s18+s28], $0x3200, $0x38;
	[tilespmem:$0x18600] =	vst v63  }
0x14: {  	s20 =	simm.s32 $0x9600;
	_ =	swait.ge [sflag:s1], $0x3200  }
0x15: {  	s21 =	simm.s32 $0x50;
	s22 =	simm.s32 $0xBE00;
	[sflag:s1] =	ssyncset.done $0x0  }
0x16: {  	s25 =	simm.s32 $0xA0;
	s23 =	simm.s32 $0xE600;
	[sflag:s1] =	ssyncadd.s32 $0xFFFFCE00  }
0x17: {  	[tilespmem:s20], [sflag:$0x1] =	stream.indirect.gather [hbm4b:s4+s21], $0x80, s28, s21, $0xb8;
	[tilespmem:$0x18600] =	vst v63  }
0x18: {  	s26 =	simm.s32 $0xF0;
	s24 =	simm.s32 $0x10E00;
	s11 =	simm.s32 $0x15C0  }
0x19: {  	[tilespmem:s22], [sflag:$0x2] =	stream.indirect.gather [hbm4b:s4+s21], $0x80, s21, s21, $0xb8;
	[tilespmem:$0x18600] =	vst v63  }
0x1a: {  	s29 =	simm.s32 $0x29C0;
	s30 =	simm.s32 $0x3DC0;
	s31 =	simm.s32 $0x50  }
0x1b: {  	[tilespmem:s23], [sflag:$0x3] =	stream.indirect.gather [hbm4b:s4+s21], $0x80, s25, s21, $0xb8;
	[tilespmem:$0x18600] =	vst v63  }
0x1c: {  	s12 =	simm.s32 $0x0;
	s0 =	simm.s32 $0x0;
	s1 =	simm.s32 $0x0  }
0x1d: {  	[tilespmem:s24], [sflag:$0x4] =	stream.indirect.gather [hbm4b:s4+s21], $0x80, s26, s21, $0xb8;
	[tilespmem:$0x18600] =	vst v63  }
.LBB2_2:
0x1e: {  	s3 =	smulhi.u32 $0x51EB851F, s26  }
0x1f: {  	s5 =	smulhi.u32 $0x51EB851F, s25  }
0x20: {  	s9 =	smulhi.u32 $0x51EB851F, s31  }
0x21: {  	s21 =	smulhi.u32 $0x51EB851F, s0;
	s3 =	sshrl.u32 s3, $0x6  }
0x22: {  	s7 =	smul.u32 $0xC8, s3  }
0x23: {  	s5 =	sshrl.u32 s5, $0x6;
	s3 =	smul.u32 $0xFFFFCE00, s3  }
0x24: {  	s8 =	smul.u32 $0xC8, s5  }
0x25: {  	s20 =	sshrl.u32 s9, $0x6;
	s5 =	smul.u32 $0xFFFFCE00, s5  }
0x26: {  	s24 =	smul.u32 $0xFFFFCE00, s20;
	[dreg:$0xc] =	wrdreg s3  }
0x27: {  	s6 =	sshrl.u32 s21, $0x6;
	[dreg:$0xa] =	wrdreg s5  }
0x28: {  	s23 =	smul.u32 $0xC8, s20;
	s7 =	ssub.s32 s0, s7;
	[dreg:$0x8] =	wrdreg s24  }
0x29: {  	s9 =	smul.u32 $0xC8, s6;
	s22 =	ssub.s32 s0, s8;
	[dreg:$0xb] =	wrdreg s7  }
0x2a: {  	s8 =	ssub.s32 s0, s23;
	[dreg:$0x9] =	wrdreg s22  }
0x2b: {  	s10 =	ssub.s32 s0, s9;
	[dreg:$0x7] =	wrdreg s8  }
0x2c: {  	s13 =	simm.s32 $0x1;
	[dreg:$0x2] =	wrdreg s10  }
0x2d: {  	_ =	swait.ge [sflag:s13], $0x2800  }
0x2e: {  	p0 =	seq.s32 s12, $0x0;
	[sflag:s13] =	ssyncset.done $0x0  }
0x2f: {  	s3 =	simm.s32 @!p0 $0x5;
	[sflag:s13] =	ssyncadd.s32 $0xFFFFD800  }
0x30: {  	_ =	swait.ge @!p0 [sflag:s3], $0x2800  }
0x31: {  	s15 =	smul.u32 $0x3200, s6;
	s14 =	rddreg [dreg:$0x2]  }
0x32: {  	s13 =	simm.s32 $0x9800;
	[sflag:s3] =	ssyncset.done @!p0 $0x0;
	s16 =	sadd.s32 $0xFFFFFFF8, s14  }
0x33: {  	s14 =	ssub.s32 s1, s15;
	[sflag:s3] =	ssyncadd.s32 @!p0 $0xFFFFD800;
	s17 =	sadd.s32 $0x8, s16  }
0x34: {  	s3 =	sadd.s32 $0xFFFFCE00, s14;
	s8 =	smov.u32 s14;
	p1 =	sgt.u32 s17, $0xC7  }
0x35: {  	v0 =	vld [tilespmem:s13+$0xFFFFFE00];
	s8 =	smov.u32 @p1 s3  }
0x36: {  	v1 =	vld [tilespmem:s8+$0x6400];
	_ =	sdelay $0x4  }
0x37: {  	v0 =	vadd.f32 v1, v0  }
0x38: {  	s5 =	simm.s32 $0x13800  }
0x39: {  	[tilespmem:s5+$0xFFFFFE00] =	vst v0  }
0x3a: {  	v0 =	vld [tilespmem:s13+$0xFFFFFE10]  }
0x3b: {  	v1 =	vld [tilespmem:s8+$0x6410];
	_ =	sdelay $0x4  }
0x3c: {  	v0 =	vadd.f32 v1, v0;
	_ =	sdelay $0x1  }
0x3d: {  	[tilespmem:s5+$0xFFFFFE10] =	vst v0  }
0x3e: {  	v0 =	vld [tilespmem:s13+$0xFFFFFE20]  }
0x3f: {  	v1 =	vld [tilespmem:s8+$0x6420];
	_ =	sdelay $0x4  }
0x40: {  	v0 =	vadd.f32 v1, v0;
	_ =	sdelay $0x1  }
0x41: {  	[tilespmem:s5+$0xFFFFFE20] =	vst v0  }
0x42: {  	v0 =	vld [tilespmem:s13+$0xFFFFFE30]  }
0x43: {  	v1 =	vld [tilespmem:s8+$0x6430];
	_ =	sdelay $0x4  }
0x44: {  	s18 =	sadd.s32 $0x9, s16;
	v0 =	vadd.f32 v1, v0  }
0x45: {  	s3 =	rddreg [dreg:$0x3];
	p1 =	sgt.u32 s18, $0xC7  }
0x46: {  	s3 =	simm.s32 @!p1 $0x40;
	[tilespmem:s5+$0xFFFFFE30] =	vst v0  }
0x47: {  	s3 =	sadd.s32 s3, s14;
	v0 =	vld [tilespmem:s13+$0xFFFFFE80]  }
0x48: {  	v1 =	vld [tilespmem:s3+$0x6400];
	_ =	sdelay $0x4  }
0x49: {  	v0 =	vadd.f32 v1, v0;
	_ =	sdelay $0x1  }
0x4a: {  	[tilespmem:s5+$0xFFFFFE80] =	vst v0  }
0x4b: {  	v0 =	vld [tilespmem:s13+$0xFFFFFE90]  }
0x4c: {  	v1 =	vld [tilespmem:s3+$0x6410];
	_ =	sdelay $0x4  }
0x4d: {  	v0 =	vadd.f32 v1, v0;
	_ =	sdelay $0x1  }
0x4e: {  	[tilespmem:s5+$0xFFFFFE90] =	vst v0  }
0x4f: {  	v0 =	vld [tilespmem:s13+$0xFFFFFEA0]  }
0x50: {  	v1 =	vld [tilespmem:s3+$0x6420];
	_ =	sdelay $0x4  }
0x51: {  	v0 =	vadd.f32 v1, v0;
	_ =	sdelay $0x1  }
0x52: {  	[tilespmem:s5+$0xFFFFFEA0] =	vst v0  }
0x53: {  	v0 =	vld [tilespmem:s13+$0xFFFFFEB0]  }
0x54: {  	v1 =	vld [tilespmem:s3+$0x6430];
	_ =	sdelay $0x4  }
0x55: {  	s19 =	sadd.s32 $0xA, s16;
	v0 =	vadd.f32 v1, v0  }
0x56: {  	p1 =	sgt.u32 s19, $0xC7;
	s3 =	rddreg [dreg:$0x4]  }
0x57: {  	s3 =	simm.s32 @!p1 $0x80;
	[tilespmem:s5+$0xFFFFFEB0] =	vst v0  }
0x58: {  	s3 =	sadd.s32 s3, s14;
	v0 =	vld [tilespmem:s13+$0xFFFFFF00]  }
0x59: {  	v1 =	vld [tilespmem:s3+$0x6400];
	_ =	sdelay $0x4  }
0x5a: {  	v0 =	vadd.f32 v1, v0;
	_ =	sdelay $0x1  }
0x5b: {  	[tilespmem:s5+$0xFFFFFF00] =	vst v0  }
0x5c: {  	v0 =	vld [tilespmem:s13+$0xFFFFFF10]  }
0x5d: {  	v1 =	vld [tilespmem:s3+$0x6410];
	_ =	sdelay $0x4  }
0x5e: {  	v0 =	vadd.f32 v1, v0;
	_ =	sdelay $0x1  }
0x5f: {  	[tilespmem:s5+$0xFFFFFF10] =	vst v0  }
0x60: {  	v0 =	vld [tilespmem:s13+$0xFFFFFF20]  }
0x61: {  	v1 =	vld [tilespmem:s3+$0x6420];
	_ =	sdelay $0x4  }
0x62: {  	v0 =	vadd.f32 v1, v0;
	_ =	sdelay $0x1  }
0x63: {  	[tilespmem:s5+$0xFFFFFF20] =	vst v0  }
0x64: {  	v0 =	vld [tilespmem:s13+$0xFFFFFF30]  }
0x65: {  	v1 =	vld [tilespmem:s3+$0x6430];
	_ =	sdelay $0x4  }
0x66: {  	s20 =	sadd.s32 $0xB, s16;
	v0 =	vadd.f32 v1, v0  }
0x67: {  	p1 =	sgt.u32 s20, $0xC7;
	s3 =	rddreg [dreg:$0x5]  }
0x68: {  	s3 =	simm.s32 @!p1 $0xC0;
	[tilespmem:s5+$0xFFFFFF30] =	vst v0  }
0x69: {  	s3 =	sadd.s32 s3, s14;
	v0 =	vld [tilespmem:s13+$0xFFFFFF80]  }
0x6a: {  	v1 =	vld [tilespmem:s3+$0x6400];
	_ =	sdelay $0x4  }
0x6b: {  	v0 =	vadd.f32 v1, v0;
	_ =	sdelay $0x1  }
0x6c: {  	[tilespmem:s5+$0xFFFFFF80] =	vst v0  }
0x6d: {  	v0 =	vld [tilespmem:s13+$0xFFFFFF90]  }
0x6e: {  	v1 =	vld [tilespmem:s3+$0x6410];
	_ =	sdelay $0x4  }
0x6f: {  	v0 =	vadd.f32 v1, v0;
	_ =	sdelay $0x1  }
0x70: {  	[tilespmem:s5+$0xFFFFFF90] =	vst v0  }
0x71: {  	v0 =	vld [tilespmem:s13+$0xFFFFFFA0]  }
0x72: {  	v1 =	vld [tilespmem:s3+$0x6420];
	_ =	sdelay $0x4  }
0x73: {  	v0 =	vadd.f32 v1, v0;
	_ =	sdelay $0x1  }
0x74: {  	[tilespmem:s5+$0xFFFFFFA0] =	vst v0  }
0x75: {  	v0 =	vld [tilespmem:s13+$0xFFFFFFB0]  }
0x76: {  	v1 =	vld [tilespmem:s3+$0x6430];
	_ =	sdelay $0x4  }
0x77: {  	s21 =	sadd.s32 $0xC, s16;
	v0 =	vadd.f32 v1, v0  }
0x78: {  	p1 =	sgt.u32 s21, $0xC7;
	s3 =	rddreg [dreg:$0x6]  }
0x79: {  	s3 =	simm.s32 @!p1 $0x100;
	[tilespmem:s5+$0xFFFFFFB0] =	vst v0  }
0x7a: {  	s3 =	sadd.s32 s3, s14;
	v0 =	vld [tilespmem:s13+$0x0]  }
0x7b: {  	v1 =	vld [tilespmem:s3+$0x6400];
	_ =	sdelay $0x4  }
0x7c: {  	v0 =	vadd.f32 v1, v0;
	_ =	sdelay $0x1  }
0x7d: {  	[tilespmem:s5+$0x0] =	vst v0  }
0x7e: {  	v0 =	vld [tilespmem:s13+$0x10]  }
0x7f: {  	v1 =	vld [tilespmem:s3+$0x6410];
	_ =	sdelay $0x4  }
0x80: {  	v0 =	vadd.f32 v1, v0;
	_ =	sdelay $0x1  }
0x81: {  	[tilespmem:s5+$0x10] =	vst v0  }
0x82: {  	v0 =	vld [tilespmem:s13+$0x20]  }
0x83: {  	v1 =	vld [tilespmem:s3+$0x6420];
	_ =	sdelay $0x4  }
0x84: {  	v0 =	vadd.f32 v1, v0;
	_ =	sdelay $0x1  }
0x85: {  	[tilespmem:s5+$0x20] =	vst v0  }
0x86: {  	v0 =	vld [tilespmem:s13+$0x30]  }
0x87: {  	v1 =	vld [tilespmem:s3+$0x6430];
	_ =	sdelay $0x4  }
0x88: {  	s22 =	sadd.s32 $0xD, s16;
	v0 =	vadd.f32 v1, v0  }
0x89: {  	p1 =	sgt.u32 s22, $0xC7;
	s3 =	simm.s32 $0xFFFFCF40  }
0x8a: {  	s3 =	simm.s32 @!p1 $0x140;
	[tilespmem:s5+$0x30] =	vst v0  }
0x8b: {  	s3 =	sadd.s32 s3, s14;
	v0 =	vld [tilespmem:s13+$0x80]  }
0x8c: {  	v1 =	vld [tilespmem:s3+$0x6400];
	_ =	sdelay $0x4  }
0x8d: {  	v0 =	vadd.f32 v1, v0;
	_ =	sdelay $0x1  }
0x8e: {  	[tilespmem:s5+$0x80] =	vst v0  }
0x8f: {  	v0 =	vld [tilespmem:s13+$0x90]  }
0x90: {  	v1 =	vld [tilespmem:s3+$0x6410];
	_ =	sdelay $0x4  }
0x91: {  	v0 =	vadd.f32 v1, v0;
	_ =	sdelay $0x1  }
0x92: {  	[tilespmem:s5+$0x90] =	vst v0  }
0x93: {  	v0 =	vld [tilespmem:s13+$0xA0]  }
0x94: {  	v1 =	vld [tilespmem:s3+$0x6420];
	_ =	sdelay $0x4  }
0x95: {  	v0 =	vadd.f32 v1, v0;
	_ =	sdelay $0x1  }
0x96: {  	[tilespmem:s5+$0xA0] =	vst v0  }
0x97: {  	v0 =	vld [tilespmem:s13+$0xB0]  }
0x98: {  	v1 =	vld [tilespmem:s3+$0x6430];
	_ =	sdelay $0x4  }
0x99: {  	s23 =	sadd.s32 $0xE, s16;
	v0 =	vadd.f32 v1, v0  }
0x9a: {  	p1 =	sgt.u32 s23, $0xC7;
	s3 =	simm.s32 $0xFFFFCF80  }
0x9b: {  	s3 =	simm.s32 @!p1 $0x180;
	[tilespmem:s5+$0xB0] =	vst v0  }
0x9c: {  	s3 =	sadd.s32 s3, s14;
	v0 =	vld [tilespmem:s13+$0x100]  }
0x9d: {  	v1 =	vld [tilespmem:s3+$0x6400];
	_ =	sdelay $0x4  }
0x9e: {  	v0 =	vadd.f32 v1, v0;
	_ =	sdelay $0x1  }
0x9f: {  	[tilespmem:s5+$0x100] =	vst v0  }
0xa0: {  	v0 =	vld [tilespmem:s13+$0x110]  }
0xa1: {  	v1 =	vld [tilespmem:s3+$0x6410];
	_ =	sdelay $0x4  }
0xa2: {  	v0 =	vadd.f32 v1, v0;
	_ =	sdelay $0x1  }
0xa3: {  	[tilespmem:s5+$0x110] =	vst v0  }
0xa4: {  	v0 =	vld [tilespmem:s13+$0x120]  }
0xa5: {  	v1 =	vld [tilespmem:s3+$0x6420];
	_ =	sdelay $0x4  }
0xa6: {  	v0 =	vadd.f32 v1, v0;
	_ =	sdelay $0x1  }
0xa7: {  	[tilespmem:s5+$0x120] =	vst v0  }
0xa8: {  	v0 =	vld [tilespmem:s13+$0x130]  }
0xa9: {  	v1 =	vld [tilespmem:s3+$0x6430];
	_ =	sdelay $0x4  }
0xaa: {  	s24 =	sadd.s32 $0xF, s16;
	v0 =	vadd.f32 v1, v0  }
0xab: {  	p1 =	sgt.u32 s24, $0xC7;
	s3 =	simm.s32 $0xFFFFCFC0  }
0xac: {  	s3 =	simm.s32 @!p1 $0x1C0;
	[tilespmem:s5+$0x130] =	vst v0  }
0xad: {  	s9 =	simm.s32 $0x13800;
	s3 =	sadd.s32 s3, s14;
	v0 =	vld [tilespmem:s13+$0x180]  }
0xae: {  	s10 =	smul.u32 $0x140, s12;
	s7 =	simm.s32 $0x0;
	s8 =	simm.s32 $0x9C00;
	v1 =	vld [tilespmem:s3+$0x6400]  }
.LBB2_3:
0xaf: {  	_ =	sdelay $0x3  }
0xb0: {  	v0 =	vadd.f32 v1, v0;
	_ =	sdelay $0x1  }
0xb1: {  	[tilespmem:s9+$0x180] =	vst v0  }
0xb2: {  	v0 =	vld [tilespmem:s13+$0x190]  }
0xb3: {  	v1 =	vld [tilespmem:s3+$0x6410];
	_ =	sdelay $0x4  }
0xb4: {  	v0 =	vadd.f32 v1, v0;
	_ =	sdelay $0x1  }
0xb5: {  	[tilespmem:s9+$0x190] =	vst v0  }
0xb6: {  	v0 =	vld [tilespmem:s13+$0x1A0]  }
0xb7: {  	v1 =	vld [tilespmem:s3+$0x6420];
	_ =	sdelay $0x4  }
0xb8: {  	v0 =	vadd.f32 v1, v0;
	_ =	sdelay $0x1  }
0xb9: {  	[tilespmem:s9+$0x1A0] =	vst v0  }
0xba: {  	v0 =	vld [tilespmem:s13+$0x1B0]  }
0xbb: {  	v1 =	vld [tilespmem:s3+$0x6430];
	_ =	sdelay $0x3  }
0xbc: {  	s15 =	smov.u32 s7;
	s16 =	rddreg [dreg:$0x2]  }
0xbd: {  	s15 =	sadd.s32 s15, s16;
	v0 =	vadd.f32 v1, v0  }
0xbe: {  	s14 =	sadd.s32 $0x200, s14;
	s3 =	sadd.s32 $0x8, s15  }
0xbf: {  	s19 =	sadd.s32 $0xFFFFCE00, s14;
	p2 =	sgt.u32 s3, $0xC7;
	s3 =	smov.u32 s14;
	[tilespmem:s9+$0x1B0] =	vst v0  }
0xc0: {  	s3 =	smov.u32 @p2 s19;
	v0 =	vld [tilespmem:s8+$0xFFFFFE00]  }
0xc1: {  	v1 =	vld [tilespmem:s3+$0x6400];
	_ =	sdelay $0x4  }
0xc2: {  	v0 =	vadd.f32 v1, v0  }
0xc3: {  	s5 =	sadd.s32 $0x400, s5  }
0xc4: {  	[tilespmem:s5+$0xFFFFFE00] =	vst v0  }
0xc5: {  	v0 =	vld [tilespmem:s8+$0xFFFFFE10]  }
0xc6: {  	v1 =	vld [tilespmem:s3+$0x6410];
	_ =	sdelay $0x4  }
0xc7: {  	v0 =	vadd.f32 v1, v0;
	_ =	sdelay $0x1  }
0xc8: {  	[tilespmem:s5+$0xFFFFFE10] =	vst v0  }
0xc9: {  	v0 =	vld [tilespmem:s8+$0xFFFFFE20]  }
0xca: {  	v1 =	vld [tilespmem:s3+$0x6420];
	_ =	sdelay $0x4  }
0xcb: {  	v0 =	vadd.f32 v1, v0;
	_ =	sdelay $0x1  }
0xcc: {  	[tilespmem:s5+$0xFFFFFE20] =	vst v0  }
0xcd: {  	v0 =	vld [tilespmem:s8+$0xFFFFFE30]  }
0xce: {  	v1 =	vld [tilespmem:s3+$0x6430];
	_ =	sdelay $0x4  }
0xcf: {  	s16 =	sadd.s32 $0x9, s15;
	v0 =	vadd.f32 v1, v0  }
0xd0: {  	s21 =	rddreg [dreg:$0x3];
	p3 =	sgt.u32 s16, $0xC7  }
0xd1: {  	s21 =	simm.s32 @!p3 $0x40;
	[tilespmem:s5+$0xFFFFFE30] =	vst v0  }
0xd2: {  	s6 =	sadd.s32 s21, s14;
	v0 =	vld [tilespmem:s8+$0xFFFFFE80]  }
0xd3: {  	v1 =	vld [tilespmem:s6+$0x6400];
	_ =	sdelay $0x4  }
0xd4: {  	v0 =	vadd.f32 v1, v0;
	_ =	sdelay $0x1  }
0xd5: {  	[tilespmem:s5+$0xFFFFFE80] =	vst v0  }
0xd6: {  	v0 =	vld [tilespmem:s8+$0xFFFFFE90]  }
0xd7: {  	v1 =	vld [tilespmem:s6+$0x6410];
	_ =	sdelay $0x4  }
0xd8: {  	v0 =	vadd.f32 v1, v0;
	_ =	sdelay $0x1  }
0xd9: {  	[tilespmem:s5+$0xFFFFFE90] =	vst v0  }
0xda: {  	v0 =	vld [tilespmem:s8+$0xFFFFFEA0]  }
0xdb: {  	v1 =	vld [tilespmem:s6+$0x6420];
	_ =	sdelay $0x4  }
0xdc: {  	v0 =	vadd.f32 v1, v0;
	_ =	sdelay $0x1  }
0xdd: {  	[tilespmem:s5+$0xFFFFFEA0] =	vst v0  }
0xde: {  	v0 =	vld [tilespmem:s8+$0xFFFFFEB0]  }
0xdf: {  	v1 =	vld [tilespmem:s6+$0x6430];
	_ =	sdelay $0x4  }
0xe0: {  	s18 =	sadd.s32 $0xA, s15;
	v0 =	vadd.f32 v1, v0  }
0xe1: {  	s22 =	rddreg [dreg:$0x4];
	p2 =	sgt.u32 s18, $0xC7  }
0xe2: {  	s18 =	sadd.s32 $0xB, s15;
	s22 =	simm.s32 @!p2 $0x80;
	[tilespmem:s5+$0xFFFFFEB0] =	vst v0  }
0xe3: {  	p2 =	sgt.u32 s18, $0xC7;
	s18 =	sadd.s32 s22, s14;
	v0 =	vld [tilespmem:s8+$0xFFFFFF00]  }
0xe4: {  	v1 =	vld [tilespmem:s18+$0x6400];
	_ =	sdelay $0x4  }
0xe5: {  	v0 =	vadd.f32 v1, v0;
	_ =	sdelay $0x1  }
0xe6: {  	[tilespmem:s5+$0xFFFFFF00] =	vst v0  }
0xe7: {  	v0 =	vld [tilespmem:s8+$0xFFFFFF10]  }
0xe8: {  	v1 =	vld [tilespmem:s18+$0x6410];
	_ =	sdelay $0x4  }
0xe9: {  	v0 =	vadd.f32 v1, v0;
	_ =	sdelay $0x1  }
0xea: {  	[tilespmem:s5+$0xFFFFFF10] =	vst v0  }
0xeb: {  	v0 =	vld [tilespmem:s8+$0xFFFFFF20]  }
0xec: {  	v1 =	vld [tilespmem:s18+$0x6420];
	_ =	sdelay $0x4  }
0xed: {  	v0 =	vadd.f32 v1, v0;
	_ =	sdelay $0x1  }
0xee: {  	[tilespmem:s5+$0xFFFFFF20] =	vst v0  }
0xef: {  	v0 =	vld [tilespmem:s8+$0xFFFFFF30]  }
0xf0: {  	v1 =	vld [tilespmem:s18+$0x6430];
	_ =	sdelay $0x4  }
0xf1: {  	v0 =	vadd.f32 v1, v0  }
0xf2: {  	s20 =	rddreg [dreg:$0x5]  }
0xf3: {  	s20 =	simm.s32 @!p2 $0xC0;
	[tilespmem:s5+$0xFFFFFF30] =	vst v0  }
0xf4: {  	s21 =	sadd.s32 s20, s14;
	v0 =	vld [tilespmem:s8+$0xFFFFFF80]  }
0xf5: {  	v1 =	vld [tilespmem:s21+$0x6400];
	_ =	sdelay $0x4  }
0xf6: {  	v0 =	vadd.f32 v1, v0;
	_ =	sdelay $0x1  }
0xf7: {  	[tilespmem:s5+$0xFFFFFF80] =	vst v0  }
0xf8: {  	v0 =	vld [tilespmem:s8+$0xFFFFFF90]  }
0xf9: {  	v1 =	vld [tilespmem:s21+$0x6410];
	_ =	sdelay $0x4  }
0xfa: {  	v0 =	vadd.f32 v1, v0;
	_ =	sdelay $0x1  }
0xfb: {  	[tilespmem:s5+$0xFFFFFF90] =	vst v0  }
0xfc: {  	v0 =	vld [tilespmem:s8+$0xFFFFFFA0]  }
0xfd: {  	v1 =	vld [tilespmem:s21+$0x6420];
	_ =	sdelay $0x4  }
0xfe: {  	v0 =	vadd.f32 v1, v0;
	_ =	sdelay $0x1  }
0xff: {  	[tilespmem:s5+$0xFFFFFFA0] =	vst v0  }
0x100: {  	v0 =	vld [tilespmem:s8+$0xFFFFFFB0]  }
0x101: {  	v1 =	vld [tilespmem:s21+$0x6430];
	_ =	sdelay $0x4  }
0x102: {  	s19 =	sadd.s32 $0xC, s15;
	v0 =	vadd.f32 v1, v0  }
0x103: {  	s17 =	rddreg [dreg:$0x6];
	p3 =	sgt.u32 s19, $0xC7  }
0x104: {  	s17 =	simm.s32 @!p3 $0x100;
	[tilespmem:s5+$0xFFFFFFB0] =	vst v0  }
0x105: {  	s22 =	sadd.s32 s17, s14;
	v0 =	vld [tilespmem:s8+$0x0]  }
0x106: {  	v1 =	vld [tilespmem:s22+$0x6400];
	_ =	sdelay $0x4  }
0x107: {  	v0 =	vadd.f32 v1, v0;
	_ =	sdelay $0x1  }
0x108: {  	[tilespmem:s5+$0x0] =	vst v0  }
0x109: {  	v0 =	vld [tilespmem:s8+$0x10]  }
0x10a: {  	v1 =	vld [tilespmem:s22+$0x6410];
	_ =	sdelay $0x4  }
0x10b: {  	v0 =	vadd.f32 v1, v0;
	_ =	sdelay $0x1  }
0x10c: {  	[tilespmem:s5+$0x10] =	vst v0  }
0x10d: {  	v0 =	vld [tilespmem:s8+$0x20]  }
0x10e: {  	v1 =	vld [tilespmem:s22+$0x6420];
	_ =	sdelay $0x4  }
0x10f: {  	v0 =	vadd.f32 v1, v0;
	_ =	sdelay $0x1  }
0x110: {  	[tilespmem:s5+$0x20] =	vst v0  }
0x111: {  	v0 =	vld [tilespmem:s8+$0x30]  }
0x112: {  	v1 =	vld [tilespmem:s22+$0x6430];
	_ =	sdelay $0x4  }
0x113: {  	s23 =	sadd.s32 $0xD, s15;
	v0 =	vadd.f32 v1, v0  }
0x114: {  	s19 =	simm.s32 $0xFFFFCF40;
	p2 =	sgt.u32 s23, $0xC7  }
0x115: {  	s19 =	simm.s32 @!p2 $0x140;
	[tilespmem:s5+$0x30] =	vst v0  }
0x116: {  	s23 =	sadd.s32 s19, s14;
	v0 =	vld [tilespmem:s8+$0x80]  }
0x117: {  	v1 =	vld [tilespmem:s23+$0x6400];
	_ =	sdelay $0x4  }
0x118: {  	v0 =	vadd.f32 v1, v0;
	_ =	sdelay $0x1  }
0x119: {  	[tilespmem:s5+$0x80] =	vst v0  }
0x11a: {  	v0 =	vld [tilespmem:s8+$0x90]  }
0x11b: {  	v1 =	vld [tilespmem:s23+$0x6410];
	_ =	sdelay $0x4  }
0x11c: {  	v0 =	vadd.f32 v1, v0;
	_ =	sdelay $0x1  }
0x11d: {  	[tilespmem:s5+$0x90] =	vst v0  }
0x11e: {  	v0 =	vld [tilespmem:s8+$0xA0]  }
0x11f: {  	v1 =	vld [tilespmem:s23+$0x6420];
	_ =	sdelay $0x4  }
0x120: {  	v0 =	vadd.f32 v1, v0;
	_ =	sdelay $0x1  }
0x121: {  	[tilespmem:s5+$0xA0] =	vst v0  }
0x122: {  	v0 =	vld [tilespmem:s8+$0xB0]  }
0x123: {  	v1 =	vld [tilespmem:s23+$0x6430];
	_ =	sdelay $0x4  }
0x124: {  	s24 =	sadd.s32 $0xE, s15;
	s15 =	sadd.s32 $0xF, s15;
	v0 =	vadd.f32 v1, v0  }
0x125: {  	p3 =	sgt.u32 s15, $0xC7;
	s15 =	simm.s32 $0xFFFFCF80;
	p2 =	sgt.u32 s24, $0xC7  }
0x126: {  	s15 =	simm.s32 @!p2 $0x180;
	[tilespmem:s5+$0xB0] =	vst v0  }
0x127: {  	s24 =	sadd.s32 s15, s14;
	v0 =	vld [tilespmem:s8+$0x100]  }
0x128: {  	v1 =	vld [tilespmem:s24+$0x6400];
	_ =	sdelay $0x4  }
0x129: {  	v0 =	vadd.f32 v1, v0;
	_ =	sdelay $0x1  }
0x12a: {  	[tilespmem:s5+$0x100] =	vst v0  }
0x12b: {  	v0 =	vld [tilespmem:s8+$0x110]  }
0x12c: {  	v1 =	vld [tilespmem:s24+$0x6410];
	_ =	sdelay $0x4  }
0x12d: {  	v0 =	vadd.f32 v1, v0;
	_ =	sdelay $0x1  }
0x12e: {  	[tilespmem:s5+$0x110] =	vst v0  }
0x12f: {  	v0 =	vld [tilespmem:s8+$0x120]  }
0x130: {  	v1 =	vld [tilespmem:s24+$0x6420];
	_ =	sdelay $0x4  }
0x131: {  	v0 =	vadd.f32 v1, v0;
	_ =	sdelay $0x1  }
0x132: {  	[tilespmem:s5+$0x120] =	vst v0  }
0x133: {  	v0 =	vld [tilespmem:s8+$0x130]  }
0x134: {  	v1 =	vld [tilespmem:s24+$0x6430];
	_ =	sdelay $0x2  }
0x135: {  	s7 =	sadd.s32 $0x8, s7  }
0x136: {  	p1 =	slt.u32 s7, $0x48  }
.Ltmp0:
0x137: {  	v0 =	vadd.f32 v1, v0;
	(pc) =	sbr.rel @p1 .LBB2_3-.Ltmp0, $4  }
0x138: {  	s16 =	simm.s32 $0xFFFFCFC0  }
0x139: {  	s16 =	simm.s32 @!p3 $0x1C0;
	[tilespmem:s5+$0x130] =	vst v0  }
0x13a: {  	s3 =	sadd.s32 s16, s14;
	v0 =	vld [tilespmem:s8+$0x180]  }
0x13b: {  	s13 =	smov.u32 s8;
	s9 =	smov.u32 s5;
	v1 =	vld [tilespmem:s3+$0x6400];
	s8 =	sadd.s32 $0x400, s8  }
0x13c: {  	_ =	sdelay $0x3  }
0x13d: {  	v0 =	vadd.f32 v1, v0;
	_ =	sdelay $0x1  }
0x13e: {  	[tilespmem:s9+$0x180] =	vst v0  }
0x13f: {  	v0 =	vld [tilespmem:s13+$0x190]  }
0x140: {  	v61 =	vld [tilespmem:s3+$0x6410];
	_ =	sdelay $0x4  }
0x141: {  	v0 =	vadd.f32 v61, v0;
	_ =	sdelay $0x1  }
0x142: {  	[tilespmem:s9+$0x190] =	vst v0  }
0x143: {  	v0 =	vld [tilespmem:s13+$0x1A0]  }
0x144: {  	v62 =	vld [tilespmem:s3+$0x6420];
	_ =	sdelay $0x4  }
0x145: {  	v0 =	vadd.f32 v62, v0;
	_ =	sdelay $0x1  }
0x146: {  	[tilespmem:s9+$0x1A0] =	vst v0  }
0x147: {  	v0 =	vld [tilespmem:s13+$0x1B0]  }
0x148: {  	v63 =	vld [tilespmem:s3+$0x6430];
	_ =	sdelay $0x2  }
0x149: {  	p1 =	sne.s32 s12, $0x4F  }
.Ltmp1:
0x14a: {  	_ = 	snop;
	(pc) =	sbr.rel @p1 .LBB2_6-.Ltmp1, $4  }
0x14b: {  	s22 =	sadd.s32 s2, s10;
	v0 =	vadd.f32 v63, v0  }
0x14c: {  	s6 =	smov.u32 s2;
	s23 =	rddreg [dreg:$0xe];
	s3 =	sshll.u32 s22, $0x4  }
0x14d: {  	s24 =	simm.s32 $0x13600;
	s2 =	simm.s32 $0x0;
	s3 =	sadd.s32 s23, s3;
	[tilespmem:s9+$0x1B0] =	vst v0  }
0x14e: {  	[hbm4b:s3+s28] =	stream.linear.scatter [tilespmem:s24], [sflag:$0x5], $0x2800, $0x38;
	[tilespmem:$0x18600] =	vst v63  }
.Ltmp2:
0x14f: {  	(pc) =	sbr.rel .LBB2_7-.Ltmp2, $4  }
0x150: {  	s3 =	simm.s32 $0x2  }
0x151: {  	_ =	swait.ge [sflag:s3], $0x2800  }
0x152: {  	[sflag:s3] =	ssyncset.done $0x0  }
0x153: {  	[sflag:s3] =	ssyncadd.s32 $0xFFFFD800  }
.LBB2_6:
0x154: {  	s3 =	smul.u32 $0x500, s12;
	_ =	sdelay $0x1  }
0x155: {  	s5 =	simm.s32 $0x9600;
	s7 =	simm.s32 $0x50;
	s3 =	sshra.s32 s3, $0x2  }
.Ltmp3:
0x156: {  	s28 =	simm.s32 $0x2;
	s3 =	sadd.s32 $0x140, s3;
	(pc) =	sbr.rel @p0 .LBB2_8-.Ltmp3, $4  }
0x157: {  	[tilespmem:s5], [sflag:$0x1] =	stream.indirect.gather [hbm4b:s4+s7], $0x80, s3, s7, $0xb8;
	[tilespmem:$0x18600] =	vst v63  }
0x158: {  	_ =	swait.ge [sflag:s28], $0x2800  }
0x159: {  	[sflag:s28] =	ssyncset.done $0x0  }
0x15a: {  	[sflag:s28] =	ssyncadd.s32 $0xFFFFD800  }
.LBB2_7:
0x15b: {  	s3 =	simm.s32 $0x6  }
0x15c: {  	_ =	swait.ge [sflag:s3], $0x2800  }
0x15d: {  	[sflag:s3] =	ssyncset.done $0x0  }
0x15e: {  	[sflag:s3] =	ssyncadd.s32 $0xFFFFD800  }
.LBB2_8:
0x15f: {  	s3 =	rddreg [dreg:$0x7]  }
0x160: {  	s8 =	sadd.s32 $0xFFFFFFF8, s3  }
0x161: {  	s5 =	sadd.s32 $0x58, s8  }
0x162: {  	s17 =	rddreg [dreg:$0x8];
	s7 =	simm.s32 $0xFFFFCC40;
	p0 =	sgt.u32 s5, $0xC7  }
0x163: {  	s14 =	simm.s32 $0xC000;
	s5 =	sadd.s32 s11, s17;
	s7 =	simm.s32 @!p0 $0xFFFFFE40  }
0x164: {  	v0 =	vld [tilespmem:s14+$0xFFFFFE00];
	s3 =	sadd.s32 s7, s5  }
0x165: {  	v1 =	vld [tilespmem:s3+$0x6400];
	_ =	sdelay $0x4  }
0x166: {  	v0 =	vadd.f32 v1, v0  }
0x167: {  	s7 =	simm.s32 $0x16000  }
0x168: {  	[tilespmem:s7+$0xFFFFFE00] =	vst v0  }
0x169: {  	v0 =	vld [tilespmem:s14+$0xFFFFFE10]  }
0x16a: {  	v1 =	vld [tilespmem:s3+$0x6410];
	_ =	sdelay $0x4  }
0x16b: {  	v0 =	vadd.f32 v1, v0;
	_ =	sdelay $0x1  }
0x16c: {  	[tilespmem:s7+$0xFFFFFE10] =	vst v0  }
0x16d: {  	v0 =	vld [tilespmem:s14+$0xFFFFFE20]  }
0x16e: {  	v1 =	vld [tilespmem:s3+$0x6420];
	_ =	sdelay $0x4  }
0x16f: {  	v0 =	vadd.f32 v1, v0;
	_ =	sdelay $0x1  }
0x170: {  	[tilespmem:s7+$0xFFFFFE20] =	vst v0  }
0x171: {  	v0 =	vld [tilespmem:s14+$0xFFFFFE30]  }
0x172: {  	v1 =	vld [tilespmem:s3+$0x6430];
	_ =	sdelay $0x4  }
0x173: {  	s18 =	sadd.s32 $0x59, s8;
	v0 =	vadd.f32 v1, v0  }
0x174: {  	p0 =	sgt.u32 s18, $0xC7;
	s3 =	simm.s32 $0xFFFFCC80  }
0x175: {  	s3 =	simm.s32 @!p0 $0xFFFFFE80;
	[tilespmem:s7+$0xFFFFFE30] =	vst v0  }
0x176: {  	s3 =	sadd.s32 s3, s5;
	v0 =	vld [tilespmem:s14+$0xFFFFFE80]  }
0x177: {  	v1 =	vld [tilespmem:s3+$0x6400];
	_ =	sdelay $0x4  }
0x178: {  	v0 =	vadd.f32 v1, v0;
	_ =	sdelay $0x1  }
0x179: {  	[tilespmem:s7+$0xFFFFFE80] =	vst v0  }
0x17a: {  	v0 =	vld [tilespmem:s14+$0xFFFFFE90]  }
0x17b: {  	v1 =	vld [tilespmem:s3+$0x6410];
	_ =	sdelay $0x4  }
0x17c: {  	v0 =	vadd.f32 v1, v0;
	_ =	sdelay $0x1  }
0x17d: {  	[tilespmem:s7+$0xFFFFFE90] =	vst v0  }
0x17e: {  	v0 =	vld [tilespmem:s14+$0xFFFFFEA0]  }
0x17f: {  	v1 =	vld [tilespmem:s3+$0x6420];
	_ =	sdelay $0x4  }
0x180: {  	v0 =	vadd.f32 v1, v0;
	_ =	sdelay $0x1  }
0x181: {  	[tilespmem:s7+$0xFFFFFEA0] =	vst v0  }
0x182: {  	v0 =	vld [tilespmem:s14+$0xFFFFFEB0]  }
0x183: {  	v1 =	vld [tilespmem:s3+$0x6430];
	_ =	sdelay $0x4  }
0x184: {  	s19 =	sadd.s32 $0x5A, s8;
	v0 =	vadd.f32 v1, v0  }
0x185: {  	p0 =	sgt.u32 s19, $0xC7;
	s3 =	simm.s32 $0xFFFFCCC0  }
0x186: {  	s3 =	simm.s32 @!p0 $0xFFFFFEC0;
	[tilespmem:s7+$0xFFFFFEB0] =	vst v0  }
0x187: {  	s3 =	sadd.s32 s3, s5;
	v0 =	vld [tilespmem:s14+$0xFFFFFF00]  }
0x188: {  	v1 =	vld [tilespmem:s3+$0x6400];
	_ =	sdelay $0x4  }
0x189: {  	v0 =	vadd.f32 v1, v0;
	_ =	sdelay $0x1  }
0x18a: {  	[tilespmem:s7+$0xFFFFFF00] =	vst v0  }
0x18b: {  	v0 =	vld [tilespmem:s14+$0xFFFFFF10]  }
0x18c: {  	v1 =	vld [tilespmem:s3+$0x6410];
	_ =	sdelay $0x4  }
0x18d: {  	v0 =	vadd.f32 v1, v0;
	_ =	sdelay $0x1  }
0x18e: {  	[tilespmem:s7+$0xFFFFFF10] =	vst v0  }
0x18f: {  	v0 =	vld [tilespmem:s14+$0xFFFFFF20]  }
0x190: {  	v1 =	vld [tilespmem:s3+$0x6420];
	_ =	sdelay $0x4  }
0x191: {  	v0 =	vadd.f32 v1, v0;
	_ =	sdelay $0x1  }
0x192: {  	[tilespmem:s7+$0xFFFFFF20] =	vst v0  }
0x193: {  	v0 =	vld [tilespmem:s14+$0xFFFFFF30]  }
0x194: {  	v1 =	vld [tilespmem:s3+$0x6430];
	_ =	sdelay $0x4  }
0x195: {  	s20 =	sadd.s32 $0x5B, s8;
	v0 =	vadd.f32 v1, v0  }
0x196: {  	p0 =	sgt.u32 s20, $0xC7;
	s3 =	simm.s32 $0xFFFFCD00  }
0x197: {  	s3 =	simm.s32 @!p0 $0xFFFFFF00;
	[tilespmem:s7+$0xFFFFFF30] =	vst v0  }
0x198: {  	s3 =	sadd.s32 s3, s5;
	v0 =	vld [tilespmem:s14+$0xFFFFFF80]  }
0x199: {  	v1 =	vld [tilespmem:s3+$0x6400];
	_ =	sdelay $0x4  }
0x19a: {  	v0 =	vadd.f32 v1, v0;
	_ =	sdelay $0x1  }
0x19b: {  	[tilespmem:s7+$0xFFFFFF80] =	vst v0  }
0x19c: {  	v0 =	vld [tilespmem:s14+$0xFFFFFF90]  }
0x19d: {  	v1 =	vld [tilespmem:s3+$0x6410];
	_ =	sdelay $0x4  }
0x19e: {  	v0 =	vadd.f32 v1, v0;
	_ =	sdelay $0x1  }
0x19f: {  	[tilespmem:s7+$0xFFFFFF90] =	vst v0  }
0x1a0: {  	v0 =	vld [tilespmem:s14+$0xFFFFFFA0]  }
0x1a1: {  	v1 =	vld [tilespmem:s3+$0x6420];
	_ =	sdelay $0x4  }
0x1a2: {  	v0 =	vadd.f32 v1, v0;
	_ =	sdelay $0x1  }
0x1a3: {  	[tilespmem:s7+$0xFFFFFFA0] =	vst v0  }
0x1a4: {  	v0 =	vld [tilespmem:s14+$0xFFFFFFB0]  }
0x1a5: {  	v1 =	vld [tilespmem:s3+$0x6430];
	_ =	sdelay $0x4  }
0x1a6: {  	s21 =	sadd.s32 $0x5C, s8;
	v0 =	vadd.f32 v1, v0  }
0x1a7: {  	p0 =	sgt.u32 s21, $0xC7;
	s3 =	simm.s32 $0xFFFFCD40  }
0x1a8: {  	s3 =	simm.s32 @!p0 $0xFFFFFF40;
	[tilespmem:s7+$0xFFFFFFB0] =	vst v0  }
0x1a9: {  	s3 =	sadd.s32 s3, s5;
	v0 =	vld [tilespmem:s14+$0x0]  }
0x1aa: {  	v1 =	vld [tilespmem:s3+$0x6400];
	_ =	sdelay $0x4  }
0x1ab: {  	v0 =	vadd.f32 v1, v0;
	_ =	sdelay $0x1  }
0x1ac: {  	[tilespmem:s7+$0x0] =	vst v0  }
0x1ad: {  	v0 =	vld [tilespmem:s14+$0x10]  }
0x1ae: {  	v1 =	vld [tilespmem:s3+$0x6410];
	_ =	sdelay $0x4  }
0x1af: {  	v0 =	vadd.f32 v1, v0;
	_ =	sdelay $0x1  }
0x1b0: {  	[tilespmem:s7+$0x10] =	vst v0  }
0x1b1: {  	v0 =	vld [tilespmem:s14+$0x20]  }
0x1b2: {  	v1 =	vld [tilespmem:s3+$0x6420];
	_ =	sdelay $0x4  }
0x1b3: {  	v0 =	vadd.f32 v1, v0;
	_ =	sdelay $0x1  }
0x1b4: {  	[tilespmem:s7+$0x20] =	vst v0  }
0x1b5: {  	v0 =	vld [tilespmem:s14+$0x30]  }
0x1b6: {  	v1 =	vld [tilespmem:s3+$0x6430];
	_ =	sdelay $0x4  }
0x1b7: {  	s22 =	sadd.s32 $0x5D, s8;
	v0 =	vadd.f32 v1, v0  }
0x1b8: {  	p0 =	sgt.u32 s22, $0xC7;
	s3 =	simm.s32 $0xFFFFCD80  }
0x1b9: {  	s3 =	simm.s32 @!p0 $0xFFFFFF80;
	[tilespmem:s7+$0x30] =	vst v0  }
0x1ba: {  	s3 =	sadd.s32 s3, s5;
	v0 =	vld [tilespmem:s14+$0x80]  }
0x1bb: {  	v1 =	vld [tilespmem:s3+$0x6400];
	_ =	sdelay $0x4  }
0x1bc: {  	v0 =	vadd.f32 v1, v0;
	_ =	sdelay $0x1  }
0x1bd: {  	[tilespmem:s7+$0x80] =	vst v0  }
0x1be: {  	v0 =	vld [tilespmem:s14+$0x90]  }
0x1bf: {  	v1 =	vld [tilespmem:s3+$0x6410];
	_ =	sdelay $0x4  }
0x1c0: {  	v0 =	vadd.f32 v1, v0;
	_ =	sdelay $0x1  }
0x1c1: {  	[tilespmem:s7+$0x90] =	vst v0  }
0x1c2: {  	v0 =	vld [tilespmem:s14+$0xA0]  }
0x1c3: {  	v1 =	vld [tilespmem:s3+$0x6420];
	_ =	sdelay $0x4  }
0x1c4: {  	v0 =	vadd.f32 v1, v0;
	_ =	sdelay $0x1  }
0x1c5: {  	[tilespmem:s7+$0xA0] =	vst v0  }
0x1c6: {  	v0 =	vld [tilespmem:s14+$0xB0]  }
0x1c7: {  	v1 =	vld [tilespmem:s3+$0x6430];
	_ =	sdelay $0x4  }
0x1c8: {  	s23 =	sadd.s32 $0x5E, s8;
	v0 =	vadd.f32 v1, v0  }
0x1c9: {  	p0 =	sgt.u32 s23, $0xC7;
	s3 =	simm.s32 $0xFFFFCDC0  }
0x1ca: {  	s3 =	simm.s32 @!p0 $0xFFFFFFC0;
	[tilespmem:s7+$0xB0] =	vst v0  }
0x1cb: {  	s3 =	sadd.s32 s3, s5;
	v0 =	vld [tilespmem:s14+$0x100]  }
0x1cc: {  	v1 =	vld [tilespmem:s3+$0x6400];
	_ =	sdelay $0x4  }
0x1cd: {  	v0 =	vadd.f32 v1, v0;
	_ =	sdelay $0x1  }
0x1ce: {  	[tilespmem:s7+$0x100] =	vst v0  }
0x1cf: {  	v0 =	vld [tilespmem:s14+$0x110]  }
0x1d0: {  	v1 =	vld [tilespmem:s3+$0x6410];
	_ =	sdelay $0x4  }
0x1d1: {  	v0 =	vadd.f32 v1, v0;
	_ =	sdelay $0x1  }
0x1d2: {  	[tilespmem:s7+$0x110] =	vst v0  }
0x1d3: {  	v0 =	vld [tilespmem:s14+$0x120]  }
0x1d4: {  	v1 =	vld [tilespmem:s3+$0x6420];
	_ =	sdelay $0x4  }
0x1d5: {  	v0 =	vadd.f32 v1, v0;
	_ =	sdelay $0x1  }
0x1d6: {  	[tilespmem:s7+$0x120] =	vst v0  }
0x1d7: {  	v0 =	vld [tilespmem:s14+$0x130]  }
0x1d8: {  	v1 =	vld [tilespmem:s3+$0x6430];
	_ =	sdelay $0x4  }
0x1d9: {  	v0 =	vadd.f32 v1, v0  }
0x1da: {  	s24 =	sadd.s32 $0x5F, s8  }
0x1db: {  	s13 =	sadd.s32 $0x1, s12;
	s9 =	sadd.s32 $0xFFFFCE00, s5;
	p0 =	sgt.u32 s24, $0xC7;
	[tilespmem:s7+$0x130] =	vst v0  }
0x1dc: {  	s28 =	smov.u32 s11;
	s8 =	sadd.s32 $0x50, s10;
	s5 =	smov.u32 @p0 s9;
	v0 =	vld [tilespmem:s14+$0x180]  }
0x1dd: {  	s23 =	simm.s32 $0x16000;
	s24 =	simm.s32 $0xC400;
	s9 =	simm.s32 $0x0;
	v1 =	vld [tilespmem:s5+$0x6400]  }
.LBB2_9:
0x1de: {  	_ =	sdelay $0x3  }
0x1df: {  	v0 =	vadd.f32 v1, v0;
	_ =	sdelay $0x1  }
0x1e0: {  	[tilespmem:s23+$0x180] =	vst v0  }
0x1e1: {  	v0 =	vld [tilespmem:s14+$0x190]  }
0x1e2: {  	v1 =	vld [tilespmem:s5+$0x6410];
	_ =	sdelay $0x4  }
0x1e3: {  	v0 =	vadd.f32 v1, v0;
	_ =	sdelay $0x1  }
0x1e4: {  	[tilespmem:s23+$0x190] =	vst v0  }
0x1e5: {  	v0 =	vld [tilespmem:s14+$0x1A0]  }
0x1e6: {  	v1 =	vld [tilespmem:s5+$0x6420];
	_ =	sdelay $0x4  }
0x1e7: {  	v0 =	vadd.f32 v1, v0;
	_ =	sdelay $0x1  }
0x1e8: {  	[tilespmem:s23+$0x1A0] =	vst v0  }
0x1e9: {  	v0 =	vld [tilespmem:s14+$0x1B0]  }
0x1ea: {  	v1 =	vld [tilespmem:s5+$0x6430];
	_ =	sdelay $0x2  }
0x1eb: {  	s3 =	smov.u32 s9;
	s17 =	rddreg [dreg:$0x7]  }
0x1ec: {  	s28 =	sadd.s32 $0x200, s28;
	s15 =	sadd.s32 s3, s17  }
0x1ed: {  	s18 =	rddreg [dreg:$0x8];
	s16 =	sadd.s32 $0x59, s15;
	s5 =	sadd.s32 $0x58, s15;
	v0 =	vadd.f32 v1, v0  }
0x1ee: {  	p2 =	sgt.u32 s16, $0xC7;
	s16 =	simm.s32 $0xFFFFCC40;
	p1 =	sgt.u32 s5, $0xC7  }
0x1ef: {  	s5 =	sadd.s32 s28, s18;
	s16 =	simm.s32 @!p1 $0xFFFFFE40;
	[tilespmem:s23+$0x1B0] =	vst v0  }
0x1f0: {  	s18 =	sadd.s32 s16, s5;
	v0 =	vld [tilespmem:s24+$0xFFFFFE00]  }
0x1f1: {  	v1 =	vld [tilespmem:s18+$0x6400];
	_ =	sdelay $0x4  }
0x1f2: {  	v0 =	vadd.f32 v1, v0  }
0x1f3: {  	s7 =	sadd.s32 $0x400, s7  }
0x1f4: {  	[tilespmem:s7+$0xFFFFFE00] =	vst v0  }
0x1f5: {  	v0 =	vld [tilespmem:s24+$0xFFFFFE10]  }
0x1f6: {  	v1 =	vld [tilespmem:s18+$0x6410];
	_ =	sdelay $0x4  }
0x1f7: {  	v0 =	vadd.f32 v1, v0;
	_ =	sdelay $0x1  }
0x1f8: {  	[tilespmem:s7+$0xFFFFFE10] =	vst v0  }
0x1f9: {  	v0 =	vld [tilespmem:s24+$0xFFFFFE20]  }
0x1fa: {  	v1 =	vld [tilespmem:s18+$0x6420];
	_ =	sdelay $0x4  }
0x1fb: {  	v0 =	vadd.f32 v1, v0;
	_ =	sdelay $0x1  }
0x1fc: {  	[tilespmem:s7+$0xFFFFFE20] =	vst v0  }
0x1fd: {  	v0 =	vld [tilespmem:s24+$0xFFFFFE30]  }
0x1fe: {  	v1 =	vld [tilespmem:s18+$0x6430];
	_ =	sdelay $0x4  }
0x1ff: {  	v0 =	vadd.f32 v1, v0  }
0x200: {  	s3 =	simm.s32 $0xFFFFCC80  }
0x201: {  	s3 =	simm.s32 @!p2 $0xFFFFFE80;
	[tilespmem:s7+$0xFFFFFE30] =	vst v0  }
0x202: {  	s3 =	sadd.s32 s3, s5;
	v0 =	vld [tilespmem:s24+$0xFFFFFE80]  }
0x203: {  	v1 =	vld [tilespmem:s3+$0x6400];
	_ =	sdelay $0x4  }
0x204: {  	v0 =	vadd.f32 v1, v0;
	_ =	sdelay $0x1  }
0x205: {  	[tilespmem:s7+$0xFFFFFE80] =	vst v0  }
0x206: {  	v0 =	vld [tilespmem:s24+$0xFFFFFE90]  }
0x207: {  	v1 =	vld [tilespmem:s3+$0x6410];
	_ =	sdelay $0x4  }
0x208: {  	v0 =	vadd.f32 v1, v0;
	_ =	sdelay $0x1  }
0x209: {  	[tilespmem:s7+$0xFFFFFE90] =	vst v0  }
0x20a: {  	v0 =	vld [tilespmem:s24+$0xFFFFFEA0]  }
0x20b: {  	v1 =	vld [tilespmem:s3+$0x6420];
	_ =	sdelay $0x4  }
0x20c: {  	v0 =	vadd.f32 v1, v0;
	_ =	sdelay $0x1  }
0x20d: {  	[tilespmem:s7+$0xFFFFFEA0] =	vst v0  }
0x20e: {  	v0 =	vld [tilespmem:s24+$0xFFFFFEB0]  }
0x20f: {  	v1 =	vld [tilespmem:s3+$0x6430];
	_ =	sdelay $0x4  }
0x210: {  	s17 =	sadd.s32 $0x5A, s15;
	v0 =	vadd.f32 v1, v0  }
0x211: {  	s21 =	simm.s32 $0xFFFFCCC0;
	p3 =	sgt.u32 s17, $0xC7  }
0x212: {  	s21 =	simm.s32 @!p3 $0xFFFFFEC0;
	[tilespmem:s7+$0xFFFFFEB0] =	vst v0  }
0x213: {  	s21 =	sadd.s32 s21, s5;
	v0 =	vld [tilespmem:s24+$0xFFFFFF00]  }
0x214: {  	v1 =	vld [tilespmem:s21+$0x6400];
	_ =	sdelay $0x4  }
0x215: {  	v0 =	vadd.f32 v1, v0;
	_ =	sdelay $0x1  }
0x216: {  	[tilespmem:s7+$0xFFFFFF00] =	vst v0  }
0x217: {  	v0 =	vld [tilespmem:s24+$0xFFFFFF10]  }
0x218: {  	v1 =	vld [tilespmem:s21+$0x6410];
	_ =	sdelay $0x4  }
0x219: {  	v0 =	vadd.f32 v1, v0;
	_ =	sdelay $0x1  }
0x21a: {  	[tilespmem:s7+$0xFFFFFF10] =	vst v0  }
0x21b: {  	v0 =	vld [tilespmem:s24+$0xFFFFFF20]  }
0x21c: {  	v1 =	vld [tilespmem:s21+$0x6420];
	_ =	sdelay $0x4  }
0x21d: {  	v0 =	vadd.f32 v1, v0;
	_ =	sdelay $0x1  }
0x21e: {  	[tilespmem:s7+$0xFFFFFF20] =	vst v0  }
0x21f: {  	v0 =	vld [tilespmem:s24+$0xFFFFFF30]  }
0x220: {  	v1 =	vld [tilespmem:s21+$0x6430];
	_ =	sdelay $0x4  }
0x221: {  	s19 =	sadd.s32 $0x5B, s15;
	v0 =	vadd.f32 v1, v0  }
0x222: {  	s22 =	simm.s32 $0xFFFFCD00;
	p1 =	sgt.u32 s19, $0xC7  }
0x223: {  	s22 =	simm.s32 @!p1 $0xFFFFFF00;
	[tilespmem:s7+$0xFFFFFF30] =	vst v0  }
0x224: {  	s18 =	sadd.s32 s22, s5;
	v0 =	vld [tilespmem:s24+$0xFFFFFF80]  }
0x225: {  	v1 =	vld [tilespmem:s18+$0x6400];
	_ =	sdelay $0x4  }
0x226: {  	v0 =	vadd.f32 v1, v0;
	_ =	sdelay $0x1  }
0x227: {  	[tilespmem:s7+$0xFFFFFF80] =	vst v0  }
0x228: {  	v0 =	vld [tilespmem:s24+$0xFFFFFF90]  }
0x229: {  	v1 =	vld [tilespmem:s18+$0x6410];
	_ =	sdelay $0x4  }
0x22a: {  	v0 =	vadd.f32 v1, v0;
	_ =	sdelay $0x1  }
0x22b: {  	[tilespmem:s7+$0xFFFFFF90] =	vst v0  }
0x22c: {  	v0 =	vld [tilespmem:s24+$0xFFFFFFA0]  }
0x22d: {  	v1 =	vld [tilespmem:s18+$0x6420];
	_ =	sdelay $0x4  }
0x22e: {  	v0 =	vadd.f32 v1, v0;
	_ =	sdelay $0x1  }
0x22f: {  	[tilespmem:s7+$0xFFFFFFA0] =	vst v0  }
0x230: {  	v0 =	vld [tilespmem:s24+$0xFFFFFFB0]  }
0x231: {  	v1 =	vld [tilespmem:s18+$0x6430];
	_ =	sdelay $0x4  }
0x232: {  	s20 =	sadd.s32 $0x5C, s15;
	v0 =	vadd.f32 v1, v0  }
0x233: {  	p1 =	sgt.u32 s20, $0xC7;
	s20 =	simm.s32 $0xFFFFCD40  }
0x234: {  	s20 =	simm.s32 @!p1 $0xFFFFFF40;
	[tilespmem:s7+$0xFFFFFFB0] =	vst v0  }
0x235: {  	s20 =	sadd.s32 s20, s5;
	v0 =	vld [tilespmem:s24+$0x0]  }
0x236: {  	v1 =	vld [tilespmem:s20+$0x6400];
	_ =	sdelay $0x4  }
0x237: {  	v0 =	vadd.f32 v1, v0;
	_ =	sdelay $0x1  }
0x238: {  	[tilespmem:s7+$0x0] =	vst v0  }
0x239: {  	v0 =	vld [tilespmem:s24+$0x10]  }
0x23a: {  	v1 =	vld [tilespmem:s20+$0x6410];
	_ =	sdelay $0x4  }
0x23b: {  	v0 =	vadd.f32 v1, v0;
	_ =	sdelay $0x1  }
0x23c: {  	[tilespmem:s7+$0x10] =	vst v0  }
0x23d: {  	v0 =	vld [tilespmem:s24+$0x20]  }
0x23e: {  	v1 =	vld [tilespmem:s20+$0x6420];
	_ =	sdelay $0x4  }
0x23f: {  	v0 =	vadd.f32 v1, v0;
	_ =	sdelay $0x1  }
0x240: {  	[tilespmem:s7+$0x20] =	vst v0  }
0x241: {  	v0 =	vld [tilespmem:s24+$0x30]  }
0x242: {  	v1 =	vld [tilespmem:s20+$0x6430];
	_ =	sdelay $0x4  }
0x243: {  	s23 =	sadd.s32 $0x5D, s15;
	v0 =	vadd.f32 v1, v0  }
0x244: {  	s17 =	simm.s32 $0xFFFFCD80;
	p2 =	sgt.u32 s23, $0xC7  }
0x245: {  	s17 =	simm.s32 @!p2 $0xFFFFFF80;
	[tilespmem:s7+$0x30] =	vst v0  }
0x246: {  	s21 =	sadd.s32 s17, s5;
	v0 =	vld [tilespmem:s24+$0x80]  }
0x247: {  	v1 =	vld [tilespmem:s21+$0x6400];
	_ =	sdelay $0x4  }
0x248: {  	v0 =	vadd.f32 v1, v0;
	_ =	sdelay $0x1  }
0x249: {  	[tilespmem:s7+$0x80] =	vst v0  }
0x24a: {  	v0 =	vld [tilespmem:s24+$0x90]  }
0x24b: {  	v1 =	vld [tilespmem:s21+$0x6410];
	_ =	sdelay $0x4  }
0x24c: {  	v0 =	vadd.f32 v1, v0;
	_ =	sdelay $0x1  }
0x24d: {  	[tilespmem:s7+$0x90] =	vst v0  }
0x24e: {  	v0 =	vld [tilespmem:s24+$0xA0]  }
0x24f: {  	v1 =	vld [tilespmem:s21+$0x6420];
	_ =	sdelay $0x4  }
0x250: {  	v0 =	vadd.f32 v1, v0;
	_ =	sdelay $0x1  }
0x251: {  	[tilespmem:s7+$0xA0] =	vst v0  }
0x252: {  	v0 =	vld [tilespmem:s24+$0xB0]  }
0x253: {  	v1 =	vld [tilespmem:s21+$0x6430];
	_ =	sdelay $0x4  }
0x254: {  	s19 =	sadd.s32 $0x5E, s15;
	v0 =	vadd.f32 v1, v0  }
0x255: {  	p1 =	sgt.u32 s19, $0xC7;
	s19 =	sadd.s32 $0x5F, s15;
	s15 =	simm.s32 $0xFFFFCDC0  }
0x256: {  	s15 =	simm.s32 @!p1 $0xFFFFFFC0;
	[tilespmem:s7+$0xB0] =	vst v0  }
0x257: {  	s22 =	sadd.s32 s15, s5;
	v0 =	vld [tilespmem:s24+$0x100]  }
0x258: {  	v1 =	vld [tilespmem:s22+$0x6400];
	_ =	sdelay $0x4  }
0x259: {  	v0 =	vadd.f32 v1, v0;
	_ =	sdelay $0x1  }
0x25a: {  	[tilespmem:s7+$0x100] =	vst v0  }
0x25b: {  	v0 =	vld [tilespmem:s24+$0x110]  }
0x25c: {  	v1 =	vld [tilespmem:s22+$0x6410];
	_ =	sdelay $0x4  }
0x25d: {  	v0 =	vadd.f32 v1, v0;
	_ =	sdelay $0x1  }
0x25e: {  	[tilespmem:s7+$0x110] =	vst v0  }
0x25f: {  	v0 =	vld [tilespmem:s24+$0x120]  }
0x260: {  	v1 =	vld [tilespmem:s22+$0x6420];
	_ =	sdelay $0x4  }
0x261: {  	v0 =	vadd.f32 v1, v0;
	_ =	sdelay $0x1  }
0x262: {  	[tilespmem:s7+$0x120] =	vst v0  }
0x263: {  	v0 =	vld [tilespmem:s24+$0x130]  }
0x264: {  	v1 =	vld [tilespmem:s22+$0x6430];
	_ =	sdelay $0x2  }
0x265: {  	s9 =	sadd.s32 $0x8, s9  }
0x266: {  	p0 =	slt.u32 s9, $0x48  }
.Ltmp4:
0x267: {  	v0 =	vadd.f32 v1, v0;
	(pc) =	sbr.rel @p0 .LBB2_9-.Ltmp4, $4  }
0x268: {  	_ = 	snop  }
0x269: {  	s16 =	sadd.s32 $0xFFFFCE00, s5;
	p1 =	sgt.u32 s19, $0xC7;
	[tilespmem:s7+$0x130] =	vst v0  }
0x26a: {  	s5 =	smov.u32 @p1 s16;
	v0 =	vld [tilespmem:s24+$0x180]  }
0x26b: {  	s14 =	smov.u32 s24;
	s23 =	smov.u32 s7;
	v1 =	vld [tilespmem:s5+$0x6400];
	s24 =	sadd.s32 $0x400, s24  }
0x26c: {  	_ =	sdelay $0x3  }
0x26d: {  	v0 =	vadd.f32 v1, v0;
	_ =	sdelay $0x1  }
0x26e: {  	[tilespmem:s23+$0x180] =	vst v0  }
0x26f: {  	v0 =	vld [tilespmem:s14+$0x190]  }
0x270: {  	v1 =	vld [tilespmem:s5+$0x6410];
	_ =	sdelay $0x4  }
0x271: {  	v0 =	vadd.f32 v1, v0;
	_ =	sdelay $0x1  }
0x272: {  	[tilespmem:s23+$0x190] =	vst v0  }
0x273: {  	v0 =	vld [tilespmem:s14+$0x1A0]  }
0x274: {  	v1 =	vld [tilespmem:s5+$0x6420];
	_ =	sdelay $0x4  }
0x275: {  	v0 =	vadd.f32 v1, v0;
	_ =	sdelay $0x1  }
0x276: {  	[tilespmem:s23+$0x1A0] =	vst v0  }
0x277: {  	v0 =	vld [tilespmem:s14+$0x1B0]  }
0x278: {  	v1 =	vld [tilespmem:s5+$0x6430];
	_ =	sdelay $0x3  }
0x279: {  	p0 =	seq.s32 s12, $0x4F  }
0x27a: {  	s3 =	sadd.s32 s6, s8;
	s5 =	smul.u32 @!p0 $0x500, s12;
	v0 =	vadd.f32 v1, v0  }
0x27b: {  	s7 =	rddreg [dreg:$0xe];
	s8 =	simm.s32 $0x3;
	s3 =	sshll.u32 s3, $0x4  }
0x27c: {  	s3 =	sadd.s32 s7, s3;
	s7 =	simm.s32 $0x15E00;
	s12 =	sshra.s32 @!p0 s5, $0x2;
	[tilespmem:s23+$0x1B0] =	vst v0  }
0x27d: {  	[hbm4b:s3+s2] =	stream.linear.scatter [tilespmem:s7], [sflag:$0x6], $0x2800, $0x38;
	[tilespmem:$0x18600] =	vst v63  }
0x27e: {  	s5 =	simm.s32 @!p0 $0x50;
	s3 =	sadd.s32 @!p0 $0x190, s12;
	s7 =	simm.s32 @!p0 $0xBE00  }
0x27f: {  	[tilespmem:s7], [sflag:$0x2] =	stream.indirect.gather @!p0 [hbm4b:s4+s5], $0x80, s3, s5, $0xb8;
	[tilespmem:$0x18600] =	vst v63  }
0x280: {  	_ =	swait.ge [sflag:s8], $0x2800  }
0x281: {  	[sflag:s8] =	ssyncset.done $0x0  }
0x282: {  	s9 =	simm.s32 $0x5;
	[sflag:s8] =	ssyncadd.s32 $0xFFFFD800  }
0x283: {  	_ =	swait.ge [sflag:s9], $0x2800  }
0x284: {  	s14 =	rddreg [dreg:$0x9]  }
0x285: {  	s15 =	sadd.s32 $0xFFFFFFF8, s14  }
0x286: {  	s7 =	simm.s32 $0xFFFFCC40;
	[sflag:s9] =	ssyncset.done $0x0;
	s17 =	sadd.s32 $0xA8, s15  }
0x287: {  	s16 =	rddreg [dreg:$0xa];
	[sflag:s9] =	ssyncadd.s32 $0xFFFFD800;
	p1 =	sgt.u32 s17, $0xC7  }
0x288: {  	s14 =	simm.s32 $0xE800;
	s5 =	sadd.s32 s29, s16;
	s7 =	simm.s32 @!p1 $0xFFFFFE40  }
0x289: {  	v0 =	vld [tilespmem:s14+$0xFFFFFE00];
	s3 =	sadd.s32 s7, s5  }
0x28a: {  	v1 =	vld [tilespmem:s3+$0x6400];
	_ =	sdelay $0x4  }
0x28b: {  	v0 =	vadd.f32 v1, v0  }
0x28c: {  	s7 =	simm.s32 $0x13800  }
0x28d: {  	[tilespmem:s7+$0xFFFFFE00] =	vst v0  }
0x28e: {  	v0 =	vld [tilespmem:s14+$0xFFFFFE10]  }
0x28f: {  	v1 =	vld [tilespmem:s3+$0x6410];
	_ =	sdelay $0x4  }
0x290: {  	v0 =	vadd.f32 v1, v0;
	_ =	sdelay $0x1  }
0x291: {  	[tilespmem:s7+$0xFFFFFE10] =	vst v0  }
0x292: {  	v0 =	vld [tilespmem:s14+$0xFFFFFE20]  }
0x293: {  	v1 =	vld [tilespmem:s3+$0x6420];
	_ =	sdelay $0x4  }
0x294: {  	v0 =	vadd.f32 v1, v0;
	_ =	sdelay $0x1  }
0x295: {  	[tilespmem:s7+$0xFFFFFE20] =	vst v0  }
0x296: {  	v0 =	vld [tilespmem:s14+$0xFFFFFE30]  }
0x297: {  	v1 =	vld [tilespmem:s3+$0x6430];
	_ =	sdelay $0x4  }
0x298: {  	s18 =	sadd.s32 $0xA9, s15;
	v0 =	vadd.f32 v1, v0  }
0x299: {  	p1 =	sgt.u32 s18, $0xC7;
	s3 =	simm.s32 $0xFFFFCC80  }
0x29a: {  	s3 =	simm.s32 @!p1 $0xFFFFFE80;
	[tilespmem:s7+$0xFFFFFE30] =	vst v0  }
0x29b: {  	s3 =	sadd.s32 s3, s5;
	v0 =	vld [tilespmem:s14+$0xFFFFFE80]  }
0x29c: {  	v1 =	vld [tilespmem:s3+$0x6400];
	_ =	sdelay $0x4  }
0x29d: {  	v0 =	vadd.f32 v1, v0;
	_ =	sdelay $0x1  }
0x29e: {  	[tilespmem:s7+$0xFFFFFE80] =	vst v0  }
0x29f: {  	v0 =	vld [tilespmem:s14+$0xFFFFFE90]  }
0x2a0: {  	v1 =	vld [tilespmem:s3+$0x6410];
	_ =	sdelay $0x4  }
0x2a1: {  	v0 =	vadd.f32 v1, v0;
	_ =	sdelay $0x1  }
0x2a2: {  	[tilespmem:s7+$0xFFFFFE90] =	vst v0  }
0x2a3: {  	v0 =	vld [tilespmem:s14+$0xFFFFFEA0]  }
0x2a4: {  	v1 =	vld [tilespmem:s3+$0x6420];
	_ =	sdelay $0x4  }
0x2a5: {  	v0 =	vadd.f32 v1, v0;
	_ =	sdelay $0x1  }
0x2a6: {  	[tilespmem:s7+$0xFFFFFEA0] =	vst v0  }
0x2a7: {  	v0 =	vld [tilespmem:s14+$0xFFFFFEB0]  }
0x2a8: {  	v1 =	vld [tilespmem:s3+$0x6430];
	_ =	sdelay $0x4  }
0x2a9: {  	s19 =	sadd.s32 $0xAA, s15;
	v0 =	vadd.f32 v1, v0  }
0x2aa: {  	p1 =	sgt.u32 s19, $0xC7;
	s3 =	simm.s32 $0xFFFFCCC0  }
0x2ab: {  	s3 =	simm.s32 @!p1 $0xFFFFFEC0;
	[tilespmem:s7+$0xFFFFFEB0] =	vst v0  }
0x2ac: {  	s3 =	sadd.s32 s3, s5;
	v0 =	vld [tilespmem:s14+$0xFFFFFF00]  }
0x2ad: {  	v1 =	vld [tilespmem:s3+$0x6400];
	_ =	sdelay $0x4  }
0x2ae: {  	v0 =	vadd.f32 v1, v0;
	_ =	sdelay $0x1  }
0x2af: {  	[tilespmem:s7+$0xFFFFFF00] =	vst v0  }
0x2b0: {  	v0 =	vld [tilespmem:s14+$0xFFFFFF10]  }
0x2b1: {  	v1 =	vld [tilespmem:s3+$0x6410];
	_ =	sdelay $0x4  }
0x2b2: {  	v0 =	vadd.f32 v1, v0;
	_ =	sdelay $0x1  }
0x2b3: {  	[tilespmem:s7+$0xFFFFFF10] =	vst v0  }
0x2b4: {  	v0 =	vld [tilespmem:s14+$0xFFFFFF20]  }
0x2b5: {  	v1 =	vld [tilespmem:s3+$0x6420];
	_ =	sdelay $0x4  }
0x2b6: {  	v0 =	vadd.f32 v1, v0;
	_ =	sdelay $0x1  }
0x2b7: {  	[tilespmem:s7+$0xFFFFFF20] =	vst v0  }
0x2b8: {  	v0 =	vld [tilespmem:s14+$0xFFFFFF30]  }
0x2b9: {  	v1 =	vld [tilespmem:s3+$0x6430];
	_ =	sdelay $0x4  }
0x2ba: {  	s20 =	sadd.s32 $0xAB, s15;
	v0 =	vadd.f32 v1, v0  }
0x2bb: {  	p1 =	sgt.u32 s20, $0xC7;
	s3 =	simm.s32 $0xFFFFCD00  }
0x2bc: {  	s3 =	simm.s32 @!p1 $0xFFFFFF00;
	[tilespmem:s7+$0xFFFFFF30] =	vst v0  }
0x2bd: {  	s3 =	sadd.s32 s3, s5;
	v0 =	vld [tilespmem:s14+$0xFFFFFF80]  }
0x2be: {  	v1 =	vld [tilespmem:s3+$0x6400];
	_ =	sdelay $0x4  }
0x2bf: {  	v0 =	vadd.f32 v1, v0;
	_ =	sdelay $0x1  }
0x2c0: {  	[tilespmem:s7+$0xFFFFFF80] =	vst v0  }
0x2c1: {  	v0 =	vld [tilespmem:s14+$0xFFFFFF90]  }
0x2c2: {  	v1 =	vld [tilespmem:s3+$0x6410];
	_ =	sdelay $0x4  }
0x2c3: {  	v0 =	vadd.f32 v1, v0;
	_ =	sdelay $0x1  }
0x2c4: {  	[tilespmem:s7+$0xFFFFFF90] =	vst v0  }
0x2c5: {  	v0 =	vld [tilespmem:s14+$0xFFFFFFA0]  }
0x2c6: {  	v1 =	vld [tilespmem:s3+$0x6420];
	_ =	sdelay $0x4  }
0x2c7: {  	v0 =	vadd.f32 v1, v0;
	_ =	sdelay $0x1  }
0x2c8: {  	[tilespmem:s7+$0xFFFFFFA0] =	vst v0  }
0x2c9: {  	v0 =	vld [tilespmem:s14+$0xFFFFFFB0]  }
0x2ca: {  	v1 =	vld [tilespmem:s3+$0x6430];
	_ =	sdelay $0x4  }
0x2cb: {  	s21 =	sadd.s32 $0xAC, s15;
	v0 =	vadd.f32 v1, v0  }
0x2cc: {  	p1 =	sgt.u32 s21, $0xC7;
	s3 =	simm.s32 $0xFFFFCD40  }
0x2cd: {  	s3 =	simm.s32 @!p1 $0xFFFFFF40;
	[tilespmem:s7+$0xFFFFFFB0] =	vst v0  }
0x2ce: {  	s3 =	sadd.s32 s3, s5;
	v0 =	vld [tilespmem:s14+$0x0]  }
0x2cf: {  	v1 =	vld [tilespmem:s3+$0x6400];
	_ =	sdelay $0x4  }
0x2d0: {  	v0 =	vadd.f32 v1, v0;
	_ =	sdelay $0x1  }
0x2d1: {  	[tilespmem:s7+$0x0] =	vst v0  }
0x2d2: {  	v0 =	vld [tilespmem:s14+$0x10]  }
0x2d3: {  	v1 =	vld [tilespmem:s3+$0x6410];
	_ =	sdelay $0x4  }
0x2d4: {  	v0 =	vadd.f32 v1, v0;
	_ =	sdelay $0x1  }
0x2d5: {  	[tilespmem:s7+$0x10] =	vst v0  }
0x2d6: {  	v0 =	vld [tilespmem:s14+$0x20]  }
0x2d7: {  	v1 =	vld [tilespmem:s3+$0x6420];
	_ =	sdelay $0x4  }
0x2d8: {  	v0 =	vadd.f32 v1, v0;
	_ =	sdelay $0x1  }
0x2d9: {  	[tilespmem:s7+$0x20] =	vst v0  }
0x2da: {  	v0 =	vld [tilespmem:s14+$0x30]  }
0x2db: {  	v1 =	vld [tilespmem:s3+$0x6430];
	_ =	sdelay $0x4  }
0x2dc: {  	s22 =	sadd.s32 $0xAD, s15;
	v0 =	vadd.f32 v1, v0  }
0x2dd: {  	p1 =	sgt.u32 s22, $0xC7;
	s3 =	simm.s32 $0xFFFFCD80  }
0x2de: {  	s3 =	simm.s32 @!p1 $0xFFFFFF80;
	[tilespmem:s7+$0x30] =	vst v0  }
0x2df: {  	s3 =	sadd.s32 s3, s5;
	v0 =	vld [tilespmem:s14+$0x80]  }
0x2e0: {  	v1 =	vld [tilespmem:s3+$0x6400];
	_ =	sdelay $0x4  }
0x2e1: {  	v0 =	vadd.f32 v1, v0;
	_ =	sdelay $0x1  }
0x2e2: {  	[tilespmem:s7+$0x80] =	vst v0  }
0x2e3: {  	v0 =	vld [tilespmem:s14+$0x90]  }
0x2e4: {  	v1 =	vld [tilespmem:s3+$0x6410];
	_ =	sdelay $0x4  }
0x2e5: {  	v0 =	vadd.f32 v1, v0;
	_ =	sdelay $0x1  }
0x2e6: {  	[tilespmem:s7+$0x90] =	vst v0  }
0x2e7: {  	v0 =	vld [tilespmem:s14+$0xA0]  }
0x2e8: {  	v1 =	vld [tilespmem:s3+$0x6420];
	_ =	sdelay $0x4  }
0x2e9: {  	v0 =	vadd.f32 v1, v0;
	_ =	sdelay $0x1  }
0x2ea: {  	[tilespmem:s7+$0xA0] =	vst v0  }
0x2eb: {  	v0 =	vld [tilespmem:s14+$0xB0]  }
0x2ec: {  	v1 =	vld [tilespmem:s3+$0x6430];
	_ =	sdelay $0x4  }
0x2ed: {  	s23 =	sadd.s32 $0xAE, s15;
	v0 =	vadd.f32 v1, v0  }
0x2ee: {  	p1 =	sgt.u32 s23, $0xC7;
	s3 =	simm.s32 $0xFFFFCDC0  }
0x2ef: {  	s3 =	simm.s32 @!p1 $0xFFFFFFC0;
	[tilespmem:s7+$0xB0] =	vst v0  }
0x2f0: {  	s3 =	sadd.s32 s3, s5;
	v0 =	vld [tilespmem:s14+$0x100]  }
0x2f1: {  	v1 =	vld [tilespmem:s3+$0x6400];
	_ =	sdelay $0x4  }
0x2f2: {  	v0 =	vadd.f32 v1, v0;
	_ =	sdelay $0x1  }
0x2f3: {  	[tilespmem:s7+$0x100] =	vst v0  }
0x2f4: {  	v0 =	vld [tilespmem:s14+$0x110]  }
0x2f5: {  	v1 =	vld [tilespmem:s3+$0x6410];
	_ =	sdelay $0x4  }
0x2f6: {  	v0 =	vadd.f32 v1, v0;
	_ =	sdelay $0x1  }
0x2f7: {  	[tilespmem:s7+$0x110] =	vst v0  }
0x2f8: {  	v0 =	vld [tilespmem:s14+$0x120]  }
0x2f9: {  	v1 =	vld [tilespmem:s3+$0x6420];
	_ =	sdelay $0x4  }
0x2fa: {  	v0 =	vadd.f32 v1, v0;
	_ =	sdelay $0x1  }
0x2fb: {  	[tilespmem:s7+$0x120] =	vst v0  }
0x2fc: {  	v0 =	vld [tilespmem:s14+$0x130]  }
0x2fd: {  	v1 =	vld [tilespmem:s3+$0x6430];
	_ =	sdelay $0x4  }
0x2fe: {  	v0 =	vadd.f32 v1, v0  }
0x2ff: {  	s24 =	sadd.s32 $0xAF, s15  }
0x300: {  	s9 =	sadd.s32 $0xFFFFCE00, s5;
	p1 =	sgt.u32 s24, $0xC7;
	[tilespmem:s7+$0x130] =	vst v0  }
0x301: {  	s28 =	smov.u32 s29;
	s8 =	sadd.s32 $0xA0, s10;
	s5 =	smov.u32 @p1 s9;
	v0 =	vld [tilespmem:s14+$0x180]  }
0x302: {  	s23 =	simm.s32 $0x13800;
	s24 =	simm.s32 $0xEC00;
	s9 =	simm.s32 $0x0;
	v1 =	vld [tilespmem:s5+$0x6400]  }
.LBB2_11:
0x303: {  	_ =	sdelay $0x3  }
0x304: {  	v0 =	vadd.f32 v1, v0;
	_ =	sdelay $0x1  }
0x305: {  	[tilespmem:s23+$0x180] =	vst v0  }
0x306: {  	v0 =	vld [tilespmem:s14+$0x190]  }
0x307: {  	v1 =	vld [tilespmem:s5+$0x6410];
	_ =	sdelay $0x4  }
0x308: {  	v0 =	vadd.f32 v1, v0;
	_ =	sdelay $0x1  }
0x309: {  	[tilespmem:s23+$0x190] =	vst v0  }
0x30a: {  	v0 =	vld [tilespmem:s14+$0x1A0]  }
0x30b: {  	v1 =	vld [tilespmem:s5+$0x6420];
	_ =	sdelay $0x4  }
0x30c: {  	v0 =	vadd.f32 v1, v0;
	_ =	sdelay $0x1  }
0x30d: {  	[tilespmem:s23+$0x1A0] =	vst v0  }
0x30e: {  	v0 =	vld [tilespmem:s14+$0x1B0]  }
0x30f: {  	v1 =	vld [tilespmem:s5+$0x6430];
	_ =	sdelay $0x2  }
0x310: {  	s3 =	smov.u32 s9;
	s22 =	rddreg [dreg:$0x9]  }
0x311: {  	s28 =	sadd.s32 $0x200, s28;
	s15 =	sadd.s32 s3, s22  }
0x312: {  	s2 =	rddreg [dreg:$0xa];
	s16 =	sadd.s32 $0xA9, s15;
	s5 =	sadd.s32 $0xA8, s15;
	v0 =	vadd.f32 v1, v0  }
0x313: {  	p3 =	sgt.u32 s16, $0xC7;
	s16 =	simm.s32 $0xFFFFCC40;
	p2 =	sgt.u32 s5, $0xC7  }
0x314: {  	s5 =	sadd.s32 s28, s2;
	s16 =	simm.s32 @!p2 $0xFFFFFE40;
	[tilespmem:s23+$0x1B0] =	vst v0  }
0x315: {  	s18 =	sadd.s32 s16, s5;
	v0 =	vld [tilespmem:s24+$0xFFFFFE00]  }
0x316: {  	v1 =	vld [tilespmem:s18+$0x6400];
	_ =	sdelay $0x4  }
0x317: {  	v0 =	vadd.f32 v1, v0  }
0x318: {  	s7 =	sadd.s32 $0x400, s7  }
0x319: {  	[tilespmem:s7+$0xFFFFFE00] =	vst v0  }
0x31a: {  	v0 =	vld [tilespmem:s24+$0xFFFFFE10]  }
0x31b: {  	v1 =	vld [tilespmem:s18+$0x6410];
	_ =	sdelay $0x4  }
0x31c: {  	v0 =	vadd.f32 v1, v0;
	_ =	sdelay $0x1  }
0x31d: {  	[tilespmem:s7+$0xFFFFFE10] =	vst v0  }
0x31e: {  	v0 =	vld [tilespmem:s24+$0xFFFFFE20]  }
0x31f: {  	v1 =	vld [tilespmem:s18+$0x6420];
	_ =	sdelay $0x4  }
0x320: {  	v0 =	vadd.f32 v1, v0;
	_ =	sdelay $0x1  }
0x321: {  	[tilespmem:s7+$0xFFFFFE20] =	vst v0  }
0x322: {  	v0 =	vld [tilespmem:s24+$0xFFFFFE30]  }
0x323: {  	v1 =	vld [tilespmem:s18+$0x6430];
	_ =	sdelay $0x4  }
0x324: {  	v0 =	vadd.f32 v1, v0  }
0x325: {  	s3 =	simm.s32 $0xFFFFCC80  }
0x326: {  	s3 =	simm.s32 @!p3 $0xFFFFFE80;
	[tilespmem:s7+$0xFFFFFE30] =	vst v0  }
0x327: {  	s3 =	sadd.s32 s3, s5;
	v0 =	vld [tilespmem:s24+$0xFFFFFE80]  }
0x328: {  	v1 =	vld [tilespmem:s3+$0x6400];
	_ =	sdelay $0x4  }
0x329: {  	v0 =	vadd.f32 v1, v0;
	_ =	sdelay $0x1  }
0x32a: {  	[tilespmem:s7+$0xFFFFFE80] =	vst v0  }
0x32b: {  	v0 =	vld [tilespmem:s24+$0xFFFFFE90]  }
0x32c: {  	v1 =	vld [tilespmem:s3+$0x6410];
	_ =	sdelay $0x4  }
0x32d: {  	v0 =	vadd.f32 v1, v0;
	_ =	sdelay $0x1  }
0x32e: {  	[tilespmem:s7+$0xFFFFFE90] =	vst v0  }
0x32f: {  	v0 =	vld [tilespmem:s24+$0xFFFFFEA0]  }
0x330: {  	v1 =	vld [tilespmem:s3+$0x6420];
	_ =	sdelay $0x4  }
0x331: {  	v0 =	vadd.f32 v1, v0;
	_ =	sdelay $0x1  }
0x332: {  	[tilespmem:s7+$0xFFFFFEA0] =	vst v0  }
0x333: {  	v0 =	vld [tilespmem:s24+$0xFFFFFEB0]  }
0x334: {  	v1 =	vld [tilespmem:s3+$0x6430];
	_ =	sdelay $0x4  }
0x335: {  	s17 =	sadd.s32 $0xAA, s15;
	v0 =	vadd.f32 v1, v0  }
0x336: {  	s21 =	simm.s32 $0xFFFFCCC0;
	p4 =	sgt.u32 s17, $0xC7  }
0x337: {  	s21 =	simm.s32 @!p4 $0xFFFFFEC0;
	[tilespmem:s7+$0xFFFFFEB0] =	vst v0  }
0x338: {  	s2 =	sadd.s32 s21, s5;
	v0 =	vld [tilespmem:s24+$0xFFFFFF00]  }
0x339: {  	v1 =	vld [tilespmem:s2+$0x6400];
	_ =	sdelay $0x4  }
0x33a: {  	v0 =	vadd.f32 v1, v0;
	_ =	sdelay $0x1  }
0x33b: {  	[tilespmem:s7+$0xFFFFFF00] =	vst v0  }
0x33c: {  	v0 =	vld [tilespmem:s24+$0xFFFFFF10]  }
0x33d: {  	v1 =	vld [tilespmem:s2+$0x6410];
	_ =	sdelay $0x4  }
0x33e: {  	v0 =	vadd.f32 v1, v0;
	_ =	sdelay $0x1  }
0x33f: {  	[tilespmem:s7+$0xFFFFFF10] =	vst v0  }
0x340: {  	v0 =	vld [tilespmem:s24+$0xFFFFFF20]  }
0x341: {  	v1 =	vld [tilespmem:s2+$0x6420];
	_ =	sdelay $0x4  }
0x342: {  	v0 =	vadd.f32 v1, v0;
	_ =	sdelay $0x1  }
0x343: {  	[tilespmem:s7+$0xFFFFFF20] =	vst v0  }
0x344: {  	v0 =	vld [tilespmem:s24+$0xFFFFFF30]  }
0x345: {  	v1 =	vld [tilespmem:s2+$0x6430];
	_ =	sdelay $0x4  }
0x346: {  	s17 =	sadd.s32 $0xAB, s15;
	v0 =	vadd.f32 v1, v0  }
0x347: {  	s22 =	simm.s32 $0xFFFFCD00;
	p2 =	sgt.u32 s17, $0xC7  }
0x348: {  	s22 =	simm.s32 @!p2 $0xFFFFFF00;
	[tilespmem:s7+$0xFFFFFF30] =	vst v0  }
0x349: {  	s18 =	sadd.s32 s22, s5;
	v0 =	vld [tilespmem:s24+$0xFFFFFF80]  }
0x34a: {  	v1 =	vld [tilespmem:s18+$0x6400];
	_ =	sdelay $0x4  }
0x34b: {  	v0 =	vadd.f32 v1, v0;
	_ =	sdelay $0x1  }
0x34c: {  	[tilespmem:s7+$0xFFFFFF80] =	vst v0  }
0x34d: {  	v0 =	vld [tilespmem:s24+$0xFFFFFF90]  }
0x34e: {  	v1 =	vld [tilespmem:s18+$0x6410];
	_ =	sdelay $0x4  }
0x34f: {  	v0 =	vadd.f32 v1, v0;
	_ =	sdelay $0x1  }
0x350: {  	[tilespmem:s7+$0xFFFFFF90] =	vst v0  }
0x351: {  	v0 =	vld [tilespmem:s24+$0xFFFFFFA0]  }
0x352: {  	v1 =	vld [tilespmem:s18+$0x6420];
	_ =	sdelay $0x4  }
0x353: {  	v0 =	vadd.f32 v1, v0;
	_ =	sdelay $0x1  }
0x354: {  	[tilespmem:s7+$0xFFFFFFA0] =	vst v0  }
0x355: {  	v0 =	vld [tilespmem:s24+$0xFFFFFFB0]  }
0x356: {  	v1 =	vld [tilespmem:s18+$0x6430];
	_ =	sdelay $0x4  }
0x357: {  	s19 =	sadd.s32 $0xAC, s15;
	s20 =	sadd.s32 $0xAD, s15;
	v0 =	vadd.f32 v1, v0  }
0x358: {  	p3 =	sgt.u32 s20, $0xC7;
	s20 =	simm.s32 $0xFFFFCD40;
	p2 =	sgt.u32 s19, $0xC7  }
0x359: {  	s20 =	simm.s32 @!p2 $0xFFFFFF40;
	[tilespmem:s7+$0xFFFFFFB0] =	vst v0  }
0x35a: {  	s20 =	sadd.s32 s20, s5;
	v0 =	vld [tilespmem:s24+$0x0]  }
0x35b: {  	v1 =	vld [tilespmem:s20+$0x6400];
	_ =	sdelay $0x4  }
0x35c: {  	v0 =	vadd.f32 v1, v0;
	_ =	sdelay $0x1  }
0x35d: {  	[tilespmem:s7+$0x0] =	vst v0  }
0x35e: {  	v0 =	vld [tilespmem:s24+$0x10]  }
0x35f: {  	v1 =	vld [tilespmem:s20+$0x6410];
	_ =	sdelay $0x4  }
0x360: {  	v0 =	vadd.f32 v1, v0;
	_ =	sdelay $0x1  }
0x361: {  	[tilespmem:s7+$0x10] =	vst v0  }
0x362: {  	v0 =	vld [tilespmem:s24+$0x20]  }
0x363: {  	v1 =	vld [tilespmem:s20+$0x6420];
	_ =	sdelay $0x4  }
0x364: {  	v0 =	vadd.f32 v1, v0;
	_ =	sdelay $0x1  }
0x365: {  	[tilespmem:s7+$0x20] =	vst v0  }
0x366: {  	v0 =	vld [tilespmem:s24+$0x30]  }
0x367: {  	v1 =	vld [tilespmem:s20+$0x6430];
	_ =	sdelay $0x4  }
0x368: {  	v0 =	vadd.f32 v1, v0  }
0x369: {  	s17 =	simm.s32 $0xFFFFCD80  }
0x36a: {  	s17 =	simm.s32 @!p3 $0xFFFFFF80;
	[tilespmem:s7+$0x30] =	vst v0  }
0x36b: {  	s21 =	sadd.s32 s17, s5;
	v0 =	vld [tilespmem:s24+$0x80]  }
0x36c: {  	v1 =	vld [tilespmem:s21+$0x6400];
	_ =	sdelay $0x4  }
0x36d: {  	v0 =	vadd.f32 v1, v0;
	_ =	sdelay $0x1  }
0x36e: {  	[tilespmem:s7+$0x80] =	vst v0  }
0x36f: {  	v0 =	vld [tilespmem:s24+$0x90]  }
0x370: {  	v1 =	vld [tilespmem:s21+$0x6410];
	_ =	sdelay $0x4  }
0x371: {  	v0 =	vadd.f32 v1, v0;
	_ =	sdelay $0x1  }
0x372: {  	[tilespmem:s7+$0x90] =	vst v0  }
0x373: {  	v0 =	vld [tilespmem:s24+$0xA0]  }
0x374: {  	v1 =	vld [tilespmem:s21+$0x6420];
	_ =	sdelay $0x4  }
0x375: {  	v0 =	vadd.f32 v1, v0;
	_ =	sdelay $0x1  }
0x376: {  	[tilespmem:s7+$0xA0] =	vst v0  }
0x377: {  	v0 =	vld [tilespmem:s24+$0xB0]  }
0x378: {  	v1 =	vld [tilespmem:s21+$0x6430];
	_ =	sdelay $0x4  }
0x379: {  	s23 =	sadd.s32 $0xAE, s15;
	v0 =	vadd.f32 v1, v0  }
0x37a: {  	s19 =	sadd.s32 $0xAF, s15;
	s15 =	simm.s32 $0xFFFFCDC0;
	p2 =	sgt.u32 s23, $0xC7  }
0x37b: {  	s15 =	simm.s32 @!p2 $0xFFFFFFC0;
	[tilespmem:s7+$0xB0] =	vst v0  }
0x37c: {  	s22 =	sadd.s32 s15, s5;
	v0 =	vld [tilespmem:s24+$0x100]  }
0x37d: {  	v1 =	vld [tilespmem:s22+$0x6400];
	_ =	sdelay $0x4  }
0x37e: {  	v0 =	vadd.f32 v1, v0;
	_ =	sdelay $0x1  }
0x37f: {  	[tilespmem:s7+$0x100] =	vst v0  }
0x380: {  	v0 =	vld [tilespmem:s24+$0x110]  }
0x381: {  	v1 =	vld [tilespmem:s22+$0x6410];
	_ =	sdelay $0x4  }
0x382: {  	v0 =	vadd.f32 v1, v0;
	_ =	sdelay $0x1  }
0x383: {  	[tilespmem:s7+$0x110] =	vst v0  }
0x384: {  	v0 =	vld [tilespmem:s24+$0x120]  }
0x385: {  	v1 =	vld [tilespmem:s22+$0x6420];
	_ =	sdelay $0x4  }
0x386: {  	v0 =	vadd.f32 v1, v0;
	_ =	sdelay $0x1  }
0x387: {  	[tilespmem:s7+$0x120] =	vst v0  }
0x388: {  	v0 =	vld [tilespmem:s24+$0x130]  }
0x389: {  	v1 =	vld [tilespmem:s22+$0x6430];
	_ =	sdelay $0x2  }
0x38a: {  	s9 =	sadd.s32 $0x8, s9  }
0x38b: {  	p1 =	slt.u32 s9, $0x48  }
.Ltmp5:
0x38c: {  	v0 =	vadd.f32 v1, v0;
	(pc) =	sbr.rel @p1 .LBB2_11-.Ltmp5, $4  }
0x38d: {  	_ = 	snop  }
0x38e: {  	s16 =	sadd.s32 $0xFFFFCE00, s5;
	p2 =	sgt.u32 s19, $0xC7;
	[tilespmem:s7+$0x130] =	vst v0  }
0x38f: {  	s5 =	smov.u32 @p2 s16;
	v0 =	vld [tilespmem:s24+$0x180]  }
0x390: {  	s14 =	smov.u32 s24;
	s23 =	smov.u32 s7;
	v1 =	vld [tilespmem:s5+$0x6400];
	s24 =	sadd.s32 $0x400, s24  }
0x391: {  	_ =	sdelay $0x3  }
0x392: {  	v0 =	vadd.f32 v1, v0;
	_ =	sdelay $0x1  }
0x393: {  	[tilespmem:s23+$0x180] =	vst v0  }
0x394: {  	v0 =	vld [tilespmem:s14+$0x190]  }
0x395: {  	v1 =	vld [tilespmem:s5+$0x6410];
	_ =	sdelay $0x4  }
0x396: {  	v0 =	vadd.f32 v1, v0;
	_ =	sdelay $0x1  }
0x397: {  	[tilespmem:s23+$0x190] =	vst v0  }
0x398: {  	v0 =	vld [tilespmem:s14+$0x1A0]  }
0x399: {  	v1 =	vld [tilespmem:s5+$0x6420];
	_ =	sdelay $0x4  }
0x39a: {  	v0 =	vadd.f32 v1, v0;
	_ =	sdelay $0x1  }
0x39b: {  	[tilespmem:s23+$0x1A0] =	vst v0  }
0x39c: {  	v0 =	vld [tilespmem:s14+$0x1B0]  }
0x39d: {  	v1 =	vld [tilespmem:s5+$0x6430];
	_ =	sdelay $0x4  }
0x39e: {  	s2 =	smov.u32 s6;
	s3 =	sadd.s32 s6, s8;
	v0 =	vadd.f32 v1, v0  }
0x39f: {  	s6 =	rddreg [dreg:$0xe];
	s28 =	simm.s32 $0x0;
	s3 =	sshll.u32 s3, $0x4  }
0x3a0: {  	s7 =	simm.s32 $0x13600;
	s8 =	simm.s32 $0x4;
	s3 =	sadd.s32 s6, s3;
	[tilespmem:s23+$0x1B0] =	vst v0  }
0x3a1: {  	[hbm4b:s3+s28] =	stream.linear.scatter [tilespmem:s7], [sflag:$0x5], $0x2800, $0x38;
	[tilespmem:$0x18600] =	vst v63  }
0x3a2: {  	s5 =	simm.s32 @!p0 $0x50;
	s3 =	sadd.s32 @!p0 $0x1E0, s12;
	s7 =	simm.s32 @!p0 $0xE600  }
0x3a3: {  	[tilespmem:s7], [sflag:$0x3] =	stream.indirect.gather @!p0 [hbm4b:s4+s5], $0x80, s3, s5, $0xb8;
	[tilespmem:$0x18600] =	vst v63  }
0x3a4: {  	_ =	swait.ge [sflag:s8], $0x2800  }
0x3a5: {  	[sflag:s8] =	ssyncset.done $0x0  }
0x3a6: {  	s9 =	simm.s32 $0x6;
	[sflag:s8] =	ssyncadd.s32 $0xFFFFD800  }
0x3a7: {  	_ =	swait.ge [sflag:s9], $0x2800  }
0x3a8: {  	s14 =	rddreg [dreg:$0xb]  }
0x3a9: {  	s15 =	sadd.s32 $0xFFFFFFF8, s14  }
0x3aa: {  	s7 =	simm.s32 $0xFFFFCC40;
	[sflag:s9] =	ssyncset.done $0x0;
	s17 =	sadd.s32 $0xF8, s15  }
0x3ab: {  	s16 =	rddreg [dreg:$0xc];
	[sflag:s9] =	ssyncadd.s32 $0xFFFFD800;
	p1 =	sgt.u32 s17, $0xC7  }
0x3ac: {  	s14 =	simm.s32 $0x11000;
	s5 =	sadd.s32 s30, s16;
	s7 =	simm.s32 @!p1 $0xFFFFFE40  }
0x3ad: {  	v0 =	vld [tilespmem:s14+$0xFFFFFE00];
	s3 =	sadd.s32 s7, s5  }
0x3ae: {  	v1 =	vld [tilespmem:s3+$0x6400];
	_ =	sdelay $0x4  }
0x3af: {  	v0 =	vadd.f32 v1, v0  }
0x3b0: {  	s7 =	simm.s32 $0x16000  }
0x3b1: {  	[tilespmem:s7+$0xFFFFFE00] =	vst v0  }
0x3b2: {  	v0 =	vld [tilespmem:s14+$0xFFFFFE10]  }
0x3b3: {  	v1 =	vld [tilespmem:s3+$0x6410];
	_ =	sdelay $0x4  }
0x3b4: {  	v0 =	vadd.f32 v1, v0;
	_ =	sdelay $0x1  }
0x3b5: {  	[tilespmem:s7+$0xFFFFFE10] =	vst v0  }
0x3b6: {  	v0 =	vld [tilespmem:s14+$0xFFFFFE20]  }
0x3b7: {  	v1 =	vld [tilespmem:s3+$0x6420];
	_ =	sdelay $0x4  }
0x3b8: {  	v0 =	vadd.f32 v1, v0;
	_ =	sdelay $0x1  }
0x3b9: {  	[tilespmem:s7+$0xFFFFFE20] =	vst v0  }
0x3ba: {  	v0 =	vld [tilespmem:s14+$0xFFFFFE30]  }
0x3bb: {  	v1 =	vld [tilespmem:s3+$0x6430];
	_ =	sdelay $0x4  }
0x3bc: {  	s18 =	sadd.s32 $0xF9, s15;
	v0 =	vadd.f32 v1, v0  }
0x3bd: {  	p1 =	sgt.u32 s18, $0xC7;
	s3 =	simm.s32 $0xFFFFCC80  }
0x3be: {  	s3 =	simm.s32 @!p1 $0xFFFFFE80;
	[tilespmem:s7+$0xFFFFFE30] =	vst v0  }
0x3bf: {  	s3 =	sadd.s32 s3, s5;
	v0 =	vld [tilespmem:s14+$0xFFFFFE80]  }
0x3c0: {  	v1 =	vld [tilespmem:s3+$0x6400];
	_ =	sdelay $0x4  }
0x3c1: {  	v0 =	vadd.f32 v1, v0;
	_ =	sdelay $0x1  }
0x3c2: {  	[tilespmem:s7+$0xFFFFFE80] =	vst v0  }
0x3c3: {  	v0 =	vld [tilespmem:s14+$0xFFFFFE90]  }
0x3c4: {  	v1 =	vld [tilespmem:s3+$0x6410];
	_ =	sdelay $0x4  }
0x3c5: {  	v0 =	vadd.f32 v1, v0;
	_ =	sdelay $0x1  }
0x3c6: {  	[tilespmem:s7+$0xFFFFFE90] =	vst v0  }
0x3c7: {  	v0 =	vld [tilespmem:s14+$0xFFFFFEA0]  }
0x3c8: {  	v1 =	vld [tilespmem:s3+$0x6420];
	_ =	sdelay $0x4  }
0x3c9: {  	v0 =	vadd.f32 v1, v0;
	_ =	sdelay $0x1  }
0x3ca: {  	[tilespmem:s7+$0xFFFFFEA0] =	vst v0  }
0x3cb: {  	v0 =	vld [tilespmem:s14+$0xFFFFFEB0]  }
0x3cc: {  	v1 =	vld [tilespmem:s3+$0x6430];
	_ =	sdelay $0x4  }
0x3cd: {  	s19 =	sadd.s32 $0xFA, s15;
	v0 =	vadd.f32 v1, v0  }
0x3ce: {  	p1 =	sgt.u32 s19, $0xC7;
	s3 =	simm.s32 $0xFFFFCCC0  }
0x3cf: {  	s3 =	simm.s32 @!p1 $0xFFFFFEC0;
	[tilespmem:s7+$0xFFFFFEB0] =	vst v0  }
0x3d0: {  	s3 =	sadd.s32 s3, s5;
	v0 =	vld [tilespmem:s14+$0xFFFFFF00]  }
0x3d1: {  	v1 =	vld [tilespmem:s3+$0x6400];
	_ =	sdelay $0x4  }
0x3d2: {  	v0 =	vadd.f32 v1, v0;
	_ =	sdelay $0x1  }
0x3d3: {  	[tilespmem:s7+$0xFFFFFF00] =	vst v0  }
0x3d4: {  	v0 =	vld [tilespmem:s14+$0xFFFFFF10]  }
0x3d5: {  	v1 =	vld [tilespmem:s3+$0x6410];
	_ =	sdelay $0x4  }
0x3d6: {  	v0 =	vadd.f32 v1, v0;
	_ =	sdelay $0x1  }
0x3d7: {  	[tilespmem:s7+$0xFFFFFF10] =	vst v0  }
0x3d8: {  	v0 =	vld [tilespmem:s14+$0xFFFFFF20]  }
0x3d9: {  	v1 =	vld [tilespmem:s3+$0x6420];
	_ =	sdelay $0x4  }
0x3da: {  	v0 =	vadd.f32 v1, v0;
	_ =	sdelay $0x1  }
0x3db: {  	[tilespmem:s7+$0xFFFFFF20] =	vst v0  }
0x3dc: {  	v0 =	vld [tilespmem:s14+$0xFFFFFF30]  }
0x3dd: {  	v1 =	vld [tilespmem:s3+$0x6430];
	_ =	sdelay $0x4  }
0x3de: {  	s20 =	sadd.s32 $0xFB, s15;
	v0 =	vadd.f32 v1, v0  }
0x3df: {  	p1 =	sgt.u32 s20, $0xC7;
	s3 =	simm.s32 $0xFFFFCD00  }
0x3e0: {  	s3 =	simm.s32 @!p1 $0xFFFFFF00;
	[tilespmem:s7+$0xFFFFFF30] =	vst v0  }
0x3e1: {  	s3 =	sadd.s32 s3, s5;
	v0 =	vld [tilespmem:s14+$0xFFFFFF80]  }
0x3e2: {  	v1 =	vld [tilespmem:s3+$0x6400];
	_ =	sdelay $0x4  }
0x3e3: {  	v0 =	vadd.f32 v1, v0;
	_ =	sdelay $0x1  }
0x3e4: {  	[tilespmem:s7+$0xFFFFFF80] =	vst v0  }
0x3e5: {  	v0 =	vld [tilespmem:s14+$0xFFFFFF90]  }
0x3e6: {  	v1 =	vld [tilespmem:s3+$0x6410];
	_ =	sdelay $0x4  }
0x3e7: {  	v0 =	vadd.f32 v1, v0;
	_ =	sdelay $0x1  }
0x3e8: {  	[tilespmem:s7+$0xFFFFFF90] =	vst v0  }
0x3e9: {  	v0 =	vld [tilespmem:s14+$0xFFFFFFA0]  }
0x3ea: {  	v1 =	vld [tilespmem:s3+$0x6420];
	_ =	sdelay $0x4  }
0x3eb: {  	v0 =	vadd.f32 v1, v0;
	_ =	sdelay $0x1  }
0x3ec: {  	[tilespmem:s7+$0xFFFFFFA0] =	vst v0  }
0x3ed: {  	v0 =	vld [tilespmem:s14+$0xFFFFFFB0]  }
0x3ee: {  	v1 =	vld [tilespmem:s3+$0x6430];
	_ =	sdelay $0x4  }
0x3ef: {  	s21 =	sadd.s32 $0xFC, s15;
	v0 =	vadd.f32 v1, v0  }
0x3f0: {  	p1 =	sgt.u32 s21, $0xC7;
	s3 =	simm.s32 $0xFFFFCD40  }
0x3f1: {  	s3 =	simm.s32 @!p1 $0xFFFFFF40;
	[tilespmem:s7+$0xFFFFFFB0] =	vst v0  }
0x3f2: {  	s3 =	sadd.s32 s3, s5;
	v0 =	vld [tilespmem:s14+$0x0]  }
0x3f3: {  	v1 =	vld [tilespmem:s3+$0x6400];
	_ =	sdelay $0x4  }
0x3f4: {  	v0 =	vadd.f32 v1, v0;
	_ =	sdelay $0x1  }
0x3f5: {  	[tilespmem:s7+$0x0] =	vst v0  }
0x3f6: {  	v0 =	vld [tilespmem:s14+$0x10]  }
0x3f7: {  	v1 =	vld [tilespmem:s3+$0x6410];
	_ =	sdelay $0x4  }
0x3f8: {  	v0 =	vadd.f32 v1, v0;
	_ =	sdelay $0x1  }
0x3f9: {  	[tilespmem:s7+$0x10] =	vst v0  }
0x3fa: {  	v0 =	vld [tilespmem:s14+$0x20]  }
0x3fb: {  	v1 =	vld [tilespmem:s3+$0x6420];
	_ =	sdelay $0x4  }
0x3fc: {  	v0 =	vadd.f32 v1, v0;
	_ =	sdelay $0x1  }
0x3fd: {  	[tilespmem:s7+$0x20] =	vst v0  }
0x3fe: {  	v0 =	vld [tilespmem:s14+$0x30]  }
0x3ff: {  	v1 =	vld [tilespmem:s3+$0x6430];
	_ =	sdelay $0x4  }
0x400: {  	s22 =	sadd.s32 $0xFD, s15;
	v0 =	vadd.f32 v1, v0  }
0x401: {  	p1 =	sgt.u32 s22, $0xC7;
	s3 =	simm.s32 $0xFFFFCD80  }
0x402: {  	s3 =	simm.s32 @!p1 $0xFFFFFF80;
	[tilespmem:s7+$0x30] =	vst v0  }
0x403: {  	s3 =	sadd.s32 s3, s5;
	v0 =	vld [tilespmem:s14+$0x80]  }
0x404: {  	v1 =	vld [tilespmem:s3+$0x6400];
	_ =	sdelay $0x4  }
0x405: {  	v0 =	vadd.f32 v1, v0;
	_ =	sdelay $0x1  }
0x406: {  	[tilespmem:s7+$0x80] =	vst v0  }
0x407: {  	v0 =	vld [tilespmem:s14+$0x90]  }
0x408: {  	v1 =	vld [tilespmem:s3+$0x6410];
	_ =	sdelay $0x4  }
0x409: {  	v0 =	vadd.f32 v1, v0;
	_ =	sdelay $0x1  }
0x40a: {  	[tilespmem:s7+$0x90] =	vst v0  }
0x40b: {  	v0 =	vld [tilespmem:s14+$0xA0]  }
0x40c: {  	v1 =	vld [tilespmem:s3+$0x6420];
	_ =	sdelay $0x4  }
0x40d: {  	v0 =	vadd.f32 v1, v0;
	_ =	sdelay $0x1  }
0x40e: {  	[tilespmem:s7+$0xA0] =	vst v0  }
0x40f: {  	v0 =	vld [tilespmem:s14+$0xB0]  }
0x410: {  	v1 =	vld [tilespmem:s3+$0x6430];
	_ =	sdelay $0x4  }
0x411: {  	s23 =	sadd.s32 $0xFE, s15;
	v0 =	vadd.f32 v1, v0  }
0x412: {  	p1 =	sgt.u32 s23, $0xC7;
	s3 =	simm.s32 $0xFFFFCDC0  }
0x413: {  	s3 =	simm.s32 @!p1 $0xFFFFFFC0;
	[tilespmem:s7+$0xB0] =	vst v0  }
0x414: {  	s3 =	sadd.s32 s3, s5;
	v0 =	vld [tilespmem:s14+$0x100]  }
0x415: {  	v1 =	vld [tilespmem:s3+$0x6400];
	_ =	sdelay $0x4  }
0x416: {  	v0 =	vadd.f32 v1, v0;
	_ =	sdelay $0x1  }
0x417: {  	[tilespmem:s7+$0x100] =	vst v0  }
0x418: {  	v0 =	vld [tilespmem:s14+$0x110]  }
0x419: {  	v1 =	vld [tilespmem:s3+$0x6410];
	_ =	sdelay $0x4  }
0x41a: {  	v0 =	vadd.f32 v1, v0;
	_ =	sdelay $0x1  }
0x41b: {  	[tilespmem:s7+$0x110] =	vst v0  }
0x41c: {  	v0 =	vld [tilespmem:s14+$0x120]  }
0x41d: {  	v1 =	vld [tilespmem:s3+$0x6420];
	_ =	sdelay $0x4  }
0x41e: {  	v0 =	vadd.f32 v1, v0;
	_ =	sdelay $0x1  }
0x41f: {  	[tilespmem:s7+$0x120] =	vst v0  }
0x420: {  	v0 =	vld [tilespmem:s14+$0x130]  }
0x421: {  	v1 =	vld [tilespmem:s3+$0x6430];
	_ =	sdelay $0x4  }
0x422: {  	v0 =	vadd.f32 v1, v0  }
0x423: {  	s24 =	sadd.s32 $0xFF, s15  }
0x424: {  	s9 =	sadd.s32 $0xFFFFCE00, s5;
	p1 =	sgt.u32 s24, $0xC7;
	[tilespmem:s7+$0x130] =	vst v0  }
0x425: {  	s8 =	sadd.s32 $0xF0, s10;
	s10 =	simm.s32 $0x11400;
	s5 =	smov.u32 @p1 s9;
	v0 =	vld [tilespmem:s14+$0x180]  }
0x426: {  	s23 =	simm.s32 $0x16000;
	s24 =	smov.u32 s30;
	s9 =	simm.s32 $0x0;
	v1 =	vld [tilespmem:s5+$0x6400]  }
.LBB2_13:
0x427: {  	_ =	sdelay $0x3  }
0x428: {  	v0 =	vadd.f32 v1, v0;
	_ =	sdelay $0x1  }
0x429: {  	[tilespmem:s23+$0x180] =	vst v0  }
0x42a: {  	v0 =	vld [tilespmem:s14+$0x190]  }
0x42b: {  	v1 =	vld [tilespmem:s5+$0x6410];
	_ =	sdelay $0x4  }
0x42c: {  	v0 =	vadd.f32 v1, v0;
	_ =	sdelay $0x1  }
0x42d: {  	[tilespmem:s23+$0x190] =	vst v0  }
0x42e: {  	v0 =	vld [tilespmem:s14+$0x1A0]  }
0x42f: {  	v1 =	vld [tilespmem:s5+$0x6420];
	_ =	sdelay $0x4  }
0x430: {  	v0 =	vadd.f32 v1, v0;
	_ =	sdelay $0x1  }
0x431: {  	[tilespmem:s23+$0x1A0] =	vst v0  }
0x432: {  	v0 =	vld [tilespmem:s14+$0x1B0]  }
0x433: {  	v1 =	vld [tilespmem:s5+$0x6430];
	_ =	sdelay $0x2  }
0x434: {  	s3 =	smov.u32 s9;
	s22 =	rddreg [dreg:$0xb]  }
0x435: {  	s24 =	sadd.s32 $0x200, s24;
	s15 =	sadd.s32 s3, s22  }
0x436: {  	s6 =	rddreg [dreg:$0xc];
	s16 =	sadd.s32 $0xF9, s15;
	s5 =	sadd.s32 $0xF8, s15;
	v0 =	vadd.f32 v1, v0  }
0x437: {  	p3 =	sgt.u32 s16, $0xC7;
	s16 =	simm.s32 $0xFFFFCC40;
	p2 =	sgt.u32 s5, $0xC7  }
0x438: {  	s5 =	sadd.s32 s24, s6;
	s16 =	simm.s32 @!p2 $0xFFFFFE40;
	[tilespmem:s23+$0x1B0] =	vst v0  }
0x439: {  	s18 =	sadd.s32 s16, s5;
	v0 =	vld [tilespmem:s10+$0xFFFFFE00]  }
0x43a: {  	v1 =	vld [tilespmem:s18+$0x6400];
	_ =	sdelay $0x4  }
0x43b: {  	v0 =	vadd.f32 v1, v0  }
0x43c: {  	s7 =	sadd.s32 $0x400, s7  }
0x43d: {  	[tilespmem:s7+$0xFFFFFE00] =	vst v0  }
0x43e: {  	v0 =	vld [tilespmem:s10+$0xFFFFFE10]  }
0x43f: {  	v1 =	vld [tilespmem:s18+$0x6410];
	_ =	sdelay $0x4  }
0x440: {  	v0 =	vadd.f32 v1, v0;
	_ =	sdelay $0x1  }
0x441: {  	[tilespmem:s7+$0xFFFFFE10] =	vst v0  }
0x442: {  	v0 =	vld [tilespmem:s10+$0xFFFFFE20]  }
0x443: {  	v1 =	vld [tilespmem:s18+$0x6420];
	_ =	sdelay $0x4  }
0x444: {  	v0 =	vadd.f32 v1, v0;
	_ =	sdelay $0x1  }
0x445: {  	[tilespmem:s7+$0xFFFFFE20] =	vst v0  }
0x446: {  	v0 =	vld [tilespmem:s10+$0xFFFFFE30]  }
0x447: {  	v1 =	vld [tilespmem:s18+$0x6430];
	_ =	sdelay $0x4  }
0x448: {  	v0 =	vadd.f32 v1, v0  }
0x449: {  	s3 =	simm.s32 $0xFFFFCC80  }
0x44a: {  	s3 =	simm.s32 @!p3 $0xFFFFFE80;
	[tilespmem:s7+$0xFFFFFE30] =	vst v0  }
0x44b: {  	s3 =	sadd.s32 s3, s5;
	v0 =	vld [tilespmem:s10+$0xFFFFFE80]  }
0x44c: {  	v1 =	vld [tilespmem:s3+$0x6400];
	_ =	sdelay $0x4  }
0x44d: {  	v0 =	vadd.f32 v1, v0;
	_ =	sdelay $0x1  }
0x44e: {  	[tilespmem:s7+$0xFFFFFE80] =	vst v0  }
0x44f: {  	v0 =	vld [tilespmem:s10+$0xFFFFFE90]  }
0x450: {  	v1 =	vld [tilespmem:s3+$0x6410];
	_ =	sdelay $0x4  }
0x451: {  	v0 =	vadd.f32 v1, v0;
	_ =	sdelay $0x1  }
0x452: {  	[tilespmem:s7+$0xFFFFFE90] =	vst v0  }
0x453: {  	v0 =	vld [tilespmem:s10+$0xFFFFFEA0]  }
0x454: {  	v1 =	vld [tilespmem:s3+$0x6420];
	_ =	sdelay $0x4  }
0x455: {  	v0 =	vadd.f32 v1, v0;
	_ =	sdelay $0x1  }
0x456: {  	[tilespmem:s7+$0xFFFFFEA0] =	vst v0  }
0x457: {  	v0 =	vld [tilespmem:s10+$0xFFFFFEB0]  }
0x458: {  	v1 =	vld [tilespmem:s3+$0x6430];
	_ =	sdelay $0x4  }
0x459: {  	s17 =	sadd.s32 $0xFA, s15;
	v0 =	vadd.f32 v1, v0  }
0x45a: {  	s21 =	simm.s32 $0xFFFFCCC0;
	p4 =	sgt.u32 s17, $0xC7  }
0x45b: {  	s21 =	simm.s32 @!p4 $0xFFFFFEC0;
	[tilespmem:s7+$0xFFFFFEB0] =	vst v0  }
0x45c: {  	s6 =	sadd.s32 s21, s5;
	v0 =	vld [tilespmem:s10+$0xFFFFFF00]  }
0x45d: {  	v1 =	vld [tilespmem:s6+$0x6400];
	_ =	sdelay $0x4  }
0x45e: {  	v0 =	vadd.f32 v1, v0;
	_ =	sdelay $0x1  }
0x45f: {  	[tilespmem:s7+$0xFFFFFF00] =	vst v0  }
0x460: {  	v0 =	vld [tilespmem:s10+$0xFFFFFF10]  }
0x461: {  	v1 =	vld [tilespmem:s6+$0x6410];
	_ =	sdelay $0x4  }
0x462: {  	v0 =	vadd.f32 v1, v0;
	_ =	sdelay $0x1  }
0x463: {  	[tilespmem:s7+$0xFFFFFF10] =	vst v0  }
0x464: {  	v0 =	vld [tilespmem:s10+$0xFFFFFF20]  }
0x465: {  	v1 =	vld [tilespmem:s6+$0x6420];
	_ =	sdelay $0x4  }
0x466: {  	v0 =	vadd.f32 v1, v0;
	_ =	sdelay $0x1  }
0x467: {  	[tilespmem:s7+$0xFFFFFF20] =	vst v0  }
0x468: {  	v0 =	vld [tilespmem:s10+$0xFFFFFF30]  }
0x469: {  	v1 =	vld [tilespmem:s6+$0x6430];
	_ =	sdelay $0x4  }
0x46a: {  	s17 =	sadd.s32 $0xFB, s15;
	v0 =	vadd.f32 v1, v0  }
0x46b: {  	s22 =	simm.s32 $0xFFFFCD00;
	p2 =	sgt.u32 s17, $0xC7  }
0x46c: {  	s22 =	simm.s32 @!p2 $0xFFFFFF00;
	[tilespmem:s7+$0xFFFFFF30] =	vst v0  }
0x46d: {  	s18 =	sadd.s32 s22, s5;
	v0 =	vld [tilespmem:s10+$0xFFFFFF80]  }
0x46e: {  	v1 =	vld [tilespmem:s18+$0x6400];
	_ =	sdelay $0x4  }
0x46f: {  	v0 =	vadd.f32 v1, v0;
	_ =	sdelay $0x1  }
0x470: {  	[tilespmem:s7+$0xFFFFFF80] =	vst v0  }
0x471: {  	v0 =	vld [tilespmem:s10+$0xFFFFFF90]  }
0x472: {  	v1 =	vld [tilespmem:s18+$0x6410];
	_ =	sdelay $0x4  }
0x473: {  	v0 =	vadd.f32 v1, v0;
	_ =	sdelay $0x1  }
0x474: {  	[tilespmem:s7+$0xFFFFFF90] =	vst v0  }
0x475: {  	v0 =	vld [tilespmem:s10+$0xFFFFFFA0]  }
0x476: {  	v1 =	vld [tilespmem:s18+$0x6420];
	_ =	sdelay $0x4  }
0x477: {  	v0 =	vadd.f32 v1, v0;
	_ =	sdelay $0x1  }
0x478: {  	[tilespmem:s7+$0xFFFFFFA0] =	vst v0  }
0x479: {  	v0 =	vld [tilespmem:s10+$0xFFFFFFB0]  }
0x47a: {  	v1 =	vld [tilespmem:s18+$0x6430];
	_ =	sdelay $0x4  }
0x47b: {  	s19 =	sadd.s32 $0xFC, s15;
	s20 =	sadd.s32 $0xFD, s15;
	v0 =	vadd.f32 v1, v0  }
0x47c: {  	p3 =	sgt.u32 s20, $0xC7;
	s20 =	simm.s32 $0xFFFFCD40;
	p2 =	sgt.u32 s19, $0xC7  }
0x47d: {  	s20 =	simm.s32 @!p2 $0xFFFFFF40;
	[tilespmem:s7+$0xFFFFFFB0] =	vst v0  }
0x47e: {  	s20 =	sadd.s32 s20, s5;
	v0 =	vld [tilespmem:s10+$0x0]  }
0x47f: {  	v1 =	vld [tilespmem:s20+$0x6400];
	_ =	sdelay $0x4  }
0x480: {  	v0 =	vadd.f32 v1, v0;
	_ =	sdelay $0x1  }
0x481: {  	[tilespmem:s7+$0x0] =	vst v0  }
0x482: {  	v0 =	vld [tilespmem:s10+$0x10]  }
0x483: {  	v1 =	vld [tilespmem:s20+$0x6410];
	_ =	sdelay $0x4  }
0x484: {  	v0 =	vadd.f32 v1, v0;
	_ =	sdelay $0x1  }
0x485: {  	[tilespmem:s7+$0x10] =	vst v0  }
0x486: {  	v0 =	vld [tilespmem:s10+$0x20]  }
0x487: {  	v1 =	vld [tilespmem:s20+$0x6420];
	_ =	sdelay $0x4  }
0x488: {  	v0 =	vadd.f32 v1, v0;
	_ =	sdelay $0x1  }
0x489: {  	[tilespmem:s7+$0x20] =	vst v0  }
0x48a: {  	v0 =	vld [tilespmem:s10+$0x30]  }
0x48b: {  	v1 =	vld [tilespmem:s20+$0x6430];
	_ =	sdelay $0x4  }
0x48c: {  	v0 =	vadd.f32 v1, v0  }
0x48d: {  	s17 =	simm.s32 $0xFFFFCD80  }
0x48e: {  	s17 =	simm.s32 @!p3 $0xFFFFFF80;
	[tilespmem:s7+$0x30] =	vst v0  }
0x48f: {  	s21 =	sadd.s32 s17, s5;
	v0 =	vld [tilespmem:s10+$0x80]  }
0x490: {  	v1 =	vld [tilespmem:s21+$0x6400];
	_ =	sdelay $0x4  }
0x491: {  	v0 =	vadd.f32 v1, v0;
	_ =	sdelay $0x1  }
0x492: {  	[tilespmem:s7+$0x80] =	vst v0  }
0x493: {  	v0 =	vld [tilespmem:s10+$0x90]  }
0x494: {  	v1 =	vld [tilespmem:s21+$0x6410];
	_ =	sdelay $0x4  }
0x495: {  	v0 =	vadd.f32 v1, v0;
	_ =	sdelay $0x1  }
0x496: {  	[tilespmem:s7+$0x90] =	vst v0  }
0x497: {  	v0 =	vld [tilespmem:s10+$0xA0]  }
0x498: {  	v1 =	vld [tilespmem:s21+$0x6420];
	_ =	sdelay $0x4  }
0x499: {  	v0 =	vadd.f32 v1, v0;
	_ =	sdelay $0x1  }
0x49a: {  	[tilespmem:s7+$0xA0] =	vst v0  }
0x49b: {  	v0 =	vld [tilespmem:s10+$0xB0]  }
0x49c: {  	v1 =	vld [tilespmem:s21+$0x6430];
	_ =	sdelay $0x4  }
0x49d: {  	s23 =	sadd.s32 $0xFE, s15;
	v0 =	vadd.f32 v1, v0  }
0x49e: {  	s19 =	sadd.s32 $0xFF, s15;
	s15 =	simm.s32 $0xFFFFCDC0;
	p2 =	sgt.u32 s23, $0xC7  }
0x49f: {  	s15 =	simm.s32 @!p2 $0xFFFFFFC0;
	[tilespmem:s7+$0xB0] =	vst v0  }
0x4a0: {  	s22 =	sadd.s32 s15, s5;
	v0 =	vld [tilespmem:s10+$0x100]  }
0x4a1: {  	v1 =	vld [tilespmem:s22+$0x6400];
	_ =	sdelay $0x4  }
0x4a2: {  	v0 =	vadd.f32 v1, v0;
	_ =	sdelay $0x1  }
0x4a3: {  	[tilespmem:s7+$0x100] =	vst v0  }
0x4a4: {  	v0 =	vld [tilespmem:s10+$0x110]  }
0x4a5: {  	v1 =	vld [tilespmem:s22+$0x6410];
	_ =	sdelay $0x4  }
0x4a6: {  	v0 =	vadd.f32 v1, v0;
	_ =	sdelay $0x1  }
0x4a7: {  	[tilespmem:s7+$0x110] =	vst v0  }
0x4a8: {  	v0 =	vld [tilespmem:s10+$0x120]  }
0x4a9: {  	v1 =	vld [tilespmem:s22+$0x6420];
	_ =	sdelay $0x4  }
0x4aa: {  	v0 =	vadd.f32 v1, v0;
	_ =	sdelay $0x1  }
0x4ab: {  	[tilespmem:s7+$0x120] =	vst v0  }
0x4ac: {  	v0 =	vld [tilespmem:s10+$0x130]  }
0x4ad: {  	v1 =	vld [tilespmem:s22+$0x6430];
	_ =	sdelay $0x2  }
0x4ae: {  	s9 =	sadd.s32 $0x8, s9  }
0x4af: {  	p1 =	slt.u32 s9, $0x48  }
.Ltmp6:
0x4b0: {  	v0 =	vadd.f32 v1, v0;
	(pc) =	sbr.rel @p1 .LBB2_13-.Ltmp6, $4  }
0x4b1: {  	_ = 	snop  }
0x4b2: {  	s16 =	sadd.s32 $0xFFFFCE00, s5;
	p2 =	sgt.u32 s19, $0xC7;
	[tilespmem:s7+$0x130] =	vst v0  }
0x4b3: {  	s5 =	smov.u32 @p2 s16;
	v0 =	vld [tilespmem:s10+$0x180]  }
0x4b4: {  	s14 =	smov.u32 s10;
	s23 =	smov.u32 s7;
	v1 =	vld [tilespmem:s5+$0x6400];
	s10 =	sadd.s32 $0x400, s10  }
0x4b5: {  	_ =	sdelay $0x3  }
0x4b6: {  	v0 =	vadd.f32 v1, v0;
	_ =	sdelay $0x1  }
0x4b7: {  	[tilespmem:s23+$0x180] =	vst v0  }
0x4b8: {  	v0 =	vld [tilespmem:s14+$0x190]  }
0x4b9: {  	v61 =	vld [tilespmem:s5+$0x6410];
	_ =	sdelay $0x4  }
0x4ba: {  	v0 =	vadd.f32 v61, v0;
	_ =	sdelay $0x1  }
0x4bb: {  	[tilespmem:s23+$0x190] =	vst v0  }
0x4bc: {  	v0 =	vld [tilespmem:s14+$0x1A0]  }
0x4bd: {  	v62 =	vld [tilespmem:s5+$0x6420];
	_ =	sdelay $0x4  }
0x4be: {  	v0 =	vadd.f32 v62, v0;
	_ =	sdelay $0x1  }
0x4bf: {  	[tilespmem:s23+$0x1A0] =	vst v0  }
0x4c0: {  	v0 =	vld [tilespmem:s14+$0x1B0]  }
0x4c1: {  	v63 =	vld [tilespmem:s5+$0x6430];
	_ =	sdelay $0x2  }
0x4c2: {  	s3 =	sadd.s32 s2, s8;
	s24 =	simm.s32 $0x15E00  }
0x4c3: {  	s7 =	simm.s32 @!p0 $0x10E00;
	s0 =	sadd.s32 @!p0 $0x140, s0;
	s1 =	sadd.s32 @!p0 $0x5000, s1  }
0x4c4: {  	s31 =	sadd.s32 @!p0 $0x140, s31;
	p1 =	sne.s32 @!p0 s13, $0x50;
	s11 =	sadd.s32 @!p0 $0x5000, s11;
	v0 =	vadd.f32 v63, v0  }
0x4c5: {  	s25 =	sadd.s32 @!p0 $0x140, s25;
	s29 =	sadd.s32 @!p0 $0x5000, s29;
	p1 =	por p0, !p1  }
.Ltmp7:
0x4c6: {  	s3 =	sshll.u32 s3, $0x4;
	[tilespmem:s23+$0x1B0] =	vst v0;
	s23 =	rddreg [dreg:$0xe];
	(pc) =	sbr.rel @!p1 .LBB2_2-.Ltmp7, $4  }
0x4c7: {  	s26 =	sadd.s32 @!p0 $0x140, s26;
	s30 =	sadd.s32 @!p0 $0x5000, s30;
	s3 =	sadd.s32 s23, s3  }
0x4c8: {  	[hbm4b:s3+s28] =	stream.linear.scatter [tilespmem:s24], [sflag:$0x6], $0x2800, $0x38;
	[tilespmem:$0x18600] =	vst v63  }
0x4c9: {  	s5 =	simm.s32 @!p0 $0x50;
	s3 =	sadd.s32 @!p0 $0x230, s12;
	s12 =	smov.u32 s13  }
0x4ca: {  	[tilespmem:s7], [sflag:$0x4] =	stream.indirect.gather @!p0 [hbm4b:s4+s5], $0x80, s3, s5, $0xb8;
	[tilespmem:$0x18600] =	vst v63  }
0x4cb: {  	s0 =	simm.s32 $0x5  }
0x4cc: {  	_ =	swait.ge [sflag:s0], $0x2800  }
0x4cd: {  	[sflag:s0] =	ssyncset.done $0x0  }
0x4ce: {  	s1 =	simm.s32 $0x6;
	[sflag:s0] =	ssyncadd.s32 $0xFFFFD800  }
0x4cf: {  	_ =	swait.ge [sflag:s1], $0x2800  }
0x4d0: {  	s3 =	rddreg [dreg:$0x11]  }
0x4d1: {  	s31 =	rddreg [dreg:$0x10];
	s3 =	sadd.s32 $0x1, s3  }
0x4d2: {  	p0 =	sne.s32 s3, s31  }
.Ltmp8:
0x4d3: {  	_ = 	snop;
	(pc) =	sbr.rel @p0 .LBB2_1-.Ltmp8, $3  }
0x4d4: {  	_ =	sdelay $0x1  }
0x4d5: {  	[sflag:s1] =	ssyncset.done $0x0  }
0x4d6: {  	[sflag:s1] =	ssyncadd.s32 $0xFFFFD800  }
0x4d7: {  	_ =	sfence.sel $0x180000  }
0x4d8: {  	[bflag:$0x0] =	sbarrier.arrive $0xFFFF  }
0x4d9: {  	_ =	strace $0x90000047  }
0x4da: {  	s0 =	stileid.u32;
	[bflag:$0x2] =	sbarrier.arrive $0xFFFF  }
0x4db: {  	p0 =	sne.s32 s0, $0x0;
	s0 =	rddreg [dreg:$0x1]  }
0x4dc: {  	s0 =	sadd.s32 @!p0 $0x100000, s0  }
0x4dd: {  	[sflag:s0] =	ssyncadd.tile.s32 @!p0 $0x1;
	_ =	shalt  }
.Lfunc_end2:
_tile_overlayer_lowered:
.L_overlay_start_2:
0x4de: {  	(tag) =	ssettag $0x2  }
0x4df: {  	s0 =	rddreg [dreg:$0x0];
	s2 =	stileid.u32  }
0x4e0: {  	s1 =	rddreg [dreg:$0x1];
	p0 =	sne.s32 s2, $0x0  }
0x4e1: {  	s3 =	rddreg [dreg:$0x2];
	[bflag:$0x3] =	sbarrier.arrive $0xFFFF;
	s2 =	simm.s32 @!p0 $0x1C07  }
0x4e2: {  	[timem:s3], [sflag:s2] =	dma.local @!p0 [hbm:s0], s1  }
0x4e3: {  	s0 =	simm.s32 @!p0 $0x7  }
0x4e4: {  	_ =	swait.ge @!p0 [sflag:s0], s1  }
0x4e5: {  	s1 =	ssub.s32 @!p0 $0x0, s1;
	[sflag:s0] =	ssyncset.done @!p0 $0x0  }
0x4e6: {  	[sflag:s0] =	ssyncadd.s32 @!p0 s1  }
0x4e7: {  	[bflag:$0x3] =	sbarrier.arrive $0xFFFF  }
0x4e8: {  	_ =	shalt  }

// kernel: sparse-core-data-format-call.cloned.1.call-start
scs
called_computation_lowered:
.L_overlay_start_0:
0x0: {  	s2 =	sld [smem:$0x3FD9]  }
0x1: {  	s3 =	sld [smem:$0x3FFE];
	_ =	sdelay $0x1  }
0x2: {  	s1 =	srdreg.scid  }
0x3: {  	s0 =	sand.u32 $0x1, s1  }
0x4: {  	s18 =	sshll.u32 s0, $0xA;
	s2 =	sadd.s32 s3, s2  }
0x5: {  	s2 =	sadd.s32 s2, s18  }
0x6: {  	[smem:$0x3FC5] =	sst s2  }
0x7: {  	_ = 	snop  }
0x8: {  	s2 =	sld [smem:$0x3FD0];
	(tm) =	ssettm $0x1  }
0x9: {  	s19 =	sld [smem:$0x3FFB];
	_ =	sdelay $0x3  }
0xa: {  	_ =	strace s19  }
0xb: {  	s3 =	sld [smem:$0x3FFC];
	_ =	sdelay $0x3  }
0xc: {  	_ =	strace s3  }
0xd: {  	s3 =	sld [smem:$0x3FFD];
	_ =	sdelay $0x3  }
0xe: {  	_ =	strace s3  }
0xf: {  	_ =	strace $0x8FFFFFFF  }
0x10: {  	s20 =	sld [smem:$0x3FDB];
	_ =	sdelay $0x1  }
0x11: {  	s4 =	simm.s32 $_scs_section_size  }
0x12: {  	s5 =	simm.s32 $_size__tile_overlayer_lowered;
	s6 =	simm.s32 $_tile_overlayer_lowered  }
0x13: {  	s23 =	simm.s32 $0x1BFF;
	s22 =	sshll.u32 s6, $0x1;
	s3 =	sadd.s32 s4, s20  }
0x14: {  	s7 =	simm.s32 $0x0;
	s21 =	sshll.u32 s5, $0x1;
	s5 =	sadd.s32 s22, s3  }
0x15: {  	[timem:s7], [sflag:s23] =	dma.local [hbm:s5], s21  }
0x16: {  	_ =	swait.ge [sflag:s23], s21  }
0x17: {  	s4 =	ssub.s32 $0x0, s21;
	[sflag:s23] =	ssyncset.done $0x0  }
0x18: {  	[sflag:s23] =	ssyncadd.s32 s4;
	_ =	sdelay $0x1  }
0x19: {  	s24 =	simm.s32 $0x1B8B  }
0x1a: {  	_ =	swait.ge [sflag:s24], $0x1  }
0x1b: {  	[sflag:s24] =	ssyncset.done $0x0  }
0x1c: {  	s26 =	simm.s32 $0x1B8E;
	s25 =	sld [smem:$0x3FFE];
	[sflag:s24] =	ssyncadd.s32 $0xFFFFFFFF  }
0x1d: {  	s27 =	simm.s32 $execute0_lowered;
	[smem:$0x3FD2] =	sst s26  }
0x1e: {  	s5 =	sshll.u32 s27, $0x1;
	_ =	strace $0x80000049;
	[dreg:$0x1] =	wrdreg $0xFFFFFFFF  }
0x1f: {  	s28 =	simm.s32 $_size_execute0_lowered;
	s3 =	sadd.s32 s3, s5;
	[dreg:$0x0] =	wrdreg $0x0  }
0x20: {  	s5 =	sshll.u32 s28, $0x1;
	[dreg:$0x2] =	wrdreg s3  }
0x21: {  	[dreg:$0x3] =	wrdreg s5  }
0x22: {  	[dreg:$0x4] =	wrdreg $0xC0  }
0x23: {  	_ =	task [dreg:s7], $0x5FFFF  }
0x24: {  	[dreg:$0x1] =	wrdreg $0xFFFFFFFF  }
0x25: {  	[dreg:$0x0] =	wrdreg $0x60  }
0x26: {  	[dreg:$0x2] =	wrdreg s25  }
0x27: {  	[dreg:$0x3] =	wrdreg s2  }
0x28: {  	[dreg:$0x4] =	wrdreg $0x9  }
0x29: {  	_ =	task.clear_ibuf [dreg:s7], $0x5FFFF;
	_ =	strace $0x90000049  }
0x2a: {  	s29 =	simm.s32 $0x9;
	_ =	strace $0x8000004B  }
0x2b: {  	_ =	swait.ge [sflag:s29], $0x1  }
0x2c: {  	[sflag:s29] =	ssyncadd.s32 $0xFFFFFFFF  }
0x2d: {  	_ =	strace $0x9000004B  }
0x2e: {  	_ =	sfence  }
0x2f: {  	s30 =	sld [smem:$0x0];
	_ =	sdelay $0x2  }
0x30: {  	s31 =	sshll.u32 s1, $0xD;
	s1 =	sshrl.u32 s1, $0x2  }
0x31: {  	s3 =	sand.u32 $0x4000, s31;
	s1 =	sadd.s32 s1, s30  }
0x32: {  	s0 =	sor.u32 s3, s0;
	s1 =	sshll.u32 s1, $0x11  }
0x33: {  	s0 =	sor.u32 s1, s0  }
0x34: {  	s0 =	sadd.s32 $0x8F2B, s0  }
0x35: {  	[sflag:s0] =	ssyncadd.remote.s32 $0x1  }
0x36: {  	_ =	sfence.sel $0xFFFF  }
0x37: {  	[dreg:$0x0] =	wrdreg $0xFFFFFFFF;
	(pc) =	sbr.abs _section_cstart, $3  }
0x38: {  	[dreg:$0x1] =	wrdreg $0xFFFFFFFF  }
0x39: {  	_ =	task.clear_ibuf [dreg:s7], $0x2FFFF;
	_ =	strace $0x9FFFFFFF  }
0x3a: {  	(tm) =	ssettm $0x7FFFFFFF  }
0x3b: {  	_ =	shalt  }
tec
execute0_lowered:
.L_overlay_start_1:
0x0: {  	(tag) =	ssettag $0x1  }
0x1: {  	s0 =	srdreg.scid  }
0x2: {  	s1 =	sshll.u32 s0, $0x4  }
0x3: {  	s0 =	stileid.u32;
	s1 =	sand.u32 $0x10, s1  }
0x4: {  	s1 =	sor.u32 s0, s1  }
0x5: {  	s6 =	rddreg [dreg:$0x0];
	s4 =	simm.s32 $0x1;
	s2 =	sshll.u32 s1, $0x7  }
0x6: {  	s7 =	simm.s32 $0x2;
	s12 =	simm.s32 $0x0;
	s1 =	ssub.s32 $0x1000, s2  }
0x7: {  	s8 =	simm.s32 $0x8000;
	s13 =	simm.s32 $0x0;
	s3 =	sand.u32 $0xF80, s1  }
0x8: {  	s9 =	simm.s32 $0x0;
	s5 =	sshrl.u32 s1, $0xC;
	p0 =	sne.s32 s3, $0x0  }
.Ltmp0:
0x9: {  	s1 =	rddreg [dreg:$0x2];
	s4 =	simm.s32 @!p0 $0x0;
	(pc) =	sbr.rel .LBB1_1-.Ltmp0, $4  }
0xa: {  	s11 =	simm.s32 $0x0;
	s3 =	rddreg [dreg:$0x1];
	s5 =	sadd.s32 s4, s5  }
0xb: {  	_ =	strace $0x8000004A;
	s4 =	simm.s32 $0x1;
	s5 =	smul.u32 $0xC8, s5  }
0xc: {  	s6 =	sadd.s32 $0x1A0A00, s6;
	s10 =	smov.u32 s2;
	[sflag:s4] =	ssyncpa.u1 $0x0  }
0xd: {  	p0 =	por $0x0, $0x0;
	[sflag:s7] =	ssyncpa.u1 $0x0;
	s7 =	sor.u32 $0x1, s5  }
.LBB1_4:
0xe: {  	s16 =	sshll.u32 s13, $0x3;
	s17 =	sand.u32 $0x78, s13  }
0xf: {  	s30 =	sand.u32 $0x7E00, s13;
	s12 =	sshll.u32 s12, $0xF;
	s16 =	sand.u32 $0xC00, s16  }
0x10: {  	[tilespmem:s15+$0x810 ss:$0x81] =	vst.msk $0xffff, v2;
	s31 =	sand.u32 $0x7, s13;
	s16 =	sor.u32 s17, s16;
	s17 =	sadd.s32 s3, s30  }
0x11: {  	[tilespmem:s15+$0x1020 ss:$0x81] =	vst.msk $0xffff, v0;
	s13 =	sshll.u32 s31, $0x12;
	s12 =	sadd.s32 s12, s17;
	s16 =	sshrl.u32 s16, $0x3  }
0x12: {  	[tilespmem:s15+$0x0 ss:$0x81] =	vst.msk $0xffff, v1;
	s13 =	sor.u32 $0x400, s13;
	s12 =	sadd.s32 s16, s12  }
0x13: {  	[hbm4b:s12+s13] =	stream.strided.scatter [tilespmem:s14], [sflag:$0x2], $0x2000, s8, s13, $0x20;
	[tilespmem:$0x8080] =	vst v63  }
.LBB1_5:
0x14: {  	s14 =	sadd.s32 $0x1, s9  }
0x15: {  	s12 =	sadd.s32 $0x1000, s10;
	s16 =	smov.u32 s10;
	p2 =	sgt.s32 s14, $0xC7  }
0x16: {  	s16 =	smov.u32 @p2 s12  }
0x17: {  	s14 =	simm.s32 @p2 $0x0;
	p2 =	sgt.s32 s16, $0xFFF  }
0x18: {  	s16 =	smov.u32 @p2 s2;
	p2 =	sne.s32 s11, s7  }
.Ltmp1:
0x19: {  	p1 =	slt.u32 s11, $0x2;
	(pc) =	sbr.rel @!p2 .LBB1_6-.Ltmp1, $4  }
0x1a: {  	s15 =	simm.s32 @!p1 $0x2  }
0x1b: {  	s13 =	smov.u32 s10;
	p0 =	por !p0, !p0;
	_ =	swait.ge @!p1 [sflag:s15], $0x2000  }
0x1c: {  	s12 =	smov.u32 s9;
	[sflag:s15] =	ssyncset.done @!p1 $0x0;
	s9 =	smov.u32 s14  }
0x1d: {  	s11 =	sadd.s32 $0x1, s11;
	[sflag:s15] =	ssyncadd.s32 @!p1 $0xFFFFE000;
	s10 =	smov.u32 s16  }
.LBB1_1:
0x1e: {  	p1 =	sge.u32 s11, s5  }
0x1f: {  	s14 =	sand.u32 @!p1 $0x1FFFFFF, s9  }
0x20: {  	s15 =	smulhi.u32 @!p1 $0x147AE15, s14;
	_ =	sdelay $0x1  }
0x21: {  	s15 =	smul.u32 @!p1 $0xC8, s15  }
0x22: {  	s16 =	sxor.u32 @!p1 $0xFFFFFFFF, s11;
	s17 =	smul.u32 @!p1 $0xC80, s10  }
0x23: {  	s31 =	sadd.s32 $0xFFFFFFFF, s11;
	s16 =	sshll.u32 @!p1 s16, $0xD;
	s14 =	ssub.s32 @!p1 s14, s15  }
0x24: {  	s15 =	sand.u32 @!p1 $0x2000, s16;
	s16 =	sadd.s32 @!p1 s6, s17;
	s14 =	sshll.u32 @!p1 s14, $0x4  }
0x25: {  	s17 =	simm.s32 @!p1 $0x6400;
	s14 =	sadd.s32 @!p1 s14, s16;
	s16 =	simm.s32 @!p1 $0x40  }
0x26: {  	[tilespmem:s15], [sflag:$0x1] =	stream.strided.gather @!p1 [hbm4b:s14+s16], $0x2000, s17, s16, $0x38;
	[tilespmem:$0x8080] =	vst v63  }
0x27: {  	p1 =	sge.u32 s31, s5  }
.Ltmp2:
0x28: {  	_ = 	snop;
	(pc) =	sbr.rel @p1 .LBB1_5-.Ltmp2, $1  }
0x29: {  	_ =	sdelay $0x3  }
0x2a: {  	s14 =	simm.s32 $0x1  }
0x2b: {  	_ =	swait.ge [sflag:s4], $0x2000;
	s14 =	simm.s32 @!p0 $0x0  }
0x2c: {  	[sflag:s4] =	ssyncset.done $0x0;
	s15 =	sshll.u32 s14, $0xD  }
0x2d: {  	[sflag:s4] =	ssyncadd.s32 $0xFFFFE000;
	s18 =	sor.u32 $0x20, s15  }
0x2e: {  	s14 =	smul.u32 $0x8100, s14;
	v3 =	vld [tilespmem:s18+$0x10]  }
0x2f: {  	s30 =	sand.u32 $0x1, s11;
	v2 =	vld [tilespmem:s18+$0xFFFFFFF0]  }
0x30: {  	s15 =	smul.u32 $0x8100, s30;
	s14 =	sshrl.u32 s14, $0x2;
	v0 =	vld [tilespmem:s18+$0x0]  }
0x31: {  	v1 =	vld [tilespmem:s18+$0xFFFFFFE0];
	s16 =	sor.u32 $0x4000, s14  }
0x32: {  	s31 =	sshrl.u32 s15, $0x2;
	s15 =	sadd.s32 $0x0, s16  }
0x33: {  	s17 =	simm.s32 $0x4;
	s18 =	sadd.s32 $0x40, s18;
	s14 =	sor.u32 $0x4000, s31;
	[tilespmem:s15+$0x1830 ss:$0x81] =	vst.msk $0xffff, v3  }
.LBB1_3:
0x34: {  	v3 =	vld [tilespmem:s18+$0x10];
	p1 =	sne.s32 s17, $0x1FC;
	[tilespmem:s15+$0x810 ss:$0x81] =	vst.msk $0xffff, v2;
	s19 =	smov.u32 s17;
	s17 =	sadd.s32 $0x4, s17  }
.Ltmp3:
0x35: {  	v2 =	vld [tilespmem:s18+$0xFFFFFFF0];
	[tilespmem:s15+$0x1020 ss:$0x81] =	vst.msk $0xffff, v0;
	(pc) =	sbr.rel @p1 .LBB1_3-.Ltmp3, $4  }
0x36: {  	v0 =	vld [tilespmem:s18+$0x0];
	[tilespmem:s15+$0x0 ss:$0x81] =	vst.msk $0xffff, v1  }
0x37: {  	s15 =	sshra.s32 s19, $0x2;
	v1 =	vld [tilespmem:s18+$0xFFFFFFE0]  }
0x38: {  	s15 =	sadd.s32 s15, s16  }
0x39: {  	s18 =	sadd.s32 $0x40, s18;
	[tilespmem:s15+$0x1830 ss:$0x81] =	vst.msk $0xffff, v3  }
.Ltmp4:
0x3a: {  	_ = 	snop;
	(pc) =	sbr.rel .LBB1_4-.Ltmp4, $1  }
0x3b: {  	_ =	sdelay $0x3  }
.LBB1_6:
0x3c: {  	_ =	sfence.sel $0x180000  }
0x3d: {  	s2 =	simm.s32 $0x1;
	[bflag:$0x0] =	sbarrier.arrive $0xFFFF  }
0x3e: {  	s31 =	simm.s32 $0x2;
	[sflag:s2] =	ssyncpa.u1 $0x1  }
0x3f: {  	[sflag:s31] =	ssyncpa.u1 $0x1  }
0x40: {  	p0 =	sne.s32 s0, $0x0;
	_ =	strace $0x9000004A  }
0x41: {  	s0 =	sadd.s32 @!p0 $0x100000, s1;
	[bflag:$0x2] =	sbarrier.arrive $0xFFFF  }
0x42: {  	[sflag:s0] =	ssyncadd.tile.s32 @!p0 $0x1;
	_ =	shalt  }
.Lfunc_end1:
_tile_overlayer_lowered:
.L_overlay_start_2:
0x43: {  	(tag) =	ssettag $0x2  }
0x44: {  	s0 =	rddreg [dreg:$0x0];
	s2 =	stileid.u32  }
0x45: {  	s1 =	rddreg [dreg:$0x1];
	p0 =	sne.s32 s2, $0x0  }
0x46: {  	s3 =	rddreg [dreg:$0x2];
	[bflag:$0x3] =	sbarrier.arrive $0xFFFF;
	s2 =	simm.s32 @!p0 $0x1C01  }
0x47: {  	[timem:s3], [sflag:s2] =	dma.local @!p0 [hbm:s0], s1  }
0x48: {  	s0 =	simm.s32 @!p0 $0x1  }
0x49: {  	_ =	swait.ge @!p0 [sflag:s0], s1  }
0x4a: {  	s1 =	ssub.s32 @!p0 $0x0, s1;
	[sflag:s0] =	ssyncset.done @!p0 $0x0  }
0x4b: {  	[sflag:s0] =	ssyncadd.s32 @!p0 s1  }
0x4c: {  	[bflag:$0x3] =	sbarrier.arrive $0xFFFF  }
0x4d: {  	_ =	shalt  }

</sc_bundles>
